<compile_context>
chip_gen: v7x
topology: tpu7x:2x2x1
jax: 0.10.2.dev20260603
libtpu: 0.0.44.dev20260713+nightly
codegen_flags: <defaults>
</compile_context>

<pallas_src>
import functools

import jax
import jax.numpy as jnp
import numpy as np
from jax import lax
from jax.experimental import pallas as pl
from jax.experimental.pallas import tpu as pltpu
from jax.experimental.pallas import tpu_sc as plsc

MAX_RADIUS = 0.073
NUM_BASIS = 10
N_NODES_TOTAL = 10000
NPAD = 10240
K = 48
NW = 32
ROWS_PER_W = NPAD // NW
EDGES_PER_W = NPAD * K // NW
GCHUNK = 128
RI = 64

_R2 = np.float32(MAX_RADIUS * MAX_RADIUS)
_BASIS_V = np.linspace(0.0, MAX_RADIUS, NUM_BASIS + 2)[1:-1].astype(np.float32)
_INV_STEP = np.float32((NUM_BASIS + 1) / MAX_RADIUS)
_C3 = np.float32(np.sqrt(3.0))
_C5 = np.float32(np.sqrt(5.0))
_C15 = np.float32(np.sqrt(15.0))


def _sc_mesh():
    return plsc.VectorSubcoreMesh(core_axis_name="c", subcore_axis_name="s")


def _worker_id():
    return lax.axis_index("s") * 2 + lax.axis_index("c")


def _build_kernel(px_hbm, py_hbm, pz_hbm, idx_hbm, ex_hbm, ey_hbm, ez_hbm,
                  px_v, py_v, pz_v, ri_v, rx_v, ry_v, rz_v,
                  bi_v, bx_v, by_v, bz_v):
    wid = _worker_id()
    pltpu.sync_copy(px_hbm, px_v)
    pltpu.sync_copy(py_hbm, py_v)
    pltpu.sync_copy(pz_hbm, pz_v)
    iota16 = lax.iota(jnp.int32, 16)
    zero16 = jnp.zeros((16,), jnp.float32)

    def row_body(r, carry):
        i = wid * ROWS_PER_W + r
        iv = jnp.full((16,), i, dtype=jnp.int32)
        for t in range(6):
            sl = pl.ds(t * 16, 16)
            ri_v[sl] = iv
            rx_v[sl] = zero16
            ry_v[sl] = zero16
            rz_v[sl] = zero16
        isl = pl.ds((i // 16) * 16, 16)
        lmask = iota16 == (i % 16)
        pix = jnp.full((16,), jnp.sum(jnp.where(lmask, px_v[isl], 0.0)))
        piy = jnp.full((16,), jnp.sum(jnp.where(lmask, py_v[isl], 0.0)))
        piz = jnp.full((16,), jnp.sum(jnp.where(lmask, pz_v[isl], 0.0)))

        def chunk_body(c, cur):
            base = c * 128
            ms, dxs, dys, dzs, cnts = [], [], [], [], []
            for u in range(8):
                sl = pl.ds(base + u * 16, 16)
                dx = px_v[sl] - pix
                dy = py_v[sl] - piy
                dz = pz_v[sl] - piz
                d2 = dx * dx + dy * dy + dz * dz
                jid = base + u * 16 + iota16
                m = (d2 < _R2) & (jid != iv)
                ms.append(m)
                dxs.append(dx)
                dys.append(dy)
                dzs.append(dz)
                cnts.append(plsc.all_reduce_population_count(m))
            anym = ms[0]
            tot16 = cnts[0]
            for u in range(1, 8):
                anym = anym | ms[u]
                tot16 = tot16 + cnts[u]

            @pl.when(jnp.any(anym))
            def _():
                off = cur[0]
                for u in range(8):
                    cc = jnp.minimum(off, K)
                    jid = base + u * 16 + iota16
                    plsc.store_compressed(ri_v.at[pl.ds(cc, 16)], jid,
                                          mask=ms[u])
                    plsc.store_compressed(rx_v.at[pl.ds(cc, 16)], dxs[u],
                                          mask=ms[u])
                    plsc.store_compressed(ry_v.at[pl.ds(cc, 16)], dys[u],
                                          mask=ms[u])
                    plsc.store_compressed(rz_v.at[pl.ds(cc, 16)], dzs[u],
                                          mask=ms[u])
                    off = off + cnts[u][0]

            return cur + tot16

        lax.fori_loop(0, NPAD // 128, chunk_body, jnp.zeros((16,), jnp.int32))
        for t in range(K // 16):
            src = pl.ds(t * 16, 16)
            dst = pl.ds(r * K + t * 16, 16)
            bi_v[dst] = ri_v[src]
            bx_v[dst] = rx_v[src]
            by_v[dst] = ry_v[src]
            bz_v[dst] = rz_v[src]
        return carry

    lax.fori_loop(0, ROWS_PER_W, row_body, jnp.int32(0))
    base = wid * EDGES_PER_W
    pltpu.sync_copy(bi_v, idx_hbm.at[pl.ds(base, EDGES_PER_W)])
    pltpu.sync_copy(bx_v, ex_hbm.at[pl.ds(base, EDGES_PER_W)])
    pltpu.sync_copy(by_v, ey_hbm.at[pl.ds(base, EDGES_PER_W)])
    pltpu.sync_copy(bz_v, ez_hbm.at[pl.ds(base, EDGES_PER_W)])


def _build_lists(px, py, pz):
    out_type = (
        jax.ShapeDtypeStruct((NPAD * K,), jnp.int32),
        jax.ShapeDtypeStruct((NPAD * K,), jnp.float32),
        jax.ShapeDtypeStruct((NPAD * K,), jnp.float32),
        jax.ShapeDtypeStruct((NPAD * K,), jnp.float32),
    )
    scratch = [
        pltpu.VMEM((NPAD,), jnp.float32),
        pltpu.VMEM((NPAD,), jnp.float32),
        pltpu.VMEM((NPAD,), jnp.float32),
        pltpu.VMEM((96,), jnp.int32),
        pltpu.VMEM((96,), jnp.float32),
        pltpu.VMEM((96,), jnp.float32),
        pltpu.VMEM((96,), jnp.float32),
        pltpu.VMEM((EDGES_PER_W,), jnp.int32),
        pltpu.VMEM((EDGES_PER_W,), jnp.float32),
        pltpu.VMEM((EDGES_PER_W,), jnp.float32),
        pltpu.VMEM((EDGES_PER_W,), jnp.float32),
    ]
    fn = pl.kernel(_build_kernel, out_type=out_type, mesh=_sc_mesh(),
                   scratch_types=scratch,
                   compiler_params=pltpu.CompilerParams(
                       needs_layout_passes=False))
    return fn(px, py, pz)


def _gather_kernel(table_hbm, idx_hbm, out_hbm,
                   ia, ib, r0, r1, r2, r3,
                   g0, g1, g2, g3, w0, w1, w2, w3, *, d):
    wid = _worker_id()
    base = wid * EDGES_PER_W
    rows = (r0, r1, r2, r3)
    gs = (g0, g1, g2, g3)
    ws = (w0, w1, w2, w3)
    nslots = EDGES_PER_W // GCHUNK

    def wait_gather(q):
        pltpu.make_async_copy(out_hbm.at[pl.ds(0, GCHUNK)], rows[q],
                              gs[q]).wait()

    def wait_wout(q):
        pltpu.make_async_copy(rows[q], out_hbm.at[pl.ds(0, GCHUNK)],
                              ws[q]).wait()

    def load_idx(buf, slot0):
        pltpu.sync_copy(idx_hbm.at[pl.ds(base + slot0 * GCHUNK, 4 * GCHUNK)],
                        buf)

    load_idx(ia, 0)

    def group_body(p, carry):
        s0 = p * 8
        for q in range(8):
            k = s0 + q
            buf = q % 4
            ibuf = ia if q < 4 else ib

            def _wait_free(buf=buf):
                wait_wout(buf)

            if q < 4:
                pl.when(p >= 1)(_wait_free)
            else:
                _wait_free()
            if q == 3:
                load_idx(ib, s0 + 4)
            if q == 7:
                def _prefetch(p=p, s0=s0):
                    load_idx(ia, s0 + 8)
                pl.when(p < (nslots // 8) - 1)(_prefetch)
            pltpu.async_copy(table_hbm.at[ibuf.at[pl.ds((q % 4) * GCHUNK,
                                                        GCHUNK)]],
                             rows[buf], gs[buf])
            qp = (buf + 3) % 4

            def _drain(k=k, qp=qp):
                wait_gather(qp)
                pltpu.async_copy(
                    rows[qp],
                    out_hbm.at[pl.ds(base + (k - 1) * GCHUNK, GCHUNK)],
                    ws[qp])

            if q == 0:
                pl.when(p >= 1)(_drain)
            else:
                _drain()
        return carry

    lax.fori_loop(0, nslots // 8, group_body, jnp.int32(0))
    wait_gather((nslots - 1) % 4)
    pltpu.async_copy(rows[(nslots - 1) % 4],
                     out_hbm.at[pl.ds(base + (nslots - 1) * GCHUNK, GCHUNK)],
                     ws[(nslots - 1) % 4])
    for q in range(4):
        wait_wout(q)


def _gather_rows(table, idx_flat):
    d = table.shape[1]
    fn = pl.kernel(
        functools.partial(_gather_kernel, d=d),
        out_type=jax.ShapeDtypeStruct((NPAD * K, d), jnp.float32),
        mesh=_sc_mesh(),
        scratch_types=(
            [pltpu.VMEM((4 * GCHUNK,), jnp.int32) for _ in range(2)]
            + [pltpu.VMEM((GCHUNK, d), jnp.float32) for _ in range(4)]
            + [pltpu.SemaphoreType.DMA for _ in range(8)]
        ),
        compiler_params=pltpu.CompilerParams(needs_layout_passes=False,
                                             use_tc_tiling_on_sc=False),
    )
    return fn(table, idx_flat)


def _combine_kernel(g_ref, ex_ref, ey_ref, ez_ref, z_ref,
                    Wr1_ref, br1_ref, Wr2_ref, We_ref, Wa_ref, Wsn_ref,
                    out_ref, *, do, is_final):
    ex = ex_ref[...]
    ey = ey_ref[...]
    ez = ez_ref[...]
    d2 = ex * ex + ey * ey + ez * ez
    elen = jnp.sqrt(d2)
    inv = 1.0 / jnp.maximum(elen, 1e-12)
    ux = ex * inv
    uy = ey * inv
    uz = ez * inv
    sh_t = jnp.concatenate([
        jnp.ones_like(ux), _C3 * ux, _C3 * uy, _C3 * uz,
        _C15 * ux * uy, _C15 * uy * uz, 0.5 * _C5 * (3.0 * uz * uz - 1.0),
        _C15 * ux * uz, 0.5 * _C15 * (ux * ux - uy * uy)], axis=0)
    t = elen * _INV_STEP
    cv = jnp.cos(np.float32(0.5 * np.pi) * t)
    sv = jnp.sin(np.float32(0.5 * np.pi) * t)
    sq10 = np.float32(NUM_BASIS ** 0.5)
    waves = (sq10 * sv, -sq10 * cv, -sq10 * sv, sq10 * cv)
    rows = []
    for m in range(1, NUM_BASIS + 1):
        win = ((t > np.float32(m - 1)) & (t < np.float32(m + 1)))
        rows.append(jnp.where(win, waves[(m - 1) % 4], 0.0))
    emb_t = jnp.concatenate(rows, axis=0)
    tdims = (((0,), (0,)), ((), ()))
    hidden = jnp.maximum(
        lax.dot_general(emb_t, Wr1_ref[...], tdims,
                        preferred_element_type=jnp.float32)
        + br1_ref[...], 0.0)
    radial = jnp.dot(hidden, Wr2_ref[...],
                     preferred_element_type=jnp.float32)
    shwe = lax.dot_general(sh_t, We_ref[...], tdims,
                           preferred_element_type=jnp.float32)
    if is_final:
        accr = jnp.sum(radial.reshape(RI, K, do), axis=1)
        accm = jnp.sum((radial * shwe).reshape(RI, K, do), axis=1)
        out = ((accm + g_ref[...] * accr) * np.float32(0.25)
               + z_ref[...] * Wa_ref[...])
        part = jnp.sum(out, axis=0, keepdims=True)
        pid = pl.program_id(0)

        @pl.when(pid == 0)
        def _():
            out_ref[...] = part

        @pl.when(pid != 0)
        def _():
            out_ref[...] = out_ref[...] + part
    else:
        msg = (g_ref[...] + shwe) * radial
        acc = jnp.sum(msg.reshape(RI, K, do), axis=1)
        out = acc * np.float32(0.25) + z_ref[...] * Wa_ref[...]
        h = jnp.tanh(out)
        out_ref[...] = jnp.dot(h, Wsn_ref[...],
                               preferred_element_type=jnp.float32)


def _combine(g, exf, eyf, ezf, zpad, Wr1, br1, Wr2, We, Wa, Wsn, is_final):
    do = g.shape[1]
    dn = Wsn.shape[1]
    p = RI * K
    grid = (NPAD // RI,)
    gspec = (pl.BlockSpec((RI, do), lambda t: (t, 0)) if is_final
             else pl.BlockSpec((p, do), lambda t: (t, 0)))
    in_specs = [
        gspec,
        pl.BlockSpec((1, p), lambda t: (0, t)),
        pl.BlockSpec((1, p), lambda t: (0, t)),
        pl.BlockSpec((1, p), lambda t: (0, t)),
        pl.BlockSpec((RI, 1), lambda t: (t, 0)),
        pl.BlockSpec((NUM_BASIS, 100), lambda t: (0, 0)),
        pl.BlockSpec((1, 100), lambda t: (0, 0)),
        pl.BlockSpec((100, do), lambda t: (0, 0)),
        pl.BlockSpec((9, do), lambda t: (0, 0)),
        pl.BlockSpec((1, do), lambda t: (0, 0)),
        pl.BlockSpec((do, dn), lambda t: (0, 0)),
    ]
    if is_final:
        out_spec = pl.BlockSpec((1, do), lambda t: (0, 0))
        out_shape = jax.ShapeDtypeStruct((1, do), jnp.float32)
    else:
        out_spec = pl.BlockSpec((RI, dn), lambda t: (t, 0))
        out_shape = jax.ShapeDtypeStruct((NPAD, dn), jnp.float32)
    fn = pl.pallas_call(
        functools.partial(_combine_kernel, do=do, is_final=is_final),
        grid=grid, in_specs=in_specs, out_specs=out_spec, out_shape=out_shape)
    return fn(g, exf, eyf, ezf, zpad, Wr1, br1.reshape(1, 100), Wr2, We, Wa, Wsn)


def _matmul_kernel(x_ref, w_ref, o_ref):
    o_ref[...] = jnp.dot(x_ref[...], w_ref[...],
                         preferred_element_type=jnp.float32)


def _matmul(x, w):
    m, kdim = x.shape
    n = w.shape[1]
    bm = 512
    fn = pl.pallas_call(
        _matmul_kernel, grid=(m // bm,),
        in_specs=[pl.BlockSpec((bm, kdim), lambda t: (t, 0)),
                  pl.BlockSpec((kdim, n), lambda t: (0, 0))],
        out_specs=pl.BlockSpec((bm, n), lambda t: (t, 0)),
        out_shape=jax.ShapeDtypeStruct((m, n), jnp.float32))
    return fn(x, w)


def kernel(pos, x, z, Ws_0, We_0, Wr1_0, br1_0, Wr2_0, Wa_0,
           Ws_1, We_1, Wr1_1, br1_1, Wr2_1, Wa_1,
           Ws_2, We_2, Wr1_2, br1_2, Wr2_2, Wa_2):
    n = pos.shape[0]
    pad_n = NPAD - n
    pos_p = jnp.pad(pos, ((0, pad_n), (0, 0)), constant_values=100.0)
    px = pos_p[:, 0].astype(jnp.float32)
    py = pos_p[:, 1].astype(jnp.float32)
    pz = pos_p[:, 2].astype(jnp.float32)
    x_p = jnp.pad(x, ((0, pad_n), (0, 0)))
    z_p = jnp.pad(z, ((0, pad_n), (0, 0)))

    idx_f, ex_f, ey_f, ez_f = _build_lists(px, py, pz)
    ex2 = ex_f.reshape(1, -1)
    ey2 = ey_f.reshape(1, -1)
    ez2 = ez_f.reshape(1, -1)

    d2p = 16
    Ws_2p = jnp.pad(Ws_2, ((0, 0), (0, d2p - 1)))
    We_2p = jnp.pad(We_2, ((0, 0), (0, d2p - 1)))
    Wr2_2p = jnp.pad(Wr2_2, ((0, 0), (0, d2p - 1)))
    Wa_2p = jnp.pad(Wa_2, ((0, 0), (0, d2p - 1)))

    hh0 = _matmul(x_p, Ws_0)
    g0 = _gather_rows(hh0, idx_f)
    hh1 = _combine(g0, ex2, ey2, ez2, z_p, Wr1_0, br1_0, Wr2_0, We_0, Wa_0,
                   Ws_1, is_final=False)
    g1 = _gather_rows(hh1, idx_f)
    hh2 = _combine(g1, ex2, ey2, ez2, z_p, Wr1_1, br1_1, Wr2_1, We_1, Wa_1,
                   Ws_2p, is_final=False)
    fin = _combine(hh2, ex2, ey2, ez2, z_p, Wr1_2, br1_2, Wr2_2p, We_2p,
                   Wa_2p, jnp.zeros((d2p, d2p), jnp.float32),
                   is_final=True)
    return fin[0:1, 0:1] * np.float32(1.0 / np.sqrt(N_NODES_TOTAL))

# --- scband reference (transcript-rebuilt; emitter-appended) ---
"""Pipeline reference for scband-orbital-network-44452911513676 (READ-ONLY COPY).

The authoritative reference and input builder live on the scoring server;
editing this copy changes nothing except your own understanding.
"""

import jax, jax.numpy as jnp
import numpy as np

N_NODES = 10000
MAX_RADIUS = 0.073
NUM_NEIGHBORS = 16.0
NUM_BASIS = 10
H = 144
D_IN = 128
D_SH = 9

def _build_edges(pos_np, r):
    N = pos_np.shape[0]
    srcs = []
    dsts = []
    chunk = 1000
    for i in range(0, N, chunk):
        d2 = ((pos_np[i:i + chunk, None, :] - pos_np[None, :, :]) ** 2).sum(-1)
        rows, cols = np.nonzero(d2 < r * r)
        rows = rows + i
        keep = rows != cols
        srcs.append(cols[keep])
        dsts.append(rows[keep])
    return np.concatenate(srcs).astype(np.int32), np.concatenate(dsts).astype(np.int32)

def _sh(unit):
    x = unit[:, 0]
    y = unit[:, 1]
    z = unit[:, 2]
    c15 = jnp.sqrt(15.0)
    c5 = jnp.sqrt(5.0)
    c3 = jnp.sqrt(3.0)
    return jnp.stack([jnp.ones_like(x), c3 * x, c3 * y, c3 * z, c15 * x * y, c15 * y * z, 0.5 * c5 * (3.0 * z * z - 1.0), c15 * x * z, 0.5 * c15 * (x * x - y * y)], axis=1)

def _soft_one_hot(lengths, start, end, number):
    values = jnp.linspace(start, end, number + 2)[1:-1]
    step = (end - start) / (number + 1)
    diff = (lengths[:, None] - values[None, :]) / step
    out = jnp.cos(0.5 * jnp.pi * diff) * ((diff > -1.0) & (diff < 1.0)).astype(lengths.dtype)
    return out * (number ** 0.5)

def setup_inputs(seed: int = 0):
    key = jax.random.key(seed)
    ks = jax.random.split(key, 24)
    inp = {}
    inp["pos"] = jax.random.uniform(ks[0], (N_NODES, 3), dtype=jnp.float32)
    inp["x"] = jax.random.normal(ks[1], (N_NODES, D_IN), dtype=jnp.float32)
    inp["z"] = jax.random.normal(ks[2], (N_NODES, 1), dtype=jnp.float32)
    dims = [(D_IN, H), (H, H), (H, 1)]
    k = 3
    for l, (di, do) in enumerate(dims):
        inp["Ws_%d" % l] = jax.random.normal(ks[k], (di, do), dtype=jnp.float32) / np.sqrt(di)
        k += 1
        inp["We_%d" % l] = jax.random.normal(ks[k], (D_SH, do), dtype=jnp.float32) / np.sqrt(D_SH)
        k += 1
        inp["Wr1_%d" % l] = jax.random.normal(ks[k], (NUM_BASIS, 100), dtype=jnp.float32) / np.sqrt(NUM_BASIS)
        k += 1
        inp["br1_%d" % l] = jnp.zeros((100,), dtype=jnp.float32)
        inp["Wr2_%d" % l] = jax.random.normal(ks[k], (100, do), dtype=jnp.float32) / 10.0
        k += 1
        inp["Wa_%d" % l] = jax.random.normal(ks[k], (1, do), dtype=jnp.float32)
        k += 1
    return inp

def reference(pos, x, z, Ws_0, We_0, Wr1_0, br1_0, Wr2_0, Wa_0, Ws_1, We_1, Wr1_1, br1_1, Wr2_1, Wa_1, Ws_2, We_2, Wr1_2, br1_2, Wr2_2, Wa_2):
    N = pos.shape[0]
    chunk = 50
    r2 = MAX_RADIUS * MAX_RADIUS
    idx_all = jnp.arange(N, dtype=jnp.int32)
    pos_chunks = pos.reshape(N // chunk, chunk, 3)
    idx_chunks = idx_all.reshape(N // chunk, chunk)
    params = [(Ws_0, We_0, Wr1_0, br1_0, Wr2_0, Wa_0), (Ws_1, We_1, Wr1_1, br1_1, Wr2_1, Wa_1), (Ws_2, We_2, Wr1_2, br1_2, Wr2_2, Wa_2)]
    h = x
    for l, (Ws, We, Wr1, br1, Wr2, Wa) in enumerate(params):
        hh = h @ Ws

        def _chunk(args, hh=hh, We=We, Wr1=Wr1, br1=br1, Wr2=Wr2):
            pos_c, idx_c = args
            edge_vec = pos[None, :, :] - pos_c[:, None, :]
            d2 = jnp.sum(edge_vec * edge_vec, axis=-1)
            mask = (d2 < r2) & (idx_c[:, None] != idx_all[None, :])
            edge_len = jnp.sqrt(d2)
            unit = edge_vec / jnp.maximum(edge_len[..., None], 1e-12)
            edge_attr = _sh(unit.reshape(-1, 3)).reshape(chunk, N, D_SH)
            emb = _soft_one_hot(edge_len.reshape(-1), 0.0, MAX_RADIUS, NUM_BASIS).reshape(chunk, N, NUM_BASIS)
            radial = jax.nn.relu(emb @ Wr1 + br1) @ Wr2
            m = (hh[None, :, :] + edge_attr @ We) * radial
            return jnp.sum(jnp.where(mask[..., None], m, 0.0), axis=1)

        agg = jax.lax.map(_chunk, (pos_chunks, idx_chunks)).reshape(N, -1) / jnp.sqrt(NUM_NEIGHBORS)
        out = agg + z @ Wa
        h = jnp.tanh(out) if l < 2 else out
    return jnp.sum(h, axis=0, keepdims=True) / (N_NODES ** 0.5)

if __name__ == "__main__":
    import jax
    _d = setup_inputs()
    print(jax.jit(kernel)(*tuple(_d.values())))

</pallas_src>

<mosaic_0001>
#map = affine_map<(d0, d1) -> (0)>
module attributes {stable_mosaic.version = 14 : i64} {
  func.func @_build_kernel(%arg0: i32, %arg1: i32, %arg2: memref<10240xf32, #tpu.memory_space<hbm>>, %arg3: memref<10240xf32, #tpu.memory_space<hbm>>, %arg4: memref<10240xf32, #tpu.memory_space<hbm>>, %arg5: memref<491520xi32, #tpu.memory_space<hbm>>, %arg6: memref<491520xf32, #tpu.memory_space<hbm>>, %arg7: memref<491520xf32, #tpu.memory_space<hbm>>, %arg8: memref<491520xf32, #tpu.memory_space<hbm>>, %arg9: memref<10240xf32, #tpu.memory_space<vmem>>, %arg10: memref<10240xf32, #tpu.memory_space<vmem>>, %arg11: memref<10240xf32, #tpu.memory_space<vmem>>, %arg12: memref<96xi32, #tpu.memory_space<vmem>>, %arg13: memref<96xf32, #tpu.memory_space<vmem>>, %arg14: memref<96xf32, #tpu.memory_space<vmem>>, %arg15: memref<96xf32, #tpu.memory_space<vmem>>, %arg16: memref<15360xi32, #tpu.memory_space<vmem>>, %arg17: memref<15360xf32, #tpu.memory_space<vmem>>, %arg18: memref<15360xf32, #tpu.memory_space<vmem>>, %arg19: memref<15360xf32, #tpu.memory_space<vmem>>) attributes {dimension_semantics = [#tpu.dimension_semantics<core_parallel>, #tpu.dimension_semantics<subcore_parallel>], iteration_bounds = array<i64: 2, 16>, scalar_prefetch = 0 : i64, scratch_operands = 11 : i64, tpu.core_type = #tpu.core_type<sc_vector_subcore>, window_params = [{transform_indices = #map}, {transform_indices = #map}, {transform_indices = #map}, {transform_indices = #map}, {transform_indices = #map}, {transform_indices = #map}, {transform_indices = #map}]} {
    %mul3A = arith.constant 2 : i32
    %mul3A_0 = arith.muli %arg1, %mul3A : i32
    %add3A = arith.addi %mul3A_0, %arg0 : i32
    "tpu.region"() ({
      %run_scoped3A = tpu.sem_alloc : memref<!tpu.dma_semaphore, #tpu.memory_space<semaphore_mem>>
      tpu.enqueue_dma source(%arg2 : memref<10240xf32, #tpu.memory_space<hbm>>) target(%arg9 : memref<10240xf32, #tpu.memory_space<vmem>>) target_semaphore(%run_scoped3A : memref<!tpu.dma_semaphore, #tpu.memory_space<semaphore_mem>>)
      tpu.wait_dma2 semaphore(%run_scoped3A : memref<!tpu.dma_semaphore, #tpu.memory_space<semaphore_mem>>) src(%arg2 : memref<10240xf32, #tpu.memory_space<hbm>>) dst(%arg9 : memref<10240xf32, #tpu.memory_space<vmem>>)
      tpu.yield
    }) : () -> ()
    "tpu.region"() ({
      %run_scoped3A = tpu.sem_alloc : memref<!tpu.dma_semaphore, #tpu.memory_space<semaphore_mem>>
      tpu.enqueue_dma source(%arg3 : memref<10240xf32, #tpu.memory_space<hbm>>) target(%arg10 : memref<10240xf32, #tpu.memory_space<vmem>>) target_semaphore(%run_scoped3A : memref<!tpu.dma_semaphore, #tpu.memory_space<semaphore_mem>>)
      tpu.wait_dma2 semaphore(%run_scoped3A : memref<!tpu.dma_semaphore, #tpu.memory_space<semaphore_mem>>) src(%arg3 : memref<10240xf32, #tpu.memory_space<hbm>>) dst(%arg10 : memref<10240xf32, #tpu.memory_space<vmem>>)
      tpu.yield
    }) : () -> ()
    "tpu.region"() ({
      %run_scoped3A = tpu.sem_alloc : memref<!tpu.dma_semaphore, #tpu.memory_space<semaphore_mem>>
      tpu.enqueue_dma source(%arg4 : memref<10240xf32, #tpu.memory_space<hbm>>) target(%arg11 : memref<10240xf32, #tpu.memory_space<vmem>>) target_semaphore(%run_scoped3A : memref<!tpu.dma_semaphore, #tpu.memory_space<semaphore_mem>>)
      tpu.wait_dma2 semaphore(%run_scoped3A : memref<!tpu.dma_semaphore, #tpu.memory_space<semaphore_mem>>) src(%arg4 : memref<10240xf32, #tpu.memory_space<hbm>>) dst(%arg11 : memref<10240xf32, #tpu.memory_space<vmem>>)
      tpu.yield
    }) : () -> ()
    %iota3A = tpu.iota {dimensions = array<i32: 0>} : vector<16xi32>
    %broadcast_in_dim3A = arith.constant 0.000000e+00 : f32
    %broadcast_in_dim3A_1 = vector.broadcast %broadcast_in_dim3A : f32 to vector<16xf32>
    %scan3A = arith.constant 0 : i32
    %scan3A_2 = arith.constant 0 : i32
    %scan3A_3 = arith.constant 320 : i32
    %scan3A_4 = arith.addi %scan3A_2, %scan3A_3 : i32
    %scan3A_5 = arith.constant 1 : i32
    scf.for %scan3A_9 = %scan3A_2 to %scan3A_4 step %scan3A_5  : i32 {
      %mul3A_10 = arith.constant 320 : i32
      %mul3A_11 = arith.muli %add3A, %mul3A_10 : i32
      %add3A_12 = arith.addi %mul3A_11, %scan3A_9 : i32
      %broadcast_in_dim3A_13 = vector.broadcast %add3A_12 : i32 to vector<16xi32>
      %swap3A = arith.constant 0 : index
      %swap3A_14 = tpu.vector_load %arg12[%swap3A] {strides = array<i32>} : memref<96xi32, #tpu.memory_space<vmem>>, vector<16xi32>,
      tpu.vector_store %arg12[%swap3A], %broadcast_in_dim3A_13 {strides = array<i32>} : memref<96xi32, #tpu.memory_space<vmem>>, vector<16xi32>,
      %swap3A_15 = arith.constant 0 : index
      %swap3A_16 = tpu.vector_load %arg13[%swap3A_15] {strides = array<i32>} : memref<96xf32, #tpu.memory_space<vmem>>, vector<16xf32>,
      tpu.vector_store %arg13[%swap3A_15], %broadcast_in_dim3A_1 {strides = array<i32>} : memref<96xf32, #tpu.memory_space<vmem>>, vector<16xf32>,
      %swap3A_17 = arith.constant 0 : index
      %swap3A_18 = tpu.vector_load %arg14[%swap3A_17] {strides = array<i32>} : memref<96xf32, #tpu.memory_space<vmem>>, vector<16xf32>,
      tpu.vector_store %arg14[%swap3A_17], %broadcast_in_dim3A_1 {strides = array<i32>} : memref<96xf32, #tpu.memory_space<vmem>>, vector<16xf32>,
      %swap3A_19 = arith.constant 0 : index
      %swap3A_20 = tpu.vector_load %arg15[%swap3A_19] {strides = array<i32>} : memref<96xf32, #tpu.memory_space<vmem>>, vector<16xf32>,
      tpu.vector_store %arg15[%swap3A_19], %broadcast_in_dim3A_1 {strides = array<i32>} : memref<96xf32, #tpu.memory_space<vmem>>, vector<16xf32>,
      %swap3A_21 = arith.constant 16 : index
      %swap3A_22 = tpu.vector_load %arg12[%swap3A_21] {strides = array<i32>} : memref<96xi32, #tpu.memory_space<vmem>>, vector<16xi32>,
      tpu.vector_store %arg12[%swap3A_21], %broadcast_in_dim3A_13 {strides = array<i32>} : memref<96xi32, #tpu.memory_space<vmem>>, vector<16xi32>,
      %swap3A_23 = arith.constant 16 : index
      %swap3A_24 = tpu.vector_load %arg13[%swap3A_23] {strides = array<i32>} : memref<96xf32, #tpu.memory_space<vmem>>, vector<16xf32>,
      tpu.vector_store %arg13[%swap3A_23], %broadcast_in_dim3A_1 {strides = array<i32>} : memref<96xf32, #tpu.memory_space<vmem>>, vector<16xf32>,
      %swap3A_25 = arith.constant 16 : index
      %swap3A_26 = tpu.vector_load %arg14[%swap3A_25] {strides = array<i32>} : memref<96xf32, #tpu.memory_space<vmem>>, vector<16xf32>,
      tpu.vector_store %arg14[%swap3A_25], %broadcast_in_dim3A_1 {strides = array<i32>} : memref<96xf32, #tpu.memory_space<vmem>>, vector<16xf32>,
      %swap3A_27 = arith.constant 16 : index
      %swap3A_28 = tpu.vector_load %arg15[%swap3A_27] {strides = array<i32>} : memref<96xf32, #tpu.memory_space<vmem>>, vector<16xf32>,
      tpu.vector_store %arg15[%swap3A_27], %broadcast_in_dim3A_1 {strides = array<i32>} : memref<96xf32, #tpu.memory_space<vmem>>, vector<16xf32>,
      %swap3A_29 = arith.constant 32 : index
      %swap3A_30 = tpu.vector_load %arg12[%swap3A_29] {strides = array<i32>} : memref<96xi32, #tpu.memory_space<vmem>>, vector<16xi32>,
      tpu.vector_store %arg12[%swap3A_29], %broadcast_in_dim3A_13 {strides = array<i32>} : memref<96xi32, #tpu.memory_space<vmem>>, vector<16xi32>,
      %swap3A_31 = arith.constant 32 : index
      %swap3A_32 = tpu.vector_load %arg13[%swap3A_31] {strides = array<i32>} : memref<96xf32, #tpu.memory_space<vmem>>, vector<16xf32>,
      tpu.vector_store %arg13[%swap3A_31], %broadcast_in_dim3A_1 {strides = array<i32>} : memref<96xf32, #tpu.memory_space<vmem>>, vector<16xf32>,
      %swap3A_33 = arith.constant 32 : index
      %swap3A_34 = tpu.vector_load %arg14[%swap3A_33] {strides = array<i32>} : memref<96xf32, #tpu.memory_space<vmem>>, vector<16xf32>,
      tpu.vector_store %arg14[%swap3A_33], %broadcast_in_dim3A_1 {strides = array<i32>} : memref<96xf32, #tpu.memory_space<vmem>>, vector<16xf32>,
      %swap3A_35 = arith.constant 32 : index
      %swap3A_36 = tpu.vector_load %arg15[%swap3A_35] {strides = array<i32>} : memref<96xf32, #tpu.memory_space<vmem>>, vector<16xf32>,
      tpu.vector_store %arg15[%swap3A_35], %broadcast_in_dim3A_1 {strides = array<i32>} : memref<96xf32, #tpu.memory_space<vmem>>, vector<16xf32>,
      %swap3A_37 = arith.constant 48 : index
      %swap3A_38 = tpu.vector_load %arg12[%swap3A_37] {strides = array<i32>} : memref<96xi32, #tpu.memory_space<vmem>>, vector<16xi32>,
      tpu.vector_store %arg12[%swap3A_37], %broadcast_in_dim3A_13 {strides = array<i32>} : memref<96xi32, #tpu.memory_space<vmem>>, vector<16xi32>,
      %swap3A_39 = arith.constant 48 : index
      %swap3A_40 = tpu.vector_load %arg13[%swap3A_39] {strides = array<i32>} : memref<96xf32, #tpu.memory_space<vmem>>, vector<16xf32>,
      tpu.vector_store %arg13[%swap3A_39], %broadcast_in_dim3A_1 {strides = array<i32>} : memref<96xf32, #tpu.memory_space<vmem>>, vector<16xf32>,
      %swap3A_41 = arith.constant 48 : index
      %swap3A_42 = tpu.vector_load %arg14[%swap3A_41] {strides = array<i32>} : memref<96xf32, #tpu.memory_space<vmem>>, vector<16xf32>,
      tpu.vector_store %arg14[%swap3A_41], %broadcast_in_dim3A_1 {strides = array<i32>} : memref<96xf32, #tpu.memory_space<vmem>>, vector<16xf32>,
      %swap3A_43 = arith.constant 48 : index
      %swap3A_44 = tpu.vector_load %arg15[%swap3A_43] {strides = array<i32>} : memref<96xf32, #tpu.memory_space<vmem>>, vector<16xf32>,
      tpu.vector_store %arg15[%swap3A_43], %broadcast_in_dim3A_1 {strides = array<i32>} : memref<96xf32, #tpu.memory_space<vmem>>, vector<16xf32>,
      %swap3A_45 = arith.constant 64 : index
      %swap3A_46 = tpu.vector_load %arg12[%swap3A_45] {strides = array<i32>} : memref<96xi32, #tpu.memory_space<vmem>>, vector<16xi32>,
      tpu.vector_store %arg12[%swap3A_45], %broadcast_in_dim3A_13 {strides = array<i32>} : memref<96xi32, #tpu.memory_space<vmem>>, vector<16xi32>,
      %swap3A_47 = arith.constant 64 : index
      %swap3A_48 = tpu.vector_load %arg13[%swap3A_47] {strides = array<i32>} : memref<96xf32, #tpu.memory_space<vmem>>, vector<16xf32>,
      tpu.vector_store %arg13[%swap3A_47], %broadcast_in_dim3A_1 {strides = array<i32>} : memref<96xf32, #tpu.memory_space<vmem>>, vector<16xf32>,
      %swap3A_49 = arith.constant 64 : index
      %swap3A_50 = tpu.vector_load %arg14[%swap3A_49] {strides = array<i32>} : memref<96xf32, #tpu.memory_space<vmem>>, vector<16xf32>,
      tpu.vector_store %arg14[%swap3A_49], %broadcast_in_dim3A_1 {strides = array<i32>} : memref<96xf32, #tpu.memory_space<vmem>>, vector<16xf32>,
      %swap3A_51 = arith.constant 64 : index
      %swap3A_52 = tpu.vector_load %arg15[%swap3A_51] {strides = array<i32>} : memref<96xf32, #tpu.memory_space<vmem>>, vector<16xf32>,
      tpu.vector_store %arg15[%swap3A_51], %broadcast_in_dim3A_1 {strides = array<i32>} : memref<96xf32, #tpu.memory_space<vmem>>, vector<16xf32>,
      %swap3A_53 = arith.constant 80 : index
      %swap3A_54 = tpu.vector_load %arg12[%swap3A_53] {strides = array<i32>} : memref<96xi32, #tpu.memory_space<vmem>>, vector<16xi32>,
      tpu.vector_store %arg12[%swap3A_53], %broadcast_in_dim3A_13 {strides = array<i32>} : memref<96xi32, #tpu.memory_space<vmem>>, vector<16xi32>,
      %swap3A_55 = arith.constant 80 : index
      %swap3A_56 = tpu.vector_load %arg13[%swap3A_55] {strides = array<i32>} : memref<96xf32, #tpu.memory_space<vmem>>, vector<16xf32>,
      tpu.vector_store %arg13[%swap3A_55], %broadcast_in_dim3A_1 {strides = array<i32>} : memref<96xf32, #tpu.memory_space<vmem>>, vector<16xf32>,
      %swap3A_57 = arith.constant 80 : index
      %swap3A_58 = tpu.vector_load %arg14[%swap3A_57] {strides = array<i32>} : memref<96xf32, #tpu.memory_space<vmem>>, vector<16xf32>,
      tpu.vector_store %arg14[%swap3A_57], %broadcast_in_dim3A_1 {strides = array<i32>} : memref<96xf32, #tpu.memory_space<vmem>>, vector<16xf32>,
      %swap3A_59 = arith.constant 80 : index
      %swap3A_60 = tpu.vector_load %arg15[%swap3A_59] {strides = array<i32>} : memref<96xf32, #tpu.memory_space<vmem>>, vector<16xf32>,
      tpu.vector_store %arg15[%swap3A_59], %broadcast_in_dim3A_1 {strides = array<i32>} : memref<96xf32, #tpu.memory_space<vmem>>, vector<16xf32>,
      %jit3A = arith.constant 16 : i32
      %div3A = arith.divsi %add3A_12, %jit3A : i32
      %sign3A = arith.constant 0 : i32
      %sign3A_61 = arith.cmpi sgt, %add3A_12, %sign3A : i32
      %sign3A_62 = arith.extui %sign3A_61 : i1 to i32
      %sign3A_63 = arith.constant 0 : i32
      %sign3A_64 = arith.cmpi slt, %add3A_12, %sign3A_63 : i32
      %sign3A_65 = arith.extui %sign3A_64 : i1 to i32
      %sign3A_66 = arith.subi %sign3A_62, %sign3A_65 : i32
      %sign3A_67 = arith.constant 0 : i32
      %sign3A_68 = arith.cmpi sgt, %jit3A, %sign3A_67 : i32
      %sign3A_69 = arith.extui %sign3A_68 : i1 to i32
      %sign3A_70 = arith.constant 0 : i32
      %sign3A_71 = arith.cmpi slt, %jit3A, %sign3A_70 : i32
      %sign3A_72 = arith.extui %sign3A_71 : i1 to i32
      %sign3A_73 = arith.subi %sign3A_69, %sign3A_72 : i32
      %ne3A = arith.cmpi ne, %sign3A_66, %sign3A_73 : i32
      %rem3A = arith.remsi %add3A_12, %jit3A : i32
      %ne3A_74 = arith.constant 0 : i32
      %ne3A_75 = arith.cmpi ne, %rem3A, %ne3A_74 : i32
      %and3A = arith.andi %ne3A, %ne3A_75 : i1
      %sub3A = arith.constant 1 : i32
      %sub3A_76 = arith.subi %div3A, %sub3A : i32
      %select_n3A = arith.select %and3A, %sub3A_76, %div3A : i32
      %mul3A_77 = arith.constant 16 : i32
      %mul3A_78 = arith.muli %select_n3A, %mul3A_77 : i32
      %jit3A_79 = arith.constant 16 : i32
      %eq3A = arith.constant 0 : i32
      %eq3A_80 = arith.cmpi eq, %jit3A_79, %eq3A : i32
      %jit3A_81 = arith.constant 1 : i32
      %select_n3A_82 = arith.select %eq3A_80, %jit3A_81, %jit3A_79 : i32
      %rem3A_83 = arith.remsi %add3A_12, %select_n3A_82 : i32
      %ne3A_84 = arith.constant 0 : i32
      %ne3A_85 = arith.cmpi ne, %rem3A_83, %ne3A_84 : i32
      %lt3A = arith.constant 0 : i32
      %lt3A_86 = arith.cmpi slt, %rem3A_83, %lt3A : i32
      %lt3A_87 = arith.constant 0 : i32
      %lt3A_88 = arith.cmpi slt, %select_n3A_82, %lt3A_87 : i32
      %ne3A_89 = arith.xori %lt3A_86, %lt3A_88 : i1
      %and3A_90 = arith.andi %ne3A_89, %ne3A_85 : i1
      %add3A_91 = arith.addi %rem3A_83, %select_n3A_82 : i32
      %select_n3A_92 = arith.select %and3A_90, %add3A_91, %rem3A_83 : i32
      %eq3A_93 = vector.broadcast %select_n3A_92 : i32 to vector<16xi32>
      %eq3A_94 = arith.cmpi eq, %iota3A, %eq3A_93 : vector<16xi32>
      %get3A = arith.index_cast %mul3A_78 : i32 to index
      %get3A_95 = tpu.vector_load %arg9[%get3A] {strides = array<i32>} : memref<10240xf32, #tpu.memory_space<vmem>>, vector<16xf32>,
      %jit3A_96 = arith.constant 0.000000e+00 : f32
      %broadcast_in_dim3A_97 = vector.broadcast %jit3A_96 : f32 to vector<16xf32>
      %select_n3A_98 = arith.select %eq3A_94, %get3A_95, %broadcast_in_dim3A_97 : vector<16xi1>, vector<16xf32>
      %reduce_sum3A = arith.constant true
      %reduce_sum3A_99 = vector.broadcast %reduce_sum3A : i1 to vector<16xi1>
      %reduce_sum3A_100 = tpu.scan <sum>, %select_n3A_98 masked %reduce_sum3A_99 : vector<16xf32>, vector<16xi1> -> vector<16xf32>
      %reduce_sum3A_101 = vector.extract %reduce_sum3A_100[15] : f32 from vector<16xf32>
      %broadcast_in_dim3A_102 = vector.broadcast %reduce_sum3A_101 : f32 to vector<16xf32>
      %get3A_103 = arith.index_cast %mul3A_78 : i32 to index
      %get3A_104 = tpu.vector_load %arg10[%get3A_103] {strides = array<i32>} : memref<10240xf32, #tpu.memory_space<vmem>>, vector<16xf32>,
      %jit3A_105 = arith.constant 0.000000e+00 : f32
      %broadcast_in_dim3A_106 = vector.broadcast %jit3A_105 : f32 to vector<16xf32>
      %select_n3A_107 = arith.select %eq3A_94, %get3A_104, %broadcast_in_dim3A_106 : vector<16xi1>, vector<16xf32>
      %reduce_sum3A_108 = arith.constant true
      %reduce_sum3A_109 = vector.broadcast %reduce_sum3A_108 : i1 to vector<16xi1>
      %reduce_sum3A_110 = tpu.scan <sum>, %select_n3A_107 masked %reduce_sum3A_109 : vector<16xf32>, vector<16xi1> -> vector<16xf32>
      %reduce_sum3A_111 = vector.extract %reduce_sum3A_110[15] : f32 from vector<16xf32>
      %broadcast_in_dim3A_112 = vector.broadcast %reduce_sum3A_111 : f32 to vector<16xf32>
      %get3A_113 = arith.index_cast %mul3A_78 : i32 to index
      %get3A_114 = tpu.vector_load %arg11[%get3A_113] {strides = array<i32>} : memref<10240xf32, #tpu.memory_space<vmem>>, vector<16xf32>,
      %jit3A_115 = arith.constant 0.000000e+00 : f32
      %broadcast_in_dim3A_116 = vector.broadcast %jit3A_115 : f32 to vector<16xf32>
      %select_n3A_117 = arith.select %eq3A_94, %get3A_114, %broadcast_in_dim3A_116 : vector<16xi1>, vector<16xf32>
      %reduce_sum3A_118 = arith.constant true
      %reduce_sum3A_119 = vector.broadcast %reduce_sum3A_118 : i1 to vector<16xi1>
      %reduce_sum3A_120 = tpu.scan <sum>, %select_n3A_117 masked %reduce_sum3A_119 : vector<16xf32>, vector<16xi1> -> vector<16xf32>
      %reduce_sum3A_121 = vector.extract %reduce_sum3A_120[15] : f32 from vector<16xf32>
      %broadcast_in_dim3A_122 = vector.broadcast %reduce_sum3A_121 : f32 to vector<16xf32>
      %broadcast_in_dim3A_123 = arith.constant 0 : i32
      %broadcast_in_dim3A_124 = vector.broadcast %broadcast_in_dim3A_123 : i32 to vector<16xi32>
      %scan3A_125 = arith.constant 0 : i32
      %scan3A_126 = arith.constant 80 : i32
      %scan3A_127 = arith.addi %scan3A_125, %scan3A_126 : i32
      %scan3A_128 = arith.constant 1 : i32
      %scan3A_129 = scf.for %scan3A_191 = %scan3A_125 to %scan3A_127 step %scan3A_128 iter_args(%scan3A_192 = %broadcast_in_dim3A_124) -> (vector<16xi32>)  : i32 {
        %mul3A_193 = arith.constant 128 : i32
        %mul3A_194 = arith.muli %scan3A_191, %mul3A_193 : i32
        %add3A_195 = arith.constant 0 : i32
        %add3A_196 = arith.addi %mul3A_194, %add3A_195 : i32
        %get3A_197 = arith.index_cast %add3A_196 : i32 to index
        %get3A_198 = tpu.vector_load %arg9[%get3A_197] {strides = array<i32>} : memref<10240xf32, #tpu.memory_space<vmem>>, vector<16xf32>,
        %sub3A_199 = arith.subf %get3A_198, %broadcast_in_dim3A_102 : vector<16xf32>
        %get3A_200 = arith.index_cast %add3A_196 : i32 to index
        %get3A_201 = tpu.vector_load %arg10[%get3A_200] {strides = array<i32>} : memref<10240xf32, #tpu.memory_space<vmem>>, vector<16xf32>,
        %sub3A_202 = arith.subf %get3A_201, %broadcast_in_dim3A_112 : vector<16xf32>
        %get3A_203 = arith.index_cast %add3A_196 : i32 to index
        %get3A_204 = tpu.vector_load %arg11[%get3A_203] {strides = array<i32>} : memref<10240xf32, #tpu.memory_space<vmem>>, vector<16xf32>,
        %sub3A_205 = arith.subf %get3A_204, %broadcast_in_dim3A_122 : vector<16xf32>
        %mul3A_206 = arith.mulf %sub3A_199, %sub3A_199 : vector<16xf32>
        %mul3A_207 = arith.mulf %sub3A_202, %sub3A_202 : vector<16xf32>
        %add3A_208 = arith.addf %mul3A_206, %mul3A_207 : vector<16xf32>
        %mul3A_209 = arith.mulf %sub3A_205, %sub3A_205 : vector<16xf32>
        %add3A_210 = arith.addf %add3A_208, %mul3A_209 : vector<16xf32>
        %add3A_211 = arith.constant 0 : i32
        %add3A_212 = arith.addi %mul3A_194, %add3A_211 : i32
        %add3A_213 = vector.broadcast %add3A_212 : i32 to vector<16xi32>
        %add3A_214 = arith.addi %add3A_213, %iota3A : vector<16xi32>
        %lt3A_215 = arith.constant 5.329000e-03 : f32
        %lt3A_216 = vector.broadcast %lt3A_215 : f32 to vector<16xf32>
        %lt3A_217 = arith.cmpf olt, %add3A_210, %lt3A_216 : vector<16xf32>
        %ne3A_218 = arith.cmpi ne, %add3A_214, %broadcast_in_dim3A_13 : vector<16xi32>
        %and3A_219 = arith.andi %lt3A_217, %ne3A_218 : vector<16xi1>
        %all_reduce_population_count3A = tpu.all_reduce %and3A_219 {dim = 0 : i64, kind = #tpu.reduction_kind<sum>} : vector<16xi1> -> vector<16xi32>
        %add3A_220 = arith.constant 16 : i32
        %add3A_221 = arith.addi %mul3A_194, %add3A_220 : i32
        %get3A_222 = arith.index_cast %add3A_221 : i32 to index
        %get3A_223 = tpu.vector_load %arg9[%get3A_222] {strides = array<i32>} : memref<10240xf32, #tpu.memory_space<vmem>>, vector<16xf32>,
        %sub3A_224 = arith.subf %get3A_223, %broadcast_in_dim3A_102 : vector<16xf32>
        %get3A_225 = arith.index_cast %add3A_221 : i32 to index
        %get3A_226 = tpu.vector_load %arg10[%get3A_225] {strides = array<i32>} : memref<10240xf32, #tpu.memory_space<vmem>>, vector<16xf32>,
        %sub3A_227 = arith.subf %get3A_226, %broadcast_in_dim3A_112 : vector<16xf32>
        %get3A_228 = arith.index_cast %add3A_221 : i32 to index
        %get3A_229 = tpu.vector_load %arg11[%get3A_228] {strides = array<i32>} : memref<10240xf32, #tpu.memory_space<vmem>>, vector<16xf32>,
        %sub3A_230 = arith.subf %get3A_229, %broadcast_in_dim3A_122 : vector<16xf32>
        %mul3A_231 = arith.mulf %sub3A_224, %sub3A_224 : vector<16xf32>
        %mul3A_232 = arith.mulf %sub3A_227, %sub3A_227 : vector<16xf32>
        %add3A_233 = arith.addf %mul3A_231, %mul3A_232 : vector<16xf32>
        %mul3A_234 = arith.mulf %sub3A_230, %sub3A_230 : vector<16xf32>
        %add3A_235 = arith.addf %add3A_233, %mul3A_234 : vector<16xf32>
        %add3A_236 = arith.constant 16 : i32
        %add3A_237 = arith.addi %mul3A_194, %add3A_236 : i32
        %add3A_238 = vector.broadcast %add3A_237 : i32 to vector<16xi32>
        %add3A_239 = arith.addi %add3A_238, %iota3A : vector<16xi32>
        %lt3A_240 = arith.constant 5.329000e-03 : f32
        %lt3A_241 = vector.broadcast %lt3A_240 : f32 to vector<16xf32>
        %lt3A_242 = arith.cmpf olt, %add3A_235, %lt3A_241 : vector<16xf32>
        %ne3A_243 = arith.cmpi ne, %add3A_239, %broadcast_in_dim3A_13 : vector<16xi32>
        %and3A_244 = arith.andi %lt3A_242, %ne3A_243 : vector<16xi1>
        %all_reduce_population_count3A_245 = tpu.all_reduce %and3A_244 {dim = 0 : i64, kind = #tpu.reduction_kind<sum>} : vector<16xi1> -> vector<16xi32>
        %add3A_246 = arith.constant 32 : i32
        %add3A_247 = arith.addi %mul3A_194, %add3A_246 : i32
        %get3A_248 = arith.index_cast %add3A_247 : i32 to index
        %get3A_249 = tpu.vector_load %arg9[%get3A_248] {strides = array<i32>} : memref<10240xf32, #tpu.memory_space<vmem>>, vector<16xf32>,
        %sub3A_250 = arith.subf %get3A_249, %broadcast_in_dim3A_102 : vector<16xf32>
        %get3A_251 = arith.index_cast %add3A_247 : i32 to index
        %get3A_252 = tpu.vector_load %arg10[%get3A_251] {strides = array<i32>} : memref<10240xf32, #tpu.memory_space<vmem>>, vector<16xf32>,
        %sub3A_253 = arith.subf %get3A_252, %broadcast_in_dim3A_112 : vector<16xf32>
        %get3A_254 = arith.index_cast %add3A_247 : i32 to index
        %get3A_255 = tpu.vector_load %arg11[%get3A_254] {strides = array<i32>} : memref<10240xf32, #tpu.memory_space<vmem>>, vector<16xf32>,
        %sub3A_256 = arith.subf %get3A_255, %broadcast_in_dim3A_122 : vector<16xf32>
        %mul3A_257 = arith.mulf %sub3A_250, %sub3A_250 : vector<16xf32>
        %mul3A_258 = arith.mulf %sub3A_253, %sub3A_253 : vector<16xf32>
        %add3A_259 = arith.addf %mul3A_257, %mul3A_258 : vector<16xf32>
        %mul3A_260 = arith.mulf %sub3A_256, %sub3A_256 : vector<16xf32>
        %add3A_261 = arith.addf %add3A_259, %mul3A_260 : vector<16xf32>
        %add3A_262 = arith.constant 32 : i32
        %add3A_263 = arith.addi %mul3A_194, %add3A_262 : i32
        %add3A_264 = vector.broadcast %add3A_263 : i32 to vector<16xi32>
        %add3A_265 = arith.addi %add3A_264, %iota3A : vector<16xi32>
        %lt3A_266 = arith.constant 5.329000e-03 : f32
        %lt3A_267 = vector.broadcast %lt3A_266 : f32 to vector<16xf32>
        %lt3A_268 = arith.cmpf olt, %add3A_261, %lt3A_267 : vector<16xf32>
        %ne3A_269 = arith.cmpi ne, %add3A_265, %broadcast_in_dim3A_13 : vector<16xi32>
        %and3A_270 = arith.andi %lt3A_268, %ne3A_269 : vector<16xi1>
        %all_reduce_population_count3A_271 = tpu.all_reduce %and3A_270 {dim = 0 : i64, kind = #tpu.reduction_kind<sum>} : vector<16xi1> -> vector<16xi32>
        %add3A_272 = arith.constant 48 : i32
        %add3A_273 = arith.addi %mul3A_194, %add3A_272 : i32
        %get3A_274 = arith.index_cast %add3A_273 : i32 to index
        %get3A_275 = tpu.vector_load %arg9[%get3A_274] {strides = array<i32>} : memref<10240xf32, #tpu.memory_space<vmem>>, vector<16xf32>,
        %sub3A_276 = arith.subf %get3A_275, %broadcast_in_dim3A_102 : vector<16xf32>
        %get3A_277 = arith.index_cast %add3A_273 : i32 to index
        %get3A_278 = tpu.vector_load %arg10[%get3A_277] {strides = array<i32>} : memref<10240xf32, #tpu.memory_space<vmem>>, vector<16xf32>,
        %sub3A_279 = arith.subf %get3A_278, %broadcast_in_dim3A_112 : vector<16xf32>
        %get3A_280 = arith.index_cast %add3A_273 : i32 to index
        %get3A_281 = tpu.vector_load %arg11[%get3A_280] {strides = array<i32>} : memref<10240xf32, #tpu.memory_space<vmem>>, vector<16xf32>,
        %sub3A_282 = arith.subf %get3A_281, %broadcast_in_dim3A_122 : vector<16xf32>
        %mul3A_283 = arith.mulf %sub3A_276, %sub3A_276 : vector<16xf32>
        %mul3A_284 = arith.mulf %sub3A_279, %sub3A_279 : vector<16xf32>
        %add3A_285 = arith.addf %mul3A_283, %mul3A_284 : vector<16xf32>
        %mul3A_286 = arith.mulf %sub3A_282, %sub3A_282 : vector<16xf32>
        %add3A_287 = arith.addf %add3A_285, %mul3A_286 : vector<16xf32>
        %add3A_288 = arith.constant 48 : i32
        %add3A_289 = arith.addi %mul3A_194, %add3A_288 : i32
        %add3A_290 = vector.broadcast %add3A_289 : i32 to vector<16xi32>
        %add3A_291 = arith.addi %add3A_290, %iota3A : vector<16xi32>
        %lt3A_292 = arith.constant 5.329000e-03 : f32
        %lt3A_293 = vector.broadcast %lt3A_292 : f32 to vector<16xf32>
        %lt3A_294 = arith.cmpf olt, %add3A_287, %lt3A_293 : vector<16xf32>
        %ne3A_295 = arith.cmpi ne, %add3A_291, %broadcast_in_dim3A_13 : vector<16xi32>
        %and3A_296 = arith.andi %lt3A_294, %ne3A_295 : vector<16xi1>
        %all_reduce_population_count3A_297 = tpu.all_reduce %and3A_296 {dim = 0 : i64, kind = #tpu.reduction_kind<sum>} : vector<16xi1> -> vector<16xi32>
        %add3A_298 = arith.constant 64 : i32
        %add3A_299 = arith.addi %mul3A_194, %add3A_298 : i32
        %get3A_300 = arith.index_cast %add3A_299 : i32 to index
        %get3A_301 = tpu.vector_load %arg9[%get3A_300] {strides = array<i32>} : memref<10240xf32, #tpu.memory_space<vmem>>, vector<16xf32>,
        %sub3A_302 = arith.subf %get3A_301, %broadcast_in_dim3A_102 : vector<16xf32>
        %get3A_303 = arith.index_cast %add3A_299 : i32 to index
        %get3A_304 = tpu.vector_load %arg10[%get3A_303] {strides = array<i32>} : memref<10240xf32, #tpu.memory_space<vmem>>, vector<16xf32>,
        %sub3A_305 = arith.subf %get3A_304, %broadcast_in_dim3A_112 : vector<16xf32>
        %get3A_306 = arith.index_cast %add3A_299 : i32 to index
        %get3A_307 = tpu.vector_load %arg11[%get3A_306] {strides = array<i32>} : memref<10240xf32, #tpu.memory_space<vmem>>, vector<16xf32>,
        %sub3A_308 = arith.subf %get3A_307, %broadcast_in_dim3A_122 : vector<16xf32>
        %mul3A_309 = arith.mulf %sub3A_302, %sub3A_302 : vector<16xf32>
        %mul3A_310 = arith.mulf %sub3A_305, %sub3A_305 : vector<16xf32>
        %add3A_311 = arith.addf %mul3A_309, %mul3A_310 : vector<16xf32>
        %mul3A_312 = arith.mulf %sub3A_308, %sub3A_308 : vector<16xf32>
        %add3A_313 = arith.addf %add3A_311, %mul3A_312 : vector<16xf32>
        %add3A_314 = arith.constant 64 : i32
        %add3A_315 = arith.addi %mul3A_194, %add3A_314 : i32
        %add3A_316 = vector.broadcast %add3A_315 : i32 to vector<16xi32>
        %add3A_317 = arith.addi %add3A_316, %iota3A : vector<16xi32>
        %lt3A_318 = arith.constant 5.329000e-03 : f32
        %lt3A_319 = vector.broadcast %lt3A_318 : f32 to vector<16xf32>
        %lt3A_320 = arith.cmpf olt, %add3A_313, %lt3A_319 : vector<16xf32>
        %ne3A_321 = arith.cmpi ne, %add3A_317, %broadcast_in_dim3A_13 : vector<16xi32>
        %and3A_322 = arith.andi %lt3A_320, %ne3A_321 : vector<16xi1>
        %all_reduce_population_count3A_323 = tpu.all_reduce %and3A_322 {dim = 0 : i64, kind = #tpu.reduction_kind<sum>} : vector<16xi1> -> vector<16xi32>
        %add3A_324 = arith.constant 80 : i32
        %add3A_325 = arith.addi %mul3A_194, %add3A_324 : i32
        %get3A_326 = arith.index_cast %add3A_325 : i32 to index
        %get3A_327 = tpu.vector_load %arg9[%get3A_326] {strides = array<i32>} : memref<10240xf32, #tpu.memory_space<vmem>>, vector<16xf32>,
        %sub3A_328 = arith.subf %get3A_327, %broadcast_in_dim3A_102 : vector<16xf32>
        %get3A_329 = arith.index_cast %add3A_325 : i32 to index
        %get3A_330 = tpu.vector_load %arg10[%get3A_329] {strides = array<i32>} : memref<10240xf32, #tpu.memory_space<vmem>>, vector<16xf32>,
        %sub3A_331 = arith.subf %get3A_330, %broadcast_in_dim3A_112 : vector<16xf32>
        %get3A_332 = arith.index_cast %add3A_325 : i32 to index
        %get3A_333 = tpu.vector_load %arg11[%get3A_332] {strides = array<i32>} : memref<10240xf32, #tpu.memory_space<vmem>>, vector<16xf32>,
        %sub3A_334 = arith.subf %get3A_333, %broadcast_in_dim3A_122 : vector<16xf32>
        %mul3A_335 = arith.mulf %sub3A_328, %sub3A_328 : vector<16xf32>
        %mul3A_336 = arith.mulf %sub3A_331, %sub3A_331 : vector<16xf32>
        %add3A_337 = arith.addf %mul3A_335, %mul3A_336 : vector<16xf32>
        %mul3A_338 = arith.mulf %sub3A_334, %sub3A_334 : vector<16xf32>
        %add3A_339 = arith.addf %add3A_337, %mul3A_338 : vector<16xf32>
        %add3A_340 = arith.constant 80 : i32
        %add3A_341 = arith.addi %mul3A_194, %add3A_340 : i32
        %add3A_342 = vector.broadcast %add3A_341 : i32 to vector<16xi32>
        %add3A_343 = arith.addi %add3A_342, %iota3A : vector<16xi32>
        %lt3A_344 = arith.constant 5.329000e-03 : f32
        %lt3A_345 = vector.broadcast %lt3A_344 : f32 to vector<16xf32>
        %lt3A_346 = arith.cmpf olt, %add3A_339, %lt3A_345 : vector<16xf32>
        %ne3A_347 = arith.cmpi ne, %add3A_343, %broadcast_in_dim3A_13 : vector<16xi32>
        %and3A_348 = arith.andi %lt3A_346, %ne3A_347 : vector<16xi1>
        %all_reduce_population_count3A_349 = tpu.all_reduce %and3A_348 {dim = 0 : i64, kind = #tpu.reduction_kind<sum>} : vector<16xi1> -> vector<16xi32>
        %add3A_350 = arith.constant 96 : i32
        %add3A_351 = arith.addi %mul3A_194, %add3A_350 : i32
        %get3A_352 = arith.index_cast %add3A_351 : i32 to index
        %get3A_353 = tpu.vector_load %arg9[%get3A_352] {strides = array<i32>} : memref<10240xf32, #tpu.memory_space<vmem>>, vector<16xf32>,
        %sub3A_354 = arith.subf %get3A_353, %broadcast_in_dim3A_102 : vector<16xf32>
        %get3A_355 = arith.index_cast %add3A_351 : i32 to index
        %get3A_356 = tpu.vector_load %arg10[%get3A_355] {strides = array<i32>} : memref<10240xf32, #tpu.memory_space<vmem>>, vector<16xf32>,
        %sub3A_357 = arith.subf %get3A_356, %broadcast_in_dim3A_112 : vector<16xf32>
        %get3A_358 = arith.index_cast %add3A_351 : i32 to index
        %get3A_359 = tpu.vector_load %arg11[%get3A_358] {strides = array<i32>} : memref<10240xf32, #tpu.memory_space<vmem>>, vector<16xf32>,
        %sub3A_360 = arith.subf %get3A_359, %broadcast_in_dim3A_122 : vector<16xf32>
        %mul3A_361 = arith.mulf %sub3A_354, %sub3A_354 : vector<16xf32>
        %mul3A_362 = arith.mulf %sub3A_357, %sub3A_357 : vector<16xf32>
        %add3A_363 = arith.addf %mul3A_361, %mul3A_362 : vector<16xf32>
        %mul3A_364 = arith.mulf %sub3A_360, %sub3A_360 : vector<16xf32>
        %add3A_365 = arith.addf %add3A_363, %mul3A_364 : vector<16xf32>
        %add3A_366 = arith.constant 96 : i32
        %add3A_367 = arith.addi %mul3A_194, %add3A_366 : i32
        %add3A_368 = vector.broadcast %add3A_367 : i32 to vector<16xi32>
        %add3A_369 = arith.addi %add3A_368, %iota3A : vector<16xi32>
        %lt3A_370 = arith.constant 5.329000e-03 : f32
        %lt3A_371 = vector.broadcast %lt3A_370 : f32 to vector<16xf32>
        %lt3A_372 = arith.cmpf olt, %add3A_365, %lt3A_371 : vector<16xf32>
        %ne3A_373 = arith.cmpi ne, %add3A_369, %broadcast_in_dim3A_13 : vector<16xi32>
        %and3A_374 = arith.andi %lt3A_372, %ne3A_373 : vector<16xi1>
        %all_reduce_population_count3A_375 = tpu.all_reduce %and3A_374 {dim = 0 : i64, kind = #tpu.reduction_kind<sum>} : vector<16xi1> -> vector<16xi32>
        %add3A_376 = arith.constant 112 : i32
        %add3A_377 = arith.addi %mul3A_194, %add3A_376 : i32
        %get3A_378 = arith.index_cast %add3A_377 : i32 to index
        %get3A_379 = tpu.vector_load %arg9[%get3A_378] {strides = array<i32>} : memref<10240xf32, #tpu.memory_space<vmem>>, vector<16xf32>,
        %sub3A_380 = arith.subf %get3A_379, %broadcast_in_dim3A_102 : vector<16xf32>
        %get3A_381 = arith.index_cast %add3A_377 : i32 to index
        %get3A_382 = tpu.vector_load %arg10[%get3A_381] {strides = array<i32>} : memref<10240xf32, #tpu.memory_space<vmem>>, vector<16xf32>,
        %sub3A_383 = arith.subf %get3A_382, %broadcast_in_dim3A_112 : vector<16xf32>
        %get3A_384 = arith.index_cast %add3A_377 : i32 to index
        %get3A_385 = tpu.vector_load %arg11[%get3A_384] {strides = array<i32>} : memref<10240xf32, #tpu.memory_space<vmem>>, vector<16xf32>,
        %sub3A_386 = arith.subf %get3A_385, %broadcast_in_dim3A_122 : vector<16xf32>
        %mul3A_387 = arith.mulf %sub3A_380, %sub3A_380 : vector<16xf32>
        %mul3A_388 = arith.mulf %sub3A_383, %sub3A_383 : vector<16xf32>
        %add3A_389 = arith.addf %mul3A_387, %mul3A_388 : vector<16xf32>
        %mul3A_390 = arith.mulf %sub3A_386, %sub3A_386 : vector<16xf32>
        %add3A_391 = arith.addf %add3A_389, %mul3A_390 : vector<16xf32>
        %add3A_392 = arith.constant 112 : i32
        %add3A_393 = arith.addi %mul3A_194, %add3A_392 : i32
        %add3A_394 = vector.broadcast %add3A_393 : i32 to vector<16xi32>
        %add3A_395 = arith.addi %add3A_394, %iota3A : vector<16xi32>
        %lt3A_396 = arith.constant 5.329000e-03 : f32
        %lt3A_397 = vector.broadcast %lt3A_396 : f32 to vector<16xf32>
        %lt3A_398 = arith.cmpf olt, %add3A_391, %lt3A_397 : vector<16xf32>
        %ne3A_399 = arith.cmpi ne, %add3A_395, %broadcast_in_dim3A_13 : vector<16xi32>
        %and3A_400 = arith.andi %lt3A_398, %ne3A_399 : vector<16xi1>
        %all_reduce_population_count3A_401 = tpu.all_reduce %and3A_400 {dim = 0 : i64, kind = #tpu.reduction_kind<sum>} : vector<16xi1> -> vector<16xi32>
        %or3A = arith.ori %and3A_219, %and3A_244 : vector<16xi1>
        %add3A_402 = arith.addi %all_reduce_population_count3A, %all_reduce_population_count3A_245 : vector<16xi32>
        %or3A_403 = arith.ori %or3A, %and3A_270 : vector<16xi1>
        %add3A_404 = arith.addi %add3A_402, %all_reduce_population_count3A_271 : vector<16xi32>
        %or3A_405 = arith.ori %or3A_403, %and3A_296 : vector<16xi1>
        %add3A_406 = arith.addi %add3A_404, %all_reduce_population_count3A_297 : vector<16xi32>
        %or3A_407 = arith.ori %or3A_405, %and3A_322 : vector<16xi1>
        %add3A_408 = arith.addi %add3A_406, %all_reduce_population_count3A_323 : vector<16xi32>
        %or3A_409 = arith.ori %or3A_407, %and3A_348 : vector<16xi1>
        %add3A_410 = arith.addi %add3A_408, %all_reduce_population_count3A_349 : vector<16xi32>
        %or3A_411 = arith.ori %or3A_409, %and3A_374 : vector<16xi1>
        %add3A_412 = arith.addi %add3A_410, %all_reduce_population_count3A_375 : vector<16xi32>
        %or3A_413 = arith.ori %or3A_411, %and3A_400 : vector<16xi1>
        %add3A_414 = arith.addi %add3A_412, %all_reduce_population_count3A_401 : vector<16xi32>
        %reduce_or3A = arith.constant 1.000000e+00 : f32
        %reduce_or3A_415 = arith.constant 0.000000e+00 : f32
        %reduce_or3A_416 = vector.broadcast %reduce_or3A : f32 to vector<16xf32>
        %reduce_or3A_417 = vector.broadcast %reduce_or3A_415 : f32 to vector<16xf32>
        %reduce_or3A_418 = arith.select %or3A_413, %reduce_or3A_416, %reduce_or3A_417 : vector<16xi1>, vector<16xf32>
        %reduce_or3A_419 = arith.constant true
        %reduce_or3A_420 = vector.broadcast %reduce_or3A_419 : i1 to vector<16xi1>
        %reduce_or3A_421 = tpu.scan <max>, %reduce_or3A_418 masked %reduce_or3A_420 : vector<16xf32>, vector<16xi1> -> vector<16xf32>
        %reduce_or3A_422 = vector.extract %reduce_or3A_421[15] : f32 from vector<16xf32>
        %reduce_or3A_423 = arith.constant 0.000000e+00 : f32
        %reduce_or3A_424 = arith.cmpf ogt, %reduce_or3A_422, %reduce_or3A_423 : f32
        %convert_element_type3A = arith.extui %reduce_or3A_424 : i1 to i32
        %cond3A = arith.constant 0 : i32
        %cond3A_425 = arith.cmpi ne, %convert_element_type3A, %cond3A : i32
        scf.if %cond3A_425 {
          %slice3A = vector.extract_strided_slice %scan3A_192 {offsets = [0], sizes = [1], strides = [1]} : vector<16xi32> to vector<1xi32>
          %squeeze3A = vector.extract %slice3A[0] : i32 from vector<1xi32>
          %min3A = arith.constant 48 : i32
          %min3A_427 = arith.minsi %squeeze3A, %min3A : i32
          %add3A_428 = arith.constant 0 : i32
          %add3A_429 = arith.addi %mul3A_194, %add3A_428 : i32
          %add3A_430 = vector.broadcast %add3A_429 : i32 to vector<16xi32>
          %add3A_431 = arith.addi %add3A_430, %iota3A : vector<16xi32>
          %swap3A_432 = arith.index_cast %min3A_427 : i32 to index
          %swap3A_433 = tpu.vector_load %arg12[%swap3A_432] masked %and3A_219 {strides = array<i32>} : memref<96xi32, #tpu.memory_space<vmem>>, vector<16xi32>, vector<16xi1>
          tpu.vector_store %arg12[%swap3A_432], %add3A_431 masked %and3A_219 {strides = array<i32>} : memref<96xi32, #tpu.memory_space<vmem>>, vector<16xi32>, vector<16xi1>
          %swap3A_434 = arith.index_cast %min3A_427 : i32 to index
          %swap3A_435 = tpu.vector_load %arg13[%swap3A_434] masked %and3A_219 {strides = array<i32>} : memref<96xf32, #tpu.memory_space<vmem>>, vector<16xf32>, vector<16xi1>
          tpu.vector_store %arg13[%swap3A_434], %sub3A_199 masked %and3A_219 {strides = array<i32>} : memref<96xf32, #tpu.memory_space<vmem>>, vector<16xf32>, vector<16xi1>
          %swap3A_436 = arith.index_cast %min3A_427 : i32 to index
          %swap3A_437 = tpu.vector_load %arg14[%swap3A_436] masked %and3A_219 {strides = array<i32>} : memref<96xf32, #tpu.memory_space<vmem>>, vector<16xf32>, vector<16xi1>
          tpu.vector_store %arg14[%swap3A_436], %sub3A_202 masked %and3A_219 {strides = array<i32>} : memref<96xf32, #tpu.memory_space<vmem>>, vector<16xf32>, vector<16xi1>
          %swap3A_438 = arith.index_cast %min3A_427 : i32 to index
          %swap3A_439 = tpu.vector_load %arg15[%swap3A_438] masked %and3A_219 {strides = array<i32>} : memref<96xf32, #tpu.memory_space<vmem>>, vector<16xf32>, vector<16xi1>
          tpu.vector_store %arg15[%swap3A_438], %sub3A_205 masked %and3A_219 {strides = array<i32>} : memref<96xf32, #tpu.memory_space<vmem>>, vector<16xf32>, vector<16xi1>
          %slice3A_440 = vector.extract_strided_slice %all_reduce_population_count3A {offsets = [0], sizes = [1], strides = [1]} : vector<16xi32> to vector<1xi32>
          %squeeze3A_441 = vector.extract %slice3A_440[0] : i32 from vector<1xi32>
          %add3A_442 = arith.addi %squeeze3A, %squeeze3A_441 : i32
          %min3A_443 = arith.constant 48 : i32
          %min3A_444 = arith.minsi %add3A_442, %min3A_443 : i32
          %add3A_445 = arith.constant 16 : i32
          %add3A_446 = arith.addi %mul3A_194, %add3A_445 : i32
          %add3A_447 = vector.broadcast %add3A_446 : i32 to vector<16xi32>
          %add3A_448 = arith.addi %add3A_447, %iota3A : vector<16xi32>
          %swap3A_449 = arith.index_cast %min3A_444 : i32 to index
          %swap3A_450 = tpu.vector_load %arg12[%swap3A_449] masked %and3A_244 {strides = array<i32>} : memref<96xi32, #tpu.memory_space<vmem>>, vector<16xi32>, vector<16xi1>
          tpu.vector_store %arg12[%swap3A_449], %add3A_448 masked %and3A_244 {strides = array<i32>} : memref<96xi32, #tpu.memory_space<vmem>>, vector<16xi32>, vector<16xi1>
          %swap3A_451 = arith.index_cast %min3A_444 : i32 to index
          %swap3A_452 = tpu.vector_load %arg13[%swap3A_451] masked %and3A_244 {strides = array<i32>} : memref<96xf32, #tpu.memory_space<vmem>>, vector<16xf32>, vector<16xi1>
          tpu.vector_store %arg13[%swap3A_451], %sub3A_224 masked %and3A_244 {strides = array<i32>} : memref<96xf32, #tpu.memory_space<vmem>>, vector<16xf32>, vector<16xi1>
          %swap3A_453 = arith.index_cast %min3A_444 : i32 to index
          %swap3A_454 = tpu.vector_load %arg14[%swap3A_453] masked %and3A_244 {strides = array<i32>} : memref<96xf32, #tpu.memory_space<vmem>>, vector<16xf32>, vector<16xi1>
          tpu.vector_store %arg14[%swap3A_453], %sub3A_227 masked %and3A_244 {strides = array<i32>} : memref<96xf32, #tpu.memory_space<vmem>>, vector<16xf32>, vector<16xi1>
          %swap3A_455 = arith.index_cast %min3A_444 : i32 to index
          %swap3A_456 = tpu.vector_load %arg15[%swap3A_455] masked %and3A_244 {strides = array<i32>} : memref<96xf32, #tpu.memory_space<vmem>>, vector<16xf32>, vector<16xi1>
          tpu.vector_store %arg15[%swap3A_455], %sub3A_230 masked %and3A_244 {strides = array<i32>} : memref<96xf32, #tpu.memory_space<vmem>>, vector<16xf32>, vector<16xi1>
          %slice3A_457 = vector.extract_strided_slice %all_reduce_population_count3A_245 {offsets = [0], sizes = [1], strides = [1]} : vector<16xi32> to vector<1xi32>
          %squeeze3A_458 = vector.extract %slice3A_457[0] : i32 from vector<1xi32>
          %add3A_459 = arith.addi %add3A_442, %squeeze3A_458 : i32
          %min3A_460 = arith.constant 48 : i32
          %min3A_461 = arith.minsi %add3A_459, %min3A_460 : i32
          %add3A_462 = arith.constant 32 : i32
          %add3A_463 = arith.addi %mul3A_194, %add3A_462 : i32
          %add3A_464 = vector.broadcast %add3A_463 : i32 to vector<16xi32>
          %add3A_465 = arith.addi %add3A_464, %iota3A : vector<16xi32>
          %swap3A_466 = arith.index_cast %min3A_461 : i32 to index
          %swap3A_467 = tpu.vector_load %arg12[%swap3A_466] masked %and3A_270 {strides = array<i32>} : memref<96xi32, #tpu.memory_space<vmem>>, vector<16xi32>, vector<16xi1>
          tpu.vector_store %arg12[%swap3A_466], %add3A_465 masked %and3A_270 {strides = array<i32>} : memref<96xi32, #tpu.memory_space<vmem>>, vector<16xi32>, vector<16xi1>
          %swap3A_468 = arith.index_cast %min3A_461 : i32 to index
          %swap3A_469 = tpu.vector_load %arg13[%swap3A_468] masked %and3A_270 {strides = array<i32>} : memref<96xf32, #tpu.memory_space<vmem>>, vector<16xf32>, vector<16xi1>
          tpu.vector_store %arg13[%swap3A_468], %sub3A_250 masked %and3A_270 {strides = array<i32>} : memref<96xf32, #tpu.memory_space<vmem>>, vector<16xf32>, vector<16xi1>
          %swap3A_470 = arith.index_cast %min3A_461 : i32 to index
          %swap3A_471 = tpu.vector_load %arg14[%swap3A_470] masked %and3A_270 {strides = array<i32>} : memref<96xf32, #tpu.memory_space<vmem>>, vector<16xf32>, vector<16xi1>
          tpu.vector_store %arg14[%swap3A_470], %sub3A_253 masked %and3A_270 {strides = array<i32>} : memref<96xf32, #tpu.memory_space<vmem>>, vector<16xf32>, vector<16xi1>
          %swap3A_472 = arith.index_cast %min3A_461 : i32 to index
          %swap3A_473 = tpu.vector_load %arg15[%swap3A_472] masked %and3A_270 {strides = array<i32>} : memref<96xf32, #tpu.memory_space<vmem>>, vector<16xf32>, vector<16xi1>
          tpu.vector_store %arg15[%swap3A_472], %sub3A_256 masked %and3A_270 {strides = array<i32>} : memref<96xf32, #tpu.memory_space<vmem>>, vector<16xf32>, vector<16xi1>
          %slice3A_474 = vector.extract_strided_slice %all_reduce_population_count3A_271 {offsets = [0], sizes = [1], strides = [1]} : vector<16xi32> to vector<1xi32>
          %squeeze3A_475 = vector.extract %slice3A_474[0] : i32 from vector<1xi32>
          %add3A_476 = arith.addi %add3A_459, %squeeze3A_475 : i32
          %min3A_477 = arith.constant 48 : i32
          %min3A_478 = arith.minsi %add3A_476, %min3A_477 : i32
          %add3A_479 = arith.constant 48 : i32
          %add3A_480 = arith.addi %mul3A_194, %add3A_479 : i32
          %add3A_481 = vector.broadcast %add3A_480 : i32 to vector<16xi32>
          %add3A_482 = arith.addi %add3A_481, %iota3A : vector<16xi32>
          %swap3A_483 = arith.index_cast %min3A_478 : i32 to index
          %swap3A_484 = tpu.vector_load %arg12[%swap3A_483] masked %and3A_296 {strides = array<i32>} : memref<96xi32, #tpu.memory_space<vmem>>, vector<16xi32>, vector<16xi1>
          tpu.vector_store %arg12[%swap3A_483], %add3A_482 masked %and3A_296 {strides = array<i32>} : memref<96xi32, #tpu.memory_space<vmem>>, vector<16xi32>, vector<16xi1>
          %swap3A_485 = arith.index_cast %min3A_478 : i32 to index
          %swap3A_486 = tpu.vector_load %arg13[%swap3A_485] masked %and3A_296 {strides = array<i32>} : memref<96xf32, #tpu.memory_space<vmem>>, vector<16xf32>, vector<16xi1>
          tpu.vector_store %arg13[%swap3A_485], %sub3A_276 masked %and3A_296 {strides = array<i32>} : memref<96xf32, #tpu.memory_space<vmem>>, vector<16xf32>, vector<16xi1>
          %swap3A_487 = arith.index_cast %min3A_478 : i32 to index
          %swap3A_488 = tpu.vector_load %arg14[%swap3A_487] masked %and3A_296 {strides = array<i32>} : memref<96xf32, #tpu.memory_space<vmem>>, vector<16xf32>, vector<16xi1>
          tpu.vector_store %arg14[%swap3A_487], %sub3A_279 masked %and3A_296 {strides = array<i32>} : memref<96xf32, #tpu.memory_space<vmem>>, vector<16xf32>, vector<16xi1>
          %swap3A_489 = arith.index_cast %min3A_478 : i32 to index
          %swap3A_490 = tpu.vector_load %arg15[%swap3A_489] masked %and3A_296 {strides = array<i32>} : memref<96xf32, #tpu.memory_space<vmem>>, vector<16xf32>, vector<16xi1>
          tpu.vector_store %arg15[%swap3A_489], %sub3A_282 masked %and3A_296 {strides = array<i32>} : memref<96xf32, #tpu.memory_space<vmem>>, vector<16xf32>, vector<16xi1>
          %slice3A_491 = vector.extract_strided_slice %all_reduce_population_count3A_297 {offsets = [0], sizes = [1], strides = [1]} : vector<16xi32> to vector<1xi32>
          %squeeze3A_492 = vector.extract %slice3A_491[0] : i32 from vector<1xi32>
          %add3A_493 = arith.addi %add3A_476, %squeeze3A_492 : i32
          %min3A_494 = arith.constant 48 : i32
          %min3A_495 = arith.minsi %add3A_493, %min3A_494 : i32
          %add3A_496 = arith.constant 64 : i32
          %add3A_497 = arith.addi %mul3A_194, %add3A_496 : i32
          %add3A_498 = vector.broadcast %add3A_497 : i32 to vector<16xi32>
          %add3A_499 = arith.addi %add3A_498, %iota3A : vector<16xi32>
          %swap3A_500 = arith.index_cast %min3A_495 : i32 to index
          %swap3A_501 = tpu.vector_load %arg12[%swap3A_500] masked %and3A_322 {strides = array<i32>} : memref<96xi32, #tpu.memory_space<vmem>>, vector<16xi32>, vector<16xi1>
          tpu.vector_store %arg12[%swap3A_500], %add3A_499 masked %and3A_322 {strides = array<i32>} : memref<96xi32, #tpu.memory_space<vmem>>, vector<16xi32>, vector<16xi1>
          %swap3A_502 = arith.index_cast %min3A_495 : i32 to index
          %swap3A_503 = tpu.vector_load %arg13[%swap3A_502] masked %and3A_322 {strides = array<i32>} : memref<96xf32, #tpu.memory_space<vmem>>, vector<16xf32>, vector<16xi1>
          tpu.vector_store %arg13[%swap3A_502], %sub3A_302 masked %and3A_322 {strides = array<i32>} : memref<96xf32, #tpu.memory_space<vmem>>, vector<16xf32>, vector<16xi1>
          %swap3A_504 = arith.index_cast %min3A_495 : i32 to index
          %swap3A_505 = tpu.vector_load %arg14[%swap3A_504] masked %and3A_322 {strides = array<i32>} : memref<96xf32, #tpu.memory_space<vmem>>, vector<16xf32>, vector<16xi1>
          tpu.vector_store %arg14[%swap3A_504], %sub3A_305 masked %and3A_322 {strides = array<i32>} : memref<96xf32, #tpu.memory_space<vmem>>, vector<16xf32>, vector<16xi1>
          %swap3A_506 = arith.index_cast %min3A_495 : i32 to index
          %swap3A_507 = tpu.vector_load %arg15[%swap3A_506] masked %and3A_322 {strides = array<i32>} : memref<96xf32, #tpu.memory_space<vmem>>, vector<16xf32>, vector<16xi1>
          tpu.vector_store %arg15[%swap3A_506], %sub3A_308 masked %and3A_322 {strides = array<i32>} : memref<96xf32, #tpu.memory_space<vmem>>, vector<16xf32>, vector<16xi1>
          %slice3A_508 = vector.extract_strided_slice %all_reduce_population_count3A_323 {offsets = [0], sizes = [1], strides = [1]} : vector<16xi32> to vector<1xi32>
          %squeeze3A_509 = vector.extract %slice3A_508[0] : i32 from vector<1xi32>
          %add3A_510 = arith.addi %add3A_493, %squeeze3A_509 : i32
          %min3A_511 = arith.constant 48 : i32
          %min3A_512 = arith.minsi %add3A_510, %min3A_511 : i32
          %add3A_513 = arith.constant 80 : i32
          %add3A_514 = arith.addi %mul3A_194, %add3A_513 : i32
          %add3A_515 = vector.broadcast %add3A_514 : i32 to vector<16xi32>
          %add3A_516 = arith.addi %add3A_515, %iota3A : vector<16xi32>
          %swap3A_517 = arith.index_cast %min3A_512 : i32 to index
          %swap3A_518 = tpu.vector_load %arg12[%swap3A_517] masked %and3A_348 {strides = array<i32>} : memref<96xi32, #tpu.memory_space<vmem>>, vector<16xi32>, vector<16xi1>
          tpu.vector_store %arg12[%swap3A_517], %add3A_516 masked %and3A_348 {strides = array<i32>} : memref<96xi32, #tpu.memory_space<vmem>>, vector<16xi32>, vector<16xi1>
          %swap3A_519 = arith.index_cast %min3A_512 : i32 to index
          %swap3A_520 = tpu.vector_load %arg13[%swap3A_519] masked %and3A_348 {strides = array<i32>} : memref<96xf32, #tpu.memory_space<vmem>>, vector<16xf32>, vector<16xi1>
          tpu.vector_store %arg13[%swap3A_519], %sub3A_328 masked %and3A_348 {strides = array<i32>} : memref<96xf32, #tpu.memory_space<vmem>>, vector<16xf32>, vector<16xi1>
          %swap3A_521 = arith.index_cast %min3A_512 : i32 to index
          %swap3A_522 = tpu.vector_load %arg14[%swap3A_521] masked %and3A_348 {strides = array<i32>} : memref<96xf32, #tpu.memory_space<vmem>>, vector<16xf32>, vector<16xi1>
          tpu.vector_store %arg14[%swap3A_521], %sub3A_331 masked %and3A_348 {strides = array<i32>} : memref<96xf32, #tpu.memory_space<vmem>>, vector<16xf32>, vector<16xi1>
          %swap3A_523 = arith.index_cast %min3A_512 : i32 to index
          %swap3A_524 = tpu.vector_load %arg15[%swap3A_523] masked %and3A_348 {strides = array<i32>} : memref<96xf32, #tpu.memory_space<vmem>>, vector<16xf32>, vector<16xi1>
          tpu.vector_store %arg15[%swap3A_523], %sub3A_334 masked %and3A_348 {strides = array<i32>} : memref<96xf32, #tpu.memory_space<vmem>>, vector<16xf32>, vector<16xi1>
          %slice3A_525 = vector.extract_strided_slice %all_reduce_population_count3A_349 {offsets = [0], sizes = [1], strides = [1]} : vector<16xi32> to vector<1xi32>
          %squeeze3A_526 = vector.extract %slice3A_525[0] : i32 from vector<1xi32>
          %add3A_527 = arith.addi %add3A_510, %squeeze3A_526 : i32
          %min3A_528 = arith.constant 48 : i32
          %min3A_529 = arith.minsi %add3A_527, %min3A_528 : i32
          %add3A_530 = arith.constant 96 : i32
          %add3A_531 = arith.addi %mul3A_194, %add3A_530 : i32
          %add3A_532 = vector.broadcast %add3A_531 : i32 to vector<16xi32>
          %add3A_533 = arith.addi %add3A_532, %iota3A : vector<16xi32>
          %swap3A_534 = arith.index_cast %min3A_529 : i32 to index
          %swap3A_535 = tpu.vector_load %arg12[%swap3A_534] masked %and3A_374 {strides = array<i32>} : memref<96xi32, #tpu.memory_space<vmem>>, vector<16xi32>, vector<16xi1>
          tpu.vector_store %arg12[%swap3A_534], %add3A_533 masked %and3A_374 {strides = array<i32>} : memref<96xi32, #tpu.memory_space<vmem>>, vector<16xi32>, vector<16xi1>
          %swap3A_536 = arith.index_cast %min3A_529 : i32 to index
          %swap3A_537 = tpu.vector_load %arg13[%swap3A_536] masked %and3A_374 {strides = array<i32>} : memref<96xf32, #tpu.memory_space<vmem>>, vector<16xf32>, vector<16xi1>
          tpu.vector_store %arg13[%swap3A_536], %sub3A_354 masked %and3A_374 {strides = array<i32>} : memref<96xf32, #tpu.memory_space<vmem>>, vector<16xf32>, vector<16xi1>
          %swap3A_538 = arith.index_cast %min3A_529 : i32 to index
          %swap3A_539 = tpu.vector_load %arg14[%swap3A_538] masked %and3A_374 {strides = array<i32>} : memref<96xf32, #tpu.memory_space<vmem>>, vector<16xf32>, vector<16xi1>
          tpu.vector_store %arg14[%swap3A_538], %sub3A_357 masked %and3A_374 {strides = array<i32>} : memref<96xf32, #tpu.memory_space<vmem>>, vector<16xf32>, vector<16xi1>
          %swap3A_540 = arith.index_cast %min3A_529 : i32 to index
          %swap3A_541 = tpu.vector_load %arg15[%swap3A_540] masked %and3A_374 {strides = array<i32>} : memref<96xf32, #tpu.memory_space<vmem>>, vector<16xf32>, vector<16xi1>
          tpu.vector_store %arg15[%swap3A_540], %sub3A_360 masked %and3A_374 {strides = array<i32>} : memref<96xf32, #tpu.memory_space<vmem>>, vector<16xf32>, vector<16xi1>
          %slice3A_542 = vector.extract_strided_slice %all_reduce_population_count3A_375 {offsets = [0], sizes = [1], strides = [1]} : vector<16xi32> to vector<1xi32>
          %squeeze3A_543 = vector.extract %slice3A_542[0] : i32 from vector<1xi32>
          %add3A_544 = arith.addi %add3A_527, %squeeze3A_543 : i32
          %min3A_545 = arith.constant 48 : i32
          %min3A_546 = arith.minsi %add3A_544, %min3A_545 : i32
          %add3A_547 = arith.constant 112 : i32
          %add3A_548 = arith.addi %mul3A_194, %add3A_547 : i32
          %add3A_549 = vector.broadcast %add3A_548 : i32 to vector<16xi32>
          %add3A_550 = arith.addi %add3A_549, %iota3A : vector<16xi32>
          %swap3A_551 = arith.index_cast %min3A_546 : i32 to index
          %swap3A_552 = tpu.vector_load %arg12[%swap3A_551] masked %and3A_400 {strides = array<i32>} : memref<96xi32, #tpu.memory_space<vmem>>, vector<16xi32>, vector<16xi1>
          tpu.vector_store %arg12[%swap3A_551], %add3A_550 masked %and3A_400 {strides = array<i32>} : memref<96xi32, #tpu.memory_space<vmem>>, vector<16xi32>, vector<16xi1>
          %swap3A_553 = arith.index_cast %min3A_546 : i32 to index
          %swap3A_554 = tpu.vector_load %arg13[%swap3A_553] masked %and3A_400 {strides = array<i32>} : memref<96xf32, #tpu.memory_space<vmem>>, vector<16xf32>, vector<16xi1>
          tpu.vector_store %arg13[%swap3A_553], %sub3A_380 masked %and3A_400 {strides = array<i32>} : memref<96xf32, #tpu.memory_space<vmem>>, vector<16xf32>, vector<16xi1>
          %swap3A_555 = arith.index_cast %min3A_546 : i32 to index
          %swap3A_556 = tpu.vector_load %arg14[%swap3A_555] masked %and3A_400 {strides = array<i32>} : memref<96xf32, #tpu.memory_space<vmem>>, vector<16xf32>, vector<16xi1>
          tpu.vector_store %arg14[%swap3A_555], %sub3A_383 masked %and3A_400 {strides = array<i32>} : memref<96xf32, #tpu.memory_space<vmem>>, vector<16xf32>, vector<16xi1>
          %swap3A_557 = arith.index_cast %min3A_546 : i32 to index
          %swap3A_558 = tpu.vector_load %arg15[%swap3A_557] masked %and3A_400 {strides = array<i32>} : memref<96xf32, #tpu.memory_space<vmem>>, vector<16xf32>, vector<16xi1>
          tpu.vector_store %arg15[%swap3A_557], %sub3A_386 masked %and3A_400 {strides = array<i32>} : memref<96xf32, #tpu.memory_space<vmem>>, vector<16xf32>, vector<16xi1>
          %slice3A_559 = vector.extract_strided_slice %all_reduce_population_count3A_401 {offsets = [0], sizes = [1], strides = [1]} : vector<16xi32> to vector<1xi32>
          %squeeze3A_560 = vector.extract %slice3A_559[0] : i32 from vector<1xi32>
          %add3A_561 = arith.addi %add3A_544, %squeeze3A_560 : i32
        } else {
        }
        %add3A_426 = arith.addi %scan3A_192, %add3A_414 : vector<16xi32>
        scf.yield %add3A_426 : vector<16xi32>
      }
      %scan3A_130 = arith.constant 80 : i32
      %mul3A_131 = arith.constant 48 : i32
      %mul3A_132 = arith.muli %scan3A_9, %mul3A_131 : i32
      %add3A_133 = arith.constant 0 : i32
      %add3A_134 = arith.addi %mul3A_132, %add3A_133 : i32
      %get3A_135 = arith.constant 0 : index
      %get3A_136 = tpu.vector_load %arg12[%get3A_135] {strides = array<i32>} : memref<96xi32, #tpu.memory_space<vmem>>, vector<16xi32>,
      %swap3A_137 = arith.index_cast %add3A_134 : i32 to index
      %swap3A_138 = tpu.vector_load %arg16[%swap3A_137] {strides = array<i32>} : memref<15360xi32, #tpu.memory_space<vmem>>, vector<16xi32>,
      tpu.vector_store %arg16[%swap3A_137], %get3A_136 {strides = array<i32>} : memref<15360xi32, #tpu.memory_space<vmem>>, vector<16xi32>,
      %get3A_139 = arith.constant 0 : index
      %get3A_140 = tpu.vector_load %arg13[%get3A_139] {strides = array<i32>} : memref<96xf32, #tpu.memory_space<vmem>>, vector<16xf32>,
      %swap3A_141 = arith.index_cast %add3A_134 : i32 to index
      %swap3A_142 = tpu.vector_load %arg17[%swap3A_141] {strides = array<i32>} : memref<15360xf32, #tpu.memory_space<vmem>>, vector<16xf32>,
      tpu.vector_store %arg17[%swap3A_141], %get3A_140 {strides = array<i32>} : memref<15360xf32, #tpu.memory_space<vmem>>, vector<16xf32>,
      %get3A_143 = arith.constant 0 : index
      %get3A_144 = tpu.vector_load %arg14[%get3A_143] {strides = array<i32>} : memref<96xf32, #tpu.memory_space<vmem>>, vector<16xf32>,
      %swap3A_145 = arith.index_cast %add3A_134 : i32 to index
      %swap3A_146 = tpu.vector_load %arg18[%swap3A_145] {strides = array<i32>} : memref<15360xf32, #tpu.memory_space<vmem>>, vector<16xf32>,
      tpu.vector_store %arg18[%swap3A_145], %get3A_144 {strides = array<i32>} : memref<15360xf32, #tpu.memory_space<vmem>>, vector<16xf32>,
      %get3A_147 = arith.constant 0 : index
      %get3A_148 = tpu.vector_load %arg15[%get3A_147] {strides = array<i32>} : memref<96xf32, #tpu.memory_space<vmem>>, vector<16xf32>,
      %swap3A_149 = arith.index_cast %add3A_134 : i32 to index
      %swap3A_150 = tpu.vector_load %arg19[%swap3A_149] {strides = array<i32>} : memref<15360xf32, #tpu.memory_space<vmem>>, vector<16xf32>,
      tpu.vector_store %arg19[%swap3A_149], %get3A_148 {strides = array<i32>} : memref<15360xf32, #tpu.memory_space<vmem>>, vector<16xf32>,
      %mul3A_151 = arith.constant 48 : i32
      %mul3A_152 = arith.muli %scan3A_9, %mul3A_151 : i32
      %add3A_153 = arith.constant 16 : i32
      %add3A_154 = arith.addi %mul3A_152, %add3A_153 : i32
      %get3A_155 = arith.constant 16 : index
      %get3A_156 = tpu.vector_load %arg12[%get3A_155] {strides = array<i32>} : memref<96xi32, #tpu.memory_space<vmem>>, vector<16xi32>,
      %swap3A_157 = arith.index_cast %add3A_154 : i32 to index
      %swap3A_158 = tpu.vector_load %arg16[%swap3A_157] {strides = array<i32>} : memref<15360xi32, #tpu.memory_space<vmem>>, vector<16xi32>,
      tpu.vector_store %arg16[%swap3A_157], %get3A_156 {strides = array<i32>} : memref<15360xi32, #tpu.memory_space<vmem>>, vector<16xi32>,
      %get3A_159 = arith.constant 16 : index
      %get3A_160 = tpu.vector_load %arg13[%get3A_159] {strides = array<i32>} : memref<96xf32, #tpu.memory_space<vmem>>, vector<16xf32>,
      %swap3A_161 = arith.index_cast %add3A_154 : i32 to index
      %swap3A_162 = tpu.vector_load %arg17[%swap3A_161] {strides = array<i32>} : memref<15360xf32, #tpu.memory_space<vmem>>, vector<16xf32>,
      tpu.vector_store %arg17[%swap3A_161], %get3A_160 {strides = array<i32>} : memref<15360xf32, #tpu.memory_space<vmem>>, vector<16xf32>,
      %get3A_163 = arith.constant 16 : index
      %get3A_164 = tpu.vector_load %arg14[%get3A_163] {strides = array<i32>} : memref<96xf32, #tpu.memory_space<vmem>>, vector<16xf32>,
      %swap3A_165 = arith.index_cast %add3A_154 : i32 to index
      %swap3A_166 = tpu.vector_load %arg18[%swap3A_165] {strides = array<i32>} : memref<15360xf32, #tpu.memory_space<vmem>>, vector<16xf32>,
      tpu.vector_store %arg18[%swap3A_165], %get3A_164 {strides = array<i32>} : memref<15360xf32, #tpu.memory_space<vmem>>, vector<16xf32>,
      %get3A_167 = arith.constant 16 : index
      %get3A_168 = tpu.vector_load %arg15[%get3A_167] {strides = array<i32>} : memref<96xf32, #tpu.memory_space<vmem>>, vector<16xf32>,
      %swap3A_169 = arith.index_cast %add3A_154 : i32 to index
      %swap3A_170 = tpu.vector_load %arg19[%swap3A_169] {strides = array<i32>} : memref<15360xf32, #tpu.memory_space<vmem>>, vector<16xf32>,
      tpu.vector_store %arg19[%swap3A_169], %get3A_168 {strides = array<i32>} : memref<15360xf32, #tpu.memory_space<vmem>>, vector<16xf32>,
      %mul3A_171 = arith.constant 48 : i32
      %mul3A_172 = arith.muli %scan3A_9, %mul3A_171 : i32
      %add3A_173 = arith.constant 32 : i32
      %add3A_174 = arith.addi %mul3A_172, %add3A_173 : i32
      %get3A_175 = arith.constant 32 : index
      %get3A_176 = tpu.vector_load %arg12[%get3A_175] {strides = array<i32>} : memref<96xi32, #tpu.memory_space<vmem>>, vector<16xi32>,
      %swap3A_177 = arith.index_cast %add3A_174 : i32 to index
      %swap3A_178 = tpu.vector_load %arg16[%swap3A_177] {strides = array<i32>} : memref<15360xi32, #tpu.memory_space<vmem>>, vector<16xi32>,
      tpu.vector_store %arg16[%swap3A_177], %get3A_176 {strides = array<i32>} : memref<15360xi32, #tpu.memory_space<vmem>>, vector<16xi32>,
      %get3A_179 = arith.constant 32 : index
      %get3A_180 = tpu.vector_load %arg13[%get3A_179] {strides = array<i32>} : memref<96xf32, #tpu.memory_space<vmem>>, vector<16xf32>,
      %swap3A_181 = arith.index_cast %add3A_174 : i32 to index
      %swap3A_182 = tpu.vector_load %arg17[%swap3A_181] {strides = array<i32>} : memref<15360xf32, #tpu.memory_space<vmem>>, vector<16xf32>,
      tpu.vector_store %arg17[%swap3A_181], %get3A_180 {strides = array<i32>} : memref<15360xf32, #tpu.memory_space<vmem>>, vector<16xf32>,
      %get3A_183 = arith.constant 32 : index
      %get3A_184 = tpu.vector_load %arg14[%get3A_183] {strides = array<i32>} : memref<96xf32, #tpu.memory_space<vmem>>, vector<16xf32>,
      %swap3A_185 = arith.index_cast %add3A_174 : i32 to index
      %swap3A_186 = tpu.vector_load %arg18[%swap3A_185] {strides = array<i32>} : memref<15360xf32, #tpu.memory_space<vmem>>, vector<16xf32>,
      tpu.vector_store %arg18[%swap3A_185], %get3A_184 {strides = array<i32>} : memref<15360xf32, #tpu.memory_space<vmem>>, vector<16xf32>,
      %get3A_187 = arith.constant 32 : index
      %get3A_188 = tpu.vector_load %arg15[%get3A_187] {strides = array<i32>} : memref<96xf32, #tpu.memory_space<vmem>>, vector<16xf32>,
      %swap3A_189 = arith.index_cast %add3A_174 : i32 to index
      %swap3A_190 = tpu.vector_load %arg19[%swap3A_189] {strides = array<i32>} : memref<15360xf32, #tpu.memory_space<vmem>>, vector<16xf32>,
      tpu.vector_store %arg19[%swap3A_189], %get3A_188 {strides = array<i32>} : memref<15360xf32, #tpu.memory_space<vmem>>, vector<16xf32>,
    }
    %scan3A_6 = arith.constant 320 : i32
    %mul3A_7 = arith.constant 15360 : i32
    %mul3A_8 = arith.muli %add3A, %mul3A_7 : i32
    "tpu.region"() ({
      %run_scoped3A = tpu.sem_alloc : memref<!tpu.dma_semaphore, #tpu.memory_space<semaphore_mem>>
      %dma_start3A = tpu.memref_slice %arg5[%mul3A_8] : memref<491520xi32, #tpu.memory_space<hbm>> -> memref<15360xi32, #tpu.memory_space<hbm>>
      %dma_start3A_9 = tpu.memref_slice %arg5[%mul3A_8] : memref<491520xi32, #tpu.memory_space<hbm>> -> memref<15360xi32, #tpu.memory_space<hbm>>
      tpu.enqueue_dma source(%arg16 : memref<15360xi32, #tpu.memory_space<vmem>>) target(%dma_start3A_9 : memref<15360xi32, #tpu.memory_space<hbm>>) target_semaphore(%run_scoped3A : memref<!tpu.dma_semaphore, #tpu.memory_space<semaphore_mem>>)
      %dma_wait3A = tpu.memref_slice %arg5[%mul3A_8] : memref<491520xi32, #tpu.memory_space<hbm>> -> memref<15360xi32, #tpu.memory_space<hbm>>
      %dma_wait3A_10 = tpu.memref_slice %arg5[%mul3A_8] : memref<491520xi32, #tpu.memory_space<hbm>> -> memref<15360xi32, #tpu.memory_space<hbm>>
      tpu.wait_dma2 semaphore(%run_scoped3A : memref<!tpu.dma_semaphore, #tpu.memory_space<semaphore_mem>>) src(%arg16 : memref<15360xi32, #tpu.memory_space<vmem>>) dst(%dma_wait3A_10 : memref<15360xi32, #tpu.memory_space<hbm>>)
      tpu.yield
    }) : () -> ()
    "tpu.region"() ({
      %run_scoped3A = tpu.sem_alloc : memref<!tpu.dma_semaphore, #tpu.memory_space<semaphore_mem>>
      %dma_start3A = tpu.memref_slice %arg6[%mul3A_8] : memref<491520xf32, #tpu.memory_space<hbm>> -> memref<15360xf32, #tpu.memory_space<hbm>>
      %dma_start3A_9 = tpu.memref_slice %arg6[%mul3A_8] : memref<491520xf32, #tpu.memory_space<hbm>> -> memref<15360xf32, #tpu.memory_space<hbm>>
      tpu.enqueue_dma source(%arg17 : memref<15360xf32, #tpu.memory_space<vmem>>) target(%dma_start3A_9 : memref<15360xf32, #tpu.memory_space<hbm>>) target_semaphore(%run_scoped3A : memref<!tpu.dma_semaphore, #tpu.memory_space<semaphore_mem>>)
      %dma_wait3A = tpu.memref_slice %arg6[%mul3A_8] : memref<491520xf32, #tpu.memory_space<hbm>> -> memref<15360xf32, #tpu.memory_space<hbm>>
      %dma_wait3A_10 = tpu.memref_slice %arg6[%mul3A_8] : memref<491520xf32, #tpu.memory_space<hbm>> -> memref<15360xf32, #tpu.memory_space<hbm>>
      tpu.wait_dma2 semaphore(%run_scoped3A : memref<!tpu.dma_semaphore, #tpu.memory_space<semaphore_mem>>) src(%arg17 : memref<15360xf32, #tpu.memory_space<vmem>>) dst(%dma_wait3A_10 : memref<15360xf32, #tpu.memory_space<hbm>>)
      tpu.yield
    }) : () -> ()
    "tpu.region"() ({
      %run_scoped3A = tpu.sem_alloc : memref<!tpu.dma_semaphore, #tpu.memory_space<semaphore_mem>>
      %dma_start3A = tpu.memref_slice %arg7[%mul3A_8] : memref<491520xf32, #tpu.memory_space<hbm>> -> memref<15360xf32, #tpu.memory_space<hbm>>
      %dma_start3A_9 = tpu.memref_slice %arg7[%mul3A_8] : memref<491520xf32, #tpu.memory_space<hbm>> -> memref<15360xf32, #tpu.memory_space<hbm>>
      tpu.enqueue_dma source(%arg18 : memref<15360xf32, #tpu.memory_space<vmem>>) target(%dma_start3A_9 : memref<15360xf32, #tpu.memory_space<hbm>>) target_semaphore(%run_scoped3A : memref<!tpu.dma_semaphore, #tpu.memory_space<semaphore_mem>>)
      %dma_wait3A = tpu.memref_slice %arg7[%mul3A_8] : memref<491520xf32, #tpu.memory_space<hbm>> -> memref<15360xf32, #tpu.memory_space<hbm>>
      %dma_wait3A_10 = tpu.memref_slice %arg7[%mul3A_8] : memref<491520xf32, #tpu.memory_space<hbm>> -> memref<15360xf32, #tpu.memory_space<hbm>>
      tpu.wait_dma2 semaphore(%run_scoped3A : memref<!tpu.dma_semaphore, #tpu.memory_space<semaphore_mem>>) src(%arg18 : memref<15360xf32, #tpu.memory_space<vmem>>) dst(%dma_wait3A_10 : memref<15360xf32, #tpu.memory_space<hbm>>)
      tpu.yield
    }) : () -> ()
    "tpu.region"() ({
      %run_scoped3A = tpu.sem_alloc : memref<!tpu.dma_semaphore, #tpu.memory_space<semaphore_mem>>
      %dma_start3A = tpu.memref_slice %arg8[%mul3A_8] : memref<491520xf32, #tpu.memory_space<hbm>> -> memref<15360xf32, #tpu.memory_space<hbm>>
      %dma_start3A_9 = tpu.memref_slice %arg8[%mul3A_8] : memref<491520xf32, #tpu.memory_space<hbm>> -> memref<15360xf32, #tpu.memory_space<hbm>>
      tpu.enqueue_dma source(%arg19 : memref<15360xf32, #tpu.memory_space<vmem>>) target(%dma_start3A_9 : memref<15360xf32, #tpu.memory_space<hbm>>) target_semaphore(%run_scoped3A : memref<!tpu.dma_semaphore, #tpu.memory_space<semaphore_mem>>)
      %dma_wait3A = tpu.memref_slice %arg8[%mul3A_8] : memref<491520xf32, #tpu.memory_space<hbm>> -> memref<15360xf32, #tpu.memory_space<hbm>>
      %dma_wait3A_10 = tpu.memref_slice %arg8[%mul3A_8] : memref<491520xf32, #tpu.memory_space<hbm>> -> memref<15360xf32, #tpu.memory_space<hbm>>
      tpu.wait_dma2 semaphore(%run_scoped3A : memref<!tpu.dma_semaphore, #tpu.memory_space<semaphore_mem>>) src(%arg19 : memref<15360xf32, #tpu.memory_space<vmem>>) dst(%dma_wait3A_10 : memref<15360xf32, #tpu.memory_space<hbm>>)
      tpu.yield
    }) : () -> ()
    return
  }
}

#map = affine_map<(d0, d1) -> (0, 0)>
#map1 = affine_map<(d0, d1) -> (0)>
module attributes {stable_mosaic.version = 14 : i64} {
  func.func @_gather_kernel(%arg0: i32, %arg1: i32, %arg2: memref<10240x144xf32, #tpu.memory_space<hbm>>, %arg3: memref<491520xi32, #tpu.memory_space<hbm>>, %arg4: memref<491520x144xf32, #tpu.memory_space<hbm>>, %arg5: memref<512xi32, #tpu.memory_space<vmem>>, %arg6: memref<512xi32, #tpu.memory_space<vmem>>, %arg7: memref<128x144xf32, #tpu.memory_space<vmem>>, %arg8: memref<128x144xf32, #tpu.memory_space<vmem>>, %arg9: memref<128x144xf32, #tpu.memory_space<vmem>>, %arg10: memref<128x144xf32, #tpu.memory_space<vmem>>, %arg11: memref<!tpu.dma_semaphore, #tpu.memory_space<semaphore_mem>>, %arg12: memref<!tpu.dma_semaphore, #tpu.memory_space<semaphore_mem>>, %arg13: memref<!tpu.dma_semaphore, #tpu.memory_space<semaphore_mem>>, %arg14: memref<!tpu.dma_semaphore, #tpu.memory_space<semaphore_mem>>, %arg15: memref<!tpu.dma_semaphore, #tpu.memory_space<semaphore_mem>>, %arg16: memref<!tpu.dma_semaphore, #tpu.memory_space<semaphore_mem>>, %arg17: memref<!tpu.dma_semaphore, #tpu.memory_space<semaphore_mem>>, %arg18: memref<!tpu.dma_semaphore, #tpu.memory_space<semaphore_mem>>) attributes {dimension_semantics = [#tpu.dimension_semantics<core_parallel>, #tpu.dimension_semantics<subcore_parallel>], iteration_bounds = array<i64: 2, 16>, scalar_prefetch = 0 : i64, scratch_operands = 14 : i64, tpu.core_type = #tpu.core_type<sc_vector_subcore>, window_params = [{transform_indices = #map}, {transform_indices = #map1}, {transform_indices = #map}]} {
    %mul3A = arith.constant 2 : i32
    %mul3A_0 = arith.muli %arg1, %mul3A : i32
    %add3A = arith.addi %mul3A_0, %arg0 : i32
    %mul3A_1 = arith.constant 15360 : i32
    %mul3A_2 = arith.muli %add3A, %mul3A_1 : i32
    %add3A_3 = arith.constant 0 : i32
    %add3A_4 = arith.addi %mul3A_2, %add3A_3 : i32
    "tpu.region"() ({
      %run_scoped3A = tpu.sem_alloc : memref<!tpu.dma_semaphore, #tpu.memory_space<semaphore_mem>>
      %dma_start3A_44 = tpu.memref_slice %arg3[%add3A_4] : memref<491520xi32, #tpu.memory_space<hbm>> -> memref<512xi32, #tpu.memory_space<hbm>>
      %dma_start3A_45 = tpu.memref_slice %arg3[%add3A_4] : memref<491520xi32, #tpu.memory_space<hbm>> -> memref<512xi32, #tpu.memory_space<hbm>>
      tpu.enqueue_dma source(%dma_start3A_45 : memref<512xi32, #tpu.memory_space<hbm>>) target(%arg5 : memref<512xi32, #tpu.memory_space<vmem>>) target_semaphore(%run_scoped3A : memref<!tpu.dma_semaphore, #tpu.memory_space<semaphore_mem>>)
      %dma_wait3A_46 = tpu.memref_slice %arg3[%add3A_4] : memref<491520xi32, #tpu.memory_space<hbm>> -> memref<512xi32, #tpu.memory_space<hbm>>
      %dma_wait3A_47 = tpu.memref_slice %arg3[%add3A_4] : memref<491520xi32, #tpu.memory_space<hbm>> -> memref<512xi32, #tpu.memory_space<hbm>>
      tpu.wait_dma2 semaphore(%run_scoped3A : memref<!tpu.dma_semaphore, #tpu.memory_space<semaphore_mem>>) src(%dma_wait3A_47 : memref<512xi32, #tpu.memory_space<hbm>>) dst(%arg5 : memref<512xi32, #tpu.memory_space<vmem>>)
      tpu.yield
    }) : () -> ()
    %scan3A = arith.constant 0 : i32
    %scan3A_5 = arith.constant 0 : i32
    %scan3A_6 = arith.constant 15 : i32
    %scan3A_7 = arith.addi %scan3A_5, %scan3A_6 : i32
    %scan3A_8 = arith.constant 1 : i32
    scf.for %scan3A_44 = %scan3A_5 to %scan3A_7 step %scan3A_8  : i32 {
      %mul3A_45 = arith.constant 8 : i32
      %mul3A_46 = arith.muli %scan3A_44, %mul3A_45 : i32
      %add3A_47 = arith.constant 0 : i32
      %add3A_48 = arith.addi %mul3A_46, %add3A_47 : i32
      %ge3A = arith.constant 1 : i32
      %ge3A_49 = arith.cmpi sge, %scan3A_44, %ge3A : i32
      %convert_element_type3A = arith.extui %ge3A_49 : i1 to i32
      %cond3A = arith.constant 0 : i32
      %cond3A_50 = arith.cmpi ne, %convert_element_type3A, %cond3A : i32
      scf.if %cond3A_50 {
        %dma_wait3A_262 = arith.constant 0 : i32
        %dma_wait3A_263 = arith.constant 0 : i32
        %dma_wait3A_264 = tpu.memref_slice %arg4[%dma_wait3A_262, %dma_wait3A_263] : memref<491520x144xf32, #tpu.memory_space<hbm>> -> memref<128x144xf32, #tpu.memory_space<hbm>>
        %dma_wait3A_265 = arith.constant 0 : i32
        %dma_wait3A_266 = arith.constant 0 : i32
        %dma_wait3A_267 = tpu.memref_slice %arg4[%dma_wait3A_265, %dma_wait3A_266] : memref<491520x144xf32, #tpu.memory_space<hbm>> -> memref<128x144xf32, #tpu.memory_space<hbm>>
        tpu.wait_dma2 semaphore(%arg15 : memref<!tpu.dma_semaphore, #tpu.memory_space<semaphore_mem>>) src(%arg7 : memref<128x144xf32, #tpu.memory_space<vmem>>) dst(%dma_wait3A_267 : memref<128x144xf32, #tpu.memory_space<hbm>>)
      } else {
      }
      %dma_start3A_51 = arith.constant 0 : i32
      %dma_start3A_52 = tpu.memref_slice %arg5[%dma_start3A_51] : memref<512xi32, #tpu.memory_space<vmem>> -> memref<128xi32, #tpu.memory_space<vmem>>
      %dma_start3A_53 = arith.constant 0 : i32
      %dma_start3A_54 = arith.constant 0 : i32
      %dma_start3A_55 = tpu.memref_slice %arg2[%dma_start3A_53, %dma_start3A_54] : memref<10240x144xf32, #tpu.memory_space<hbm>> -> memref<10240x144xf32, #tpu.memory_space<hbm>>
      tpu.enqueue_indirect_dma source(%dma_start3A_55 : memref<10240x144xf32, #tpu.memory_space<hbm>>) target(%arg7 : memref<128x144xf32, #tpu.memory_space<vmem>>) offsets(%dma_start3A_52 : memref<128xi32, #tpu.memory_space<vmem>>) semaphore(%arg11 : memref<!tpu.dma_semaphore, #tpu.memory_space<semaphore_mem>>)
      %ge3A_56 = arith.constant 1 : i32
      %ge3A_57 = arith.cmpi sge, %scan3A_44, %ge3A_56 : i32
      %convert_element_type3A_58 = arith.extui %ge3A_57 : i1 to i32
      %cond3A_59 = arith.constant 0 : i32
      %cond3A_60 = arith.cmpi ne, %convert_element_type3A_58, %cond3A_59 : i32
      scf.if %cond3A_60 {
        %dma_wait3A_262 = arith.constant 0 : i32
        %dma_wait3A_263 = arith.constant 0 : i32
        %dma_wait3A_264 = tpu.memref_slice %arg4[%dma_wait3A_262, %dma_wait3A_263] : memref<491520x144xf32, #tpu.memory_space<hbm>> -> memref<128x144xf32, #tpu.memory_space<hbm>>
        %dma_wait3A_265 = arith.constant 0 : i32
        %dma_wait3A_266 = arith.constant 0 : i32
        %dma_wait3A_267 = tpu.memref_slice %arg4[%dma_wait3A_265, %dma_wait3A_266] : memref<491520x144xf32, #tpu.memory_space<hbm>> -> memref<128x144xf32, #tpu.memory_space<hbm>>
        tpu.wait_dma2 semaphore(%arg14 : memref<!tpu.dma_semaphore, #tpu.memory_space<semaphore_mem>>) src(%dma_wait3A_267 : memref<128x144xf32, #tpu.memory_space<hbm>>) dst(%arg10 : memref<128x144xf32, #tpu.memory_space<vmem>>)
        %sub3A_268 = arith.constant 1 : i32
        %sub3A_269 = arith.subi %add3A_48, %sub3A_268 : i32
        %mul3A_270 = arith.constant 128 : i32
        %mul3A_271 = arith.muli %sub3A_269, %mul3A_270 : i32
        %add3A_272 = arith.addi %mul3A_2, %mul3A_271 : i32
        %dma_start3A_273 = arith.constant 0 : i32
        %dma_start3A_274 = tpu.memref_slice %arg4[%add3A_272, %dma_start3A_273] : memref<491520x144xf32, #tpu.memory_space<hbm>> -> memref<128x144xf32, #tpu.memory_space<hbm>>
        %dma_start3A_275 = arith.constant 0 : i32
        %dma_start3A_276 = tpu.memref_slice %arg4[%add3A_272, %dma_start3A_275] : memref<491520x144xf32, #tpu.memory_space<hbm>> -> memref<128x144xf32, #tpu.memory_space<hbm>>
        tpu.enqueue_dma source(%arg10 : memref<128x144xf32, #tpu.memory_space<vmem>>) target(%dma_start3A_276 : memref<128x144xf32, #tpu.memory_space<hbm>>) target_semaphore(%arg18 : memref<!tpu.dma_semaphore, #tpu.memory_space<semaphore_mem>>)
      } else {
      }
      %add3A_61 = arith.constant 1 : i32
      %add3A_62 = arith.addi %mul3A_46, %add3A_61 : i32
      %ge3A_63 = arith.constant 1 : i32
      %ge3A_64 = arith.cmpi sge, %scan3A_44, %ge3A_63 : i32
      %convert_element_type3A_65 = arith.extui %ge3A_64 : i1 to i32
      %cond3A_66 = arith.constant 0 : i32
      %cond3A_67 = arith.cmpi ne, %convert_element_type3A_65, %cond3A_66 : i32
      scf.if %cond3A_67 {
        %dma_wait3A_262 = arith.constant 0 : i32
        %dma_wait3A_263 = arith.constant 0 : i32
        %dma_wait3A_264 = tpu.memref_slice %arg4[%dma_wait3A_262, %dma_wait3A_263] : memref<491520x144xf32, #tpu.memory_space<hbm>> -> memref<128x144xf32, #tpu.memory_space<hbm>>
        %dma_wait3A_265 = arith.constant 0 : i32
        %dma_wait3A_266 = arith.constant 0 : i32
        %dma_wait3A_267 = tpu.memref_slice %arg4[%dma_wait3A_265, %dma_wait3A_266] : memref<491520x144xf32, #tpu.memory_space<hbm>> -> memref<128x144xf32, #tpu.memory_space<hbm>>
        tpu.wait_dma2 semaphore(%arg16 : memref<!tpu.dma_semaphore, #tpu.memory_space<semaphore_mem>>) src(%arg8 : memref<128x144xf32, #tpu.memory_space<vmem>>) dst(%dma_wait3A_267 : memref<128x144xf32, #tpu.memory_space<hbm>>)
      } else {
      }
      %dma_start3A_68 = arith.constant 128 : i32
      %dma_start3A_69 = tpu.memref_slice %arg5[%dma_start3A_68] : memref<512xi32, #tpu.memory_space<vmem>> -> memref<128xi32, #tpu.memory_space<vmem>>
      %dma_start3A_70 = arith.constant 0 : i32
      %dma_start3A_71 = arith.constant 0 : i32
      %dma_start3A_72 = tpu.memref_slice %arg2[%dma_start3A_70, %dma_start3A_71] : memref<10240x144xf32, #tpu.memory_space<hbm>> -> memref<10240x144xf32, #tpu.memory_space<hbm>>
      tpu.enqueue_indirect_dma source(%dma_start3A_72 : memref<10240x144xf32, #tpu.memory_space<hbm>>) target(%arg8 : memref<128x144xf32, #tpu.memory_space<vmem>>) offsets(%dma_start3A_69 : memref<128xi32, #tpu.memory_space<vmem>>) semaphore(%arg12 : memref<!tpu.dma_semaphore, #tpu.memory_space<semaphore_mem>>)
      %dma_wait3A_73 = arith.constant 0 : i32
      %dma_wait3A_74 = arith.constant 0 : i32
      %dma_wait3A_75 = tpu.memref_slice %arg4[%dma_wait3A_73, %dma_wait3A_74] : memref<491520x144xf32, #tpu.memory_space<hbm>> -> memref<128x144xf32, #tpu.memory_space<hbm>>
      %dma_wait3A_76 = arith.constant 0 : i32
      %dma_wait3A_77 = arith.constant 0 : i32
      %dma_wait3A_78 = tpu.memref_slice %arg4[%dma_wait3A_76, %dma_wait3A_77] : memref<491520x144xf32, #tpu.memory_space<hbm>> -> memref<128x144xf32, #tpu.memory_space<hbm>>
      tpu.wait_dma2 semaphore(%arg11 : memref<!tpu.dma_semaphore, #tpu.memory_space<semaphore_mem>>) src(%dma_wait3A_78 : memref<128x144xf32, #tpu.memory_space<hbm>>) dst(%arg7 : memref<128x144xf32, #tpu.memory_space<vmem>>)
      %sub3A = arith.constant 1 : i32
      %sub3A_79 = arith.subi %add3A_62, %sub3A : i32
      %mul3A_80 = arith.constant 128 : i32
      %mul3A_81 = arith.muli %sub3A_79, %mul3A_80 : i32
      %add3A_82 = arith.addi %mul3A_2, %mul3A_81 : i32
      %dma_start3A_83 = arith.constant 0 : i32
      %dma_start3A_84 = tpu.memref_slice %arg4[%add3A_82, %dma_start3A_83] : memref<491520x144xf32, #tpu.memory_space<hbm>> -> memref<128x144xf32, #tpu.memory_space<hbm>>
      %dma_start3A_85 = arith.constant 0 : i32
      %dma_start3A_86 = tpu.memref_slice %arg4[%add3A_82, %dma_start3A_85] : memref<491520x144xf32, #tpu.memory_space<hbm>> -> memref<128x144xf32, #tpu.memory_space<hbm>>
      tpu.enqueue_dma source(%arg7 : memref<128x144xf32, #tpu.memory_space<vmem>>) target(%dma_start3A_86 : memref<128x144xf32, #tpu.memory_space<hbm>>) target_semaphore(%arg15 : memref<!tpu.dma_semaphore, #tpu.memory_space<semaphore_mem>>)
      %add3A_87 = arith.constant 2 : i32
      %add3A_88 = arith.addi %mul3A_46, %add3A_87 : i32
      %ge3A_89 = arith.constant 1 : i32
      %ge3A_90 = arith.cmpi sge, %scan3A_44, %ge3A_89 : i32
      %convert_element_type3A_91 = arith.extui %ge3A_90 : i1 to i32
      %cond3A_92 = arith.constant 0 : i32
      %cond3A_93 = arith.cmpi ne, %convert_element_type3A_91, %cond3A_92 : i32
      scf.if %cond3A_93 {
        %dma_wait3A_262 = arith.constant 0 : i32
        %dma_wait3A_263 = arith.constant 0 : i32
        %dma_wait3A_264 = tpu.memref_slice %arg4[%dma_wait3A_262, %dma_wait3A_263] : memref<491520x144xf32, #tpu.memory_space<hbm>> -> memref<128x144xf32, #tpu.memory_space<hbm>>
        %dma_wait3A_265 = arith.constant 0 : i32
        %dma_wait3A_266 = arith.constant 0 : i32
        %dma_wait3A_267 = tpu.memref_slice %arg4[%dma_wait3A_265, %dma_wait3A_266] : memref<491520x144xf32, #tpu.memory_space<hbm>> -> memref<128x144xf32, #tpu.memory_space<hbm>>
        tpu.wait_dma2 semaphore(%arg17 : memref<!tpu.dma_semaphore, #tpu.memory_space<semaphore_mem>>) src(%arg9 : memref<128x144xf32, #tpu.memory_space<vmem>>) dst(%dma_wait3A_267 : memref<128x144xf32, #tpu.memory_space<hbm>>)
      } else {
      }
      %dma_start3A_94 = arith.constant 256 : i32
      %dma_start3A_95 = tpu.memref_slice %arg5[%dma_start3A_94] : memref<512xi32, #tpu.memory_space<vmem>> -> memref<128xi32, #tpu.memory_space<vmem>>
      %dma_start3A_96 = arith.constant 0 : i32
      %dma_start3A_97 = arith.constant 0 : i32
      %dma_start3A_98 = tpu.memref_slice %arg2[%dma_start3A_96, %dma_start3A_97] : memref<10240x144xf32, #tpu.memory_space<hbm>> -> memref<10240x144xf32, #tpu.memory_space<hbm>>
      tpu.enqueue_indirect_dma source(%dma_start3A_98 : memref<10240x144xf32, #tpu.memory_space<hbm>>) target(%arg9 : memref<128x144xf32, #tpu.memory_space<vmem>>) offsets(%dma_start3A_95 : memref<128xi32, #tpu.memory_space<vmem>>) semaphore(%arg13 : memref<!tpu.dma_semaphore, #tpu.memory_space<semaphore_mem>>)
      %dma_wait3A_99 = arith.constant 0 : i32
      %dma_wait3A_100 = arith.constant 0 : i32
      %dma_wait3A_101 = tpu.memref_slice %arg4[%dma_wait3A_99, %dma_wait3A_100] : memref<491520x144xf32, #tpu.memory_space<hbm>> -> memref<128x144xf32, #tpu.memory_space<hbm>>
      %dma_wait3A_102 = arith.constant 0 : i32
      %dma_wait3A_103 = arith.constant 0 : i32
      %dma_wait3A_104 = tpu.memref_slice %arg4[%dma_wait3A_102, %dma_wait3A_103] : memref<491520x144xf32, #tpu.memory_space<hbm>> -> memref<128x144xf32, #tpu.memory_space<hbm>>
      tpu.wait_dma2 semaphore(%arg12 : memref<!tpu.dma_semaphore, #tpu.memory_space<semaphore_mem>>) src(%dma_wait3A_104 : memref<128x144xf32, #tpu.memory_space<hbm>>) dst(%arg8 : memref<128x144xf32, #tpu.memory_space<vmem>>)
      %sub3A_105 = arith.constant 1 : i32
      %sub3A_106 = arith.subi %add3A_88, %sub3A_105 : i32
      %mul3A_107 = arith.constant 128 : i32
      %mul3A_108 = arith.muli %sub3A_106, %mul3A_107 : i32
      %add3A_109 = arith.addi %mul3A_2, %mul3A_108 : i32
      %dma_start3A_110 = arith.constant 0 : i32
      %dma_start3A_111 = tpu.memref_slice %arg4[%add3A_109, %dma_start3A_110] : memref<491520x144xf32, #tpu.memory_space<hbm>> -> memref<128x144xf32, #tpu.memory_space<hbm>>
      %dma_start3A_112 = arith.constant 0 : i32
      %dma_start3A_113 = tpu.memref_slice %arg4[%add3A_109, %dma_start3A_112] : memref<491520x144xf32, #tpu.memory_space<hbm>> -> memref<128x144xf32, #tpu.memory_space<hbm>>
      tpu.enqueue_dma source(%arg8 : memref<128x144xf32, #tpu.memory_space<vmem>>) target(%dma_start3A_113 : memref<128x144xf32, #tpu.memory_space<hbm>>) target_semaphore(%arg16 : memref<!tpu.dma_semaphore, #tpu.memory_space<semaphore_mem>>)
      %add3A_114 = arith.constant 3 : i32
      %add3A_115 = arith.addi %mul3A_46, %add3A_114 : i32
      %ge3A_116 = arith.constant 1 : i32
      %ge3A_117 = arith.cmpi sge, %scan3A_44, %ge3A_116 : i32
      %convert_element_type3A_118 = arith.extui %ge3A_117 : i1 to i32
      %cond3A_119 = arith.constant 0 : i32
      %cond3A_120 = arith.cmpi ne, %convert_element_type3A_118, %cond3A_119 : i32
      scf.if %cond3A_120 {
        %dma_wait3A_262 = arith.constant 0 : i32
        %dma_wait3A_263 = arith.constant 0 : i32
        %dma_wait3A_264 = tpu.memref_slice %arg4[%dma_wait3A_262, %dma_wait3A_263] : memref<491520x144xf32, #tpu.memory_space<hbm>> -> memref<128x144xf32, #tpu.memory_space<hbm>>
        %dma_wait3A_265 = arith.constant 0 : i32
        %dma_wait3A_266 = arith.constant 0 : i32
        %dma_wait3A_267 = tpu.memref_slice %arg4[%dma_wait3A_265, %dma_wait3A_266] : memref<491520x144xf32, #tpu.memory_space<hbm>> -> memref<128x144xf32, #tpu.memory_space<hbm>>
        tpu.wait_dma2 semaphore(%arg18 : memref<!tpu.dma_semaphore, #tpu.memory_space<semaphore_mem>>) src(%arg10 : memref<128x144xf32, #tpu.memory_space<vmem>>) dst(%dma_wait3A_267 : memref<128x144xf32, #tpu.memory_space<hbm>>)
      } else {
      }
      %add3A_121 = arith.constant 4 : i32
      %add3A_122 = arith.addi %mul3A_46, %add3A_121 : i32
      %mul3A_123 = arith.constant 128 : i32
      %mul3A_124 = arith.muli %add3A_122, %mul3A_123 : i32
      %add3A_125 = arith.addi %mul3A_2, %mul3A_124 : i32
      "tpu.region"() ({
        %run_scoped3A = tpu.sem_alloc : memref<!tpu.dma_semaphore, #tpu.memory_space<semaphore_mem>>
        %dma_start3A_262 = tpu.memref_slice %arg3[%add3A_125] : memref<491520xi32, #tpu.memory_space<hbm>> -> memref<512xi32, #tpu.memory_space<hbm>>
        %dma_start3A_263 = tpu.memref_slice %arg3[%add3A_125] : memref<491520xi32, #tpu.memory_space<hbm>> -> memref<512xi32, #tpu.memory_space<hbm>>
        tpu.enqueue_dma source(%dma_start3A_263 : memref<512xi32, #tpu.memory_space<hbm>>) target(%arg6 : memref<512xi32, #tpu.memory_space<vmem>>) target_semaphore(%run_scoped3A : memref<!tpu.dma_semaphore, #tpu.memory_space<semaphore_mem>>)
        %dma_wait3A_264 = tpu.memref_slice %arg3[%add3A_125] : memref<491520xi32, #tpu.memory_space<hbm>> -> memref<512xi32, #tpu.memory_space<hbm>>
        %dma_wait3A_265 = tpu.memref_slice %arg3[%add3A_125] : memref<491520xi32, #tpu.memory_space<hbm>> -> memref<512xi32, #tpu.memory_space<hbm>>
        tpu.wait_dma2 semaphore(%run_scoped3A : memref<!tpu.dma_semaphore, #tpu.memory_space<semaphore_mem>>) src(%dma_wait3A_265 : memref<512xi32, #tpu.memory_space<hbm>>) dst(%arg6 : memref<512xi32, #tpu.memory_space<vmem>>)
        tpu.yield
      }) : () -> ()
      %dma_start3A_126 = arith.constant 384 : i32
      %dma_start3A_127 = tpu.memref_slice %arg5[%dma_start3A_126] : memref<512xi32, #tpu.memory_space<vmem>> -> memref<128xi32, #tpu.memory_space<vmem>>
      %dma_start3A_128 = arith.constant 0 : i32
      %dma_start3A_129 = arith.constant 0 : i32
      %dma_start3A_130 = tpu.memref_slice %arg2[%dma_start3A_128, %dma_start3A_129] : memref<10240x144xf32, #tpu.memory_space<hbm>> -> memref<10240x144xf32, #tpu.memory_space<hbm>>
      tpu.enqueue_indirect_dma source(%dma_start3A_130 : memref<10240x144xf32, #tpu.memory_space<hbm>>) target(%arg10 : memref<128x144xf32, #tpu.memory_space<vmem>>) offsets(%dma_start3A_127 : memref<128xi32, #tpu.memory_space<vmem>>) semaphore(%arg14 : memref<!tpu.dma_semaphore, #tpu.memory_space<semaphore_mem>>)
      %dma_wait3A_131 = arith.constant 0 : i32
      %dma_wait3A_132 = arith.constant 0 : i32
      %dma_wait3A_133 = tpu.memref_slice %arg4[%dma_wait3A_131, %dma_wait3A_132] : memref<491520x144xf32, #tpu.memory_space<hbm>> -> memref<128x144xf32, #tpu.memory_space<hbm>>
      %dma_wait3A_134 = arith.constant 0 : i32
      %dma_wait3A_135 = arith.constant 0 : i32
      %dma_wait3A_136 = tpu.memref_slice %arg4[%dma_wait3A_134, %dma_wait3A_135] : memref<491520x144xf32, #tpu.memory_space<hbm>> -> memref<128x144xf32, #tpu.memory_space<hbm>>
      tpu.wait_dma2 semaphore(%arg13 : memref<!tpu.dma_semaphore, #tpu.memory_space<semaphore_mem>>) src(%dma_wait3A_136 : memref<128x144xf32, #tpu.memory_space<hbm>>) dst(%arg9 : memref<128x144xf32, #tpu.memory_space<vmem>>)
      %sub3A_137 = arith.constant 1 : i32
      %sub3A_138 = arith.subi %add3A_115, %sub3A_137 : i32
      %mul3A_139 = arith.constant 128 : i32
      %mul3A_140 = arith.muli %sub3A_138, %mul3A_139 : i32
      %add3A_141 = arith.addi %mul3A_2, %mul3A_140 : i32
      %dma_start3A_142 = arith.constant 0 : i32
      %dma_start3A_143 = tpu.memref_slice %arg4[%add3A_141, %dma_start3A_142] : memref<491520x144xf32, #tpu.memory_space<hbm>> -> memref<128x144xf32, #tpu.memory_space<hbm>>
      %dma_start3A_144 = arith.constant 0 : i32
      %dma_start3A_145 = tpu.memref_slice %arg4[%add3A_141, %dma_start3A_144] : memref<491520x144xf32, #tpu.memory_space<hbm>> -> memref<128x144xf32, #tpu.memory_space<hbm>>
      tpu.enqueue_dma source(%arg9 : memref<128x144xf32, #tpu.memory_space<vmem>>) target(%dma_start3A_145 : memref<128x144xf32, #tpu.memory_space<hbm>>) target_semaphore(%arg17 : memref<!tpu.dma_semaphore, #tpu.memory_space<semaphore_mem>>)
      %add3A_146 = arith.constant 4 : i32
      %add3A_147 = arith.addi %mul3A_46, %add3A_146 : i32
      %dma_wait3A_148 = arith.constant 0 : i32
      %dma_wait3A_149 = arith.constant 0 : i32
      %dma_wait3A_150 = tpu.memref_slice %arg4[%dma_wait3A_148, %dma_wait3A_149] : memref<491520x144xf32, #tpu.memory_space<hbm>> -> memref<128x144xf32, #tpu.memory_space<hbm>>
      %dma_wait3A_151 = arith.constant 0 : i32
      %dma_wait3A_152 = arith.constant 0 : i32
      %dma_wait3A_153 = tpu.memref_slice %arg4[%dma_wait3A_151, %dma_wait3A_152] : memref<491520x144xf32, #tpu.memory_space<hbm>> -> memref<128x144xf32, #tpu.memory_space<hbm>>
      tpu.wait_dma2 semaphore(%arg15 : memref<!tpu.dma_semaphore, #tpu.memory_space<semaphore_mem>>) src(%arg7 : memref<128x144xf32, #tpu.memory_space<vmem>>) dst(%dma_wait3A_153 : memref<128x144xf32, #tpu.memory_space<hbm>>)
      %dma_start3A_154 = arith.constant 0 : i32
      %dma_start3A_155 = tpu.memref_slice %arg6[%dma_start3A_154] : memref<512xi32, #tpu.memory_space<vmem>> -> memref<128xi32, #tpu.memory_space<vmem>>
      %dma_start3A_156 = arith.constant 0 : i32
      %dma_start3A_157 = arith.constant 0 : i32
      %dma_start3A_158 = tpu.memref_slice %arg2[%dma_start3A_156, %dma_start3A_157] : memref<10240x144xf32, #tpu.memory_space<hbm>> -> memref<10240x144xf32, #tpu.memory_space<hbm>>
      tpu.enqueue_indirect_dma source(%dma_start3A_158 : memref<10240x144xf32, #tpu.memory_space<hbm>>) target(%arg7 : memref<128x144xf32, #tpu.memory_space<vmem>>) offsets(%dma_start3A_155 : memref<128xi32, #tpu.memory_space<vmem>>) semaphore(%arg11 : memref<!tpu.dma_semaphore, #tpu.memory_space<semaphore_mem>>)
      %dma_wait3A_159 = arith.constant 0 : i32
      %dma_wait3A_160 = arith.constant 0 : i32
      %dma_wait3A_161 = tpu.memref_slice %arg4[%dma_wait3A_159, %dma_wait3A_160] : memref<491520x144xf32, #tpu.memory_space<hbm>> -> memref<128x144xf32, #tpu.memory_space<hbm>>
      %dma_wait3A_162 = arith.constant 0 : i32
      %dma_wait3A_163 = arith.constant 0 : i32
      %dma_wait3A_164 = tpu.memref_slice %arg4[%dma_wait3A_162, %dma_wait3A_163] : memref<491520x144xf32, #tpu.memory_space<hbm>> -> memref<128x144xf32, #tpu.memory_space<hbm>>
      tpu.wait_dma2 semaphore(%arg14 : memref<!tpu.dma_semaphore, #tpu.memory_space<semaphore_mem>>) src(%dma_wait3A_164 : memref<128x144xf32, #tpu.memory_space<hbm>>) dst(%arg10 : memref<128x144xf32, #tpu.memory_space<vmem>>)
      %sub3A_165 = arith.constant 1 : i32
      %sub3A_166 = arith.subi %add3A_147, %sub3A_165 : i32
      %mul3A_167 = arith.constant 128 : i32
      %mul3A_168 = arith.muli %sub3A_166, %mul3A_167 : i32
      %add3A_169 = arith.addi %mul3A_2, %mul3A_168 : i32
      %dma_start3A_170 = arith.constant 0 : i32
      %dma_start3A_171 = tpu.memref_slice %arg4[%add3A_169, %dma_start3A_170] : memref<491520x144xf32, #tpu.memory_space<hbm>> -> memref<128x144xf32, #tpu.memory_space<hbm>>
      %dma_start3A_172 = arith.constant 0 : i32
      %dma_start3A_173 = tpu.memref_slice %arg4[%add3A_169, %dma_start3A_172] : memref<491520x144xf32, #tpu.memory_space<hbm>> -> memref<128x144xf32, #tpu.memory_space<hbm>>
      tpu.enqueue_dma source(%arg10 : memref<128x144xf32, #tpu.memory_space<vmem>>) target(%dma_start3A_173 : memref<128x144xf32, #tpu.memory_space<hbm>>) target_semaphore(%arg18 : memref<!tpu.dma_semaphore, #tpu.memory_space<semaphore_mem>>)
      %add3A_174 = arith.constant 5 : i32
      %add3A_175 = arith.addi %mul3A_46, %add3A_174 : i32
      %dma_wait3A_176 = arith.constant 0 : i32
      %dma_wait3A_177 = arith.constant 0 : i32
      %dma_wait3A_178 = tpu.memref_slice %arg4[%dma_wait3A_176, %dma_wait3A_177] : memref<491520x144xf32, #tpu.memory_space<hbm>> -> memref<128x144xf32, #tpu.memory_space<hbm>>
      %dma_wait3A_179 = arith.constant 0 : i32
      %dma_wait3A_180 = arith.constant 0 : i32
      %dma_wait3A_181 = tpu.memref_slice %arg4[%dma_wait3A_179, %dma_wait3A_180] : memref<491520x144xf32, #tpu.memory_space<hbm>> -> memref<128x144xf32, #tpu.memory_space<hbm>>
      tpu.wait_dma2 semaphore(%arg16 : memref<!tpu.dma_semaphore, #tpu.memory_space<semaphore_mem>>) src(%arg8 : memref<128x144xf32, #tpu.memory_space<vmem>>) dst(%dma_wait3A_181 : memref<128x144xf32, #tpu.memory_space<hbm>>)
      %dma_start3A_182 = arith.constant 128 : i32
      %dma_start3A_183 = tpu.memref_slice %arg6[%dma_start3A_182] : memref<512xi32, #tpu.memory_space<vmem>> -> memref<128xi32, #tpu.memory_space<vmem>>
      %dma_start3A_184 = arith.constant 0 : i32
      %dma_start3A_185 = arith.constant 0 : i32
      %dma_start3A_186 = tpu.memref_slice %arg2[%dma_start3A_184, %dma_start3A_185] : memref<10240x144xf32, #tpu.memory_space<hbm>> -> memref<10240x144xf32, #tpu.memory_space<hbm>>
      tpu.enqueue_indirect_dma source(%dma_start3A_186 : memref<10240x144xf32, #tpu.memory_space<hbm>>) target(%arg8 : memref<128x144xf32, #tpu.memory_space<vmem>>) offsets(%dma_start3A_183 : memref<128xi32, #tpu.memory_space<vmem>>) semaphore(%arg12 : memref<!tpu.dma_semaphore, #tpu.memory_space<semaphore_mem>>)
      %dma_wait3A_187 = arith.constant 0 : i32
      %dma_wait3A_188 = arith.constant 0 : i32
      %dma_wait3A_189 = tpu.memref_slice %arg4[%dma_wait3A_187, %dma_wait3A_188] : memref<491520x144xf32, #tpu.memory_space<hbm>> -> memref<128x144xf32, #tpu.memory_space<hbm>>
      %dma_wait3A_190 = arith.constant 0 : i32
      %dma_wait3A_191 = arith.constant 0 : i32
      %dma_wait3A_192 = tpu.memref_slice %arg4[%dma_wait3A_190, %dma_wait3A_191] : memref<491520x144xf32, #tpu.memory_space<hbm>> -> memref<128x144xf32, #tpu.memory_space<hbm>>
      tpu.wait_dma2 semaphore(%arg11 : memref<!tpu.dma_semaphore, #tpu.memory_space<semaphore_mem>>) src(%dma_wait3A_192 : memref<128x144xf32, #tpu.memory_space<hbm>>) dst(%arg7 : memref<128x144xf32, #tpu.memory_space<vmem>>)
      %sub3A_193 = arith.constant 1 : i32
      %sub3A_194 = arith.subi %add3A_175, %sub3A_193 : i32
      %mul3A_195 = arith.constant 128 : i32
      %mul3A_196 = arith.muli %sub3A_194, %mul3A_195 : i32
      %add3A_197 = arith.addi %mul3A_2, %mul3A_196 : i32
      %dma_start3A_198 = arith.constant 0 : i32
      %dma_start3A_199 = tpu.memref_slice %arg4[%add3A_197, %dma_start3A_198] : memref<491520x144xf32, #tpu.memory_space<hbm>> -> memref<128x144xf32, #tpu.memory_space<hbm>>
      %dma_start3A_200 = arith.constant 0 : i32
      %dma_start3A_201 = tpu.memref_slice %arg4[%add3A_197, %dma_start3A_200] : memref<491520x144xf32, #tpu.memory_space<hbm>> -> memref<128x144xf32, #tpu.memory_space<hbm>>
      tpu.enqueue_dma source(%arg7 : memref<128x144xf32, #tpu.memory_space<vmem>>) target(%dma_start3A_201 : memref<128x144xf32, #tpu.memory_space<hbm>>) target_semaphore(%arg15 : memref<!tpu.dma_semaphore, #tpu.memory_space<semaphore_mem>>)
      %add3A_202 = arith.constant 6 : i32
      %add3A_203 = arith.addi %mul3A_46, %add3A_202 : i32
      %dma_wait3A_204 = arith.constant 0 : i32
      %dma_wait3A_205 = arith.constant 0 : i32
      %dma_wait3A_206 = tpu.memref_slice %arg4[%dma_wait3A_204, %dma_wait3A_205] : memref<491520x144xf32, #tpu.memory_space<hbm>> -> memref<128x144xf32, #tpu.memory_space<hbm>>
      %dma_wait3A_207 = arith.constant 0 : i32
      %dma_wait3A_208 = arith.constant 0 : i32
      %dma_wait3A_209 = tpu.memref_slice %arg4[%dma_wait3A_207, %dma_wait3A_208] : memref<491520x144xf32, #tpu.memory_space<hbm>> -> memref<128x144xf32, #tpu.memory_space<hbm>>
      tpu.wait_dma2 semaphore(%arg17 : memref<!tpu.dma_semaphore, #tpu.memory_space<semaphore_mem>>) src(%arg9 : memref<128x144xf32, #tpu.memory_space<vmem>>) dst(%dma_wait3A_209 : memref<128x144xf32, #tpu.memory_space<hbm>>)
      %dma_start3A_210 = arith.constant 256 : i32
      %dma_start3A_211 = tpu.memref_slice %arg6[%dma_start3A_210] : memref<512xi32, #tpu.memory_space<vmem>> -> memref<128xi32, #tpu.memory_space<vmem>>
      %dma_start3A_212 = arith.constant 0 : i32
      %dma_start3A_213 = arith.constant 0 : i32
      %dma_start3A_214 = tpu.memref_slice %arg2[%dma_start3A_212, %dma_start3A_213] : memref<10240x144xf32, #tpu.memory_space<hbm>> -> memref<10240x144xf32, #tpu.memory_space<hbm>>
      tpu.enqueue_indirect_dma source(%dma_start3A_214 : memref<10240x144xf32, #tpu.memory_space<hbm>>) target(%arg9 : memref<128x144xf32, #tpu.memory_space<vmem>>) offsets(%dma_start3A_211 : memref<128xi32, #tpu.memory_space<vmem>>) semaphore(%arg13 : memref<!tpu.dma_semaphore, #tpu.memory_space<semaphore_mem>>)
      %dma_wait3A_215 = arith.constant 0 : i32
      %dma_wait3A_216 = arith.constant 0 : i32
      %dma_wait3A_217 = tpu.memref_slice %arg4[%dma_wait3A_215, %dma_wait3A_216] : memref<491520x144xf32, #tpu.memory_space<hbm>> -> memref<128x144xf32, #tpu.memory_space<hbm>>
      %dma_wait3A_218 = arith.constant 0 : i32
      %dma_wait3A_219 = arith.constant 0 : i32
      %dma_wait3A_220 = tpu.memref_slice %arg4[%dma_wait3A_218, %dma_wait3A_219] : memref<491520x144xf32, #tpu.memory_space<hbm>> -> memref<128x144xf32, #tpu.memory_space<hbm>>
      tpu.wait_dma2 semaphore(%arg12 : memref<!tpu.dma_semaphore, #tpu.memory_space<semaphore_mem>>) src(%dma_wait3A_220 : memref<128x144xf32, #tpu.memory_space<hbm>>) dst(%arg8 : memref<128x144xf32, #tpu.memory_space<vmem>>)
      %sub3A_221 = arith.constant 1 : i32
      %sub3A_222 = arith.subi %add3A_203, %sub3A_221 : i32
      %mul3A_223 = arith.constant 128 : i32
      %mul3A_224 = arith.muli %sub3A_222, %mul3A_223 : i32
      %add3A_225 = arith.addi %mul3A_2, %mul3A_224 : i32
      %dma_start3A_226 = arith.constant 0 : i32
      %dma_start3A_227 = tpu.memref_slice %arg4[%add3A_225, %dma_start3A_226] : memref<491520x144xf32, #tpu.memory_space<hbm>> -> memref<128x144xf32, #tpu.memory_space<hbm>>
      %dma_start3A_228 = arith.constant 0 : i32
      %dma_start3A_229 = tpu.memref_slice %arg4[%add3A_225, %dma_start3A_228] : memref<491520x144xf32, #tpu.memory_space<hbm>> -> memref<128x144xf32, #tpu.memory_space<hbm>>
      tpu.enqueue_dma source(%arg8 : memref<128x144xf32, #tpu.memory_space<vmem>>) target(%dma_start3A_229 : memref<128x144xf32, #tpu.memory_space<hbm>>) target_semaphore(%arg16 : memref<!tpu.dma_semaphore, #tpu.memory_space<semaphore_mem>>)
      %add3A_230 = arith.constant 7 : i32
      %add3A_231 = arith.addi %mul3A_46, %add3A_230 : i32
      %dma_wait3A_232 = arith.constant 0 : i32
      %dma_wait3A_233 = arith.constant 0 : i32
      %dma_wait3A_234 = tpu.memref_slice %arg4[%dma_wait3A_232, %dma_wait3A_233] : memref<491520x144xf32, #tpu.memory_space<hbm>> -> memref<128x144xf32, #tpu.memory_space<hbm>>
      %dma_wait3A_235 = arith.constant 0 : i32
      %dma_wait3A_236 = arith.constant 0 : i32
      %dma_wait3A_237 = tpu.memref_slice %arg4[%dma_wait3A_235, %dma_wait3A_236] : memref<491520x144xf32, #tpu.memory_space<hbm>> -> memref<128x144xf32, #tpu.memory_space<hbm>>
      tpu.wait_dma2 semaphore(%arg18 : memref<!tpu.dma_semaphore, #tpu.memory_space<semaphore_mem>>) src(%arg10 : memref<128x144xf32, #tpu.memory_space<vmem>>) dst(%dma_wait3A_237 : memref<128x144xf32, #tpu.memory_space<hbm>>)
      %lt3A = arith.constant 14 : i32
      %lt3A_238 = arith.cmpi slt, %scan3A_44, %lt3A : i32
      %convert_element_type3A_239 = arith.extui %lt3A_238 : i1 to i32
      %cond3A_240 = arith.constant 0 : i32
      %cond3A_241 = arith.cmpi ne, %convert_element_type3A_239, %cond3A_240 : i32
      scf.if %cond3A_241 {
        %add3A_262 = arith.constant 8 : i32
        %add3A_263 = arith.addi %mul3A_46, %add3A_262 : i32
        %mul3A_264 = arith.constant 128 : i32
        %mul3A_265 = arith.muli %add3A_263, %mul3A_264 : i32
        %add3A_266 = arith.addi %mul3A_2, %mul3A_265 : i32
        "tpu.region"() ({
          %run_scoped3A = tpu.sem_alloc : memref<!tpu.dma_semaphore, #tpu.memory_space<semaphore_mem>>
          %dma_start3A_267 = tpu.memref_slice %arg3[%add3A_266] : memref<491520xi32, #tpu.memory_space<hbm>> -> memref<512xi32, #tpu.memory_space<hbm>>
          %dma_start3A_268 = tpu.memref_slice %arg3[%add3A_266] : memref<491520xi32, #tpu.memory_space<hbm>> -> memref<512xi32, #tpu.memory_space<hbm>>
          tpu.enqueue_dma source(%dma_start3A_268 : memref<512xi32, #tpu.memory_space<hbm>>) target(%arg5 : memref<512xi32, #tpu.memory_space<vmem>>) target_semaphore(%run_scoped3A : memref<!tpu.dma_semaphore, #tpu.memory_space<semaphore_mem>>)
          %dma_wait3A_269 = tpu.memref_slice %arg3[%add3A_266] : memref<491520xi32, #tpu.memory_space<hbm>> -> memref<512xi32, #tpu.memory_space<hbm>>
          %dma_wait3A_270 = tpu.memref_slice %arg3[%add3A_266] : memref<491520xi32, #tpu.memory_space<hbm>> -> memref<512xi32, #tpu.memory_space<hbm>>
          tpu.wait_dma2 semaphore(%run_scoped3A : memref<!tpu.dma_semaphore, #tpu.memory_space<semaphore_mem>>) src(%dma_wait3A_270 : memref<512xi32, #tpu.memory_space<hbm>>) dst(%arg5 : memref<512xi32, #tpu.memory_space<vmem>>)
          tpu.yield
        }) : () -> ()
      } else {
      }
      %dma_start3A_242 = arith.constant 384 : i32
      %dma_start3A_243 = tpu.memref_slice %arg6[%dma_start3A_242] : memref<512xi32, #tpu.memory_space<vmem>> -> memref<128xi32, #tpu.memory_space<vmem>>
      %dma_start3A_244 = arith.constant 0 : i32
      %dma_start3A_245 = arith.constant 0 : i32
      %dma_start3A_246 = tpu.memref_slice %arg2[%dma_start3A_244, %dma_start3A_245] : memref<10240x144xf32, #tpu.memory_space<hbm>> -> memref<10240x144xf32, #tpu.memory_space<hbm>>
      tpu.enqueue_indirect_dma source(%dma_start3A_246 : memref<10240x144xf32, #tpu.memory_space<hbm>>) target(%arg10 : memref<128x144xf32, #tpu.memory_space<vmem>>) offsets(%dma_start3A_243 : memref<128xi32, #tpu.memory_space<vmem>>) semaphore(%arg14 : memref<!tpu.dma_semaphore, #tpu.memory_space<semaphore_mem>>)
      %dma_wait3A_247 = arith.constant 0 : i32
      %dma_wait3A_248 = arith.constant 0 : i32
      %dma_wait3A_249 = tpu.memref_slice %arg4[%dma_wait3A_247, %dma_wait3A_248] : memref<491520x144xf32, #tpu.memory_space<hbm>> -> memref<128x144xf32, #tpu.memory_space<hbm>>
      %dma_wait3A_250 = arith.constant 0 : i32
      %dma_wait3A_251 = arith.constant 0 : i32
      %dma_wait3A_252 = tpu.memref_slice %arg4[%dma_wait3A_250, %dma_wait3A_251] : memref<491520x144xf32, #tpu.memory_space<hbm>> -> memref<128x144xf32, #tpu.memory_space<hbm>>
      tpu.wait_dma2 semaphore(%arg13 : memref<!tpu.dma_semaphore, #tpu.memory_space<semaphore_mem>>) src(%dma_wait3A_252 : memref<128x144xf32, #tpu.memory_space<hbm>>) dst(%arg9 : memref<128x144xf32, #tpu.memory_space<vmem>>)
      %sub3A_253 = arith.constant 1 : i32
      %sub3A_254 = arith.subi %add3A_231, %sub3A_253 : i32
      %mul3A_255 = arith.constant 128 : i32
      %mul3A_256 = arith.muli %sub3A_254, %mul3A_255 : i32
      %add3A_257 = arith.addi %mul3A_2, %mul3A_256 : i32
      %dma_start3A_258 = arith.constant 0 : i32
      %dma_start3A_259 = tpu.memref_slice %arg4[%add3A_257, %dma_start3A_258] : memref<491520x144xf32, #tpu.memory_space<hbm>> -> memref<128x144xf32, #tpu.memory_space<hbm>>
      %dma_start3A_260 = arith.constant 0 : i32
      %dma_start3A_261 = tpu.memref_slice %arg4[%add3A_257, %dma_start3A_260] : memref<491520x144xf32, #tpu.memory_space<hbm>> -> memref<128x144xf32, #tpu.memory_space<hbm>>
      tpu.enqueue_dma source(%arg9 : memref<128x144xf32, #tpu.memory_space<vmem>>) target(%dma_start3A_261 : memref<128x144xf32, #tpu.memory_space<hbm>>) target_semaphore(%arg17 : memref<!tpu.dma_semaphore, #tpu.memory_space<semaphore_mem>>)
    }
    %scan3A_9 = arith.constant 15 : i32
    %dma_wait3A = arith.constant 0 : i32
    %dma_wait3A_10 = arith.constant 0 : i32
    %dma_wait3A_11 = tpu.memref_slice %arg4[%dma_wait3A, %dma_wait3A_10] : memref<491520x144xf32, #tpu.memory_space<hbm>> -> memref<128x144xf32, #tpu.memory_space<hbm>>
    %dma_wait3A_12 = arith.constant 0 : i32
    %dma_wait3A_13 = arith.constant 0 : i32
    %dma_wait3A_14 = tpu.memref_slice %arg4[%dma_wait3A_12, %dma_wait3A_13] : memref<491520x144xf32, #tpu.memory_space<hbm>> -> memref<128x144xf32, #tpu.memory_space<hbm>>
    tpu.wait_dma2 semaphore(%arg14 : memref<!tpu.dma_semaphore, #tpu.memory_space<semaphore_mem>>) src(%dma_wait3A_14 : memref<128x144xf32, #tpu.memory_space<hbm>>) dst(%arg10 : memref<128x144xf32, #tpu.memory_space<vmem>>)
    %add3A_15 = arith.constant 15232 : i32
    %add3A_16 = arith.addi %mul3A_2, %add3A_15 : i32
    %dma_start3A = arith.constant 0 : i32
    %dma_start3A_17 = tpu.memref_slice %arg4[%add3A_16, %dma_start3A] : memref<491520x144xf32, #tpu.memory_space<hbm>> -> memref<128x144xf32, #tpu.memory_space<hbm>>
    %dma_start3A_18 = arith.constant 0 : i32
    %dma_start3A_19 = tpu.memref_slice %arg4[%add3A_16, %dma_start3A_18] : memref<491520x144xf32, #tpu.memory_space<hbm>> -> memref<128x144xf32, #tpu.memory_space<hbm>>
    tpu.enqueue_dma source(%arg10 : memref<128x144xf32, #tpu.memory_space<vmem>>) target(%dma_start3A_19 : memref<128x144xf32, #tpu.memory_space<hbm>>) target_semaphore(%arg18 : memref<!tpu.dma_semaphore, #tpu.memory_space<semaphore_mem>>)
    %dma_wait3A_20 = arith.constant 0 : i32
    %dma_wait3A_21 = arith.constant 0 : i32
    %dma_wait3A_22 = tpu.memref_slice %arg4[%dma_wait3A_20, %dma_wait3A_21] : memref<491520x144xf32, #tpu.memory_space<hbm>> -> memref<128x144xf32, #tpu.memory_space<hbm>>
    %dma_wait3A_23 = arith.constant 0 : i32
    %dma_wait3A_24 = arith.constant 0 : i32
    %dma_wait3A_25 = tpu.memref_slice %arg4[%dma_wait3A_23, %dma_wait3A_24] : memref<491520x144xf32, #tpu.memory_space<hbm>> -> memref<128x144xf32, #tpu.memory_space<hbm>>
    tpu.wait_dma2 semaphore(%arg15 : memref<!tpu.dma_semaphore, #tpu.memory_space<semaphore_mem>>) src(%arg7 : memref<128x144xf32, #tpu.memory_space<vmem>>) dst(%dma_wait3A_25 : memref<128x144xf32, #tpu.memory_space<hbm>>)
    %dma_wait3A_26 = arith.constant 0 : i32
    %dma_wait3A_27 = arith.constant 0 : i32
    %dma_wait3A_28 = tpu.memref_slice %arg4[%dma_wait3A_26, %dma_wait3A_27] : memref<491520x144xf32, #tpu.memory_space<hbm>> -> memref<128x144xf32, #tpu.memory_space<hbm>>
    %dma_wait3A_29 = arith.constant 0 : i32
    %dma_wait3A_30 = arith.constant 0 : i32
    %dma_wait3A_31 = tpu.memref_slice %arg4[%dma_wait3A_29, %dma_wait3A_30] : memref<491520x144xf32, #tpu.memory_space<hbm>> -> memref<128x144xf32, #tpu.memory_space<hbm>>
    tpu.wait_dma2 semaphore(%arg16 : memref<!tpu.dma_semaphore, #tpu.memory_space<semaphore_mem>>) src(%arg8 : memref<128x144xf32, #tpu.memory_space<vmem>>) dst(%dma_wait3A_31 : memref<128x144xf32, #tpu.memory_space<hbm>>)
    %dma_wait3A_32 = arith.constant 0 : i32
    %dma_wait3A_33 = arith.constant 0 : i32
    %dma_wait3A_34 = tpu.memref_slice %arg4[%dma_wait3A_32, %dma_wait3A_33] : memref<491520x144xf32, #tpu.memory_space<hbm>> -> memref<128x144xf32, #tpu.memory_space<hbm>>
    %dma_wait3A_35 = arith.constant 0 : i32
    %dma_wait3A_36 = arith.constant 0 : i32
    %dma_wait3A_37 = tpu.memref_slice %arg4[%dma_wait3A_35, %dma_wait3A_36] : memref<491520x144xf32, #tpu.memory_space<hbm>> -> memref<128x144xf32, #tpu.memory_space<hbm>>
    tpu.wait_dma2 semaphore(%arg17 : memref<!tpu.dma_semaphore, #tpu.memory_space<semaphore_mem>>) src(%arg9 : memref<128x144xf32, #tpu.memory_space<vmem>>) dst(%dma_wait3A_37 : memref<128x144xf32, #tpu.memory_space<hbm>>)
    %dma_wait3A_38 = arith.constant 0 : i32
    %dma_wait3A_39 = arith.constant 0 : i32
    %dma_wait3A_40 = tpu.memref_slice %arg4[%dma_wait3A_38, %dma_wait3A_39] : memref<491520x144xf32, #tpu.memory_space<hbm>> -> memref<128x144xf32, #tpu.memory_space<hbm>>
    %dma_wait3A_41 = arith.constant 0 : i32
    %dma_wait3A_42 = arith.constant 0 : i32
    %dma_wait3A_43 = tpu.memref_slice %arg4[%dma_wait3A_41, %dma_wait3A_42] : memref<491520x144xf32, #tpu.memory_space<hbm>> -> memref<128x144xf32, #tpu.memory_space<hbm>>
    tpu.wait_dma2 semaphore(%arg18 : memref<!tpu.dma_semaphore, #tpu.memory_space<semaphore_mem>>) src(%arg10 : memref<128x144xf32, #tpu.memory_space<vmem>>) dst(%dma_wait3A_43 : memref<128x144xf32, #tpu.memory_space<hbm>>)
    return
  }
}

#map = affine_map<(d0, d1) -> (0, 0)>
#map1 = affine_map<(d0, d1) -> (0)>
module attributes {stable_mosaic.version = 14 : i64} {
  func.func @_gather_kernel(%arg0: i32, %arg1: i32, %arg2: memref<10240x144xf32, #tpu.memory_space<hbm>>, %arg3: memref<491520xi32, #tpu.memory_space<hbm>>, %arg4: memref<491520x144xf32, #tpu.memory_space<hbm>>, %arg5: memref<512xi32, #tpu.memory_space<vmem>>, %arg6: memref<512xi32, #tpu.memory_space<vmem>>, %arg7: memref<128x144xf32, #tpu.memory_space<vmem>>, %arg8: memref<128x144xf32, #tpu.memory_space<vmem>>, %arg9: memref<128x144xf32, #tpu.memory_space<vmem>>, %arg10: memref<128x144xf32, #tpu.memory_space<vmem>>, %arg11: memref<!tpu.dma_semaphore, #tpu.memory_space<semaphore_mem>>, %arg12: memref<!tpu.dma_semaphore, #tpu.memory_space<semaphore_mem>>, %arg13: memref<!tpu.dma_semaphore, #tpu.memory_space<semaphore_mem>>, %arg14: memref<!tpu.dma_semaphore, #tpu.memory_space<semaphore_mem>>, %arg15: memref<!tpu.dma_semaphore, #tpu.memory_space<semaphore_mem>>, %arg16: memref<!tpu.dma_semaphore, #tpu.memory_space<semaphore_mem>>, %arg17: memref<!tpu.dma_semaphore, #tpu.memory_space<semaphore_mem>>, %arg18: memref<!tpu.dma_semaphore, #tpu.memory_space<semaphore_mem>>) attributes {dimension_semantics = [#tpu.dimension_semantics<core_parallel>, #tpu.dimension_semantics<subcore_parallel>], iteration_bounds = array<i64: 2, 16>, scalar_prefetch = 0 : i64, scratch_operands = 14 : i64, tpu.core_type = #tpu.core_type<sc_vector_subcore>, window_params = [{transform_indices = #map}, {transform_indices = #map1}, {transform_indices = #map}]} {
    %mul3A = arith.constant 2 : i32
    %mul3A_0 = arith.muli %arg1, %mul3A : i32
    %add3A = arith.addi %mul3A_0, %arg0 : i32
    %mul3A_1 = arith.constant 15360 : i32
    %mul3A_2 = arith.muli %add3A, %mul3A_1 : i32
    %add3A_3 = arith.constant 0 : i32
    %add3A_4 = arith.addi %mul3A_2, %add3A_3 : i32
    "tpu.region"() ({
      %run_scoped3A = tpu.sem_alloc : memref<!tpu.dma_semaphore, #tpu.memory_space<semaphore_mem>>
      %dma_start3A_44 = tpu.memref_slice %arg3[%add3A_4] : memref<491520xi32, #tpu.memory_space<hbm>> -> memref<512xi32, #tpu.memory_space<hbm>>
      %dma_start3A_45 = tpu.memref_slice %arg3[%add3A_4] : memref<491520xi32, #tpu.memory_space<hbm>> -> memref<512xi32, #tpu.memory_space<hbm>>
      tpu.enqueue_dma source(%dma_start3A_45 : memref<512xi32, #tpu.memory_space<hbm>>) target(%arg5 : memref<512xi32, #tpu.memory_space<vmem>>) target_semaphore(%run_scoped3A : memref<!tpu.dma_semaphore, #tpu.memory_space<semaphore_mem>>)
      %dma_wait3A_46 = tpu.memref_slice %arg3[%add3A_4] : memref<491520xi32, #tpu.memory_space<hbm>> -> memref<512xi32, #tpu.memory_space<hbm>>
      %dma_wait3A_47 = tpu.memref_slice %arg3[%add3A_4] : memref<491520xi32, #tpu.memory_space<hbm>> -> memref<512xi32, #tpu.memory_space<hbm>>
      tpu.wait_dma2 semaphore(%run_scoped3A : memref<!tpu.dma_semaphore, #tpu.memory_space<semaphore_mem>>) src(%dma_wait3A_47 : memref<512xi32, #tpu.memory_space<hbm>>) dst(%arg5 : memref<512xi32, #tpu.memory_space<vmem>>)
      tpu.yield
    }) : () -> ()
    %scan3A = arith.constant 0 : i32
    %scan3A_5 = arith.constant 0 : i32
    %scan3A_6 = arith.constant 15 : i32
    %scan3A_7 = arith.addi %scan3A_5, %scan3A_6 : i32
    %scan3A_8 = arith.constant 1 : i32
    scf.for %scan3A_44 = %scan3A_5 to %scan3A_7 step %scan3A_8  : i32 {
      %mul3A_45 = arith.constant 8 : i32
      %mul3A_46 = arith.muli %scan3A_44, %mul3A_45 : i32
      %add3A_47 = arith.constant 0 : i32
      %add3A_48 = arith.addi %mul3A_46, %add3A_47 : i32
      %ge3A = arith.constant 1 : i32
      %ge3A_49 = arith.cmpi sge, %scan3A_44, %ge3A : i32
      %convert_element_type3A = arith.extui %ge3A_49 : i1 to i32
      %cond3A = arith.constant 0 : i32
      %cond3A_50 = arith.cmpi ne, %convert_element_type3A, %cond3A : i32
      scf.if %cond3A_50 {
        %dma_wait3A_262 = arith.constant 0 : i32
        %dma_wait3A_263 = arith.constant 0 : i32
        %dma_wait3A_264 = tpu.memref_slice %arg4[%dma_wait3A_262, %dma_wait3A_263] : memref<491520x144xf32, #tpu.memory_space<hbm>> -> memref<128x144xf32, #tpu.memory_space<hbm>>
        %dma_wait3A_265 = arith.constant 0 : i32
        %dma_wait3A_266 = arith.constant 0 : i32
        %dma_wait3A_267 = tpu.memref_slice %arg4[%dma_wait3A_265, %dma_wait3A_266] : memref<491520x144xf32, #tpu.memory_space<hbm>> -> memref<128x144xf32, #tpu.memory_space<hbm>>
        tpu.wait_dma2 semaphore(%arg15 : memref<!tpu.dma_semaphore, #tpu.memory_space<semaphore_mem>>) src(%arg7 : memref<128x144xf32, #tpu.memory_space<vmem>>) dst(%dma_wait3A_267 : memref<128x144xf32, #tpu.memory_space<hbm>>)
      } else {
      }
      %dma_start3A_51 = arith.constant 0 : i32
      %dma_start3A_52 = tpu.memref_slice %arg5[%dma_start3A_51] : memref<512xi32, #tpu.memory_space<vmem>> -> memref<128xi32, #tpu.memory_space<vmem>>
      %dma_start3A_53 = arith.constant 0 : i32
      %dma_start3A_54 = arith.constant 0 : i32
      %dma_start3A_55 = tpu.memref_slice %arg2[%dma_start3A_53, %dma_start3A_54] : memref<10240x144xf32, #tpu.memory_space<hbm>> -> memref<10240x144xf32, #tpu.memory_space<hbm>>
      tpu.enqueue_indirect_dma source(%dma_start3A_55 : memref<10240x144xf32, #tpu.memory_space<hbm>>) target(%arg7 : memref<128x144xf32, #tpu.memory_space<vmem>>) offsets(%dma_start3A_52 : memref<128xi32, #tpu.memory_space<vmem>>) semaphore(%arg11 : memref<!tpu.dma_semaphore, #tpu.memory_space<semaphore_mem>>)
      %ge3A_56 = arith.constant 1 : i32
      %ge3A_57 = arith.cmpi sge, %scan3A_44, %ge3A_56 : i32
      %convert_element_type3A_58 = arith.extui %ge3A_57 : i1 to i32
      %cond3A_59 = arith.constant 0 : i32
      %cond3A_60 = arith.cmpi ne, %convert_element_type3A_58, %cond3A_59 : i32
      scf.if %cond3A_60 {
        %dma_wait3A_262 = arith.constant 0 : i32
        %dma_wait3A_263 = arith.constant 0 : i32
        %dma_wait3A_264 = tpu.memref_slice %arg4[%dma_wait3A_262, %dma_wait3A_263] : memref<491520x144xf32, #tpu.memory_space<hbm>> -> memref<128x144xf32, #tpu.memory_space<hbm>>
        %dma_wait3A_265 = arith.constant 0 : i32
        %dma_wait3A_266 = arith.constant 0 : i32
        %dma_wait3A_267 = tpu.memref_slice %arg4[%dma_wait3A_265, %dma_wait3A_266] : memref<491520x144xf32, #tpu.memory_space<hbm>> -> memref<128x144xf32, #tpu.memory_space<hbm>>
        tpu.wait_dma2 semaphore(%arg14 : memref<!tpu.dma_semaphore, #tpu.memory_space<semaphore_mem>>) src(%dma_wait3A_267 : memref<128x144xf32, #tpu.memory_space<hbm>>) dst(%arg10 : memref<128x144xf32, #tpu.memory_space<vmem>>)
        %sub3A_268 = arith.constant 1 : i32
        %sub3A_269 = arith.subi %add3A_48, %sub3A_268 : i32
        %mul3A_270 = arith.constant 128 : i32
        %mul3A_271 = arith.muli %sub3A_269, %mul3A_270 : i32
        %add3A_272 = arith.addi %mul3A_2, %mul3A_271 : i32
        %dma_start3A_273 = arith.constant 0 : i32
        %dma_start3A_274 = tpu.memref_slice %arg4[%add3A_272, %dma_start3A_273] : memref<491520x144xf32, #tpu.memory_space<hbm>> -> memref<128x144xf32, #tpu.memory_space<hbm>>
        %dma_start3A_275 = arith.constant 0 : i32
        %dma_start3A_276 = tpu.memref_slice %arg4[%add3A_272, %dma_start3A_275] : memref<491520x144xf32, #tpu.memory_space<hbm>> -> memref<128x144xf32, #tpu.memory_space<hbm>>
        tpu.enqueue_dma source(%arg10 : memref<128x144xf32, #tpu.memory_space<vmem>>) target(%dma_start3A_276 : memref<128x144xf32, #tpu.memory_space<hbm>>) target_semaphore(%arg18 : memref<!tpu.dma_semaphore, #tpu.memory_space<semaphore_mem>>)
      } else {
      }
      %add3A_61 = arith.constant 1 : i32
      %add3A_62 = arith.addi %mul3A_46, %add3A_61 : i32
      %ge3A_63 = arith.constant 1 : i32
      %ge3A_64 = arith.cmpi sge, %scan3A_44, %ge3A_63 : i32
      %convert_element_type3A_65 = arith.extui %ge3A_64 : i1 to i32
      %cond3A_66 = arith.constant 0 : i32
      %cond3A_67 = arith.cmpi ne, %convert_element_type3A_65, %cond3A_66 : i32
      scf.if %cond3A_67 {
        %dma_wait3A_262 = arith.constant 0 : i32
        %dma_wait3A_263 = arith.constant 0 : i32
        %dma_wait3A_264 = tpu.memref_slice %arg4[%dma_wait3A_262, %dma_wait3A_263] : memref<491520x144xf32, #tpu.memory_space<hbm>> -> memref<128x144xf32, #tpu.memory_space<hbm>>
        %dma_wait3A_265 = arith.constant 0 : i32
        %dma_wait3A_266 = arith.constant 0 : i32
        %dma_wait3A_267 = tpu.memref_slice %arg4[%dma_wait3A_265, %dma_wait3A_266] : memref<491520x144xf32, #tpu.memory_space<hbm>> -> memref<128x144xf32, #tpu.memory_space<hbm>>
        tpu.wait_dma2 semaphore(%arg16 : memref<!tpu.dma_semaphore, #tpu.memory_space<semaphore_mem>>) src(%arg8 : memref<128x144xf32, #tpu.memory_space<vmem>>) dst(%dma_wait3A_267 : memref<128x144xf32, #tpu.memory_space<hbm>>)
      } else {
      }
      %dma_start3A_68 = arith.constant 128 : i32
      %dma_start3A_69 = tpu.memref_slice %arg5[%dma_start3A_68] : memref<512xi32, #tpu.memory_space<vmem>> -> memref<128xi32, #tpu.memory_space<vmem>>
      %dma_start3A_70 = arith.constant 0 : i32
      %dma_start3A_71 = arith.constant 0 : i32
      %dma_start3A_72 = tpu.memref_slice %arg2[%dma_start3A_70, %dma_start3A_71] : memref<10240x144xf32, #tpu.memory_space<hbm>> -> memref<10240x144xf32, #tpu.memory_space<hbm>>
      tpu.enqueue_indirect_dma source(%dma_start3A_72 : memref<10240x144xf32, #tpu.memory_space<hbm>>) target(%arg8 : memref<128x144xf32, #tpu.memory_space<vmem>>) offsets(%dma_start3A_69 : memref<128xi32, #tpu.memory_space<vmem>>) semaphore(%arg12 : memref<!tpu.dma_semaphore, #tpu.memory_space<semaphore_mem>>)
      %dma_wait3A_73 = arith.constant 0 : i32
      %dma_wait3A_74 = arith.constant 0 : i32
      %dma_wait3A_75 = tpu.memref_slice %arg4[%dma_wait3A_73, %dma_wait3A_74] : memref<491520x144xf32, #tpu.memory_space<hbm>> -> memref<128x144xf32, #tpu.memory_space<hbm>>
      %dma_wait3A_76 = arith.constant 0 : i32
      %dma_wait3A_77 = arith.constant 0 : i32
      %dma_wait3A_78 = tpu.memref_slice %arg4[%dma_wait3A_76, %dma_wait3A_77] : memref<491520x144xf32, #tpu.memory_space<hbm>> -> memref<128x144xf32, #tpu.memory_space<hbm>>
      tpu.wait_dma2 semaphore(%arg11 : memref<!tpu.dma_semaphore, #tpu.memory_space<semaphore_mem>>) src(%dma_wait3A_78 : memref<128x144xf32, #tpu.memory_space<hbm>>) dst(%arg7 : memref<128x144xf32, #tpu.memory_space<vmem>>)
      %sub3A = arith.constant 1 : i32
      %sub3A_79 = arith.subi %add3A_62, %sub3A : i32
      %mul3A_80 = arith.constant 128 : i32
      %mul3A_81 = arith.muli %sub3A_79, %mul3A_80 : i32
      %add3A_82 = arith.addi %mul3A_2, %mul3A_81 : i32
      %dma_start3A_83 = arith.constant 0 : i32
      %dma_start3A_84 = tpu.memref_slice %arg4[%add3A_82, %dma_start3A_83] : memref<491520x144xf32, #tpu.memory_space<hbm>> -> memref<128x144xf32, #tpu.memory_space<hbm>>
      %dma_start3A_85 = arith.constant 0 : i32
      %dma_start3A_86 = tpu.memref_slice %arg4[%add3A_82, %dma_start3A_85] : memref<491520x144xf32, #tpu.memory_space<hbm>> -> memref<128x144xf32, #tpu.memory_space<hbm>>
      tpu.enqueue_dma source(%arg7 : memref<128x144xf32, #tpu.memory_space<vmem>>) target(%dma_start3A_86 : memref<128x144xf32, #tpu.memory_space<hbm>>) target_semaphore(%arg15 : memref<!tpu.dma_semaphore, #tpu.memory_space<semaphore_mem>>)
      %add3A_87 = arith.constant 2 : i32
      %add3A_88 = arith.addi %mul3A_46, %add3A_87 : i32
      %ge3A_89 = arith.constant 1 : i32
      %ge3A_90 = arith.cmpi sge, %scan3A_44, %ge3A_89 : i32
      %convert_element_type3A_91 = arith.extui %ge3A_90 : i1 to i32
      %cond3A_92 = arith.constant 0 : i32
      %cond3A_93 = arith.cmpi ne, %convert_element_type3A_91, %cond3A_92 : i32
      scf.if %cond3A_93 {
        %dma_wait3A_262 = arith.constant 0 : i32
        %dma_wait3A_263 = arith.constant 0 : i32
        %dma_wait3A_264 = tpu.memref_slice %arg4[%dma_wait3A_262, %dma_wait3A_263] : memref<491520x144xf32, #tpu.memory_space<hbm>> -> memref<128x144xf32, #tpu.memory_space<hbm>>
        %dma_wait3A_265 = arith.constant 0 : i32
        %dma_wait3A_266 = arith.constant 0 : i32
        %dma_wait3A_267 = tpu.memref_slice %arg4[%dma_wait3A_265, %dma_wait3A_266] : memref<491520x144xf32, #tpu.memory_space<hbm>> -> memref<128x144xf32, #tpu.memory_space<hbm>>
        tpu.wait_dma2 semaphore(%arg17 : memref<!tpu.dma_semaphore, #tpu.memory_space<semaphore_mem>>) src(%arg9 : memref<128x144xf32, #tpu.memory_space<vmem>>) dst(%dma_wait3A_267 : memref<128x144xf32, #tpu.memory_space<hbm>>)
      } else {
      }
      %dma_start3A_94 = arith.constant 256 : i32
      %dma_start3A_95 = tpu.memref_slice %arg5[%dma_start3A_94] : memref<512xi32, #tpu.memory_space<vmem>> -> memref<128xi32, #tpu.memory_space<vmem>>
      %dma_start3A_96 = arith.constant 0 : i32
      %dma_start3A_97 = arith.constant 0 : i32
      %dma_start3A_98 = tpu.memref_slice %arg2[%dma_start3A_96, %dma_start3A_97] : memref<10240x144xf32, #tpu.memory_space<hbm>> -> memref<10240x144xf32, #tpu.memory_space<hbm>>
      tpu.enqueue_indirect_dma source(%dma_start3A_98 : memref<10240x144xf32, #tpu.memory_space<hbm>>) target(%arg9 : memref<128x144xf32, #tpu.memory_space<vmem>>) offsets(%dma_start3A_95 : memref<128xi32, #tpu.memory_space<vmem>>) semaphore(%arg13 : memref<!tpu.dma_semaphore, #tpu.memory_space<semaphore_mem>>)
      %dma_wait3A_99 = arith.constant 0 : i32
      %dma_wait3A_100 = arith.constant 0 : i32
      %dma_wait3A_101 = tpu.memref_slice %arg4[%dma_wait3A_99, %dma_wait3A_100] : memref<491520x144xf32, #tpu.memory_space<hbm>> -> memref<128x144xf32, #tpu.memory_space<hbm>>
      %dma_wait3A_102 = arith.constant 0 : i32
      %dma_wait3A_103 = arith.constant 0 : i32
      %dma_wait3A_104 = tpu.memref_slice %arg4[%dma_wait3A_102, %dma_wait3A_103] : memref<491520x144xf32, #tpu.memory_space<hbm>> -> memref<128x144xf32, #tpu.memory_space<hbm>>
      tpu.wait_dma2 semaphore(%arg12 : memref<!tpu.dma_semaphore, #tpu.memory_space<semaphore_mem>>) src(%dma_wait3A_104 : memref<128x144xf32, #tpu.memory_space<hbm>>) dst(%arg8 : memref<128x144xf32, #tpu.memory_space<vmem>>)
      %sub3A_105 = arith.constant 1 : i32
      %sub3A_106 = arith.subi %add3A_88, %sub3A_105 : i32
      %mul3A_107 = arith.constant 128 : i32
      %mul3A_108 = arith.muli %sub3A_106, %mul3A_107 : i32
      %add3A_109 = arith.addi %mul3A_2, %mul3A_108 : i32
      %dma_start3A_110 = arith.constant 0 : i32
      %dma_start3A_111 = tpu.memref_slice %arg4[%add3A_109, %dma_start3A_110] : memref<491520x144xf32, #tpu.memory_space<hbm>> -> memref<128x144xf32, #tpu.memory_space<hbm>>
      %dma_start3A_112 = arith.constant 0 : i32
      %dma_start3A_113 = tpu.memref_slice %arg4[%add3A_109, %dma_start3A_112] : memref<491520x144xf32, #tpu.memory_space<hbm>> -> memref<128x144xf32, #tpu.memory_space<hbm>>
      tpu.enqueue_dma source(%arg8 : memref<128x144xf32, #tpu.memory_space<vmem>>) target(%dma_start3A_113 : memref<128x144xf32, #tpu.memory_space<hbm>>) target_semaphore(%arg16 : memref<!tpu.dma_semaphore, #tpu.memory_space<semaphore_mem>>)
      %add3A_114 = arith.constant 3 : i32
      %add3A_115 = arith.addi %mul3A_46, %add3A_114 : i32
      %ge3A_116 = arith.constant 1 : i32
      %ge3A_117 = arith.cmpi sge, %scan3A_44, %ge3A_116 : i32
      %convert_element_type3A_118 = arith.extui %ge3A_117 : i1 to i32
      %cond3A_119 = arith.constant 0 : i32
      %cond3A_120 = arith.cmpi ne, %convert_element_type3A_118, %cond3A_119 : i32
      scf.if %cond3A_120 {
        %dma_wait3A_262 = arith.constant 0 : i32
        %dma_wait3A_263 = arith.constant 0 : i32
        %dma_wait3A_264 = tpu.memref_slice %arg4[%dma_wait3A_262, %dma_wait3A_263] : memref<491520x144xf32, #tpu.memory_space<hbm>> -> memref<128x144xf32, #tpu.memory_space<hbm>>
        %dma_wait3A_265 = arith.constant 0 : i32
        %dma_wait3A_266 = arith.constant 0 : i32
        %dma_wait3A_267 = tpu.memref_slice %arg4[%dma_wait3A_265, %dma_wait3A_266] : memref<491520x144xf32, #tpu.memory_space<hbm>> -> memref<128x144xf32, #tpu.memory_space<hbm>>
        tpu.wait_dma2 semaphore(%arg18 : memref<!tpu.dma_semaphore, #tpu.memory_space<semaphore_mem>>) src(%arg10 : memref<128x144xf32, #tpu.memory_space<vmem>>) dst(%dma_wait3A_267 : memref<128x144xf32, #tpu.memory_space<hbm>>)
      } else {
      }
      %add3A_121 = arith.constant 4 : i32
      %add3A_122 = arith.addi %mul3A_46, %add3A_121 : i32
      %mul3A_123 = arith.constant 128 : i32
      %mul3A_124 = arith.muli %add3A_122, %mul3A_123 : i32
      %add3A_125 = arith.addi %mul3A_2, %mul3A_124 : i32
      "tpu.region"() ({
        %run_scoped3A = tpu.sem_alloc : memref<!tpu.dma_semaphore, #tpu.memory_space<semaphore_mem>>
        %dma_start3A_262 = tpu.memref_slice %arg3[%add3A_125] : memref<491520xi32, #tpu.memory_space<hbm>> -> memref<512xi32, #tpu.memory_space<hbm>>
        %dma_start3A_263 = tpu.memref_slice %arg3[%add3A_125] : memref<491520xi32, #tpu.memory_space<hbm>> -> memref<512xi32, #tpu.memory_space<hbm>>
        tpu.enqueue_dma source(%dma_start3A_263 : memref<512xi32, #tpu.memory_space<hbm>>) target(%arg6 : memref<512xi32, #tpu.memory_space<vmem>>) target_semaphore(%run_scoped3A : memref<!tpu.dma_semaphore, #tpu.memory_space<semaphore_mem>>)
        %dma_wait3A_264 = tpu.memref_slice %arg3[%add3A_125] : memref<491520xi32, #tpu.memory_space<hbm>> -> memref<512xi32, #tpu.memory_space<hbm>>
        %dma_wait3A_265 = tpu.memref_slice %arg3[%add3A_125] : memref<491520xi32, #tpu.memory_space<hbm>> -> memref<512xi32, #tpu.memory_space<hbm>>
        tpu.wait_dma2 semaphore(%run_scoped3A : memref<!tpu.dma_semaphore, #tpu.memory_space<semaphore_mem>>) src(%dma_wait3A_265 : memref<512xi32, #tpu.memory_space<hbm>>) dst(%arg6 : memref<512xi32, #tpu.memory_space<vmem>>)
        tpu.yield
      }) : () -> ()
      %dma_start3A_126 = arith.constant 384 : i32
      %dma_start3A_127 = tpu.memref_slice %arg5[%dma_start3A_126] : memref<512xi32, #tpu.memory_space<vmem>> -> memref<128xi32, #tpu.memory_space<vmem>>
      %dma_start3A_128 = arith.constant 0 : i32
      %dma_start3A_129 = arith.constant 0 : i32
      %dma_start3A_130 = tpu.memref_slice %arg2[%dma_start3A_128, %dma_start3A_129] : memref<10240x144xf32, #tpu.memory_space<hbm>> -> memref<10240x144xf32, #tpu.memory_space<hbm>>
      tpu.enqueue_indirect_dma source(%dma_start3A_130 : memref<10240x144xf32, #tpu.memory_space<hbm>>) target(%arg10 : memref<128x144xf32, #tpu.memory_space<vmem>>) offsets(%dma_start3A_127 : memref<128xi32, #tpu.memory_space<vmem>>) semaphore(%arg14 : memref<!tpu.dma_semaphore, #tpu.memory_space<semaphore_mem>>)
      %dma_wait3A_131 = arith.constant 0 : i32
      %dma_wait3A_132 = arith.constant 0 : i32
      %dma_wait3A_133 = tpu.memref_slice %arg4[%dma_wait3A_131, %dma_wait3A_132] : memref<491520x144xf32, #tpu.memory_space<hbm>> -> memref<128x144xf32, #tpu.memory_space<hbm>>
      %dma_wait3A_134 = arith.constant 0 : i32
      %dma_wait3A_135 = arith.constant 0 : i32
      %dma_wait3A_136 = tpu.memref_slice %arg4[%dma_wait3A_134, %dma_wait3A_135] : memref<491520x144xf32, #tpu.memory_space<hbm>> -> memref<128x144xf32, #tpu.memory_space<hbm>>
      tpu.wait_dma2 semaphore(%arg13 : memref<!tpu.dma_semaphore, #tpu.memory_space<semaphore_mem>>) src(%dma_wait3A_136 : memref<128x144xf32, #tpu.memory_space<hbm>>) dst(%arg9 : memref<128x144xf32, #tpu.memory_space<vmem>>)
      %sub3A_137 = arith.constant 1 : i32
      %sub3A_138 = arith.subi %add3A_115, %sub3A_137 : i32
      %mul3A_139 = arith.constant 128 : i32
      %mul3A_140 = arith.muli %sub3A_138, %mul3A_139 : i32
      %add3A_141 = arith.addi %mul3A_2, %mul3A_140 : i32
      %dma_start3A_142 = arith.constant 0 : i32
      %dma_start3A_143 = tpu.memref_slice %arg4[%add3A_141, %dma_start3A_142] : memref<491520x144xf32, #tpu.memory_space<hbm>> -> memref<128x144xf32, #tpu.memory_space<hbm>>
      %dma_start3A_144 = arith.constant 0 : i32
      %dma_start3A_145 = tpu.memref_slice %arg4[%add3A_141, %dma_start3A_144] : memref<491520x144xf32, #tpu.memory_space<hbm>> -> memref<128x144xf32, #tpu.memory_space<hbm>>
      tpu.enqueue_dma source(%arg9 : memref<128x144xf32, #tpu.memory_space<vmem>>) target(%dma_start3A_145 : memref<128x144xf32, #tpu.memory_space<hbm>>) target_semaphore(%arg17 : memref<!tpu.dma_semaphore, #tpu.memory_space<semaphore_mem>>)
      %add3A_146 = arith.constant 4 : i32
      %add3A_147 = arith.addi %mul3A_46, %add3A_146 : i32
      %dma_wait3A_148 = arith.constant 0 : i32
      %dma_wait3A_149 = arith.constant 0 : i32
      %dma_wait3A_150 = tpu.memref_slice %arg4[%dma_wait3A_148, %dma_wait3A_149] : memref<491520x144xf32, #tpu.memory_space<hbm>> -> memref<128x144xf32, #tpu.memory_space<hbm>>
      %dma_wait3A_151 = arith.constant 0 : i32
      %dma_wait3A_152 = arith.constant 0 : i32
      %dma_wait3A_153 = tpu.memref_slice %arg4[%dma_wait3A_151, %dma_wait3A_152] : memref<491520x144xf32, #tpu.memory_space<hbm>> -> memref<128x144xf32, #tpu.memory_space<hbm>>
      tpu.wait_dma2 semaphore(%arg15 : memref<!tpu.dma_semaphore, #tpu.memory_space<semaphore_mem>>) src(%arg7 : memref<128x144xf32, #tpu.memory_space<vmem>>) dst(%dma_wait3A_153 : memref<128x144xf32, #tpu.memory_space<hbm>>)
      %dma_start3A_154 = arith.constant 0 : i32
      %dma_start3A_155 = tpu.memref_slice %arg6[%dma_start3A_154] : memref<512xi32, #tpu.memory_space<vmem>> -> memref<128xi32, #tpu.memory_space<vmem>>
      %dma_start3A_156 = arith.constant 0 : i32
      %dma_start3A_157 = arith.constant 0 : i32
      %dma_start3A_158 = tpu.memref_slice %arg2[%dma_start3A_156, %dma_start3A_157] : memref<10240x144xf32, #tpu.memory_space<hbm>> -> memref<10240x144xf32, #tpu.memory_space<hbm>>
      tpu.enqueue_indirect_dma source(%dma_start3A_158 : memref<10240x144xf32, #tpu.memory_space<hbm>>) target(%arg7 : memref<128x144xf32, #tpu.memory_space<vmem>>) offsets(%dma_start3A_155 : memref<128xi32, #tpu.memory_space<vmem>>) semaphore(%arg11 : memref<!tpu.dma_semaphore, #tpu.memory_space<semaphore_mem>>)
      %dma_wait3A_159 = arith.constant 0 : i32
      %dma_wait3A_160 = arith.constant 0 : i32
      %dma_wait3A_161 = tpu.memref_slice %arg4[%dma_wait3A_159, %dma_wait3A_160] : memref<491520x144xf32, #tpu.memory_space<hbm>> -> memref<128x144xf32, #tpu.memory_space<hbm>>
      %dma_wait3A_162 = arith.constant 0 : i32
      %dma_wait3A_163 = arith.constant 0 : i32
      %dma_wait3A_164 = tpu.memref_slice %arg4[%dma_wait3A_162, %dma_wait3A_163] : memref<491520x144xf32, #tpu.memory_space<hbm>> -> memref<128x144xf32, #tpu.memory_space<hbm>>
      tpu.wait_dma2 semaphore(%arg14 : memref<!tpu.dma_semaphore, #tpu.memory_space<semaphore_mem>>) src(%dma_wait3A_164 : memref<128x144xf32, #tpu.memory_space<hbm>>) dst(%arg10 : memref<128x144xf32, #tpu.memory_space<vmem>>)
      %sub3A_165 = arith.constant 1 : i32
      %sub3A_166 = arith.subi %add3A_147, %sub3A_165 : i32
      %mul3A_167 = arith.constant 128 : i32
      %mul3A_168 = arith.muli %sub3A_166, %mul3A_167 : i32
      %add3A_169 = arith.addi %mul3A_2, %mul3A_168 : i32
      %dma_start3A_170 = arith.constant 0 : i32
      %dma_start3A_171 = tpu.memref_slice %arg4[%add3A_169, %dma_start3A_170] : memref<491520x144xf32, #tpu.memory_space<hbm>> -> memref<128x144xf32, #tpu.memory_space<hbm>>
      %dma_start3A_172 = arith.constant 0 : i32
      %dma_start3A_173 = tpu.memref_slice %arg4[%add3A_169, %dma_start3A_172] : memref<491520x144xf32, #tpu.memory_space<hbm>> -> memref<128x144xf32, #tpu.memory_space<hbm>>
      tpu.enqueue_dma source(%arg10 : memref<128x144xf32, #tpu.memory_space<vmem>>) target(%dma_start3A_173 : memref<128x144xf32, #tpu.memory_space<hbm>>) target_semaphore(%arg18 : memref<!tpu.dma_semaphore, #tpu.memory_space<semaphore_mem>>)
      %add3A_174 = arith.constant 5 : i32
      %add3A_175 = arith.addi %mul3A_46, %add3A_174 : i32
      %dma_wait3A_176 = arith.constant 0 : i32
      %dma_wait3A_177 = arith.constant 0 : i32
      %dma_wait3A_178 = tpu.memref_slice %arg4[%dma_wait3A_176, %dma_wait3A_177] : memref<491520x144xf32, #tpu.memory_space<hbm>> -> memref<128x144xf32, #tpu.memory_space<hbm>>
      %dma_wait3A_179 = arith.constant 0 : i32
      %dma_wait3A_180 = arith.constant 0 : i32
      %dma_wait3A_181 = tpu.memref_slice %arg4[%dma_wait3A_179, %dma_wait3A_180] : memref<491520x144xf32, #tpu.memory_space<hbm>> -> memref<128x144xf32, #tpu.memory_space<hbm>>
      tpu.wait_dma2 semaphore(%arg16 : memref<!tpu.dma_semaphore, #tpu.memory_space<semaphore_mem>>) src(%arg8 : memref<128x144xf32, #tpu.memory_space<vmem>>) dst(%dma_wait3A_181 : memref<128x144xf32, #tpu.memory_space<hbm>>)
      %dma_start3A_182 = arith.constant 128 : i32
      %dma_start3A_183 = tpu.memref_slice %arg6[%dma_start3A_182] : memref<512xi32, #tpu.memory_space<vmem>> -> memref<128xi32, #tpu.memory_space<vmem>>
      %dma_start3A_184 = arith.constant 0 : i32
      %dma_start3A_185 = arith.constant 0 : i32
      %dma_start3A_186 = tpu.memref_slice %arg2[%dma_start3A_184, %dma_start3A_185] : memref<10240x144xf32, #tpu.memory_space<hbm>> -> memref<10240x144xf32, #tpu.memory_space<hbm>>
      tpu.enqueue_indirect_dma source(%dma_start3A_186 : memref<10240x144xf32, #tpu.memory_space<hbm>>) target(%arg8 : memref<128x144xf32, #tpu.memory_space<vmem>>) offsets(%dma_start3A_183 : memref<128xi32, #tpu.memory_space<vmem>>) semaphore(%arg12 : memref<!tpu.dma_semaphore, #tpu.memory_space<semaphore_mem>>)
      %dma_wait3A_187 = arith.constant 0 : i32
      %dma_wait3A_188 = arith.constant 0 : i32
      %dma_wait3A_189 = tpu.memref_slice %arg4[%dma_wait3A_187, %dma_wait3A_188] : memref<491520x144xf32, #tpu.memory_space<hbm>> -> memref<128x144xf32, #tpu.memory_space<hbm>>
      %dma_wait3A_190 = arith.constant 0 : i32
      %dma_wait3A_191 = arith.constant 0 : i32
      %dma_wait3A_192 = tpu.memref_slice %arg4[%dma_wait3A_190, %dma_wait3A_191] : memref<491520x144xf32, #tpu.memory_space<hbm>> -> memref<128x144xf32, #tpu.memory_space<hbm>>
      tpu.wait_dma2 semaphore(%arg11 : memref<!tpu.dma_semaphore, #tpu.memory_space<semaphore_mem>>) src(%dma_wait3A_192 : memref<128x144xf32, #tpu.memory_space<hbm>>) dst(%arg7 : memref<128x144xf32, #tpu.memory_space<vmem>>)
      %sub3A_193 = arith.constant 1 : i32
      %sub3A_194 = arith.subi %add3A_175, %sub3A_193 : i32
      %mul3A_195 = arith.constant 128 : i32
      %mul3A_196 = arith.muli %sub3A_194, %mul3A_195 : i32
      %add3A_197 = arith.addi %mul3A_2, %mul3A_196 : i32
      %dma_start3A_198 = arith.constant 0 : i32
      %dma_start3A_199 = tpu.memref_slice %arg4[%add3A_197, %dma_start3A_198] : memref<491520x144xf32, #tpu.memory_space<hbm>> -> memref<128x144xf32, #tpu.memory_space<hbm>>
      %dma_start3A_200 = arith.constant 0 : i32
      %dma_start3A_201 = tpu.memref_slice %arg4[%add3A_197, %dma_start3A_200] : memref<491520x144xf32, #tpu.memory_space<hbm>> -> memref<128x144xf32, #tpu.memory_space<hbm>>
      tpu.enqueue_dma source(%arg7 : memref<128x144xf32, #tpu.memory_space<vmem>>) target(%dma_start3A_201 : memref<128x144xf32, #tpu.memory_space<hbm>>) target_semaphore(%arg15 : memref<!tpu.dma_semaphore, #tpu.memory_space<semaphore_mem>>)
      %add3A_202 = arith.constant 6 : i32
      %add3A_203 = arith.addi %mul3A_46, %add3A_202 : i32
      %dma_wait3A_204 = arith.constant 0 : i32
      %dma_wait3A_205 = arith.constant 0 : i32
      %dma_wait3A_206 = tpu.memref_slice %arg4[%dma_wait3A_204, %dma_wait3A_205] : memref<491520x144xf32, #tpu.memory_space<hbm>> -> memref<128x144xf32, #tpu.memory_space<hbm>>
      %dma_wait3A_207 = arith.constant 0 : i32
      %dma_wait3A_208 = arith.constant 0 : i32
      %dma_wait3A_209 = tpu.memref_slice %arg4[%dma_wait3A_207, %dma_wait3A_208] : memref<491520x144xf32, #tpu.memory_space<hbm>> -> memref<128x144xf32, #tpu.memory_space<hbm>>
      tpu.wait_dma2 semaphore(%arg17 : memref<!tpu.dma_semaphore, #tpu.memory_space<semaphore_mem>>) src(%arg9 : memref<128x144xf32, #tpu.memory_space<vmem>>) dst(%dma_wait3A_209 : memref<128x144xf32, #tpu.memory_space<hbm>>)
      %dma_start3A_210 = arith.constant 256 : i32
      %dma_start3A_211 = tpu.memref_slice %arg6[%dma_start3A_210] : memref<512xi32, #tpu.memory_space<vmem>> -> memref<128xi32, #tpu.memory_space<vmem>>
      %dma_start3A_212 = arith.constant 0 : i32
      %dma_start3A_213 = arith.constant 0 : i32
      %dma_start3A_214 = tpu.memref_slice %arg2[%dma_start3A_212, %dma_start3A_213] : memref<10240x144xf32, #tpu.memory_space<hbm>> -> memref<10240x144xf32, #tpu.memory_space<hbm>>
      tpu.enqueue_indirect_dma source(%dma_start3A_214 : memref<10240x144xf32, #tpu.memory_space<hbm>>) target(%arg9 : memref<128x144xf32, #tpu.memory_space<vmem>>) offsets(%dma_start3A_211 : memref<128xi32, #tpu.memory_space<vmem>>) semaphore(%arg13 : memref<!tpu.dma_semaphore, #tpu.memory_space<semaphore_mem>>)
      %dma_wait3A_215 = arith.constant 0 : i32
      %dma_wait3A_216 = arith.constant 0 : i32
      %dma_wait3A_217 = tpu.memref_slice %arg4[%dma_wait3A_215, %dma_wait3A_216] : memref<491520x144xf32, #tpu.memory_space<hbm>> -> memref<128x144xf32, #tpu.memory_space<hbm>>
      %dma_wait3A_218 = arith.constant 0 : i32
      %dma_wait3A_219 = arith.constant 0 : i32
      %dma_wait3A_220 = tpu.memref_slice %arg4[%dma_wait3A_218, %dma_wait3A_219] : memref<491520x144xf32, #tpu.memory_space<hbm>> -> memref<128x144xf32, #tpu.memory_space<hbm>>
      tpu.wait_dma2 semaphore(%arg12 : memref<!tpu.dma_semaphore, #tpu.memory_space<semaphore_mem>>) src(%dma_wait3A_220 : memref<128x144xf32, #tpu.memory_space<hbm>>) dst(%arg8 : memref<128x144xf32, #tpu.memory_space<vmem>>)
      %sub3A_221 = arith.constant 1 : i32
      %sub3A_222 = arith.subi %add3A_203, %sub3A_221 : i32
      %mul3A_223 = arith.constant 128 : i32
      %mul3A_224 = arith.muli %sub3A_222, %mul3A_223 : i32
      %add3A_225 = arith.addi %mul3A_2, %mul3A_224 : i32
      %dma_start3A_226 = arith.constant 0 : i32
      %dma_start3A_227 = tpu.memref_slice %arg4[%add3A_225, %dma_start3A_226] : memref<491520x144xf32, #tpu.memory_space<hbm>> -> memref<128x144xf32, #tpu.memory_space<hbm>>
      %dma_start3A_228 = arith.constant 0 : i32
      %dma_start3A_229 = tpu.memref_slice %arg4[%add3A_225, %dma_start3A_228] : memref<491520x144xf32, #tpu.memory_space<hbm>> -> memref<128x144xf32, #tpu.memory_space<hbm>>
      tpu.enqueue_dma source(%arg8 : memref<128x144xf32, #tpu.memory_space<vmem>>) target(%dma_start3A_229 : memref<128x144xf32, #tpu.memory_space<hbm>>) target_semaphore(%arg16 : memref<!tpu.dma_semaphore, #tpu.memory_space<semaphore_mem>>)
      %add3A_230 = arith.constant 7 : i32
      %add3A_231 = arith.addi %mul3A_46, %add3A_230 : i32
      %dma_wait3A_232 = arith.constant 0 : i32
      %dma_wait3A_233 = arith.constant 0 : i32
      %dma_wait3A_234 = tpu.memref_slice %arg4[%dma_wait3A_232, %dma_wait3A_233] : memref<491520x144xf32, #tpu.memory_space<hbm>> -> memref<128x144xf32, #tpu.memory_space<hbm>>
      %dma_wait3A_235 = arith.constant 0 : i32
      %dma_wait3A_236 = arith.constant 0 : i32
      %dma_wait3A_237 = tpu.memref_slice %arg4[%dma_wait3A_235, %dma_wait3A_236] : memref<491520x144xf32, #tpu.memory_space<hbm>> -> memref<128x144xf32, #tpu.memory_space<hbm>>
      tpu.wait_dma2 semaphore(%arg18 : memref<!tpu.dma_semaphore, #tpu.memory_space<semaphore_mem>>) src(%arg10 : memref<128x144xf32, #tpu.memory_space<vmem>>) dst(%dma_wait3A_237 : memref<128x144xf32, #tpu.memory_space<hbm>>)
      %lt3A = arith.constant 14 : i32
      %lt3A_238 = arith.cmpi slt, %scan3A_44, %lt3A : i32
      %convert_element_type3A_239 = arith.extui %lt3A_238 : i1 to i32
      %cond3A_240 = arith.constant 0 : i32
      %cond3A_241 = arith.cmpi ne, %convert_element_type3A_239, %cond3A_240 : i32
      scf.if %cond3A_241 {
        %add3A_262 = arith.constant 8 : i32
        %add3A_263 = arith.addi %mul3A_46, %add3A_262 : i32
        %mul3A_264 = arith.constant 128 : i32
        %mul3A_265 = arith.muli %add3A_263, %mul3A_264 : i32
        %add3A_266 = arith.addi %mul3A_2, %mul3A_265 : i32
        "tpu.region"() ({
          %run_scoped3A = tpu.sem_alloc : memref<!tpu.dma_semaphore, #tpu.memory_space<semaphore_mem>>
          %dma_start3A_267 = tpu.memref_slice %arg3[%add3A_266] : memref<491520xi32, #tpu.memory_space<hbm>> -> memref<512xi32, #tpu.memory_space<hbm>>
          %dma_start3A_268 = tpu.memref_slice %arg3[%add3A_266] : memref<491520xi32, #tpu.memory_space<hbm>> -> memref<512xi32, #tpu.memory_space<hbm>>
          tpu.enqueue_dma source(%dma_start3A_268 : memref<512xi32, #tpu.memory_space<hbm>>) target(%arg5 : memref<512xi32, #tpu.memory_space<vmem>>) target_semaphore(%run_scoped3A : memref<!tpu.dma_semaphore, #tpu.memory_space<semaphore_mem>>)
          %dma_wait3A_269 = tpu.memref_slice %arg3[%add3A_266] : memref<491520xi32, #tpu.memory_space<hbm>> -> memref<512xi32, #tpu.memory_space<hbm>>
          %dma_wait3A_270 = tpu.memref_slice %arg3[%add3A_266] : memref<491520xi32, #tpu.memory_space<hbm>> -> memref<512xi32, #tpu.memory_space<hbm>>
          tpu.wait_dma2 semaphore(%run_scoped3A : memref<!tpu.dma_semaphore, #tpu.memory_space<semaphore_mem>>) src(%dma_wait3A_270 : memref<512xi32, #tpu.memory_space<hbm>>) dst(%arg5 : memref<512xi32, #tpu.memory_space<vmem>>)
          tpu.yield
        }) : () -> ()
      } else {
      }
      %dma_start3A_242 = arith.constant 384 : i32
      %dma_start3A_243 = tpu.memref_slice %arg6[%dma_start3A_242] : memref<512xi32, #tpu.memory_space<vmem>> -> memref<128xi32, #tpu.memory_space<vmem>>
      %dma_start3A_244 = arith.constant 0 : i32
      %dma_start3A_245 = arith.constant 0 : i32
      %dma_start3A_246 = tpu.memref_slice %arg2[%dma_start3A_244, %dma_start3A_245] : memref<10240x144xf32, #tpu.memory_space<hbm>> -> memref<10240x144xf32, #tpu.memory_space<hbm>>
      tpu.enqueue_indirect_dma source(%dma_start3A_246 : memref<10240x144xf32, #tpu.memory_space<hbm>>) target(%arg10 : memref<128x144xf32, #tpu.memory_space<vmem>>) offsets(%dma_start3A_243 : memref<128xi32, #tpu.memory_space<vmem>>) semaphore(%arg14 : memref<!tpu.dma_semaphore, #tpu.memory_space<semaphore_mem>>)
      %dma_wait3A_247 = arith.constant 0 : i32
      %dma_wait3A_248 = arith.constant 0 : i32
      %dma_wait3A_249 = tpu.memref_slice %arg4[%dma_wait3A_247, %dma_wait3A_248] : memref<491520x144xf32, #tpu.memory_space<hbm>> -> memref<128x144xf32, #tpu.memory_space<hbm>>
      %dma_wait3A_250 = arith.constant 0 : i32
      %dma_wait3A_251 = arith.constant 0 : i32
      %dma_wait3A_252 = tpu.memref_slice %arg4[%dma_wait3A_250, %dma_wait3A_251] : memref<491520x144xf32, #tpu.memory_space<hbm>> -> memref<128x144xf32, #tpu.memory_space<hbm>>
      tpu.wait_dma2 semaphore(%arg13 : memref<!tpu.dma_semaphore, #tpu.memory_space<semaphore_mem>>) src(%dma_wait3A_252 : memref<128x144xf32, #tpu.memory_space<hbm>>) dst(%arg9 : memref<128x144xf32, #tpu.memory_space<vmem>>)
      %sub3A_253 = arith.constant 1 : i32
      %sub3A_254 = arith.subi %add3A_231, %sub3A_253 : i32
      %mul3A_255 = arith.constant 128 : i32
      %mul3A_256 = arith.muli %sub3A_254, %mul3A_255 : i32
      %add3A_257 = arith.addi %mul3A_2, %mul3A_256 : i32
      %dma_start3A_258 = arith.constant 0 : i32
      %dma_start3A_259 = tpu.memref_slice %arg4[%add3A_257, %dma_start3A_258] : memref<491520x144xf32, #tpu.memory_space<hbm>> -> memref<128x144xf32, #tpu.memory_space<hbm>>
      %dma_start3A_260 = arith.constant 0 : i32
      %dma_start3A_261 = tpu.memref_slice %arg4[%add3A_257, %dma_start3A_260] : memref<491520x144xf32, #tpu.memory_space<hbm>> -> memref<128x144xf32, #tpu.memory_space<hbm>>
      tpu.enqueue_dma source(%arg9 : memref<128x144xf32, #tpu.memory_space<vmem>>) target(%dma_start3A_261 : memref<128x144xf32, #tpu.memory_space<hbm>>) target_semaphore(%arg17 : memref<!tpu.dma_semaphore, #tpu.memory_space<semaphore_mem>>)
    }
    %scan3A_9 = arith.constant 15 : i32
    %dma_wait3A = arith.constant 0 : i32
    %dma_wait3A_10 = arith.constant 0 : i32
    %dma_wait3A_11 = tpu.memref_slice %arg4[%dma_wait3A, %dma_wait3A_10] : memref<491520x144xf32, #tpu.memory_space<hbm>> -> memref<128x144xf32, #tpu.memory_space<hbm>>
    %dma_wait3A_12 = arith.constant 0 : i32
    %dma_wait3A_13 = arith.constant 0 : i32
    %dma_wait3A_14 = tpu.memref_slice %arg4[%dma_wait3A_12, %dma_wait3A_13] : memref<491520x144xf32, #tpu.memory_space<hbm>> -> memref<128x144xf32, #tpu.memory_space<hbm>>
    tpu.wait_dma2 semaphore(%arg14 : memref<!tpu.dma_semaphore, #tpu.memory_space<semaphore_mem>>) src(%dma_wait3A_14 : memref<128x144xf32, #tpu.memory_space<hbm>>) dst(%arg10 : memref<128x144xf32, #tpu.memory_space<vmem>>)
    %add3A_15 = arith.constant 15232 : i32
    %add3A_16 = arith.addi %mul3A_2, %add3A_15 : i32
    %dma_start3A = arith.constant 0 : i32
    %dma_start3A_17 = tpu.memref_slice %arg4[%add3A_16, %dma_start3A] : memref<491520x144xf32, #tpu.memory_space<hbm>> -> memref<128x144xf32, #tpu.memory_space<hbm>>
    %dma_start3A_18 = arith.constant 0 : i32
    %dma_start3A_19 = tpu.memref_slice %arg4[%add3A_16, %dma_start3A_18] : memref<491520x144xf32, #tpu.memory_space<hbm>> -> memref<128x144xf32, #tpu.memory_space<hbm>>
    tpu.enqueue_dma source(%arg10 : memref<128x144xf32, #tpu.memory_space<vmem>>) target(%dma_start3A_19 : memref<128x144xf32, #tpu.memory_space<hbm>>) target_semaphore(%arg18 : memref<!tpu.dma_semaphore, #tpu.memory_space<semaphore_mem>>)
    %dma_wait3A_20 = arith.constant 0 : i32
    %dma_wait3A_21 = arith.constant 0 : i32
    %dma_wait3A_22 = tpu.memref_slice %arg4[%dma_wait3A_20, %dma_wait3A_21] : memref<491520x144xf32, #tpu.memory_space<hbm>> -> memref<128x144xf32, #tpu.memory_space<hbm>>
    %dma_wait3A_23 = arith.constant 0 : i32
    %dma_wait3A_24 = arith.constant 0 : i32
    %dma_wait3A_25 = tpu.memref_slice %arg4[%dma_wait3A_23, %dma_wait3A_24] : memref<491520x144xf32, #tpu.memory_space<hbm>> -> memref<128x144xf32, #tpu.memory_space<hbm>>
    tpu.wait_dma2 semaphore(%arg15 : memref<!tpu.dma_semaphore, #tpu.memory_space<semaphore_mem>>) src(%arg7 : memref<128x144xf32, #tpu.memory_space<vmem>>) dst(%dma_wait3A_25 : memref<128x144xf32, #tpu.memory_space<hbm>>)
    %dma_wait3A_26 = arith.constant 0 : i32
    %dma_wait3A_27 = arith.constant 0 : i32
    %dma_wait3A_28 = tpu.memref_slice %arg4[%dma_wait3A_26, %dma_wait3A_27] : memref<491520x144xf32, #tpu.memory_space<hbm>> -> memref<128x144xf32, #tpu.memory_space<hbm>>
    %dma_wait3A_29 = arith.constant 0 : i32
    %dma_wait3A_30 = arith.constant 0 : i32
    %dma_wait3A_31 = tpu.memref_slice %arg4[%dma_wait3A_29, %dma_wait3A_30] : memref<491520x144xf32, #tpu.memory_space<hbm>> -> memref<128x144xf32, #tpu.memory_space<hbm>>
    tpu.wait_dma2 semaphore(%arg16 : memref<!tpu.dma_semaphore, #tpu.memory_space<semaphore_mem>>) src(%arg8 : memref<128x144xf32, #tpu.memory_space<vmem>>) dst(%dma_wait3A_31 : memref<128x144xf32, #tpu.memory_space<hbm>>)
    %dma_wait3A_32 = arith.constant 0 : i32
    %dma_wait3A_33 = arith.constant 0 : i32
    %dma_wait3A_34 = tpu.memref_slice %arg4[%dma_wait3A_32, %dma_wait3A_33] : memref<491520x144xf32, #tpu.memory_space<hbm>> -> memref<128x144xf32, #tpu.memory_space<hbm>>
    %dma_wait3A_35 = arith.constant 0 : i32
    %dma_wait3A_36 = arith.constant 0 : i32
    %dma_wait3A_37 = tpu.memref_slice %arg4[%dma_wait3A_35, %dma_wait3A_36] : memref<491520x144xf32, #tpu.memory_space<hbm>> -> memref<128x144xf32, #tpu.memory_space<hbm>>
    tpu.wait_dma2 semaphore(%arg17 : memref<!tpu.dma_semaphore, #tpu.memory_space<semaphore_mem>>) src(%arg9 : memref<128x144xf32, #tpu.memory_space<vmem>>) dst(%dma_wait3A_37 : memref<128x144xf32, #tpu.memory_space<hbm>>)
    %dma_wait3A_38 = arith.constant 0 : i32
    %dma_wait3A_39 = arith.constant 0 : i32
    %dma_wait3A_40 = tpu.memref_slice %arg4[%dma_wait3A_38, %dma_wait3A_39] : memref<491520x144xf32, #tpu.memory_space<hbm>> -> memref<128x144xf32, #tpu.memory_space<hbm>>
    %dma_wait3A_41 = arith.constant 0 : i32
    %dma_wait3A_42 = arith.constant 0 : i32
    %dma_wait3A_43 = tpu.memref_slice %arg4[%dma_wait3A_41, %dma_wait3A_42] : memref<491520x144xf32, #tpu.memory_space<hbm>> -> memref<128x144xf32, #tpu.memory_space<hbm>>
    tpu.wait_dma2 semaphore(%arg18 : memref<!tpu.dma_semaphore, #tpu.memory_space<semaphore_mem>>) src(%arg10 : memref<128x144xf32, #tpu.memory_space<vmem>>) dst(%dma_wait3A_43 : memref<128x144xf32, #tpu.memory_space<hbm>>)
    return
  }
}

module attributes {stable_mosaic.version = 14 : i64} {
  func.func @_matmul_kernel(%arg0: i32, %arg1: memref<512x128xf32, #tpu.memory_space<vmem>>, %arg2: memref<128x144xf32, #tpu.memory_space<vmem>>, %arg3: memref<512x144xf32, #tpu.memory_space<vmem>>) attributes {dimension_semantics = [#tpu.dimension_semantics<arbitrary>], iteration_bounds = array<i64: 20>, scalar_prefetch = 0 : i64, scratch_operands = 0 : i64, tpu.core_type = #tpu.core_type<tc>, window_params = [{transform_indices = @transform_0, window_bounds = array<i64: 512, 128>}, {pipeline_mode = #tpu.pipeline_mode<synchronous>, transform_indices = @transform_1, window_bounds = array<i64: 128, 144>}, {transform_indices = @transform_2, window_bounds = array<i64: 512, 144>}]} {
    %get3A = arith.constant 0 : index
    %get3A_0 = arith.constant 0 : index
    %get3A_1 = vector.load %arg1[%get3A, %get3A_0] : memref<512x128xf32, #tpu.memory_space<vmem>>, vector<512x128xf32>
    %get3A_2 = arith.constant 0 : index
    %get3A_3 = arith.constant 0 : index
    %get3A_4 = vector.load %arg2[%get3A_2, %get3A_3] : memref<128x144xf32, #tpu.memory_space<vmem>>, vector<128x144xf32>
    %dot_general3A = arith.constant dense<0.000000e+00> : vector<512x144xf32>
    %dot_general3A_5 = tpu.matmul %get3A_1, %get3A_4, %dot_general3A {dimension_numbers = #tpu.dot_dimension_numbers<[1], [0], [0], [1], [0, 0, 1, 1], [], []>, transpose_lhs_hint = false} : vector<512x128xf32>, vector<128x144xf32>, vector<512x144xf32> -> vector<512x144xf32>
    %swap3A = arith.constant 0 : index
    %swap3A_6 = arith.constant 0 : index
    %swap3A_7 = vector.load %arg3[%swap3A, %swap3A_6] : memref<512x144xf32, #tpu.memory_space<vmem>>, vector<512x144xf32>
    tpu.vector_store %arg3[%swap3A, %swap3A_6], %dot_general3A_5 {strides = array<i32>} : memref<512x144xf32, #tpu.memory_space<vmem>>, vector<512x144xf32>,
    return
  }
  func.func @transform_0(%arg0: i32) -> (i32, i32) {
    %c0_i32 = arith.constant 0 : i32
    %c0_i32_0 = arith.constant 0 : i32
    return %arg0, %c0_i32 : i32, i32
  }
  func.func @transform_1(%arg0: i32) -> (i32, i32) {
    %c0_i32 = arith.constant 0 : i32
    %c0_i32_0 = arith.constant 0 : i32
    %c0_i32_1 = arith.constant 0 : i32
    return %c0_i32, %c0_i32_0 : i32, i32
  }
  func.func @transform_2(%arg0: i32) -> (i32, i32) {
    %c0_i32 = arith.constant 0 : i32
    %c0_i32_0 = arith.constant 0 : i32
    return %arg0, %c0_i32 : i32, i32
  }
}

module attributes {stable_mosaic.version = 14 : i64} {
  func.func @_combine_kernel(%arg0: i32, %arg1: memref<3072x144xf32, #tpu.memory_space<vmem>>, %arg2: memref<1x3072xf32, #tpu.memory_space<vmem>>, %arg3: memref<1x3072xf32, #tpu.memory_space<vmem>>, %arg4: memref<1x3072xf32, #tpu.memory_space<vmem>>, %arg5: memref<64x1xf32, #tpu.memory_space<vmem>>, %arg6: memref<10x100xf32, #tpu.memory_space<vmem>>, %arg7: memref<1x100xf32, #tpu.memory_space<vmem>>, %arg8: memref<100x144xf32, #tpu.memory_space<vmem>>, %arg9: memref<9x144xf32, #tpu.memory_space<vmem>>, %arg10: memref<1x144xf32, #tpu.memory_space<vmem>>, %arg11: memref<144x144xf32, #tpu.memory_space<vmem>>, %arg12: memref<64x144xf32, #tpu.memory_space<vmem>>) attributes {dimension_semantics = [#tpu.dimension_semantics<arbitrary>], iteration_bounds = array<i64: 160>, scalar_prefetch = 0 : i64, scratch_operands = 0 : i64, tpu.core_type = #tpu.core_type<tc>, window_params = [{transform_indices = @transform_0, window_bounds = array<i64: 3072, 144>}, {transform_indices = @transform_1, window_bounds = array<i64: 1, 3072>}, {transform_indices = @transform_2, window_bounds = array<i64: 1, 3072>}, {transform_indices = @transform_3, window_bounds = array<i64: 1, 3072>}, {transform_indices = @transform_4, window_bounds = array<i64: 64, 1>}, {pipeline_mode = #tpu.pipeline_mode<synchronous>, transform_indices = @transform_5, window_bounds = array<i64: 10, 100>}, {pipeline_mode = #tpu.pipeline_mode<synchronous>, transform_indices = @transform_6, window_bounds = array<i64: 1, 100>}, {pipeline_mode = #tpu.pipeline_mode<synchronous>, transform_indices = @transform_7, window_bounds = array<i64: 100, 144>}, {pipeline_mode = #tpu.pipeline_mode<synchronous>, transform_indices = @transform_8, window_bounds = array<i64: 9, 144>}, {pipeline_mode = #tpu.pipeline_mode<synchronous>, transform_indices = @transform_9, window_bounds = array<i64: 1, 144>}, {pipeline_mode = #tpu.pipeline_mode<synchronous>, transform_indices = @transform_10, window_bounds = array<i64: 144, 144>}, {transform_indices = @transform_11, window_bounds = array<i64: 64, 144>}]} {
    %get3A = arith.constant 0 : index
    %get3A_0 = arith.constant 0 : index
    %get3A_1 = vector.load %arg2[%get3A, %get3A_0] : memref<1x3072xf32, #tpu.memory_space<vmem>>, vector<1x3072xf32>
    %get3A_2 = arith.constant 0 : index
    %get3A_3 = arith.constant 0 : index
    %get3A_4 = vector.load %arg3[%get3A_2, %get3A_3] : memref<1x3072xf32, #tpu.memory_space<vmem>>, vector<1x3072xf32>
    %get3A_5 = arith.constant 0 : index
    %get3A_6 = arith.constant 0 : index
    %get3A_7 = vector.load %arg4[%get3A_5, %get3A_6] : memref<1x3072xf32, #tpu.memory_space<vmem>>, vector<1x3072xf32>
    %mul3A = arith.mulf %get3A_1, %get3A_1 : vector<1x3072xf32>
    %mul3A_8 = arith.mulf %get3A_4, %get3A_4 : vector<1x3072xf32>
    %add3A = arith.addf %mul3A, %mul3A_8 : vector<1x3072xf32>
    %mul3A_9 = arith.mulf %get3A_7, %get3A_7 : vector<1x3072xf32>
    %add3A_10 = arith.addf %add3A, %mul3A_9 : vector<1x3072xf32>
    %sqrt3A = math.sqrt %add3A_10 : vector<1x3072xf32>
    %max3A = arith.constant 9.99999996E-13 : f32
    %max3A_11 = vector.broadcast %max3A : f32 to vector<1x3072xf32>
    %max3A_12 = arith.maximumf %sqrt3A, %max3A_11 : vector<1x3072xf32>
    %div3A = arith.constant 1.000000e+00 : f32
    %div3A_13 = vector.broadcast %div3A : f32 to vector<1x3072xf32>
    %div3A_14 = arith.divf %div3A_13, %max3A_12 : vector<1x3072xf32>
    %mul3A_15 = arith.mulf %get3A_1, %div3A_14 : vector<1x3072xf32>
    %mul3A_16 = arith.mulf %get3A_4, %div3A_14 : vector<1x3072xf32>
    %mul3A_17 = arith.mulf %get3A_7, %div3A_14 : vector<1x3072xf32>
    %broadcast_in_dim3A = arith.constant 1.000000e+00 : f32
    %broadcast_in_dim3A_18 = vector.broadcast %broadcast_in_dim3A : f32 to vector<1x3072xf32>
    %mul3A_19 = arith.constant 1.73205078 : f32
    %mul3A_20 = vector.broadcast %mul3A_19 : f32 to vector<1x3072xf32>
    %mul3A_21 = arith.mulf %mul3A_20, %mul3A_15 : vector<1x3072xf32>
    %mul3A_22 = arith.constant 1.73205078 : f32
    %mul3A_23 = vector.broadcast %mul3A_22 : f32 to vector<1x3072xf32>
    %mul3A_24 = arith.mulf %mul3A_23, %mul3A_16 : vector<1x3072xf32>
    %mul3A_25 = arith.constant 1.73205078 : f32
    %mul3A_26 = vector.broadcast %mul3A_25 : f32 to vector<1x3072xf32>
    %mul3A_27 = arith.mulf %mul3A_26, %mul3A_17 : vector<1x3072xf32>
    %mul3A_28 = arith.constant 3.87298346 : f32
    %mul3A_29 = vector.broadcast %mul3A_28 : f32 to vector<1x3072xf32>
    %mul3A_30 = arith.mulf %mul3A_29, %mul3A_15 : vector<1x3072xf32>
    %mul3A_31 = arith.mulf %mul3A_30, %mul3A_16 : vector<1x3072xf32>
    %mul3A_32 = arith.constant 3.87298346 : f32
    %mul3A_33 = vector.broadcast %mul3A_32 : f32 to vector<1x3072xf32>
    %mul3A_34 = arith.mulf %mul3A_33, %mul3A_16 : vector<1x3072xf32>
    %mul3A_35 = arith.mulf %mul3A_34, %mul3A_17 : vector<1x3072xf32>
    %mul3A_36 = arith.constant 3.000000e+00 : f32
    %mul3A_37 = vector.broadcast %mul3A_36 : f32 to vector<1x3072xf32>
    %mul3A_38 = arith.mulf %mul3A_37, %mul3A_17 : vector<1x3072xf32>
    %mul3A_39 = arith.mulf %mul3A_38, %mul3A_17 : vector<1x3072xf32>
    %sub3A = arith.constant 1.000000e+00 : f32
    %sub3A_40 = vector.broadcast %sub3A : f32 to vector<1x3072xf32>
    %sub3A_41 = arith.subf %mul3A_39, %sub3A_40 : vector<1x3072xf32>
    %mul3A_42 = arith.constant 1.11803401 : f32
    %mul3A_43 = vector.broadcast %mul3A_42 : f32 to vector<1x3072xf32>
    %mul3A_44 = arith.mulf %mul3A_43, %sub3A_41 : vector<1x3072xf32>
    %mul3A_45 = arith.constant 3.87298346 : f32
    %mul3A_46 = vector.broadcast %mul3A_45 : f32 to vector<1x3072xf32>
    %mul3A_47 = arith.mulf %mul3A_46, %mul3A_15 : vector<1x3072xf32>
    %mul3A_48 = arith.mulf %mul3A_47, %mul3A_17 : vector<1x3072xf32>
    %mul3A_49 = arith.mulf %mul3A_15, %mul3A_15 : vector<1x3072xf32>
    %mul3A_50 = arith.mulf %mul3A_16, %mul3A_16 : vector<1x3072xf32>
    %sub3A_51 = arith.subf %mul3A_49, %mul3A_50 : vector<1x3072xf32>
    %mul3A_52 = arith.constant 1.93649173 : f32
    %mul3A_53 = vector.broadcast %mul3A_52 : f32 to vector<1x3072xf32>
    %mul3A_54 = arith.mulf %mul3A_53, %sub3A_51 : vector<1x3072xf32>
    %concatenate3A = tpu.concatenate %broadcast_in_dim3A_18, %mul3A_21, %mul3A_24, %mul3A_27, %mul3A_31, %mul3A_35, %mul3A_44, %mul3A_48, %mul3A_54 in 0 : vector<1x3072xf32>, vector<1x3072xf32>, vector<1x3072xf32>, vector<1x3072xf32>, vector<1x3072xf32>, vector<1x3072xf32>, vector<1x3072xf32>, vector<1x3072xf32>, vector<1x3072xf32> -> vector<9x3072xf32>
    %mul3A_55 = arith.constant 150.684937 : f32
    %mul3A_56 = vector.broadcast %mul3A_55 : f32 to vector<1x3072xf32>
    %mul3A_57 = arith.mulf %sqrt3A, %mul3A_56 : vector<1x3072xf32>
    %mul3A_58 = arith.constant 1.57079637 : f32
    %mul3A_59 = vector.broadcast %mul3A_58 : f32 to vector<1x3072xf32>
    %mul3A_60 = arith.mulf %mul3A_59, %mul3A_57 : vector<1x3072xf32>
    %cos3A = math.cos %mul3A_60 : vector<1x3072xf32>
    %mul3A_61 = arith.constant 1.57079637 : f32
    %mul3A_62 = vector.broadcast %mul3A_61 : f32 to vector<1x3072xf32>
    %mul3A_63 = arith.mulf %mul3A_62, %mul3A_57 : vector<1x3072xf32>
    %sin3A = math.sin %mul3A_63 : vector<1x3072xf32>
    %mul3A_64 = arith.constant 3.1622777 : f32
    %mul3A_65 = vector.broadcast %mul3A_64 : f32 to vector<1x3072xf32>
    %mul3A_66 = arith.mulf %mul3A_65, %sin3A : vector<1x3072xf32>
    %mul3A_67 = arith.constant -3.1622777 : f32
    %mul3A_68 = vector.broadcast %mul3A_67 : f32 to vector<1x3072xf32>
    %mul3A_69 = arith.mulf %mul3A_68, %cos3A : vector<1x3072xf32>
    %mul3A_70 = arith.constant -3.1622777 : f32
    %mul3A_71 = vector.broadcast %mul3A_70 : f32 to vector<1x3072xf32>
    %mul3A_72 = arith.mulf %mul3A_71, %sin3A : vector<1x3072xf32>
    %mul3A_73 = arith.constant 3.1622777 : f32
    %mul3A_74 = vector.broadcast %mul3A_73 : f32 to vector<1x3072xf32>
    %mul3A_75 = arith.mulf %mul3A_74, %cos3A : vector<1x3072xf32>
    %gt3A = arith.constant 0.000000e+00 : f32
    %gt3A_76 = vector.broadcast %gt3A : f32 to vector<1x3072xf32>
    %gt3A_77 = arith.cmpf ogt, %mul3A_57, %gt3A_76 : vector<1x3072xf32>
    %lt3A = arith.constant 2.000000e+00 : f32
    %lt3A_78 = vector.broadcast %lt3A : f32 to vector<1x3072xf32>
    %lt3A_79 = arith.cmpf olt, %mul3A_57, %lt3A_78 : vector<1x3072xf32>
    %and3A = arith.andi %gt3A_77, %lt3A_79 : vector<1x3072xi1>
    %jit3A = arith.constant 0.000000e+00 : f32
    %broadcast_in_dim3A_80 = vector.broadcast %jit3A : f32 to vector<1x3072xf32>
    %select_n3A = arith.select %and3A, %mul3A_66, %broadcast_in_dim3A_80 : vector<1x3072xi1>, vector<1x3072xf32>
    %gt3A_81 = arith.constant 1.000000e+00 : f32
    %gt3A_82 = vector.broadcast %gt3A_81 : f32 to vector<1x3072xf32>
    %gt3A_83 = arith.cmpf ogt, %mul3A_57, %gt3A_82 : vector<1x3072xf32>
    %lt3A_84 = arith.constant 3.000000e+00 : f32
    %lt3A_85 = vector.broadcast %lt3A_84 : f32 to vector<1x3072xf32>
    %lt3A_86 = arith.cmpf olt, %mul3A_57, %lt3A_85 : vector<1x3072xf32>
    %and3A_87 = arith.andi %gt3A_83, %lt3A_86 : vector<1x3072xi1>
    %jit3A_88 = arith.constant 0.000000e+00 : f32
    %broadcast_in_dim3A_89 = vector.broadcast %jit3A_88 : f32 to vector<1x3072xf32>
    %select_n3A_90 = arith.select %and3A_87, %mul3A_69, %broadcast_in_dim3A_89 : vector<1x3072xi1>, vector<1x3072xf32>
    %gt3A_91 = arith.constant 2.000000e+00 : f32
    %gt3A_92 = vector.broadcast %gt3A_91 : f32 to vector<1x3072xf32>
    %gt3A_93 = arith.cmpf ogt, %mul3A_57, %gt3A_92 : vector<1x3072xf32>
    %lt3A_94 = arith.constant 4.000000e+00 : f32
    %lt3A_95 = vector.broadcast %lt3A_94 : f32 to vector<1x3072xf32>
    %lt3A_96 = arith.cmpf olt, %mul3A_57, %lt3A_95 : vector<1x3072xf32>
    %and3A_97 = arith.andi %gt3A_93, %lt3A_96 : vector<1x3072xi1>
    %jit3A_98 = arith.constant 0.000000e+00 : f32
    %broadcast_in_dim3A_99 = vector.broadcast %jit3A_98 : f32 to vector<1x3072xf32>
    %select_n3A_100 = arith.select %and3A_97, %mul3A_72, %broadcast_in_dim3A_99 : vector<1x3072xi1>, vector<1x3072xf32>
    %gt3A_101 = arith.constant 3.000000e+00 : f32
    %gt3A_102 = vector.broadcast %gt3A_101 : f32 to vector<1x3072xf32>
    %gt3A_103 = arith.cmpf ogt, %mul3A_57, %gt3A_102 : vector<1x3072xf32>
    %lt3A_104 = arith.constant 5.000000e+00 : f32
    %lt3A_105 = vector.broadcast %lt3A_104 : f32 to vector<1x3072xf32>
    %lt3A_106 = arith.cmpf olt, %mul3A_57, %lt3A_105 : vector<1x3072xf32>
    %and3A_107 = arith.andi %gt3A_103, %lt3A_106 : vector<1x3072xi1>
    %jit3A_108 = arith.constant 0.000000e+00 : f32
    %broadcast_in_dim3A_109 = vector.broadcast %jit3A_108 : f32 to vector<1x3072xf32>
    %select_n3A_110 = arith.select %and3A_107, %mul3A_75, %broadcast_in_dim3A_109 : vector<1x3072xi1>, vector<1x3072xf32>
    %gt3A_111 = arith.constant 4.000000e+00 : f32
    %gt3A_112 = vector.broadcast %gt3A_111 : f32 to vector<1x3072xf32>
    %gt3A_113 = arith.cmpf ogt, %mul3A_57, %gt3A_112 : vector<1x3072xf32>
    %lt3A_114 = arith.constant 6.000000e+00 : f32
    %lt3A_115 = vector.broadcast %lt3A_114 : f32 to vector<1x3072xf32>
    %lt3A_116 = arith.cmpf olt, %mul3A_57, %lt3A_115 : vector<1x3072xf32>
    %and3A_117 = arith.andi %gt3A_113, %lt3A_116 : vector<1x3072xi1>
    %jit3A_118 = arith.constant 0.000000e+00 : f32
    %broadcast_in_dim3A_119 = vector.broadcast %jit3A_118 : f32 to vector<1x3072xf32>
    %select_n3A_120 = arith.select %and3A_117, %mul3A_66, %broadcast_in_dim3A_119 : vector<1x3072xi1>, vector<1x3072xf32>
    %gt3A_121 = arith.constant 5.000000e+00 : f32
    %gt3A_122 = vector.broadcast %gt3A_121 : f32 to vector<1x3072xf32>
    %gt3A_123 = arith.cmpf ogt, %mul3A_57, %gt3A_122 : vector<1x3072xf32>
    %lt3A_124 = arith.constant 7.000000e+00 : f32
    %lt3A_125 = vector.broadcast %lt3A_124 : f32 to vector<1x3072xf32>
    %lt3A_126 = arith.cmpf olt, %mul3A_57, %lt3A_125 : vector<1x3072xf32>
    %and3A_127 = arith.andi %gt3A_123, %lt3A_126 : vector<1x3072xi1>
    %jit3A_128 = arith.constant 0.000000e+00 : f32
    %broadcast_in_dim3A_129 = vector.broadcast %jit3A_128 : f32 to vector<1x3072xf32>
    %select_n3A_130 = arith.select %and3A_127, %mul3A_69, %broadcast_in_dim3A_129 : vector<1x3072xi1>, vector<1x3072xf32>
    %gt3A_131 = arith.constant 6.000000e+00 : f32
    %gt3A_132 = vector.broadcast %gt3A_131 : f32 to vector<1x3072xf32>
    %gt3A_133 = arith.cmpf ogt, %mul3A_57, %gt3A_132 : vector<1x3072xf32>
    %lt3A_134 = arith.constant 8.000000e+00 : f32
    %lt3A_135 = vector.broadcast %lt3A_134 : f32 to vector<1x3072xf32>
    %lt3A_136 = arith.cmpf olt, %mul3A_57, %lt3A_135 : vector<1x3072xf32>
    %and3A_137 = arith.andi %gt3A_133, %lt3A_136 : vector<1x3072xi1>
    %jit3A_138 = arith.constant 0.000000e+00 : f32
    %broadcast_in_dim3A_139 = vector.broadcast %jit3A_138 : f32 to vector<1x3072xf32>
    %select_n3A_140 = arith.select %and3A_137, %mul3A_72, %broadcast_in_dim3A_139 : vector<1x3072xi1>, vector<1x3072xf32>
    %gt3A_141 = arith.constant 7.000000e+00 : f32
    %gt3A_142 = vector.broadcast %gt3A_141 : f32 to vector<1x3072xf32>
    %gt3A_143 = arith.cmpf ogt, %mul3A_57, %gt3A_142 : vector<1x3072xf32>
    %lt3A_144 = arith.constant 9.000000e+00 : f32
    %lt3A_145 = vector.broadcast %lt3A_144 : f32 to vector<1x3072xf32>
    %lt3A_146 = arith.cmpf olt, %mul3A_57, %lt3A_145 : vector<1x3072xf32>
    %and3A_147 = arith.andi %gt3A_143, %lt3A_146 : vector<1x3072xi1>
    %jit3A_148 = arith.constant 0.000000e+00 : f32
    %broadcast_in_dim3A_149 = vector.broadcast %jit3A_148 : f32 to vector<1x3072xf32>
    %select_n3A_150 = arith.select %and3A_147, %mul3A_75, %broadcast_in_dim3A_149 : vector<1x3072xi1>, vector<1x3072xf32>
    %gt3A_151 = arith.constant 8.000000e+00 : f32
    %gt3A_152 = vector.broadcast %gt3A_151 : f32 to vector<1x3072xf32>
    %gt3A_153 = arith.cmpf ogt, %mul3A_57, %gt3A_152 : vector<1x3072xf32>
    %lt3A_154 = arith.constant 1.000000e+01 : f32
    %lt3A_155 = vector.broadcast %lt3A_154 : f32 to vector<1x3072xf32>
    %lt3A_156 = arith.cmpf olt, %mul3A_57, %lt3A_155 : vector<1x3072xf32>
    %and3A_157 = arith.andi %gt3A_153, %lt3A_156 : vector<1x3072xi1>
    %jit3A_158 = arith.constant 0.000000e+00 : f32
    %broadcast_in_dim3A_159 = vector.broadcast %jit3A_158 : f32 to vector<1x3072xf32>
    %select_n3A_160 = arith.select %and3A_157, %mul3A_66, %broadcast_in_dim3A_159 : vector<1x3072xi1>, vector<1x3072xf32>
    %gt3A_161 = arith.constant 9.000000e+00 : f32
    %gt3A_162 = vector.broadcast %gt3A_161 : f32 to vector<1x3072xf32>
    %gt3A_163 = arith.cmpf ogt, %mul3A_57, %gt3A_162 : vector<1x3072xf32>
    %lt3A_164 = arith.constant 1.100000e+01 : f32
    %lt3A_165 = vector.broadcast %lt3A_164 : f32 to vector<1x3072xf32>
    %lt3A_166 = arith.cmpf olt, %mul3A_57, %lt3A_165 : vector<1x3072xf32>
    %and3A_167 = arith.andi %gt3A_163, %lt3A_166 : vector<1x3072xi1>
    %jit3A_168 = arith.constant 0.000000e+00 : f32
    %broadcast_in_dim3A_169 = vector.broadcast %jit3A_168 : f32 to vector<1x3072xf32>
    %select_n3A_170 = arith.select %and3A_167, %mul3A_69, %broadcast_in_dim3A_169 : vector<1x3072xi1>, vector<1x3072xf32>
    %concatenate3A_171 = tpu.concatenate %select_n3A, %select_n3A_90, %select_n3A_100, %select_n3A_110, %select_n3A_120, %select_n3A_130, %select_n3A_140, %select_n3A_150, %select_n3A_160, %select_n3A_170 in 0 : vector<1x3072xf32>, vector<1x3072xf32>, vector<1x3072xf32>, vector<1x3072xf32>, vector<1x3072xf32>, vector<1x3072xf32>, vector<1x3072xf32>, vector<1x3072xf32>, vector<1x3072xf32>, vector<1x3072xf32> -> vector<10x3072xf32>
    %get3A_172 = arith.constant 0 : index
    %get3A_173 = arith.constant 0 : index
    %get3A_174 = vector.load %arg6[%get3A_172, %get3A_173] : memref<10x100xf32, #tpu.memory_space<vmem>>, vector<10x100xf32>
    %dot_general3A = arith.constant dense<0.000000e+00> : vector<3072x100xf32>
    %dot_general3A_175 = tpu.matmul %concatenate3A_171, %get3A_174, %dot_general3A {dimension_numbers = #tpu.dot_dimension_numbers<[0], [0], [1], [1], [0, 1, 1, 1], [], []>, transpose_lhs_hint = false} : vector<10x3072xf32>, vector<10x100xf32>, vector<3072x100xf32> -> vector<3072x100xf32>
    %get3A_176 = arith.constant 0 : index
    %get3A_177 = arith.constant 0 : index
    %get3A_178 = vector.load %arg7[%get3A_176, %get3A_177] : memref<1x100xf32, #tpu.memory_space<vmem>>, vector<1x100xf32>
    %add3A_179 = vector.broadcast %get3A_178 : vector<1x100xf32> to vector<3072x100xf32>
    %add3A_180 = arith.addf %dot_general3A_175, %add3A_179 : vector<3072x100xf32>
    %max3A_181 = arith.constant 0.000000e+00 : f32
    %max3A_182 = vector.broadcast %max3A_181 : f32 to vector<3072x100xf32>
    %max3A_183 = arith.maximumf %add3A_180, %max3A_182 : vector<3072x100xf32>
    %get3A_184 = arith.constant 0 : index
    %get3A_185 = arith.constant 0 : index
    %get3A_186 = vector.load %arg8[%get3A_184, %get3A_185] : memref<100x144xf32, #tpu.memory_space<vmem>>, vector<100x144xf32>
    %dot_general3A_187 = arith.constant dense<0.000000e+00> : vector<3072x144xf32>
    %dot_general3A_188 = tpu.matmul %max3A_183, %get3A_186, %dot_general3A_187 {dimension_numbers = #tpu.dot_dimension_numbers<[1], [0], [0], [1], [0, 0, 1, 1], [], []>, transpose_lhs_hint = false} : vector<3072x100xf32>, vector<100x144xf32>, vector<3072x144xf32> -> vector<3072x144xf32>
    %get3A_189 = arith.constant 0 : index
    %get3A_190 = arith.constant 0 : index
    %get3A_191 = vector.load %arg9[%get3A_189, %get3A_190] : memref<9x144xf32, #tpu.memory_space<vmem>>, vector<9x144xf32>
    %dot_general3A_192 = arith.constant dense<0.000000e+00> : vector<3072x144xf32>
    %dot_general3A_193 = tpu.matmul %concatenate3A, %get3A_191, %dot_general3A_192 {dimension_numbers = #tpu.dot_dimension_numbers<[0], [0], [1], [1], [0, 1, 1, 1], [], []>, transpose_lhs_hint = false} : vector<9x3072xf32>, vector<9x144xf32>, vector<3072x144xf32> -> vector<3072x144xf32>
    %get3A_194 = arith.constant 0 : index
    %get3A_195 = arith.constant 0 : index
    %get3A_196 = vector.load %arg1[%get3A_194, %get3A_195] : memref<3072x144xf32, #tpu.memory_space<vmem>>, vector<3072x144xf32>
    %add3A_197 = arith.addf %get3A_196, %dot_general3A_193 : vector<3072x144xf32>
    %mul3A_198 = arith.mulf %add3A_197, %dot_general3A_188 : vector<3072x144xf32>
    %reshape3A = vector.shape_cast %mul3A_198 : vector<3072x144xf32> to vector<64x48x144xf32>
    %reduce_sum3A = arith.constant dense<0.000000e+00> : vector<64x144xf32>
    %reduce_sum3A_199 = vector.multi_reduction <add>, %reshape3A, %reduce_sum3A [1] : vector<64x48x144xf32> to vector<64x144xf32>
    %mul3A_200 = arith.constant 2.500000e-01 : f32
    %mul3A_201 = vector.broadcast %mul3A_200 : f32 to vector<64x144xf32>
    %mul3A_202 = arith.mulf %reduce_sum3A_199, %mul3A_201 : vector<64x144xf32>
    %get3A_203 = arith.constant 0 : index
    %get3A_204 = arith.constant 0 : index
    %get3A_205 = vector.load %arg5[%get3A_203, %get3A_204] : memref<64x1xf32, #tpu.memory_space<vmem>>, vector<64x1xf32>
    %get3A_206 = arith.constant 0 : index
    %get3A_207 = arith.constant 0 : index
    %get3A_208 = vector.load %arg10[%get3A_206, %get3A_207] : memref<1x144xf32, #tpu.memory_space<vmem>>, vector<1x144xf32>
    %mul3A_209 = vector.broadcast %get3A_205 : vector<64x1xf32> to vector<64x144xf32>
    %mul3A_210 = vector.broadcast %get3A_208 : vector<1x144xf32> to vector<64x144xf32>
    %mul3A_211 = arith.mulf %mul3A_209, %mul3A_210 : vector<64x144xf32>
    %add3A_212 = arith.addf %mul3A_202, %mul3A_211 : vector<64x144xf32>
    %tanh3A = math.tanh %add3A_212 : vector<64x144xf32>
    %get3A_213 = arith.constant 0 : index
    %get3A_214 = arith.constant 0 : index
    %get3A_215 = vector.load %arg11[%get3A_213, %get3A_214] : memref<144x144xf32, #tpu.memory_space<vmem>>, vector<144x144xf32>
    %dot_general3A_216 = arith.constant dense<0.000000e+00> : vector<64x144xf32>
    %dot_general3A_217 = tpu.matmul %tanh3A, %get3A_215, %dot_general3A_216 {dimension_numbers = #tpu.dot_dimension_numbers<[1], [0], [0], [1], [0, 0, 1, 1], [], []>, transpose_lhs_hint = false} : vector<64x144xf32>, vector<144x144xf32>, vector<64x144xf32> -> vector<64x144xf32>
    %swap3A = arith.constant 0 : index
    %swap3A_218 = arith.constant 0 : index
    %swap3A_219 = vector.load %arg12[%swap3A, %swap3A_218] : memref<64x144xf32, #tpu.memory_space<vmem>>, vector<64x144xf32>
    tpu.vector_store %arg12[%swap3A, %swap3A_218], %dot_general3A_217 {strides = array<i32>} : memref<64x144xf32, #tpu.memory_space<vmem>>, vector<64x144xf32>,
    return
  }
  func.func @transform_0(%arg0: i32) -> (i32, i32) {
    %c0_i32 = arith.constant 0 : i32
    %c0_i32_0 = arith.constant 0 : i32
    return %arg0, %c0_i32 : i32, i32
  }
  func.func @transform_1(%arg0: i32) -> (i32, i32) {
    %c0_i32 = arith.constant 0 : i32
    %c0_i32_0 = arith.constant 0 : i32
    return %c0_i32, %arg0 : i32, i32
  }
  func.func @transform_2(%arg0: i32) -> (i32, i32) {
    %c0_i32 = arith.constant 0 : i32
    %c0_i32_0 = arith.constant 0 : i32
    return %c0_i32, %arg0 : i32, i32
  }
  func.func @transform_3(%arg0: i32) -> (i32, i32) {
    %c0_i32 = arith.constant 0 : i32
    %c0_i32_0 = arith.constant 0 : i32
    return %c0_i32, %arg0 : i32, i32
  }
  func.func @transform_4(%arg0: i32) -> (i32, i32) {
    %c0_i32 = arith.constant 0 : i32
    %c0_i32_0 = arith.constant 0 : i32
    return %arg0, %c0_i32 : i32, i32
  }
  func.func @transform_5(%arg0: i32) -> (i32, i32) {
    %c0_i32 = arith.constant 0 : i32
    %c0_i32_0 = arith.constant 0 : i32
    %c0_i32_1 = arith.constant 0 : i32
    return %c0_i32, %c0_i32_0 : i32, i32
  }
  func.func @transform_6(%arg0: i32) -> (i32, i32) {
    %c0_i32 = arith.constant 0 : i32
    %c0_i32_0 = arith.constant 0 : i32
    %c0_i32_1 = arith.constant 0 : i32
    return %c0_i32, %c0_i32_0 : i32, i32
  }
  func.func @transform_7(%arg0: i32) -> (i32, i32) {
    %c0_i32 = arith.constant 0 : i32
    %c0_i32_0 = arith.constant 0 : i32
    %c0_i32_1 = arith.constant 0 : i32
    return %c0_i32, %c0_i32_0 : i32, i32
  }
  func.func @transform_8(%arg0: i32) -> (i32, i32) {
    %c0_i32 = arith.constant 0 : i32
    %c0_i32_0 = arith.constant 0 : i32
    %c0_i32_1 = arith.constant 0 : i32
    return %c0_i32, %c0_i32_0 : i32, i32
  }
  func.func @transform_9(%arg0: i32) -> (i32, i32) {
    %c0_i32 = arith.constant 0 : i32
    %c0_i32_0 = arith.constant 0 : i32
    %c0_i32_1 = arith.constant 0 : i32
    return %c0_i32, %c0_i32_0 : i32, i32
  }
  func.func @transform_10(%arg0: i32) -> (i32, i32) {
    %c0_i32 = arith.constant 0 : i32
    %c0_i32_0 = arith.constant 0 : i32
    %c0_i32_1 = arith.constant 0 : i32
    return %c0_i32, %c0_i32_0 : i32, i32
  }
  func.func @transform_11(%arg0: i32) -> (i32, i32) {
    %c0_i32 = arith.constant 0 : i32
    %c0_i32_0 = arith.constant 0 : i32
    return %arg0, %c0_i32 : i32, i32
  }
}

module attributes {stable_mosaic.version = 14 : i64} {
  func.func @_combine_kernel(%arg0: i32, %arg1: memref<3072x144xf32, #tpu.memory_space<vmem>>, %arg2: memref<1x3072xf32, #tpu.memory_space<vmem>>, %arg3: memref<1x3072xf32, #tpu.memory_space<vmem>>, %arg4: memref<1x3072xf32, #tpu.memory_space<vmem>>, %arg5: memref<64x1xf32, #tpu.memory_space<vmem>>, %arg6: memref<10x100xf32, #tpu.memory_space<vmem>>, %arg7: memref<1x100xf32, #tpu.memory_space<vmem>>, %arg8: memref<100x144xf32, #tpu.memory_space<vmem>>, %arg9: memref<9x144xf32, #tpu.memory_space<vmem>>, %arg10: memref<1x144xf32, #tpu.memory_space<vmem>>, %arg11: memref<144x16xf32, #tpu.memory_space<vmem>>, %arg12: memref<64x16xf32, #tpu.memory_space<vmem>>) attributes {dimension_semantics = [#tpu.dimension_semantics<arbitrary>], iteration_bounds = array<i64: 160>, scalar_prefetch = 0 : i64, scratch_operands = 0 : i64, tpu.core_type = #tpu.core_type<tc>, window_params = [{transform_indices = @transform_0, window_bounds = array<i64: 3072, 144>}, {transform_indices = @transform_1, window_bounds = array<i64: 1, 3072>}, {transform_indices = @transform_2, window_bounds = array<i64: 1, 3072>}, {transform_indices = @transform_3, window_bounds = array<i64: 1, 3072>}, {transform_indices = @transform_4, window_bounds = array<i64: 64, 1>}, {pipeline_mode = #tpu.pipeline_mode<synchronous>, transform_indices = @transform_5, window_bounds = array<i64: 10, 100>}, {pipeline_mode = #tpu.pipeline_mode<synchronous>, transform_indices = @transform_6, window_bounds = array<i64: 1, 100>}, {pipeline_mode = #tpu.pipeline_mode<synchronous>, transform_indices = @transform_7, window_bounds = array<i64: 100, 144>}, {pipeline_mode = #tpu.pipeline_mode<synchronous>, transform_indices = @transform_8, window_bounds = array<i64: 9, 144>}, {pipeline_mode = #tpu.pipeline_mode<synchronous>, transform_indices = @transform_9, window_bounds = array<i64: 1, 144>}, {pipeline_mode = #tpu.pipeline_mode<synchronous>, transform_indices = @transform_10, window_bounds = array<i64: 144, 16>}, {transform_indices = @transform_11, window_bounds = array<i64: 64, 16>}]} {
    %get3A = arith.constant 0 : index
    %get3A_0 = arith.constant 0 : index
    %get3A_1 = vector.load %arg2[%get3A, %get3A_0] : memref<1x3072xf32, #tpu.memory_space<vmem>>, vector<1x3072xf32>
    %get3A_2 = arith.constant 0 : index
    %get3A_3 = arith.constant 0 : index
    %get3A_4 = vector.load %arg3[%get3A_2, %get3A_3] : memref<1x3072xf32, #tpu.memory_space<vmem>>, vector<1x3072xf32>
    %get3A_5 = arith.constant 0 : index
    %get3A_6 = arith.constant 0 : index
    %get3A_7 = vector.load %arg4[%get3A_5, %get3A_6] : memref<1x3072xf32, #tpu.memory_space<vmem>>, vector<1x3072xf32>
    %mul3A = arith.mulf %get3A_1, %get3A_1 : vector<1x3072xf32>
    %mul3A_8 = arith.mulf %get3A_4, %get3A_4 : vector<1x3072xf32>
    %add3A = arith.addf %mul3A, %mul3A_8 : vector<1x3072xf32>
    %mul3A_9 = arith.mulf %get3A_7, %get3A_7 : vector<1x3072xf32>
    %add3A_10 = arith.addf %add3A, %mul3A_9 : vector<1x3072xf32>
    %sqrt3A = math.sqrt %add3A_10 : vector<1x3072xf32>
    %max3A = arith.constant 9.99999996E-13 : f32
    %max3A_11 = vector.broadcast %max3A : f32 to vector<1x3072xf32>
    %max3A_12 = arith.maximumf %sqrt3A, %max3A_11 : vector<1x3072xf32>
    %div3A = arith.constant 1.000000e+00 : f32
    %div3A_13 = vector.broadcast %div3A : f32 to vector<1x3072xf32>
    %div3A_14 = arith.divf %div3A_13, %max3A_12 : vector<1x3072xf32>
    %mul3A_15 = arith.mulf %get3A_1, %div3A_14 : vector<1x3072xf32>
    %mul3A_16 = arith.mulf %get3A_4, %div3A_14 : vector<1x3072xf32>
    %mul3A_17 = arith.mulf %get3A_7, %div3A_14 : vector<1x3072xf32>
    %broadcast_in_dim3A = arith.constant 1.000000e+00 : f32
    %broadcast_in_dim3A_18 = vector.broadcast %broadcast_in_dim3A : f32 to vector<1x3072xf32>
    %mul3A_19 = arith.constant 1.73205078 : f32
    %mul3A_20 = vector.broadcast %mul3A_19 : f32 to vector<1x3072xf32>
    %mul3A_21 = arith.mulf %mul3A_20, %mul3A_15 : vector<1x3072xf32>
    %mul3A_22 = arith.constant 1.73205078 : f32
    %mul3A_23 = vector.broadcast %mul3A_22 : f32 to vector<1x3072xf32>
    %mul3A_24 = arith.mulf %mul3A_23, %mul3A_16 : vector<1x3072xf32>
    %mul3A_25 = arith.constant 1.73205078 : f32
    %mul3A_26 = vector.broadcast %mul3A_25 : f32 to vector<1x3072xf32>
    %mul3A_27 = arith.mulf %mul3A_26, %mul3A_17 : vector<1x3072xf32>
    %mul3A_28 = arith.constant 3.87298346 : f32
    %mul3A_29 = vector.broadcast %mul3A_28 : f32 to vector<1x3072xf32>
    %mul3A_30 = arith.mulf %mul3A_29, %mul3A_15 : vector<1x3072xf32>
    %mul3A_31 = arith.mulf %mul3A_30, %mul3A_16 : vector<1x3072xf32>
    %mul3A_32 = arith.constant 3.87298346 : f32
    %mul3A_33 = vector.broadcast %mul3A_32 : f32 to vector<1x3072xf32>
    %mul3A_34 = arith.mulf %mul3A_33, %mul3A_16 : vector<1x3072xf32>
    %mul3A_35 = arith.mulf %mul3A_34, %mul3A_17 : vector<1x3072xf32>
    %mul3A_36 = arith.constant 3.000000e+00 : f32
    %mul3A_37 = vector.broadcast %mul3A_36 : f32 to vector<1x3072xf32>
    %mul3A_38 = arith.mulf %mul3A_37, %mul3A_17 : vector<1x3072xf32>
    %mul3A_39 = arith.mulf %mul3A_38, %mul3A_17 : vector<1x3072xf32>
    %sub3A = arith.constant 1.000000e+00 : f32
    %sub3A_40 = vector.broadcast %sub3A : f32 to vector<1x3072xf32>
    %sub3A_41 = arith.subf %mul3A_39, %sub3A_40 : vector<1x3072xf32>
    %mul3A_42 = arith.constant 1.11803401 : f32
    %mul3A_43 = vector.broadcast %mul3A_42 : f32 to vector<1x3072xf32>
    %mul3A_44 = arith.mulf %mul3A_43, %sub3A_41 : vector<1x3072xf32>
    %mul3A_45 = arith.constant 3.87298346 : f32
    %mul3A_46 = vector.broadcast %mul3A_45 : f32 to vector<1x3072xf32>
    %mul3A_47 = arith.mulf %mul3A_46, %mul3A_15 : vector<1x3072xf32>
    %mul3A_48 = arith.mulf %mul3A_47, %mul3A_17 : vector<1x3072xf32>
    %mul3A_49 = arith.mulf %mul3A_15, %mul3A_15 : vector<1x3072xf32>
    %mul3A_50 = arith.mulf %mul3A_16, %mul3A_16 : vector<1x3072xf32>
    %sub3A_51 = arith.subf %mul3A_49, %mul3A_50 : vector<1x3072xf32>
    %mul3A_52 = arith.constant 1.93649173 : f32
    %mul3A_53 = vector.broadcast %mul3A_52 : f32 to vector<1x3072xf32>
    %mul3A_54 = arith.mulf %mul3A_53, %sub3A_51 : vector<1x3072xf32>
    %concatenate3A = tpu.concatenate %broadcast_in_dim3A_18, %mul3A_21, %mul3A_24, %mul3A_27, %mul3A_31, %mul3A_35, %mul3A_44, %mul3A_48, %mul3A_54 in 0 : vector<1x3072xf32>, vector<1x3072xf32>, vector<1x3072xf32>, vector<1x3072xf32>, vector<1x3072xf32>, vector<1x3072xf32>, vector<1x3072xf32>, vector<1x3072xf32>, vector<1x3072xf32> -> vector<9x3072xf32>
    %mul3A_55 = arith.constant 150.684937 : f32
    %mul3A_56 = vector.broadcast %mul3A_55 : f32 to vector<1x3072xf32>
    %mul3A_57 = arith.mulf %sqrt3A, %mul3A_56 : vector<1x3072xf32>
    %mul3A_58 = arith.constant 1.57079637 : f32
    %mul3A_59 = vector.broadcast %mul3A_58 : f32 to vector<1x3072xf32>
    %mul3A_60 = arith.mulf %mul3A_59, %mul3A_57 : vector<1x3072xf32>
    %cos3A = math.cos %mul3A_60 : vector<1x3072xf32>
    %mul3A_61 = arith.constant 1.57079637 : f32
    %mul3A_62 = vector.broadcast %mul3A_61 : f32 to vector<1x3072xf32>
    %mul3A_63 = arith.mulf %mul3A_62, %mul3A_57 : vector<1x3072xf32>
    %sin3A = math.sin %mul3A_63 : vector<1x3072xf32>
    %mul3A_64 = arith.constant 3.1622777 : f32
    %mul3A_65 = vector.broadcast %mul3A_64 : f32 to vector<1x3072xf32>
    %mul3A_66 = arith.mulf %mul3A_65, %sin3A : vector<1x3072xf32>
    %mul3A_67 = arith.constant -3.1622777 : f32
    %mul3A_68 = vector.broadcast %mul3A_67 : f32 to vector<1x3072xf32>
    %mul3A_69 = arith.mulf %mul3A_68, %cos3A : vector<1x3072xf32>
    %mul3A_70 = arith.constant -3.1622777 : f32
    %mul3A_71 = vector.broadcast %mul3A_70 : f32 to vector<1x3072xf32>
    %mul3A_72 = arith.mulf %mul3A_71, %sin3A : vector<1x3072xf32>
    %mul3A_73 = arith.constant 3.1622777 : f32
    %mul3A_74 = vector.broadcast %mul3A_73 : f32 to vector<1x3072xf32>
    %mul3A_75 = arith.mulf %mul3A_74, %cos3A : vector<1x3072xf32>
    %gt3A = arith.constant 0.000000e+00 : f32
    %gt3A_76 = vector.broadcast %gt3A : f32 to vector<1x3072xf32>
    %gt3A_77 = arith.cmpf ogt, %mul3A_57, %gt3A_76 : vector<1x3072xf32>
    %lt3A = arith.constant 2.000000e+00 : f32
    %lt3A_78 = vector.broadcast %lt3A : f32 to vector<1x3072xf32>
    %lt3A_79 = arith.cmpf olt, %mul3A_57, %lt3A_78 : vector<1x3072xf32>
    %and3A = arith.andi %gt3A_77, %lt3A_79 : vector<1x3072xi1>
    %jit3A = arith.constant 0.000000e+00 : f32
    %broadcast_in_dim3A_80 = vector.broadcast %jit3A : f32 to vector<1x3072xf32>
    %select_n3A = arith.select %and3A, %mul3A_66, %broadcast_in_dim3A_80 : vector<1x3072xi1>, vector<1x3072xf32>
    %gt3A_81 = arith.constant 1.000000e+00 : f32
    %gt3A_82 = vector.broadcast %gt3A_81 : f32 to vector<1x3072xf32>
    %gt3A_83 = arith.cmpf ogt, %mul3A_57, %gt3A_82 : vector<1x3072xf32>
    %lt3A_84 = arith.constant 3.000000e+00 : f32
    %lt3A_85 = vector.broadcast %lt3A_84 : f32 to vector<1x3072xf32>
    %lt3A_86 = arith.cmpf olt, %mul3A_57, %lt3A_85 : vector<1x3072xf32>
    %and3A_87 = arith.andi %gt3A_83, %lt3A_86 : vector<1x3072xi1>
    %jit3A_88 = arith.constant 0.000000e+00 : f32
    %broadcast_in_dim3A_89 = vector.broadcast %jit3A_88 : f32 to vector<1x3072xf32>
    %select_n3A_90 = arith.select %and3A_87, %mul3A_69, %broadcast_in_dim3A_89 : vector<1x3072xi1>, vector<1x3072xf32>
    %gt3A_91 = arith.constant 2.000000e+00 : f32
    %gt3A_92 = vector.broadcast %gt3A_91 : f32 to vector<1x3072xf32>
    %gt3A_93 = arith.cmpf ogt, %mul3A_57, %gt3A_92 : vector<1x3072xf32>
    %lt3A_94 = arith.constant 4.000000e+00 : f32
    %lt3A_95 = vector.broadcast %lt3A_94 : f32 to vector<1x3072xf32>
    %lt3A_96 = arith.cmpf olt, %mul3A_57, %lt3A_95 : vector<1x3072xf32>
    %and3A_97 = arith.andi %gt3A_93, %lt3A_96 : vector<1x3072xi1>
    %jit3A_98 = arith.constant 0.000000e+00 : f32
    %broadcast_in_dim3A_99 = vector.broadcast %jit3A_98 : f32 to vector<1x3072xf32>
    %select_n3A_100 = arith.select %and3A_97, %mul3A_72, %broadcast_in_dim3A_99 : vector<1x3072xi1>, vector<1x3072xf32>
    %gt3A_101 = arith.constant 3.000000e+00 : f32
    %gt3A_102 = vector.broadcast %gt3A_101 : f32 to vector<1x3072xf32>
    %gt3A_103 = arith.cmpf ogt, %mul3A_57, %gt3A_102 : vector<1x3072xf32>
    %lt3A_104 = arith.constant 5.000000e+00 : f32
    %lt3A_105 = vector.broadcast %lt3A_104 : f32 to vector<1x3072xf32>
    %lt3A_106 = arith.cmpf olt, %mul3A_57, %lt3A_105 : vector<1x3072xf32>
    %and3A_107 = arith.andi %gt3A_103, %lt3A_106 : vector<1x3072xi1>
    %jit3A_108 = arith.constant 0.000000e+00 : f32
    %broadcast_in_dim3A_109 = vector.broadcast %jit3A_108 : f32 to vector<1x3072xf32>
    %select_n3A_110 = arith.select %and3A_107, %mul3A_75, %broadcast_in_dim3A_109 : vector<1x3072xi1>, vector<1x3072xf32>
    %gt3A_111 = arith.constant 4.000000e+00 : f32
    %gt3A_112 = vector.broadcast %gt3A_111 : f32 to vector<1x3072xf32>
    %gt3A_113 = arith.cmpf ogt, %mul3A_57, %gt3A_112 : vector<1x3072xf32>
    %lt3A_114 = arith.constant 6.000000e+00 : f32
    %lt3A_115 = vector.broadcast %lt3A_114 : f32 to vector<1x3072xf32>
    %lt3A_116 = arith.cmpf olt, %mul3A_57, %lt3A_115 : vector<1x3072xf32>
    %and3A_117 = arith.andi %gt3A_113, %lt3A_116 : vector<1x3072xi1>
    %jit3A_118 = arith.constant 0.000000e+00 : f32
    %broadcast_in_dim3A_119 = vector.broadcast %jit3A_118 : f32 to vector<1x3072xf32>
    %select_n3A_120 = arith.select %and3A_117, %mul3A_66, %broadcast_in_dim3A_119 : vector<1x3072xi1>, vector<1x3072xf32>
    %gt3A_121 = arith.constant 5.000000e+00 : f32
    %gt3A_122 = vector.broadcast %gt3A_121 : f32 to vector<1x3072xf32>
    %gt3A_123 = arith.cmpf ogt, %mul3A_57, %gt3A_122 : vector<1x3072xf32>
    %lt3A_124 = arith.constant 7.000000e+00 : f32
    %lt3A_125 = vector.broadcast %lt3A_124 : f32 to vector<1x3072xf32>
    %lt3A_126 = arith.cmpf olt, %mul3A_57, %lt3A_125 : vector<1x3072xf32>
    %and3A_127 = arith.andi %gt3A_123, %lt3A_126 : vector<1x3072xi1>
    %jit3A_128 = arith.constant 0.000000e+00 : f32
    %broadcast_in_dim3A_129 = vector.broadcast %jit3A_128 : f32 to vector<1x3072xf32>
    %select_n3A_130 = arith.select %and3A_127, %mul3A_69, %broadcast_in_dim3A_129 : vector<1x3072xi1>, vector<1x3072xf32>
    %gt3A_131 = arith.constant 6.000000e+00 : f32
    %gt3A_132 = vector.broadcast %gt3A_131 : f32 to vector<1x3072xf32>
    %gt3A_133 = arith.cmpf ogt, %mul3A_57, %gt3A_132 : vector<1x3072xf32>
    %lt3A_134 = arith.constant 8.000000e+00 : f32
    %lt3A_135 = vector.broadcast %lt3A_134 : f32 to vector<1x3072xf32>
    %lt3A_136 = arith.cmpf olt, %mul3A_57, %lt3A_135 : vector<1x3072xf32>
    %and3A_137 = arith.andi %gt3A_133, %lt3A_136 : vector<1x3072xi1>
    %jit3A_138 = arith.constant 0.000000e+00 : f32
    %broadcast_in_dim3A_139 = vector.broadcast %jit3A_138 : f32 to vector<1x3072xf32>
    %select_n3A_140 = arith.select %and3A_137, %mul3A_72, %broadcast_in_dim3A_139 : vector<1x3072xi1>, vector<1x3072xf32>
    %gt3A_141 = arith.constant 7.000000e+00 : f32
    %gt3A_142 = vector.broadcast %gt3A_141 : f32 to vector<1x3072xf32>
    %gt3A_143 = arith.cmpf ogt, %mul3A_57, %gt3A_142 : vector<1x3072xf32>
    %lt3A_144 = arith.constant 9.000000e+00 : f32
    %lt3A_145 = vector.broadcast %lt3A_144 : f32 to vector<1x3072xf32>
    %lt3A_146 = arith.cmpf olt, %mul3A_57, %lt3A_145 : vector<1x3072xf32>
    %and3A_147 = arith.andi %gt3A_143, %lt3A_146 : vector<1x3072xi1>
    %jit3A_148 = arith.constant 0.000000e+00 : f32
    %broadcast_in_dim3A_149 = vector.broadcast %jit3A_148 : f32 to vector<1x3072xf32>
    %select_n3A_150 = arith.select %and3A_147, %mul3A_75, %broadcast_in_dim3A_149 : vector<1x3072xi1>, vector<1x3072xf32>
    %gt3A_151 = arith.constant 8.000000e+00 : f32
    %gt3A_152 = vector.broadcast %gt3A_151 : f32 to vector<1x3072xf32>
    %gt3A_153 = arith.cmpf ogt, %mul3A_57, %gt3A_152 : vector<1x3072xf32>
    %lt3A_154 = arith.constant 1.000000e+01 : f32
    %lt3A_155 = vector.broadcast %lt3A_154 : f32 to vector<1x3072xf32>
    %lt3A_156 = arith.cmpf olt, %mul3A_57, %lt3A_155 : vector<1x3072xf32>
    %and3A_157 = arith.andi %gt3A_153, %lt3A_156 : vector<1x3072xi1>
    %jit3A_158 = arith.constant 0.000000e+00 : f32
    %broadcast_in_dim3A_159 = vector.broadcast %jit3A_158 : f32 to vector<1x3072xf32>
    %select_n3A_160 = arith.select %and3A_157, %mul3A_66, %broadcast_in_dim3A_159 : vector<1x3072xi1>, vector<1x3072xf32>
    %gt3A_161 = arith.constant 9.000000e+00 : f32
    %gt3A_162 = vector.broadcast %gt3A_161 : f32 to vector<1x3072xf32>
    %gt3A_163 = arith.cmpf ogt, %mul3A_57, %gt3A_162 : vector<1x3072xf32>
    %lt3A_164 = arith.constant 1.100000e+01 : f32
    %lt3A_165 = vector.broadcast %lt3A_164 : f32 to vector<1x3072xf32>
    %lt3A_166 = arith.cmpf olt, %mul3A_57, %lt3A_165 : vector<1x3072xf32>
    %and3A_167 = arith.andi %gt3A_163, %lt3A_166 : vector<1x3072xi1>
    %jit3A_168 = arith.constant 0.000000e+00 : f32
    %broadcast_in_dim3A_169 = vector.broadcast %jit3A_168 : f32 to vector<1x3072xf32>
    %select_n3A_170 = arith.select %and3A_167, %mul3A_69, %broadcast_in_dim3A_169 : vector<1x3072xi1>, vector<1x3072xf32>
    %concatenate3A_171 = tpu.concatenate %select_n3A, %select_n3A_90, %select_n3A_100, %select_n3A_110, %select_n3A_120, %select_n3A_130, %select_n3A_140, %select_n3A_150, %select_n3A_160, %select_n3A_170 in 0 : vector<1x3072xf32>, vector<1x3072xf32>, vector<1x3072xf32>, vector<1x3072xf32>, vector<1x3072xf32>, vector<1x3072xf32>, vector<1x3072xf32>, vector<1x3072xf32>, vector<1x3072xf32>, vector<1x3072xf32> -> vector<10x3072xf32>
    %get3A_172 = arith.constant 0 : index
    %get3A_173 = arith.constant 0 : index
    %get3A_174 = vector.load %arg6[%get3A_172, %get3A_173] : memref<10x100xf32, #tpu.memory_space<vmem>>, vector<10x100xf32>
    %dot_general3A = arith.constant dense<0.000000e+00> : vector<3072x100xf32>
    %dot_general3A_175 = tpu.matmul %concatenate3A_171, %get3A_174, %dot_general3A {dimension_numbers = #tpu.dot_dimension_numbers<[0], [0], [1], [1], [0, 1, 1, 1], [], []>, transpose_lhs_hint = false} : vector<10x3072xf32>, vector<10x100xf32>, vector<3072x100xf32> -> vector<3072x100xf32>
    %get3A_176 = arith.constant 0 : index
    %get3A_177 = arith.constant 0 : index
    %get3A_178 = vector.load %arg7[%get3A_176, %get3A_177] : memref<1x100xf32, #tpu.memory_space<vmem>>, vector<1x100xf32>
    %add3A_179 = vector.broadcast %get3A_178 : vector<1x100xf32> to vector<3072x100xf32>
    %add3A_180 = arith.addf %dot_general3A_175, %add3A_179 : vector<3072x100xf32>
    %max3A_181 = arith.constant 0.000000e+00 : f32
    %max3A_182 = vector.broadcast %max3A_181 : f32 to vector<3072x100xf32>
    %max3A_183 = arith.maximumf %add3A_180, %max3A_182 : vector<3072x100xf32>
    %get3A_184 = arith.constant 0 : index
    %get3A_185 = arith.constant 0 : index
    %get3A_186 = vector.load %arg8[%get3A_184, %get3A_185] : memref<100x144xf32, #tpu.memory_space<vmem>>, vector<100x144xf32>
    %dot_general3A_187 = arith.constant dense<0.000000e+00> : vector<3072x144xf32>
    %dot_general3A_188 = tpu.matmul %max3A_183, %get3A_186, %dot_general3A_187 {dimension_numbers = #tpu.dot_dimension_numbers<[1], [0], [0], [1], [0, 0, 1, 1], [], []>, transpose_lhs_hint = false} : vector<3072x100xf32>, vector<100x144xf32>, vector<3072x144xf32> -> vector<3072x144xf32>
    %get3A_189 = arith.constant 0 : index
    %get3A_190 = arith.constant 0 : index
    %get3A_191 = vector.load %arg9[%get3A_189, %get3A_190] : memref<9x144xf32, #tpu.memory_space<vmem>>, vector<9x144xf32>
    %dot_general3A_192 = arith.constant dense<0.000000e+00> : vector<3072x144xf32>
    %dot_general3A_193 = tpu.matmul %concatenate3A, %get3A_191, %dot_general3A_192 {dimension_numbers = #tpu.dot_dimension_numbers<[0], [0], [1], [1], [0, 1, 1, 1], [], []>, transpose_lhs_hint = false} : vector<9x3072xf32>, vector<9x144xf32>, vector<3072x144xf32> -> vector<3072x144xf32>
    %get3A_194 = arith.constant 0 : index
    %get3A_195 = arith.constant 0 : index
    %get3A_196 = vector.load %arg1[%get3A_194, %get3A_195] : memref<3072x144xf32, #tpu.memory_space<vmem>>, vector<3072x144xf32>
    %add3A_197 = arith.addf %get3A_196, %dot_general3A_193 : vector<3072x144xf32>
    %mul3A_198 = arith.mulf %add3A_197, %dot_general3A_188 : vector<3072x144xf32>
    %reshape3A = vector.shape_cast %mul3A_198 : vector<3072x144xf32> to vector<64x48x144xf32>
    %reduce_sum3A = arith.constant dense<0.000000e+00> : vector<64x144xf32>
    %reduce_sum3A_199 = vector.multi_reduction <add>, %reshape3A, %reduce_sum3A [1] : vector<64x48x144xf32> to vector<64x144xf32>
    %mul3A_200 = arith.constant 2.500000e-01 : f32
    %mul3A_201 = vector.broadcast %mul3A_200 : f32 to vector<64x144xf32>
    %mul3A_202 = arith.mulf %reduce_sum3A_199, %mul3A_201 : vector<64x144xf32>
    %get3A_203 = arith.constant 0 : index
    %get3A_204 = arith.constant 0 : index
    %get3A_205 = vector.load %arg5[%get3A_203, %get3A_204] : memref<64x1xf32, #tpu.memory_space<vmem>>, vector<64x1xf32>
    %get3A_206 = arith.constant 0 : index
    %get3A_207 = arith.constant 0 : index
    %get3A_208 = vector.load %arg10[%get3A_206, %get3A_207] : memref<1x144xf32, #tpu.memory_space<vmem>>, vector<1x144xf32>
    %mul3A_209 = vector.broadcast %get3A_205 : vector<64x1xf32> to vector<64x144xf32>
    %mul3A_210 = vector.broadcast %get3A_208 : vector<1x144xf32> to vector<64x144xf32>
    %mul3A_211 = arith.mulf %mul3A_209, %mul3A_210 : vector<64x144xf32>
    %add3A_212 = arith.addf %mul3A_202, %mul3A_211 : vector<64x144xf32>
    %tanh3A = math.tanh %add3A_212 : vector<64x144xf32>
    %get3A_213 = arith.constant 0 : index
    %get3A_214 = arith.constant 0 : index
    %get3A_215 = vector.load %arg11[%get3A_213, %get3A_214] : memref<144x16xf32, #tpu.memory_space<vmem>>, vector<144x16xf32>
    %dot_general3A_216 = arith.constant dense<0.000000e+00> : vector<64x16xf32>
    %dot_general3A_217 = tpu.matmul %tanh3A, %get3A_215, %dot_general3A_216 {dimension_numbers = #tpu.dot_dimension_numbers<[1], [0], [0], [1], [0, 0, 1, 1], [], []>, transpose_lhs_hint = false} : vector<64x144xf32>, vector<144x16xf32>, vector<64x16xf32> -> vector<64x16xf32>
    %swap3A = arith.constant 0 : index
    %swap3A_218 = arith.constant 0 : index
    %swap3A_219 = vector.load %arg12[%swap3A, %swap3A_218] : memref<64x16xf32, #tpu.memory_space<vmem>>, vector<64x16xf32>
    tpu.vector_store %arg12[%swap3A, %swap3A_218], %dot_general3A_217 {strides = array<i32>} : memref<64x16xf32, #tpu.memory_space<vmem>>, vector<64x16xf32>,
    return
  }
  func.func @transform_0(%arg0: i32) -> (i32, i32) {
    %c0_i32 = arith.constant 0 : i32
    %c0_i32_0 = arith.constant 0 : i32
    return %arg0, %c0_i32 : i32, i32
  }
  func.func @transform_1(%arg0: i32) -> (i32, i32) {
    %c0_i32 = arith.constant 0 : i32
    %c0_i32_0 = arith.constant 0 : i32
    return %c0_i32, %arg0 : i32, i32
  }
  func.func @transform_2(%arg0: i32) -> (i32, i32) {
    %c0_i32 = arith.constant 0 : i32
    %c0_i32_0 = arith.constant 0 : i32
    return %c0_i32, %arg0 : i32, i32
  }
  func.func @transform_3(%arg0: i32) -> (i32, i32) {
    %c0_i32 = arith.constant 0 : i32
    %c0_i32_0 = arith.constant 0 : i32
    return %c0_i32, %arg0 : i32, i32
  }
  func.func @transform_4(%arg0: i32) -> (i32, i32) {
    %c0_i32 = arith.constant 0 : i32
    %c0_i32_0 = arith.constant 0 : i32
    return %arg0, %c0_i32 : i32, i32
  }
  func.func @transform_5(%arg0: i32) -> (i32, i32) {
    %c0_i32 = arith.constant 0 : i32
    %c0_i32_0 = arith.constant 0 : i32
    %c0_i32_1 = arith.constant 0 : i32
    return %c0_i32, %c0_i32_0 : i32, i32
  }
  func.func @transform_6(%arg0: i32) -> (i32, i32) {
    %c0_i32 = arith.constant 0 : i32
    %c0_i32_0 = arith.constant 0 : i32
    %c0_i32_1 = arith.constant 0 : i32
    return %c0_i32, %c0_i32_0 : i32, i32
  }
  func.func @transform_7(%arg0: i32) -> (i32, i32) {
    %c0_i32 = arith.constant 0 : i32
    %c0_i32_0 = arith.constant 0 : i32
    %c0_i32_1 = arith.constant 0 : i32
    return %c0_i32, %c0_i32_0 : i32, i32
  }
  func.func @transform_8(%arg0: i32) -> (i32, i32) {
    %c0_i32 = arith.constant 0 : i32
    %c0_i32_0 = arith.constant 0 : i32
    %c0_i32_1 = arith.constant 0 : i32
    return %c0_i32, %c0_i32_0 : i32, i32
  }
  func.func @transform_9(%arg0: i32) -> (i32, i32) {
    %c0_i32 = arith.constant 0 : i32
    %c0_i32_0 = arith.constant 0 : i32
    %c0_i32_1 = arith.constant 0 : i32
    return %c0_i32, %c0_i32_0 : i32, i32
  }
  func.func @transform_10(%arg0: i32) -> (i32, i32) {
    %c0_i32 = arith.constant 0 : i32
    %c0_i32_0 = arith.constant 0 : i32
    %c0_i32_1 = arith.constant 0 : i32
    return %c0_i32, %c0_i32_0 : i32, i32
  }
  func.func @transform_11(%arg0: i32) -> (i32, i32) {
    %c0_i32 = arith.constant 0 : i32
    %c0_i32_0 = arith.constant 0 : i32
    return %arg0, %c0_i32 : i32, i32
  }
}

module attributes {stable_mosaic.version = 14 : i64} {
  func.func @_combine_kernel(%arg0: i32, %arg1: memref<64x16xf32, #tpu.memory_space<vmem>>, %arg2: memref<1x3072xf32, #tpu.memory_space<vmem>>, %arg3: memref<1x3072xf32, #tpu.memory_space<vmem>>, %arg4: memref<1x3072xf32, #tpu.memory_space<vmem>>, %arg5: memref<64x1xf32, #tpu.memory_space<vmem>>, %arg6: memref<10x100xf32, #tpu.memory_space<vmem>>, %arg7: memref<1x100xf32, #tpu.memory_space<vmem>>, %arg8: memref<100x16xf32, #tpu.memory_space<vmem>>, %arg9: memref<9x16xf32, #tpu.memory_space<vmem>>, %arg10: memref<1x16xf32, #tpu.memory_space<vmem>>, %arg11: memref<16x16xf32, #tpu.memory_space<vmem>>, %arg12: memref<1x16xf32, #tpu.memory_space<vmem>>) attributes {dimension_semantics = [#tpu.dimension_semantics<arbitrary>], iteration_bounds = array<i64: 160>, scalar_prefetch = 0 : i64, scratch_operands = 0 : i64, tpu.core_type = #tpu.core_type<tc>, window_params = [{transform_indices = @transform_0, window_bounds = array<i64: 64, 16>}, {transform_indices = @transform_1, window_bounds = array<i64: 1, 3072>}, {transform_indices = @transform_2, window_bounds = array<i64: 1, 3072>}, {transform_indices = @transform_3, window_bounds = array<i64: 1, 3072>}, {transform_indices = @transform_4, window_bounds = array<i64: 64, 1>}, {pipeline_mode = #tpu.pipeline_mode<synchronous>, transform_indices = @transform_5, window_bounds = array<i64: 10, 100>}, {pipeline_mode = #tpu.pipeline_mode<synchronous>, transform_indices = @transform_6, window_bounds = array<i64: 1, 100>}, {pipeline_mode = #tpu.pipeline_mode<synchronous>, transform_indices = @transform_7, window_bounds = array<i64: 100, 16>}, {pipeline_mode = #tpu.pipeline_mode<synchronous>, transform_indices = @transform_8, window_bounds = array<i64: 9, 16>}, {pipeline_mode = #tpu.pipeline_mode<synchronous>, transform_indices = @transform_9, window_bounds = array<i64: 1, 16>}, {pipeline_mode = #tpu.pipeline_mode<synchronous>, transform_indices = @transform_10, window_bounds = array<i64: 16, 16>}, {pipeline_mode = #tpu.pipeline_mode<synchronous>, transform_indices = @transform_11, window_bounds = array<i64: 1, 16>}]} {
    %get3A = arith.constant 0 : index
    %get3A_0 = arith.constant 0 : index
    %get3A_1 = vector.load %arg2[%get3A, %get3A_0] : memref<1x3072xf32, #tpu.memory_space<vmem>>, vector<1x3072xf32>
    %get3A_2 = arith.constant 0 : index
    %get3A_3 = arith.constant 0 : index
    %get3A_4 = vector.load %arg3[%get3A_2, %get3A_3] : memref<1x3072xf32, #tpu.memory_space<vmem>>, vector<1x3072xf32>
    %get3A_5 = arith.constant 0 : index
    %get3A_6 = arith.constant 0 : index
    %get3A_7 = vector.load %arg4[%get3A_5, %get3A_6] : memref<1x3072xf32, #tpu.memory_space<vmem>>, vector<1x3072xf32>
    %mul3A = arith.mulf %get3A_1, %get3A_1 : vector<1x3072xf32>
    %mul3A_8 = arith.mulf %get3A_4, %get3A_4 : vector<1x3072xf32>
    %add3A = arith.addf %mul3A, %mul3A_8 : vector<1x3072xf32>
    %mul3A_9 = arith.mulf %get3A_7, %get3A_7 : vector<1x3072xf32>
    %add3A_10 = arith.addf %add3A, %mul3A_9 : vector<1x3072xf32>
    %sqrt3A = math.sqrt %add3A_10 : vector<1x3072xf32>
    %max3A = arith.constant 9.99999996E-13 : f32
    %max3A_11 = vector.broadcast %max3A : f32 to vector<1x3072xf32>
    %max3A_12 = arith.maximumf %sqrt3A, %max3A_11 : vector<1x3072xf32>
    %div3A = arith.constant 1.000000e+00 : f32
    %div3A_13 = vector.broadcast %div3A : f32 to vector<1x3072xf32>
    %div3A_14 = arith.divf %div3A_13, %max3A_12 : vector<1x3072xf32>
    %mul3A_15 = arith.mulf %get3A_1, %div3A_14 : vector<1x3072xf32>
    %mul3A_16 = arith.mulf %get3A_4, %div3A_14 : vector<1x3072xf32>
    %mul3A_17 = arith.mulf %get3A_7, %div3A_14 : vector<1x3072xf32>
    %broadcast_in_dim3A = arith.constant 1.000000e+00 : f32
    %broadcast_in_dim3A_18 = vector.broadcast %broadcast_in_dim3A : f32 to vector<1x3072xf32>
    %mul3A_19 = arith.constant 1.73205078 : f32
    %mul3A_20 = vector.broadcast %mul3A_19 : f32 to vector<1x3072xf32>
    %mul3A_21 = arith.mulf %mul3A_20, %mul3A_15 : vector<1x3072xf32>
    %mul3A_22 = arith.constant 1.73205078 : f32
    %mul3A_23 = vector.broadcast %mul3A_22 : f32 to vector<1x3072xf32>
    %mul3A_24 = arith.mulf %mul3A_23, %mul3A_16 : vector<1x3072xf32>
    %mul3A_25 = arith.constant 1.73205078 : f32
    %mul3A_26 = vector.broadcast %mul3A_25 : f32 to vector<1x3072xf32>
    %mul3A_27 = arith.mulf %mul3A_26, %mul3A_17 : vector<1x3072xf32>
    %mul3A_28 = arith.constant 3.87298346 : f32
    %mul3A_29 = vector.broadcast %mul3A_28 : f32 to vector<1x3072xf32>
    %mul3A_30 = arith.mulf %mul3A_29, %mul3A_15 : vector<1x3072xf32>
    %mul3A_31 = arith.mulf %mul3A_30, %mul3A_16 : vector<1x3072xf32>
    %mul3A_32 = arith.constant 3.87298346 : f32
    %mul3A_33 = vector.broadcast %mul3A_32 : f32 to vector<1x3072xf32>
    %mul3A_34 = arith.mulf %mul3A_33, %mul3A_16 : vector<1x3072xf32>
    %mul3A_35 = arith.mulf %mul3A_34, %mul3A_17 : vector<1x3072xf32>
    %mul3A_36 = arith.constant 3.000000e+00 : f32
    %mul3A_37 = vector.broadcast %mul3A_36 : f32 to vector<1x3072xf32>
    %mul3A_38 = arith.mulf %mul3A_37, %mul3A_17 : vector<1x3072xf32>
    %mul3A_39 = arith.mulf %mul3A_38, %mul3A_17 : vector<1x3072xf32>
    %sub3A = arith.constant 1.000000e+00 : f32
    %sub3A_40 = vector.broadcast %sub3A : f32 to vector<1x3072xf32>
    %sub3A_41 = arith.subf %mul3A_39, %sub3A_40 : vector<1x3072xf32>
    %mul3A_42 = arith.constant 1.11803401 : f32
    %mul3A_43 = vector.broadcast %mul3A_42 : f32 to vector<1x3072xf32>
    %mul3A_44 = arith.mulf %mul3A_43, %sub3A_41 : vector<1x3072xf32>
    %mul3A_45 = arith.constant 3.87298346 : f32
    %mul3A_46 = vector.broadcast %mul3A_45 : f32 to vector<1x3072xf32>
    %mul3A_47 = arith.mulf %mul3A_46, %mul3A_15 : vector<1x3072xf32>
    %mul3A_48 = arith.mulf %mul3A_47, %mul3A_17 : vector<1x3072xf32>
    %mul3A_49 = arith.mulf %mul3A_15, %mul3A_15 : vector<1x3072xf32>
    %mul3A_50 = arith.mulf %mul3A_16, %mul3A_16 : vector<1x3072xf32>
    %sub3A_51 = arith.subf %mul3A_49, %mul3A_50 : vector<1x3072xf32>
    %mul3A_52 = arith.constant 1.93649173 : f32
    %mul3A_53 = vector.broadcast %mul3A_52 : f32 to vector<1x3072xf32>
    %mul3A_54 = arith.mulf %mul3A_53, %sub3A_51 : vector<1x3072xf32>
    %concatenate3A = tpu.concatenate %broadcast_in_dim3A_18, %mul3A_21, %mul3A_24, %mul3A_27, %mul3A_31, %mul3A_35, %mul3A_44, %mul3A_48, %mul3A_54 in 0 : vector<1x3072xf32>, vector<1x3072xf32>, vector<1x3072xf32>, vector<1x3072xf32>, vector<1x3072xf32>, vector<1x3072xf32>, vector<1x3072xf32>, vector<1x3072xf32>, vector<1x3072xf32> -> vector<9x3072xf32>
    %mul3A_55 = arith.constant 150.684937 : f32
    %mul3A_56 = vector.broadcast %mul3A_55 : f32 to vector<1x3072xf32>
    %mul3A_57 = arith.mulf %sqrt3A, %mul3A_56 : vector<1x3072xf32>
    %mul3A_58 = arith.constant 1.57079637 : f32
    %mul3A_59 = vector.broadcast %mul3A_58 : f32 to vector<1x3072xf32>
    %mul3A_60 = arith.mulf %mul3A_59, %mul3A_57 : vector<1x3072xf32>
    %cos3A = math.cos %mul3A_60 : vector<1x3072xf32>
    %mul3A_61 = arith.constant 1.57079637 : f32
    %mul3A_62 = vector.broadcast %mul3A_61 : f32 to vector<1x3072xf32>
    %mul3A_63 = arith.mulf %mul3A_62, %mul3A_57 : vector<1x3072xf32>
    %sin3A = math.sin %mul3A_63 : vector<1x3072xf32>
    %mul3A_64 = arith.constant 3.1622777 : f32
    %mul3A_65 = vector.broadcast %mul3A_64 : f32 to vector<1x3072xf32>
    %mul3A_66 = arith.mulf %mul3A_65, %sin3A : vector<1x3072xf32>
    %mul3A_67 = arith.constant -3.1622777 : f32
    %mul3A_68 = vector.broadcast %mul3A_67 : f32 to vector<1x3072xf32>
    %mul3A_69 = arith.mulf %mul3A_68, %cos3A : vector<1x3072xf32>
    %mul3A_70 = arith.constant -3.1622777 : f32
    %mul3A_71 = vector.broadcast %mul3A_70 : f32 to vector<1x3072xf32>
    %mul3A_72 = arith.mulf %mul3A_71, %sin3A : vector<1x3072xf32>
    %mul3A_73 = arith.constant 3.1622777 : f32
    %mul3A_74 = vector.broadcast %mul3A_73 : f32 to vector<1x3072xf32>
    %mul3A_75 = arith.mulf %mul3A_74, %cos3A : vector<1x3072xf32>
    %gt3A = arith.constant 0.000000e+00 : f32
    %gt3A_76 = vector.broadcast %gt3A : f32 to vector<1x3072xf32>
    %gt3A_77 = arith.cmpf ogt, %mul3A_57, %gt3A_76 : vector<1x3072xf32>
    %lt3A = arith.constant 2.000000e+00 : f32
    %lt3A_78 = vector.broadcast %lt3A : f32 to vector<1x3072xf32>
    %lt3A_79 = arith.cmpf olt, %mul3A_57, %lt3A_78 : vector<1x3072xf32>
    %and3A = arith.andi %gt3A_77, %lt3A_79 : vector<1x3072xi1>
    %jit3A = arith.constant 0.000000e+00 : f32
    %broadcast_in_dim3A_80 = vector.broadcast %jit3A : f32 to vector<1x3072xf32>
    %select_n3A = arith.select %and3A, %mul3A_66, %broadcast_in_dim3A_80 : vector<1x3072xi1>, vector<1x3072xf32>
    %gt3A_81 = arith.constant 1.000000e+00 : f32
    %gt3A_82 = vector.broadcast %gt3A_81 : f32 to vector<1x3072xf32>
    %gt3A_83 = arith.cmpf ogt, %mul3A_57, %gt3A_82 : vector<1x3072xf32>
    %lt3A_84 = arith.constant 3.000000e+00 : f32
    %lt3A_85 = vector.broadcast %lt3A_84 : f32 to vector<1x3072xf32>
    %lt3A_86 = arith.cmpf olt, %mul3A_57, %lt3A_85 : vector<1x3072xf32>
    %and3A_87 = arith.andi %gt3A_83, %lt3A_86 : vector<1x3072xi1>
    %jit3A_88 = arith.constant 0.000000e+00 : f32
    %broadcast_in_dim3A_89 = vector.broadcast %jit3A_88 : f32 to vector<1x3072xf32>
    %select_n3A_90 = arith.select %and3A_87, %mul3A_69, %broadcast_in_dim3A_89 : vector<1x3072xi1>, vector<1x3072xf32>
    %gt3A_91 = arith.constant 2.000000e+00 : f32
    %gt3A_92 = vector.broadcast %gt3A_91 : f32 to vector<1x3072xf32>
    %gt3A_93 = arith.cmpf ogt, %mul3A_57, %gt3A_92 : vector<1x3072xf32>
    %lt3A_94 = arith.constant 4.000000e+00 : f32
    %lt3A_95 = vector.broadcast %lt3A_94 : f32 to vector<1x3072xf32>
    %lt3A_96 = arith.cmpf olt, %mul3A_57, %lt3A_95 : vector<1x3072xf32>
    %and3A_97 = arith.andi %gt3A_93, %lt3A_96 : vector<1x3072xi1>
    %jit3A_98 = arith.constant 0.000000e+00 : f32
    %broadcast_in_dim3A_99 = vector.broadcast %jit3A_98 : f32 to vector<1x3072xf32>
    %select_n3A_100 = arith.select %and3A_97, %mul3A_72, %broadcast_in_dim3A_99 : vector<1x3072xi1>, vector<1x3072xf32>
    %gt3A_101 = arith.constant 3.000000e+00 : f32
    %gt3A_102 = vector.broadcast %gt3A_101 : f32 to vector<1x3072xf32>
    %gt3A_103 = arith.cmpf ogt, %mul3A_57, %gt3A_102 : vector<1x3072xf32>
    %lt3A_104 = arith.constant 5.000000e+00 : f32
    %lt3A_105 = vector.broadcast %lt3A_104 : f32 to vector<1x3072xf32>
    %lt3A_106 = arith.cmpf olt, %mul3A_57, %lt3A_105 : vector<1x3072xf32>
    %and3A_107 = arith.andi %gt3A_103, %lt3A_106 : vector<1x3072xi1>
    %jit3A_108 = arith.constant 0.000000e+00 : f32
    %broadcast_in_dim3A_109 = vector.broadcast %jit3A_108 : f32 to vector<1x3072xf32>
    %select_n3A_110 = arith.select %and3A_107, %mul3A_75, %broadcast_in_dim3A_109 : vector<1x3072xi1>, vector<1x3072xf32>
    %gt3A_111 = arith.constant 4.000000e+00 : f32
    %gt3A_112 = vector.broadcast %gt3A_111 : f32 to vector<1x3072xf32>
    %gt3A_113 = arith.cmpf ogt, %mul3A_57, %gt3A_112 : vector<1x3072xf32>
    %lt3A_114 = arith.constant 6.000000e+00 : f32
    %lt3A_115 = vector.broadcast %lt3A_114 : f32 to vector<1x3072xf32>
    %lt3A_116 = arith.cmpf olt, %mul3A_57, %lt3A_115 : vector<1x3072xf32>
    %and3A_117 = arith.andi %gt3A_113, %lt3A_116 : vector<1x3072xi1>
    %jit3A_118 = arith.constant 0.000000e+00 : f32
    %broadcast_in_dim3A_119 = vector.broadcast %jit3A_118 : f32 to vector<1x3072xf32>
    %select_n3A_120 = arith.select %and3A_117, %mul3A_66, %broadcast_in_dim3A_119 : vector<1x3072xi1>, vector<1x3072xf32>
    %gt3A_121 = arith.constant 5.000000e+00 : f32
    %gt3A_122 = vector.broadcast %gt3A_121 : f32 to vector<1x3072xf32>
    %gt3A_123 = arith.cmpf ogt, %mul3A_57, %gt3A_122 : vector<1x3072xf32>
    %lt3A_124 = arith.constant 7.000000e+00 : f32
    %lt3A_125 = vector.broadcast %lt3A_124 : f32 to vector<1x3072xf32>
    %lt3A_126 = arith.cmpf olt, %mul3A_57, %lt3A_125 : vector<1x3072xf32>
    %and3A_127 = arith.andi %gt3A_123, %lt3A_126 : vector<1x3072xi1>
    %jit3A_128 = arith.constant 0.000000e+00 : f32
    %broadcast_in_dim3A_129 = vector.broadcast %jit3A_128 : f32 to vector<1x3072xf32>
    %select_n3A_130 = arith.select %and3A_127, %mul3A_69, %broadcast_in_dim3A_129 : vector<1x3072xi1>, vector<1x3072xf32>
    %gt3A_131 = arith.constant 6.000000e+00 : f32
    %gt3A_132 = vector.broadcast %gt3A_131 : f32 to vector<1x3072xf32>
    %gt3A_133 = arith.cmpf ogt, %mul3A_57, %gt3A_132 : vector<1x3072xf32>
    %lt3A_134 = arith.constant 8.000000e+00 : f32
    %lt3A_135 = vector.broadcast %lt3A_134 : f32 to vector<1x3072xf32>
    %lt3A_136 = arith.cmpf olt, %mul3A_57, %lt3A_135 : vector<1x3072xf32>
    %and3A_137 = arith.andi %gt3A_133, %lt3A_136 : vector<1x3072xi1>
    %jit3A_138 = arith.constant 0.000000e+00 : f32
    %broadcast_in_dim3A_139 = vector.broadcast %jit3A_138 : f32 to vector<1x3072xf32>
    %select_n3A_140 = arith.select %and3A_137, %mul3A_72, %broadcast_in_dim3A_139 : vector<1x3072xi1>, vector<1x3072xf32>
    %gt3A_141 = arith.constant 7.000000e+00 : f32
    %gt3A_142 = vector.broadcast %gt3A_141 : f32 to vector<1x3072xf32>
    %gt3A_143 = arith.cmpf ogt, %mul3A_57, %gt3A_142 : vector<1x3072xf32>
    %lt3A_144 = arith.constant 9.000000e+00 : f32
    %lt3A_145 = vector.broadcast %lt3A_144 : f32 to vector<1x3072xf32>
    %lt3A_146 = arith.cmpf olt, %mul3A_57, %lt3A_145 : vector<1x3072xf32>
    %and3A_147 = arith.andi %gt3A_143, %lt3A_146 : vector<1x3072xi1>
    %jit3A_148 = arith.constant 0.000000e+00 : f32
    %broadcast_in_dim3A_149 = vector.broadcast %jit3A_148 : f32 to vector<1x3072xf32>
    %select_n3A_150 = arith.select %and3A_147, %mul3A_75, %broadcast_in_dim3A_149 : vector<1x3072xi1>, vector<1x3072xf32>
    %gt3A_151 = arith.constant 8.000000e+00 : f32
    %gt3A_152 = vector.broadcast %gt3A_151 : f32 to vector<1x3072xf32>
    %gt3A_153 = arith.cmpf ogt, %mul3A_57, %gt3A_152 : vector<1x3072xf32>
    %lt3A_154 = arith.constant 1.000000e+01 : f32
    %lt3A_155 = vector.broadcast %lt3A_154 : f32 to vector<1x3072xf32>
    %lt3A_156 = arith.cmpf olt, %mul3A_57, %lt3A_155 : vector<1x3072xf32>
    %and3A_157 = arith.andi %gt3A_153, %lt3A_156 : vector<1x3072xi1>
    %jit3A_158 = arith.constant 0.000000e+00 : f32
    %broadcast_in_dim3A_159 = vector.broadcast %jit3A_158 : f32 to vector<1x3072xf32>
    %select_n3A_160 = arith.select %and3A_157, %mul3A_66, %broadcast_in_dim3A_159 : vector<1x3072xi1>, vector<1x3072xf32>
    %gt3A_161 = arith.constant 9.000000e+00 : f32
    %gt3A_162 = vector.broadcast %gt3A_161 : f32 to vector<1x3072xf32>
    %gt3A_163 = arith.cmpf ogt, %mul3A_57, %gt3A_162 : vector<1x3072xf32>
    %lt3A_164 = arith.constant 1.100000e+01 : f32
    %lt3A_165 = vector.broadcast %lt3A_164 : f32 to vector<1x3072xf32>
    %lt3A_166 = arith.cmpf olt, %mul3A_57, %lt3A_165 : vector<1x3072xf32>
    %and3A_167 = arith.andi %gt3A_163, %lt3A_166 : vector<1x3072xi1>
    %jit3A_168 = arith.constant 0.000000e+00 : f32
    %broadcast_in_dim3A_169 = vector.broadcast %jit3A_168 : f32 to vector<1x3072xf32>
    %select_n3A_170 = arith.select %and3A_167, %mul3A_69, %broadcast_in_dim3A_169 : vector<1x3072xi1>, vector<1x3072xf32>
    %concatenate3A_171 = tpu.concatenate %select_n3A, %select_n3A_90, %select_n3A_100, %select_n3A_110, %select_n3A_120, %select_n3A_130, %select_n3A_140, %select_n3A_150, %select_n3A_160, %select_n3A_170 in 0 : vector<1x3072xf32>, vector<1x3072xf32>, vector<1x3072xf32>, vector<1x3072xf32>, vector<1x3072xf32>, vector<1x3072xf32>, vector<1x3072xf32>, vector<1x3072xf32>, vector<1x3072xf32>, vector<1x3072xf32> -> vector<10x3072xf32>
    %get3A_172 = arith.constant 0 : index
    %get3A_173 = arith.constant 0 : index
    %get3A_174 = vector.load %arg6[%get3A_172, %get3A_173] : memref<10x100xf32, #tpu.memory_space<vmem>>, vector<10x100xf32>
    %dot_general3A = arith.constant dense<0.000000e+00> : vector<3072x100xf32>
    %dot_general3A_175 = tpu.matmul %concatenate3A_171, %get3A_174, %dot_general3A {dimension_numbers = #tpu.dot_dimension_numbers<[0], [0], [1], [1], [0, 1, 1, 1], [], []>, transpose_lhs_hint = false} : vector<10x3072xf32>, vector<10x100xf32>, vector<3072x100xf32> -> vector<3072x100xf32>
    %get3A_176 = arith.constant 0 : index
    %get3A_177 = arith.constant 0 : index
    %get3A_178 = vector.load %arg7[%get3A_176, %get3A_177] : memref<1x100xf32, #tpu.memory_space<vmem>>, vector<1x100xf32>
    %add3A_179 = vector.broadcast %get3A_178 : vector<1x100xf32> to vector<3072x100xf32>
    %add3A_180 = arith.addf %dot_general3A_175, %add3A_179 : vector<3072x100xf32>
    %max3A_181 = arith.constant 0.000000e+00 : f32
    %max3A_182 = vector.broadcast %max3A_181 : f32 to vector<3072x100xf32>
    %max3A_183 = arith.maximumf %add3A_180, %max3A_182 : vector<3072x100xf32>
    %get3A_184 = arith.constant 0 : index
    %get3A_185 = arith.constant 0 : index
    %get3A_186 = vector.load %arg8[%get3A_184, %get3A_185] : memref<100x16xf32, #tpu.memory_space<vmem>>, vector<100x16xf32>
    %dot_general3A_187 = arith.constant dense<0.000000e+00> : vector<3072x16xf32>
    %dot_general3A_188 = tpu.matmul %max3A_183, %get3A_186, %dot_general3A_187 {dimension_numbers = #tpu.dot_dimension_numbers<[1], [0], [0], [1], [0, 0, 1, 1], [], []>, transpose_lhs_hint = false} : vector<3072x100xf32>, vector<100x16xf32>, vector<3072x16xf32> -> vector<3072x16xf32>
    %get3A_189 = arith.constant 0 : index
    %get3A_190 = arith.constant 0 : index
    %get3A_191 = vector.load %arg9[%get3A_189, %get3A_190] : memref<9x16xf32, #tpu.memory_space<vmem>>, vector<9x16xf32>
    %dot_general3A_192 = arith.constant dense<0.000000e+00> : vector<3072x16xf32>
    %dot_general3A_193 = tpu.matmul %concatenate3A, %get3A_191, %dot_general3A_192 {dimension_numbers = #tpu.dot_dimension_numbers<[0], [0], [1], [1], [0, 1, 1, 1], [], []>, transpose_lhs_hint = false} : vector<9x3072xf32>, vector<9x16xf32>, vector<3072x16xf32> -> vector<3072x16xf32>
    %reshape3A = vector.shape_cast %dot_general3A_188 : vector<3072x16xf32> to vector<64x48x16xf32>
    %reduce_sum3A = arith.constant dense<0.000000e+00> : vector<64x16xf32>
    %reduce_sum3A_194 = vector.multi_reduction <add>, %reshape3A, %reduce_sum3A [1] : vector<64x48x16xf32> to vector<64x16xf32>
    %mul3A_195 = arith.mulf %dot_general3A_188, %dot_general3A_193 : vector<3072x16xf32>
    %reshape3A_196 = vector.shape_cast %mul3A_195 : vector<3072x16xf32> to vector<64x48x16xf32>
    %reduce_sum3A_197 = arith.constant dense<0.000000e+00> : vector<64x16xf32>
    %reduce_sum3A_198 = vector.multi_reduction <add>, %reshape3A_196, %reduce_sum3A_197 [1] : vector<64x48x16xf32> to vector<64x16xf32>
    %get3A_199 = arith.constant 0 : index
    %get3A_200 = arith.constant 0 : index
    %get3A_201 = vector.load %arg1[%get3A_199, %get3A_200] : memref<64x16xf32, #tpu.memory_space<vmem>>, vector<64x16xf32>
    %mul3A_202 = arith.mulf %get3A_201, %reduce_sum3A_194 : vector<64x16xf32>
    %add3A_203 = arith.addf %reduce_sum3A_198, %mul3A_202 : vector<64x16xf32>
    %mul3A_204 = arith.constant 2.500000e-01 : f32
    %mul3A_205 = vector.broadcast %mul3A_204 : f32 to vector<64x16xf32>
    %mul3A_206 = arith.mulf %add3A_203, %mul3A_205 : vector<64x16xf32>
    %get3A_207 = arith.constant 0 : index
    %get3A_208 = arith.constant 0 : index
    %get3A_209 = vector.load %arg5[%get3A_207, %get3A_208] : memref<64x1xf32, #tpu.memory_space<vmem>>, vector<64x1xf32>
    %get3A_210 = arith.constant 0 : index
    %get3A_211 = arith.constant 0 : index
    %get3A_212 = vector.load %arg10[%get3A_210, %get3A_211] : memref<1x16xf32, #tpu.memory_space<vmem>>, vector<1x16xf32>
    %mul3A_213 = vector.broadcast %get3A_209 : vector<64x1xf32> to vector<64x16xf32>
    %mul3A_214 = vector.broadcast %get3A_212 : vector<1x16xf32> to vector<64x16xf32>
    %mul3A_215 = arith.mulf %mul3A_213, %mul3A_214 : vector<64x16xf32>
    %add3A_216 = arith.addf %mul3A_206, %mul3A_215 : vector<64x16xf32>
    %reduce_sum3A_217 = arith.constant dense<0.000000e+00> : vector<16xf32>
    %reduce_sum3A_218 = vector.multi_reduction <add>, %add3A_216, %reduce_sum3A_217 [0] : vector<64x16xf32> to vector<16xf32>
    %broadcast_in_dim3A_219 = vector.shape_cast %reduce_sum3A_218 : vector<16xf32> to vector<1x16xf32>
    %eq3A = arith.constant 0 : i32
    %eq3A_220 = arith.cmpi eq, %arg0, %eq3A : i32
    %convert_element_type3A = arith.extui %eq3A_220 : i1 to i32
    %cond3A = arith.constant 0 : i32
    %cond3A_221 = arith.cmpi ne, %convert_element_type3A, %cond3A : i32
    scf.if %cond3A_221 {
      %swap3A = arith.constant 0 : index
      %swap3A_226 = arith.constant 0 : index
      %swap3A_227 = vector.load %arg12[%swap3A, %swap3A_226] : memref<1x16xf32, #tpu.memory_space<vmem>>, vector<1x16xf32>
      tpu.vector_store %arg12[%swap3A, %swap3A_226], %broadcast_in_dim3A_219 {strides = array<i32>} : memref<1x16xf32, #tpu.memory_space<vmem>>, vector<1x16xf32>,
    } else {
    }
    %ne3A = arith.constant 0 : i32
    %ne3A_222 = arith.cmpi ne, %arg0, %ne3A : i32
    %convert_element_type3A_223 = arith.extui %ne3A_222 : i1 to i32
    %cond3A_224 = arith.constant 0 : i32
    %cond3A_225 = arith.cmpi ne, %convert_element_type3A_223, %cond3A_224 : i32
    scf.if %cond3A_225 {
      %get3A_226 = arith.constant 0 : index
      %get3A_227 = arith.constant 0 : index
      %get3A_228 = vector.load %arg12[%get3A_226, %get3A_227] : memref<1x16xf32, #tpu.memory_space<vmem>>, vector<1x16xf32>
      %add3A_229 = arith.addf %get3A_228, %broadcast_in_dim3A_219 : vector<1x16xf32>
      %swap3A = arith.constant 0 : index
      %swap3A_230 = arith.constant 0 : index
      %swap3A_231 = vector.load %arg12[%swap3A, %swap3A_230] : memref<1x16xf32, #tpu.memory_space<vmem>>, vector<1x16xf32>
      tpu.vector_store %arg12[%swap3A, %swap3A_230], %add3A_229 {strides = array<i32>} : memref<1x16xf32, #tpu.memory_space<vmem>>, vector<1x16xf32>,
    } else {
    }
    return
  }
  func.func @transform_0(%arg0: i32) -> (i32, i32) {
    %c0_i32 = arith.constant 0 : i32
    %c0_i32_0 = arith.constant 0 : i32
    return %arg0, %c0_i32 : i32, i32
  }
  func.func @transform_1(%arg0: i32) -> (i32, i32) {
    %c0_i32 = arith.constant 0 : i32
    %c0_i32_0 = arith.constant 0 : i32
    return %c0_i32, %arg0 : i32, i32
  }
  func.func @transform_2(%arg0: i32) -> (i32, i32) {
    %c0_i32 = arith.constant 0 : i32
    %c0_i32_0 = arith.constant 0 : i32
    return %c0_i32, %arg0 : i32, i32
  }
  func.func @transform_3(%arg0: i32) -> (i32, i32) {
    %c0_i32 = arith.constant 0 : i32
    %c0_i32_0 = arith.constant 0 : i32
    return %c0_i32, %arg0 : i32, i32
  }
  func.func @transform_4(%arg0: i32) -> (i32, i32) {
    %c0_i32 = arith.constant 0 : i32
    %c0_i32_0 = arith.constant 0 : i32
    return %arg0, %c0_i32 : i32, i32
  }
  func.func @transform_5(%arg0: i32) -> (i32, i32) {
    %c0_i32 = arith.constant 0 : i32
    %c0_i32_0 = arith.constant 0 : i32
    %c0_i32_1 = arith.constant 0 : i32
    return %c0_i32, %c0_i32_0 : i32, i32
  }
  func.func @transform_6(%arg0: i32) -> (i32, i32) {
    %c0_i32 = arith.constant 0 : i32
    %c0_i32_0 = arith.constant 0 : i32
    %c0_i32_1 = arith.constant 0 : i32
    return %c0_i32, %c0_i32_0 : i32, i32
  }
  func.func @transform_7(%arg0: i32) -> (i32, i32) {
    %c0_i32 = arith.constant 0 : i32
    %c0_i32_0 = arith.constant 0 : i32
    %c0_i32_1 = arith.constant 0 : i32
    return %c0_i32, %c0_i32_0 : i32, i32
  }
  func.func @transform_8(%arg0: i32) -> (i32, i32) {
    %c0_i32 = arith.constant 0 : i32
    %c0_i32_0 = arith.constant 0 : i32
    %c0_i32_1 = arith.constant 0 : i32
    return %c0_i32, %c0_i32_0 : i32, i32
  }
  func.func @transform_9(%arg0: i32) -> (i32, i32) {
    %c0_i32 = arith.constant 0 : i32
    %c0_i32_0 = arith.constant 0 : i32
    %c0_i32_1 = arith.constant 0 : i32
    return %c0_i32, %c0_i32_0 : i32, i32
  }
  func.func @transform_10(%arg0: i32) -> (i32, i32) {
    %c0_i32 = arith.constant 0 : i32
    %c0_i32_0 = arith.constant 0 : i32
    %c0_i32_1 = arith.constant 0 : i32
    return %c0_i32, %c0_i32_0 : i32, i32
  }
  func.func @transform_11(%arg0: i32) -> (i32, i32) {
    %c0_i32 = arith.constant 0 : i32
    %c0_i32_0 = arith.constant 0 : i32
    %c0_i32_1 = arith.constant 0 : i32
    return %c0_i32, %c0_i32_0 : i32, i32
  }
}

</mosaic_0001>

<sc_bundles>
// kernel: kernel.12.cloned.1.call-start
scs
__scs_entry_jumppad:
0x0: {  	(pc) =	sbr.rel $0x88, $3  }
0x1: {  	(tag) =	ssettag $0x0;
	lr =	simm.s32 $0x1  }
0x2: {  	[smem:$0x3F8C] =	sst lr;
	_ =	strace $0xD0000000  }
0x3: {  	_ = 	snop  }
0x4: {  	_ = 	snop  }
0x5: {  	_ = 	snop  }
0x6: {  	_ = 	snop  }
0x7: {  	_ = 	snop  }
__scs_overlays_trampoline_lowered:
0x8: {  	[smem:$0x3F9B] =	sst s0  }
0x9: {  	[smem:$0x3F9C] =	sst s1  }
0xa: {  	[smem:$0x3F9D] =	sst s2  }
0xb: {  	[smem:$0x3F9E] =	sst s3  }
0xc: {  	[smem:$0x3F9F] =	sst s4  }
0xd: {  	[smem:$0x3FA0] =	sst s5  }
0xe: {  	[smem:$0x3FA1] =	sst s6  }
0xf: {  	[smem:$0x3FA2] =	sst s7  }
0x10: {  	[smem:$0x3FA3] =	sst s8  }
0x11: {  	[smem:$0x3FA4] =	sst s9;
	s0 =	simm.s32 @!p0 $0x0  }
0x12: {  	s1 =	sld [smem:$0x3F8A];
	s0 =	simm.s32 @p0 $0x1  }
0x13: {  	[smem:$0x3FA5] =	sst s0;
	s0 =	simm.s32 @!p1 $0x0  }
0x14: {  	s2 =	sld [smem:$0x3F89];
	s0 =	simm.s32 @p1 $0x1  }
0x15: {  	[smem:$0x3FA6] =	sst s0;
	s0 =	simm.s32 @!p2 $0x0  }
0x16: {  	s3 =	sld [smem:$0x3FDB];
	s0 =	simm.s32 @p2 $0x1  }
0x17: {  	s4 =	simm.s32 $0x1BF5;
	[smem:$0x3FA8] =	sst s0  }
0x18: {  	s0 =	sld [smem:$0x3F8B];
	_ =	swait.ge [sflag:s4], $0x0  }
0x19: {  	s7 =	sld [smem:$0x3F8C]  }
0x1a: {  	s8 =	sadd.s32 $0xFFFFE003, lr  }
0x1b: {  	s9 =	sadd.s32 $0xFFFFFEF7, lr;
	s5 =	simm.s32 $0xFFFFFFFF;
	p2 =	slt.u32 s8, $0xFFFFF086  }
0x1c: {  	p1 =	slt.u32 s9, $0xF7A;
	s5 =	simm.s32 @!p2 $0x0  }
0x1d: {  	s5 =	simm.s32 @p1 $0x1;
	p0 =	seq.s32 s7, s2  }
0x1e: {  	s7 =	smul.u32 @!p0 $0xF7A, s2;
	p2 =	seq.s32 @!p0 s5, $0x0  }
0x1f: {  	s9 =	smul.u32 $0xF7A, s1;
	s8 =	simm.s32 @!p0 $0x1BF5;
	p2 =	por !p2, p0  }
0x20: {  	[sflag:s8] =	ssyncset.s32 @!p0 $0xFFFFF086;
	s6 =	sadd.s32 @!p0 s3, s7;
	s7 =	simm.s32 @!p0 $0x108  }
0x21: {  	s3 =	sadd.s32 s3, s9;
	s6 =	sadd.s32 @!p0 $0x88, s6;
	s7 =	simm.s32 @p2 $0x1082  }
0x22: {  	[simem:s7], [sflag:s8] =	dma.local @!p0 [hbm:s6], $0xF7A  }
0x23: {  	s9 =	sor.u32 $0xD0000000, s2;
	s6 =	simm.s32 $0x108;
	_ =	swait.ge @!p0 [sflag:s8], $0x0  }
0x24: {  	s3 =	sadd.s32 $0x88, s3;
	s6 =	simm.s32 @!p1 $0x1082;
	[sflag:s4] =	ssyncset.s32 $0xFFFFF086  }
0x25: {  	[simem:s6], [sflag:s4] =	dma.local [hbm:s3], $0xF7A  }
0x26: {  	[smem:$0x3F8C] =	sst s1;
	(tag) =	ssettag s2;
	_ =	strace s9  }
0x27: {  	s1 =	sld [smem:$0x3F9C]  }
0x28: {  	s2 =	sld [smem:$0x3F9D]  }
0x29: {  	s4 =	sld [smem:$0x3F9F]  }
0x2a: {  	p0 =	seq.s32 s5, $0x0;
	s5 =	sld [smem:$0x3FA0]  }
0x2b: {  	s6 =	sld [smem:$0x3FA1]  }
0x2c: {  	s7 =	sld [smem:$0x3FA2]  }
0x2d: {  	s3 =	simm.s32 $0x108;
	s8 =	sld [smem:$0x3FA3]  }
0x2e: {  	s3 =	simm.s32 @!p0 $0x1082;
	s9 =	sld [smem:$0x3FA4]  }
0x2f: {  	lr =	sadd.s32 s0, s3;
	s0 =	sld [smem:$0x3F9B]  }
0x30: {  	s3 =	sld [smem:$0x3F9E]  }
0x31: {  	[smem:$0x3FA7] =	sst s10  }
0x32: {  	s10 =	sld [smem:$0x3FA5];
	_ =	sdelay $0x3  }
0x33: {  	p0 =	seq.s32 s10, $0x1;
	s10 =	sld [smem:$0x3FA7];
	_ =	sdelay $0x3  }
0x34: {  	[smem:$0x3FA7] =	sst s10  }
0x35: {  	s10 =	sld [smem:$0x3FA6];
	_ =	sdelay $0x3  }
0x36: {  	p1 =	seq.s32 s10, $0x1;
	s10 =	sld [smem:$0x3FA7];
	_ =	sdelay $0x3  }
0x37: {  	[smem:$0x3FA7] =	sst s10  }
0x38: {  	s10 =	sld [smem:$0x3FA8]  }
0x39: {  	_ = 	snop;
	(pc) =	sbr.ind lr, $3  }
0x3a: {  	_ = 	snop  }
0x3b: {  	_ = 	snop  }
0x3c: {  	p2 =	seq.s32 s10, $0x1;
	s10 =	sld [smem:$0x3FA7]  }
0x3d: {  	_ =	shalt  }
0x3e: {  	_ =	shalt  }
0x3f: {  	_ =	shalt  }
0x40: {  	_ =	shalt  }
0x41: {  	_ =	shalt  }
0x42: {  	_ =	shalt  }
0x43: {  	_ =	shalt  }
0x44: {  	_ =	shalt  }
0x45: {  	_ =	shalt  }
0x46: {  	_ =	shalt  }
0x47: {  	_ =	shalt  }
0x48: {  	_ =	shalt  }
0x49: {  	_ =	shalt  }
0x4a: {  	_ =	shalt  }
0x4b: {  	_ =	shalt  }
0x4c: {  	_ =	shalt  }
0x4d: {  	_ =	shalt  }
0x4e: {  	_ =	shalt  }
0x4f: {  	_ =	shalt  }
0x50: {  	_ =	shalt  }
0x51: {  	_ =	shalt  }
0x52: {  	_ =	shalt  }
0x53: {  	_ =	shalt  }
0x54: {  	_ =	shalt  }
0x55: {  	_ =	shalt  }
0x56: {  	_ =	shalt  }
0x57: {  	_ =	shalt  }
0x58: {  	_ =	shalt  }
0x59: {  	_ =	shalt  }
0x5a: {  	_ =	shalt  }
0x5b: {  	_ =	shalt  }
0x5c: {  	_ =	shalt  }
0x5d: {  	_ =	shalt  }
0x5e: {  	_ =	shalt  }
0x5f: {  	_ =	shalt  }
0x60: {  	_ =	shalt  }
0x61: {  	_ =	shalt  }
0x62: {  	_ =	shalt  }
0x63: {  	_ =	shalt  }
0x64: {  	_ =	shalt  }
0x65: {  	_ =	shalt  }
0x66: {  	_ =	shalt  }
0x67: {  	_ =	shalt  }
0x68: {  	_ =	shalt  }
0x69: {  	_ =	shalt  }
0x6a: {  	_ =	shalt  }
0x6b: {  	_ =	shalt  }
0x6c: {  	_ =	shalt  }
0x6d: {  	_ =	shalt  }
0x6e: {  	_ =	shalt  }
0x6f: {  	_ =	shalt  }
0x70: {  	_ =	shalt  }
0x71: {  	_ =	shalt  }
0x72: {  	_ =	shalt  }
0x73: {  	_ =	shalt  }
0x74: {  	_ =	shalt  }
0x75: {  	_ =	shalt  }
0x76: {  	_ =	shalt  }
0x77: {  	_ =	shalt  }
0x78: {  	_ =	shalt  }
0x79: {  	_ =	shalt  }
0x7a: {  	_ =	shalt  }
0x7b: {  	_ =	shalt  }
0x7c: {  	_ =	shalt  }
0x7d: {  	_ =	shalt  }
0x7e: {  	_ =	shalt  }
0x7f: {  	_ =	shalt  }
0x80: {  	_ =	shalt  }
0x81: {  	_ =	shalt  }
0x82: {  	_ =	shalt  }
0x83: {  	_ =	shalt  }
0x84: {  	_ =	shalt  }
0x85: {  	_ =	shalt  }
0x86: {  	_ =	shalt  }
0x87: {  	_ =	shalt  }
.Lfunc_end0:
.L_simem_size_0:
called_computation.1_lowered:
.L_overlay_start_0:
0x88: {  	s2 =	sld [smem:$0x3FD9]  }
0x89: {  	s3 =	sld [smem:$0x3FFE];
	_ =	sdelay $0x1  }
0x8a: {  	s1 =	srdreg.scid  }
0x8b: {  	s0 =	sand.u32 $0x1, s1  }
0x8c: {  	s16 =	sshll.u32 s0, $0xA;
	s2 =	sadd.s32 s3, s2  }
0x8d: {  	s2 =	sadd.s32 s2, s16  }
0x8e: {  	[smem:$0x3FB3] =	sst s2  }
0x8f: {  	_ = 	snop  }
0x90: {  	(tm) =	ssettm $0x1  }
0x91: {  	s17 =	sld [smem:$0x3FFB];
	_ =	sdelay $0x3  }
0x92: {  	_ =	strace s17  }
0x93: {  	s2 =	sld [smem:$0x3FFC];
	_ =	sdelay $0x3  }
0x94: {  	_ =	strace s2  }
0x95: {  	s2 =	sld [smem:$0x3FFD];
	_ =	sdelay $0x3  }
0x96: {  	_ =	strace s2  }
0x97: {  	_ =	strace $0x8FFFFFFF  }
0x98: {  	s18 =	sld [smem:$0x3FDB];
	_ =	sdelay $0x1  }
0x99: {  	s19 =	simm.s32 $_scs_section_size  }
0x9a: {  	s4 =	simm.s32 $_size__tile_overlayer_lowered;
	s5 =	simm.s32 $_tile_overlayer_lowered  }
0x9b: {  	s22 =	simm.s32 $0x1BFF;
	s21 =	sshll.u32 s5, $0x1;
	s2 =	sadd.s32 s19, s18  }
0x9c: {  	s6 =	simm.s32 $0x0;
	s20 =	sshll.u32 s4, $0x1;
	s4 =	sadd.s32 s21, s2  }
0x9d: {  	[timem:s6], [sflag:s22] =	dma.local [hbm:s4], s20  }
0x9e: {  	_ =	swait.ge [sflag:s22], s20  }
0x9f: {  	s3 =	ssub.s32 $0x0, s20;
	[sflag:s22] =	ssyncset.done $0x0  }
0xa0: {  	[sflag:s22] =	ssyncadd.s32 s3;
	_ =	sdelay $0x1  }
0xa1: {  	s23 =	simm.s32 $0x1B8B  }
0xa2: {  	_ =	swait.ge [sflag:s23], $0x1  }
0xa3: {  	[sflag:s23] =	ssyncset.done $0x0  }
0xa4: {  	s25 =	simm.s32 $0x1B8E;
	s24 =	sld [smem:$0x3FFE];
	[sflag:s23] =	ssyncadd.s32 $0xFFFFFFFF  }
0xa5: {  	s26 =	simm.s32 $execute0_lowered;
	[smem:$0x3FD2] =	sst s25  }
0xa6: {  	s4 =	sshll.u32 s26, $0x1;
	_ =	strace $0x80000049;
	[dreg:$0x1] =	wrdreg $0xFFFFFFFF  }
0xa7: {  	s28 =	simm.s32 $_size_execute0_lowered;
	s2 =	sadd.s32 s2, s4;
	[dreg:$0x0] =	wrdreg $0x0  }
0xa8: {  	s4 =	sshll.u32 s28, $0x1;
	[dreg:$0x2] =	wrdreg s2  }
0xa9: {  	[dreg:$0x3] =	wrdreg s4  }
0xaa: {  	[dreg:$0x4] =	wrdreg $0xC0  }
0xab: {  	_ =	task [dreg:s6], $0x5FFFF  }
0xac: {  	[dreg:$0x1] =	wrdreg $0xFFFFFFFF  }
0xad: {  	[dreg:$0x0] =	wrdreg $0x60  }
0xae: {  	[dreg:$0x2] =	wrdreg s24  }
0xaf: {  	[dreg:$0x3] =	wrdreg $0x9  }
0xb0: {  	_ =	task.clear_ibuf [dreg:s6], $0x4FFFF;
	_ =	strace $0x90000049  }
0xb1: {  	s29 =	simm.s32 $0x9;
	_ =	strace $0x8000004B  }
0xb2: {  	_ =	swait.ge [sflag:s29], $0x1  }
0xb3: {  	[sflag:s29] =	ssyncadd.s32 $0xFFFFFFFF  }
0xb4: {  	_ =	strace $0x9000004B  }
0xb5: {  	_ =	sfence  }
0xb6: {  	s30 =	sld [smem:$0x0];
	_ =	sdelay $0x2  }
0xb7: {  	s31 =	sshll.u32 s1, $0xD;
	s1 =	sshrl.u32 s1, $0x2  }
0xb8: {  	s3 =	sand.u32 $0x4000, s31;
	s1 =	sadd.s32 s1, s30  }
0xb9: {  	s0 =	sor.u32 s3, s0;
	s1 =	sshll.u32 s1, $0x11  }
0xba: {  	s0 =	sor.u32 s1, s0  }
0xbb: {  	s0 =	sadd.s32 $0x8F2B, s0  }
0xbc: {  	[sflag:s0] =	ssyncadd.remote.s32 $0x1  }
0xbd: {  	_ =	sfence.sel $0xFFFF  }
0xbe: {  	[dreg:$0x0] =	wrdreg $0xFFFFFFFF;
	(pc) =	sbr.abs _section_cstart, $3  }
0xbf: {  	[dreg:$0x1] =	wrdreg $0xFFFFFFFF  }
0xc0: {  	_ =	task.clear_ibuf [dreg:s6], $0x2FFFF;
	_ =	strace $0x9FFFFFFF  }
0xc1: {  	(tm) =	ssettm $0x7FFFFFFF  }
tec
execute0_lowered:
.L_overlay_start_1:
0x0: {  	(tag) =	ssettag $0x1  }
0x1: {  	s0 =	rddreg [dreg:$0x0]  }
0x2: {  	s2 =	simm.s32 $0x0;
	s1 =	srdreg.scid;
	s10 =	stileid.u32  }
0x3: {  	s11 =	simm.s32 $0x9;
	s12 =	simm.s32 $0x80;
	s13 =	simm.s32 $0x4C00  }
0x4: {  	s14 =	simm.s32 $0x1;
	s26 =	simm.s32 $0x100;
	s15 =	simm.s32 $0x400  }
0x5: {  	s16 =	simm.s32 $0x9400;
	s17 =	simm.s32 $0x2;
	s18 =	simm.s32 $0x200  }
0x6: {  	s28 =	simm.s32 $0x180;
	s29 =	simm.s32 $0x280;
	s30 =	simm.s32 $0x300  }
0x7: {  	s31 =	simm.s32 $0x380;
	[smem:$0x7FF] =	sst s2;
	s1 =	sand.u32 $0x1, s1  }
0x8: {  	s3 =	sshll.u32 s10, $0x1;
	s4 =	sadd.s32 $0x6200, s0;
	s9 =	smul.u32 $0x7800, s10  }
0x9: {  	s10 =	smul.u32 $0x87000, s10;
	_ =	strace $0x8000004A;
	[dreg:$0x2] =	wrdreg s26  }
0xa: {  	s5 =	sor.u32 s1, s3;
	s3 =	sadd.s32 $0x42200, s0;
	[dreg:$0x3] =	wrdreg s28  }
0xb: {  	s6 =	ssub.s32 $0x2, s1;
	s20 =	smul.u32 $0x3C00, s1;
	[dreg:$0x4] =	wrdreg s29  }
0xc: {  	s0 =	sadd.s32 $0x6F200, s0;
	s1 =	smul.u32 $0x43800, s1;
	[dreg:$0x5] =	wrdreg s30  }
0xd: {  	[dreg:$0x6] =	wrdreg s31;
	s7 =	smul.u32 $0x3C00, s5;
	s8 =	sshrl.u32 s6, $0x1  }
0xe: {  	s26 =	simm.s32 $0x0;
	s5 =	smul.u32 $0x21C000, s5;
	s8 =	ssub.s32 s6, s8  }
0xf: {  	s21 =	sadd.s32 s20, s9;
	s20 =	simm.s32 $0x3;
	s19 =	sshrl.u32 s7, $0x3  }
0x10: {  	s5 =	sshrl.u32 s5, $0x3;
	s22 =	smax.u32 s8, $0x1;
	s23 =	sor.u32 $0x200, s21  }
0x11: {  	s24 =	sadd.s32 $0x400, s21;
	s21 =	simm.s32 $0x5;
	s6 =	sadd.s32 s4, s19  }
0x12: {  	s5 =	sadd.s32 s0, s5;
	[dreg:$0x9] =	wrdreg s22;
	s0 =	sadd.s32 s10, s0  }
0x13: {  	[dreg:$0xa] =	wrdreg s24;
	s25 =	sshrl.u32 s23, $0x3;
	s19 =	simm.s32 $0xDC00  }
0x14: {  	s22 =	simm.s32 $0x4;
	s23 =	simm.s32 $0x6;
	s24 =	simm.s32 $0x7  }
0x15: {  	[dreg:$0x7] =	wrdreg s6;
	s5 =	sadd.s32 $0x42F00, s5;
	s8 =	sadd.s32 s1, s0  }
0x16: {  	s10 =	sadd.s32 s25, s4;
	s25 =	simm.s32 $0x8;
	[dreg:$0x8] =	wrdreg s5  }
.LBB2_1:
0x17: {  	s0 =	rddreg [dreg:$0x7]  }
0x18: {  	[tilespmem:s2], [sflag:$0x9] =	stream.linear.gather [hbm4b:s0+s2], $0x200, $0x38;
	[tilespmem:$0x12400] =	vst v63  }
0x19: {  	p0 =	por $0x1, $0x1;
	_ =	swait.ge [sflag:s11], $0x200  }
0x1a: {  	s0 =	simm.s32 @!p0 $0x5;
	s1 =	simm.s32 @p0 $0x80;
	[sflag:s11] =	ssyncset.done $0x0  }
0x1b: {  	s5 =	simm.s32 @p0 $0x0;
	s28 =	simm.s32 @p0 $0x400;
	[sflag:s11] =	ssyncadd.s32 $0xFFFFFE00  }
0x1c: {  	[tilespmem:s28], [sflag:$0x1] =	stream.indirect.gather @p0 [hbm4b:s3+s1], $0x90, s5, s1, $0xb8;
	[tilespmem:$0x12400] =	vst v63  }
0x1d: {  	_ =	swait.ge @!p0 [sflag:s0], $0x4800  }
0x1e: {  	s1 =	simm.s32 @!p0 $0x400;
	s5 =	simm.s32 @!p0 $0x80;
	[sflag:s0] =	ssyncset.done @!p0 $0x0  }
0x1f: {  	s28 =	simm.s32 @!p0 $0x0;
	[sflag:s0] =	ssyncadd.s32 @!p0 $0xFFFFB800;
	s0 =	simm.s32 @!p0 $0x4  }
0x20: {  	[tilespmem:s1], [sflag:$0x1] =	stream.indirect.gather @!p0 [hbm4b:s3+s5], $0x90, s28, s5, $0xb8;
	[tilespmem:$0x12400] =	vst v63  }
0x21: {  	_ =	swait.ge @!p0 [sflag:s0], $0x4800  }
0x22: {  	s1 =	sadd.s32 @!p0 $0x0, s8;
	s5 =	simm.s32 @!p0 $0xDC00;
	[sflag:s0] =	ssyncset.done @!p0 $0x0  }
0x23: {  	s1 =	sadd.s32 @!p0 $0xFFFFF700, s1;
	[sflag:s0] =	ssyncadd.s32 @!p0 $0xFFFFB800;
	s0 =	simm.s32 @!p0 $0x6  }
0x24: {  	[hbm4b:s1+s28] =	stream.linear.scatter @!p0 [tilespmem:s5], [sflag:$0x8], $0x4800, $0x38;
	[tilespmem:$0x12400] =	vst v63  }
0x25: {  	_ =	swait.ge @!p0 [sflag:s0], $0x4800  }
0x26: {  	[sflag:s0] =	ssyncset.done @!p0 $0x0  }
0x27: {  	[sflag:s0] =	ssyncadd.s32 @!p0 $0xFFFFB800  }
0x28: {  	[tilespmem:s13], [sflag:$0x2] =	stream.indirect.gather [hbm4b:s3+s12], $0x90, s12, s12, $0xb8;
	[tilespmem:$0x12400] =	vst v63  }
0x29: {  	_ =	swait.ge [sflag:s14], $0x4800  }
0x2a: {  	[sflag:s14] =	ssyncset.done $0x0  }
0x2b: {  	s1 =	simm.s32 @!p0 $0x7;
	s0 =	sadd.s32 $0x0, s8;
	[sflag:s14] =	ssyncadd.s32 $0xFFFFB800  }
0x2c: {  	[hbm4b:s0+s2] =	stream.linear.scatter [tilespmem:s15], [sflag:$0x5], $0x4800, $0x38;
	[tilespmem:$0x12400] =	vst v63  }
0x2d: {  	_ =	swait.ge @!p0 [sflag:s1], $0x4800  }
0x2e: {  	[sflag:s1] =	ssyncset.done @!p0 $0x0  }
0x2f: {  	s7 =	rddreg [dreg:$0x2];
	[sflag:s1] =	ssyncadd.s32 @!p0 $0xFFFFB800  }
0x30: {  	[tilespmem:s16], [sflag:$0x3] =	stream.indirect.gather [hbm4b:s3+s12], $0x90, s7, s12, $0xb8;
	[tilespmem:$0x12400] =	vst v63  }
0x31: {  	_ =	swait.ge [sflag:s17], $0x4800  }
0x32: {  	[sflag:s17] =	ssyncset.done $0x0  }
0x33: {  	s5 =	simm.s32 @!p0 $0x8;
	s9 =	sadd.s32 $0x900, s0;
	[sflag:s17] =	ssyncadd.s32 $0xFFFFB800  }
0x34: {  	[hbm4b:s9+s2] =	stream.linear.scatter [tilespmem:s13], [sflag:$0x6], $0x4800, $0x38;
	[tilespmem:$0x12400] =	vst v63  }
0x35: {  	_ =	swait.ge @!p0 [sflag:s5], $0x4800  }
0x36: {  	[sflag:s5] =	ssyncset.done @!p0 $0x0  }
0x37: {  	[sflag:s5] =	ssyncadd.s32 @!p0 $0xFFFFB800  }
0x38: {  	[tilespmem:s18], [sflag:$0x9] =	stream.linear.gather [hbm4b:s10+s2], $0x200, $0x38;
	[tilespmem:$0x12400] =	vst v63  }
0x39: {  	_ =	swait.ge [sflag:s11], $0x200  }
0x3a: {  	[sflag:s11] =	ssyncset.done $0x0  }
0x3b: {  	s5 =	rddreg [dreg:$0x3];
	[sflag:s11] =	ssyncadd.s32 $0xFFFFFE00  }
0x3c: {  	[tilespmem:s19], [sflag:$0x4] =	stream.indirect.gather [hbm4b:s3+s12], $0x90, s5, s12, $0xb8;
	[tilespmem:$0x12400] =	vst v63  }
0x3d: {  	_ =	swait.ge [sflag:s20], $0x4800  }
0x3e: {  	[sflag:s20] =	ssyncset.done $0x0  }
0x3f: {  	s6 =	sadd.s32 $0x1200, s0;
	[sflag:s20] =	ssyncadd.s32 $0xFFFFB800  }
0x40: {  	[hbm4b:s6+s2] =	stream.linear.scatter [tilespmem:s16], [sflag:$0x7], $0x4800, $0x38;
	[tilespmem:$0x12400] =	vst v63  }
0x41: {  	_ =	swait.ge [sflag:s21], $0x4800  }
0x42: {  	[sflag:s21] =	ssyncset.done $0x0  }
0x43: {  	[sflag:s21] =	ssyncadd.s32 $0xFFFFB800  }
0x44: {  	[tilespmem:s15], [sflag:$0x1] =	stream.indirect.gather [hbm4b:s3+s12], $0x90, s18, s12, $0xb8;
	[tilespmem:$0x12400] =	vst v63  }
0x45: {  	_ =	swait.ge [sflag:s22], $0x4800  }
0x46: {  	[sflag:s22] =	ssyncset.done $0x0  }
0x47: {  	s7 =	sadd.s32 $0x1B00, s0;
	[sflag:s22] =	ssyncadd.s32 $0xFFFFB800  }
0x48: {  	[hbm4b:s7+s2] =	stream.linear.scatter [tilespmem:s19], [sflag:$0x8], $0x4800, $0x38;
	[tilespmem:$0x12400] =	vst v63  }
0x49: {  	_ =	swait.ge [sflag:s23], $0x4800  }
0x4a: {  	[sflag:s23] =	ssyncset.done $0x0  }
0x4b: {  	s9 =	rddreg [dreg:$0x4];
	[sflag:s23] =	ssyncadd.s32 $0xFFFFB800  }
0x4c: {  	[tilespmem:s13], [sflag:$0x2] =	stream.indirect.gather [hbm4b:s3+s12], $0x90, s9, s12, $0xb8;
	[tilespmem:$0x12400] =	vst v63  }
0x4d: {  	_ =	swait.ge [sflag:s14], $0x4800  }
0x4e: {  	[sflag:s14] =	ssyncset.done $0x0  }
0x4f: {  	s5 =	sadd.s32 $0x2400, s0;
	[sflag:s14] =	ssyncadd.s32 $0xFFFFB800  }
0x50: {  	[hbm4b:s5+s2] =	stream.linear.scatter [tilespmem:s15], [sflag:$0x5], $0x4800, $0x38;
	[tilespmem:$0x12400] =	vst v63  }
0x51: {  	_ =	swait.ge [sflag:s24], $0x4800  }
0x52: {  	[sflag:s24] =	ssyncset.done $0x0  }
0x53: {  	s6 =	rddreg [dreg:$0x5];
	[sflag:s24] =	ssyncadd.s32 $0xFFFFB800  }
0x54: {  	[tilespmem:s16], [sflag:$0x3] =	stream.indirect.gather [hbm4b:s3+s12], $0x90, s6, s12, $0xb8;
	[tilespmem:$0x12400] =	vst v63  }
0x55: {  	_ =	swait.ge [sflag:s17], $0x4800  }
0x56: {  	[sflag:s17] =	ssyncset.done $0x0  }
0x57: {  	s7 =	sadd.s32 $0x2D00, s0;
	[sflag:s17] =	ssyncadd.s32 $0xFFFFB800  }
0x58: {  	[hbm4b:s7+s2] =	stream.linear.scatter [tilespmem:s13], [sflag:$0x6], $0x4800, $0x38;
	[tilespmem:$0x12400] =	vst v63  }
0x59: {  	_ =	swait.ge [sflag:s25], $0x4800  }
0x5a: {  	p0 =	por $0x0, $0x0;
	s6 =	rddreg [dreg:$0xa]  }
0x5b: {  	s28 =	simm.s32 @!p0 $0x9;
	[sflag:s25] =	ssyncset.done $0x0;
	s1 =	sshrl.u32 @!p0 s6, $0x3  }
0x5c: {  	s5 =	simm.s32 @!p0 $0x0;
	[sflag:s25] =	ssyncadd.s32 $0xFFFFB800;
	s1 =	sadd.s32 @!p0 s4, s1  }
0x5d: {  	[tilespmem:s5], [sflag:$0x9] =	stream.linear.gather @!p0 [hbm4b:s1+s5], $0x200, $0x38;
	[tilespmem:$0x12400] =	vst v63  }
0x5e: {  	_ =	swait.ge @!p0 [sflag:s28], $0x200  }
0x5f: {  	s31 =	simm.s32 $0x9000;
	s30 =	sadd.s32 $0x80, s10;
	[sflag:s28] =	ssyncset.done @!p0 $0x0  }
0x60: {  	s29 =	sadd.s32 $0x400, s6;
	s9 =	rddreg [dreg:$0x6];
	[sflag:s28] =	ssyncadd.s32 @!p0 $0xFFFFFE00  }
0x61: {  	[tilespmem:s19], [sflag:$0x4] =	stream.indirect.gather [hbm4b:s3+s12], $0x90, s9, s12, $0xb8;
	[tilespmem:$0x12400] =	vst v63  }
0x62: {  	s1 =	sadd.s32 $0x3600, s0;
	s28 =	simm.s32 $0x4800;
	_ =	swait.ge [sflag:s20], $0x4800  }
.LBB2_2:
0x63: {  	p1 =	seq.s32 s28, $0x0;
	[sflag:s20] =	ssyncset.done $0x0  }
0x64: {  	s5 =	simm.s32 @!p1 $0x5;
	[sflag:s20] =	ssyncadd.s32 $0xFFFFB800  }
0x65: {  	[hbm4b:s1+s2] =	stream.linear.scatter [tilespmem:s16], [sflag:$0x7], $0x4800, $0x38;
	[tilespmem:$0x12400] =	vst v63  }
0x66: {  	s7 =	simm.s32 @p1 $0x0;
	s9 =	simm.s32 @p1 $0x400;
	s1 =	simm.s32 @p1 $0x80  }
0x67: {  	[tilespmem:s9], [sflag:$0x1] =	stream.indirect.gather @p1 [hbm4b:s3+s1], $0x90, s7, s1, $0xb8;
	[tilespmem:$0x12400] =	vst v63  }
0x68: {  	_ =	swait.ge @!p1 [sflag:s5], $0x4800  }
0x69: {  	s1 =	simm.s32 @!p1 $0x400;
	s7 =	simm.s32 @!p1 $0x80;
	[sflag:s5] =	ssyncset.done @!p1 $0x0  }
0x6a: {  	s9 =	simm.s32 @!p1 $0x0;
	[sflag:s5] =	ssyncadd.s32 @!p1 $0xFFFFB800;
	s5 =	simm.s32 @!p1 $0x4  }
0x6b: {  	[tilespmem:s1], [sflag:$0x1] =	stream.indirect.gather @!p1 [hbm4b:s3+s7], $0x90, s9, s7, $0xb8;
	[tilespmem:$0x12400] =	vst v63  }
0x6c: {  	s6 =	sadd.s32 @!p1 s28, s8;
	_ =	swait.ge @!p1 [sflag:s5], $0x4800  }
0x6d: {  	s6 =	sadd.s32 @!p1 $0xFFFFF700, s6;
	[sflag:s5] =	ssyncset.done @!p1 $0x0  }
0x6e: {  	s1 =	simm.s32 @!p1 $0xDC00;
	[sflag:s5] =	ssyncadd.s32 @!p1 $0xFFFFB800;
	s5 =	simm.s32 @!p1 $0x6  }
0x6f: {  	[hbm4b:s6+s9] =	stream.linear.scatter @!p1 [tilespmem:s1], [sflag:$0x8], $0x4800, $0x38;
	[tilespmem:$0x12400] =	vst v63  }
0x70: {  	_ =	swait.ge @!p1 [sflag:s5], $0x4800  }
0x71: {  	[sflag:s5] =	ssyncset.done @!p1 $0x0  }
0x72: {  	[sflag:s5] =	ssyncadd.s32 @!p1 $0xFFFFB800  }
0x73: {  	[tilespmem:s13], [sflag:$0x2] =	stream.indirect.gather [hbm4b:s3+s12], $0x90, s12, s12, $0xb8;
	[tilespmem:$0x12400] =	vst v63  }
0x74: {  	_ =	swait.ge [sflag:s14], $0x4800  }
0x75: {  	[sflag:s14] =	ssyncset.done $0x0  }
0x76: {  	s6 =	simm.s32 @!p1 $0x7;
	s5 =	sadd.s32 s28, s8;
	[sflag:s14] =	ssyncadd.s32 $0xFFFFB800  }
0x77: {  	[hbm4b:s5+s2] =	stream.linear.scatter [tilespmem:s15], [sflag:$0x5], $0x4800, $0x38;
	[tilespmem:$0x12400] =	vst v63  }
0x78: {  	_ =	swait.ge @!p1 [sflag:s6], $0x4800  }
0x79: {  	[sflag:s6] =	ssyncset.done @!p1 $0x0  }
0x7a: {  	s9 =	rddreg [dreg:$0x2];
	[sflag:s6] =	ssyncadd.s32 @!p1 $0xFFFFB800  }
0x7b: {  	[tilespmem:s16], [sflag:$0x3] =	stream.indirect.gather [hbm4b:s3+s12], $0x90, s9, s12, $0xb8;
	[tilespmem:$0x12400] =	vst v63  }
0x7c: {  	_ =	swait.ge [sflag:s17], $0x4800  }
0x7d: {  	[sflag:s17] =	ssyncset.done $0x0  }
0x7e: {  	s7 =	simm.s32 @!p1 $0x8;
	s9 =	sadd.s32 $0x900, s5;
	[sflag:s17] =	ssyncadd.s32 $0xFFFFB800  }
0x7f: {  	[hbm4b:s9+s2] =	stream.linear.scatter [tilespmem:s13], [sflag:$0x6], $0x4800, $0x38;
	[tilespmem:$0x12400] =	vst v63  }
0x80: {  	_ =	swait.ge @!p1 [sflag:s7], $0x4800  }
0x81: {  	[sflag:s7] =	ssyncset.done @!p1 $0x0  }
0x82: {  	[sflag:s7] =	ssyncadd.s32 @!p1 $0xFFFFB800  }
0x83: {  	[tilespmem:s18], [sflag:$0x9] =	stream.linear.gather [hbm4b:s30+s2], $0x200, $0x38;
	[tilespmem:$0x12400] =	vst v63  }
0x84: {  	_ =	swait.ge [sflag:s11], $0x200  }
0x85: {  	[sflag:s11] =	ssyncset.done $0x0  }
0x86: {  	s9 =	rddreg [dreg:$0x3];
	[sflag:s11] =	ssyncadd.s32 $0xFFFFFE00  }
0x87: {  	[tilespmem:s19], [sflag:$0x4] =	stream.indirect.gather [hbm4b:s3+s12], $0x90, s9, s12, $0xb8;
	[tilespmem:$0x12400] =	vst v63  }
0x88: {  	_ =	swait.ge [sflag:s20], $0x4800  }
0x89: {  	[sflag:s20] =	ssyncset.done $0x0  }
0x8a: {  	s7 =	sadd.s32 $0x1200, s5;
	[sflag:s20] =	ssyncadd.s32 $0xFFFFB800  }
0x8b: {  	[hbm4b:s7+s2] =	stream.linear.scatter [tilespmem:s16], [sflag:$0x7], $0x4800, $0x38;
	[tilespmem:$0x12400] =	vst v63  }
0x8c: {  	_ =	swait.ge [sflag:s21], $0x4800  }
0x8d: {  	[sflag:s21] =	ssyncset.done $0x0  }
0x8e: {  	[sflag:s21] =	ssyncadd.s32 $0xFFFFB800  }
0x8f: {  	[tilespmem:s15], [sflag:$0x1] =	stream.indirect.gather [hbm4b:s3+s12], $0x90, s18, s12, $0xb8;
	[tilespmem:$0x12400] =	vst v63  }
0x90: {  	_ =	swait.ge [sflag:s22], $0x4800  }
0x91: {  	[sflag:s22] =	ssyncset.done $0x0  }
0x92: {  	s9 =	sadd.s32 $0x1B00, s5;
	[sflag:s22] =	ssyncadd.s32 $0xFFFFB800  }
0x93: {  	[hbm4b:s9+s2] =	stream.linear.scatter [tilespmem:s19], [sflag:$0x8], $0x4800, $0x38;
	[tilespmem:$0x12400] =	vst v63  }
0x94: {  	_ =	swait.ge [sflag:s23], $0x4800  }
0x95: {  	[sflag:s23] =	ssyncset.done $0x0  }
0x96: {  	s7 =	rddreg [dreg:$0x4];
	[sflag:s23] =	ssyncadd.s32 $0xFFFFB800  }
0x97: {  	[tilespmem:s13], [sflag:$0x2] =	stream.indirect.gather [hbm4b:s3+s12], $0x90, s7, s12, $0xb8;
	[tilespmem:$0x12400] =	vst v63  }
0x98: {  	_ =	swait.ge [sflag:s14], $0x4800  }
0x99: {  	[sflag:s14] =	ssyncset.done $0x0  }
0x9a: {  	s9 =	sadd.s32 $0x2400, s5;
	[sflag:s14] =	ssyncadd.s32 $0xFFFFB800  }
0x9b: {  	[hbm4b:s9+s2] =	stream.linear.scatter [tilespmem:s15], [sflag:$0x5], $0x4800, $0x38;
	[tilespmem:$0x12400] =	vst v63  }
0x9c: {  	_ =	swait.ge [sflag:s24], $0x4800  }
0x9d: {  	[sflag:s24] =	ssyncset.done $0x0  }
0x9e: {  	s7 =	rddreg [dreg:$0x5];
	[sflag:s24] =	ssyncadd.s32 $0xFFFFB800  }
0x9f: {  	[tilespmem:s16], [sflag:$0x3] =	stream.indirect.gather [hbm4b:s3+s12], $0x90, s7, s12, $0xb8;
	[tilespmem:$0x12400] =	vst v63  }
0xa0: {  	s0 =	smov.u32 s31;
	s31 =	sadd.s32 $0x4800, s31;
	_ =	swait.ge [sflag:s17], $0x4800  }
0xa1: {  	p0 =	sne.s32 s31, $0x43800;
	[sflag:s17] =	ssyncset.done $0x0  }
0xa2: {  	s1 =	sadd.s32 $0x3600, s5;
	s5 =	sadd.s32 $0x2D00, s5;
	[sflag:s17] =	ssyncadd.s32 $0xFFFFB800  }
0xa3: {  	[hbm4b:s5+s2] =	stream.linear.scatter [tilespmem:s13], [sflag:$0x6], $0x4800, $0x38;
	[tilespmem:$0x12400] =	vst v63  }
0xa4: {  	p1 =	seq.s32 s28, $0x3F000;
	s28 =	smov.u32 s0;
	_ =	swait.ge [sflag:s25], $0x4800  }
0xa5: {  	s0 =	sshrl.u32 @!p1 s29, $0x3;
	s6 =	simm.s32 @!p1 $0x9;
	[sflag:s25] =	ssyncset.done $0x0  }
0xa6: {  	s0 =	sadd.s32 @!p1 s4, s0;
	s5 =	simm.s32 @!p1 $0x0;
	[sflag:s25] =	ssyncadd.s32 $0xFFFFB800  }
0xa7: {  	[tilespmem:s5], [sflag:$0x9] =	stream.linear.gather @!p1 [hbm4b:s0+s5], $0x200, $0x38;
	[tilespmem:$0x12400] =	vst v63  }
.Ltmp0:
0xa8: {  	_ =	swait.ge @!p1 [sflag:s6], $0x200;
	(pc) =	sbr.rel @p0 .LBB2_2-.Ltmp0, $4  }
0xa9: {  	[sflag:s6] =	ssyncset.done @!p1 $0x0  }
0xaa: {  	s9 =	rddreg [dreg:$0x6];
	[sflag:s6] =	ssyncadd.s32 @!p1 $0xFFFFFE00  }
0xab: {  	[tilespmem:s19], [sflag:$0x4] =	stream.indirect.gather [hbm4b:s3+s12], $0x90, s9, s12, $0xb8;
	[tilespmem:$0x12400] =	vst v63  }
0xac: {  	s29 =	sadd.s32 $0x400, s29;
	s30 =	sadd.s32 $0x80, s30;
	_ =	swait.ge [sflag:s20], $0x4800  }
0xad: {  	[sflag:s20] =	ssyncset.done $0x0  }
0xae: {  	p0 =	seq.s32 s28, $0x0;
	[sflag:s20] =	ssyncadd.s32 $0xFFFFB800  }
0xaf: {  	[hbm4b:s1+s2] =	stream.linear.scatter [tilespmem:s16], [sflag:$0x7], $0x4800, $0x38;
	[tilespmem:$0x12400] =	vst v63  }
0xb0: {  	s0 =	simm.s32 @p0 $0x80;
	s5 =	simm.s32 @p0 $0x400;
	s1 =	simm.s32 @p0 $0x0  }
0xb1: {  	[tilespmem:s5], [sflag:$0x1] =	stream.indirect.gather @p0 [hbm4b:s3+s0], $0x90, s1, s0, $0xb8;
	[tilespmem:$0x12400] =	vst v63  }
0xb2: {  	s0 =	simm.s32 @!p0 $0x5  }
0xb3: {  	_ =	swait.ge @!p0 [sflag:s0], $0x4800  }
0xb4: {  	s1 =	simm.s32 @!p0 $0x400;
	[sflag:s0] =	ssyncset.done @!p0 $0x0  }
0xb5: {  	s5 =	simm.s32 @!p0 $0x80;
	[sflag:s0] =	ssyncadd.s32 @!p0 $0xFFFFB800;
	s0 =	simm.s32 @!p0 $0x0  }
0xb6: {  	[tilespmem:s1], [sflag:$0x1] =	stream.indirect.gather @!p0 [hbm4b:s3+s5], $0x90, s0, s5, $0xb8;
	[tilespmem:$0x12400] =	vst v63  }
0xb7: {  	s1 =	simm.s32 @!p0 $0x4  }
0xb8: {  	_ =	swait.ge @!p0 [sflag:s1], $0x4800  }
0xb9: {  	s5 =	sadd.s32 @!p0 s28, s8;
	[sflag:s1] =	ssyncset.done @!p0 $0x0  }
0xba: {  	s5 =	sadd.s32 @!p0 $0xFFFFF700, s5;
	[sflag:s1] =	ssyncadd.s32 @!p0 $0xFFFFB800;
	s1 =	simm.s32 @!p0 $0xDC00  }
0xbb: {  	[hbm4b:s5+s0] =	stream.linear.scatter @!p0 [tilespmem:s1], [sflag:$0x8], $0x4800, $0x38;
	[tilespmem:$0x12400] =	vst v63  }
0xbc: {  	s0 =	simm.s32 @!p0 $0x6  }
0xbd: {  	_ =	swait.ge @!p0 [sflag:s0], $0x4800  }
0xbe: {  	[sflag:s0] =	ssyncset.done @!p0 $0x0  }
0xbf: {  	[sflag:s0] =	ssyncadd.s32 @!p0 $0xFFFFB800  }
0xc0: {  	[tilespmem:s13], [sflag:$0x2] =	stream.indirect.gather [hbm4b:s3+s12], $0x90, s12, s12, $0xb8;
	[tilespmem:$0x12400] =	vst v63  }
0xc1: {  	_ =	swait.ge [sflag:s14], $0x4800  }
0xc2: {  	[sflag:s14] =	ssyncset.done $0x0  }
0xc3: {  	s1 =	simm.s32 @!p0 $0x7;
	s0 =	sadd.s32 s28, s8;
	[sflag:s14] =	ssyncadd.s32 $0xFFFFB800  }
0xc4: {  	[hbm4b:s0+s2] =	stream.linear.scatter [tilespmem:s15], [sflag:$0x5], $0x4800, $0x38;
	[tilespmem:$0x12400] =	vst v63  }
0xc5: {  	_ =	swait.ge @!p0 [sflag:s1], $0x4800  }
0xc6: {  	[sflag:s1] =	ssyncset.done @!p0 $0x0  }
0xc7: {  	s6 =	rddreg [dreg:$0x2];
	[sflag:s1] =	ssyncadd.s32 @!p0 $0xFFFFB800  }
0xc8: {  	[tilespmem:s16], [sflag:$0x3] =	stream.indirect.gather [hbm4b:s3+s12], $0x90, s6, s12, $0xb8;
	[tilespmem:$0x12400] =	vst v63  }
0xc9: {  	_ =	swait.ge [sflag:s17], $0x4800  }
0xca: {  	[sflag:s17] =	ssyncset.done $0x0  }
0xcb: {  	s7 =	sadd.s32 $0x900, s0;
	s1 =	simm.s32 @!p0 $0x8;
	[sflag:s17] =	ssyncadd.s32 $0xFFFFB800  }
0xcc: {  	[hbm4b:s7+s2] =	stream.linear.scatter [tilespmem:s13], [sflag:$0x6], $0x4800, $0x38;
	[tilespmem:$0x12400] =	vst v63  }
0xcd: {  	_ =	swait.ge @!p0 [sflag:s1], $0x4800  }
0xce: {  	[sflag:s1] =	ssyncset.done @!p0 $0x0  }
0xcf: {  	[sflag:s1] =	ssyncadd.s32 @!p0 $0xFFFFB800  }
0xd0: {  	[tilespmem:s18], [sflag:$0x9] =	stream.linear.gather [hbm4b:s30+s2], $0x200, $0x38;
	[tilespmem:$0x12400] =	vst v63  }
0xd1: {  	_ =	swait.ge [sflag:s11], $0x200  }
0xd2: {  	[sflag:s11] =	ssyncset.done $0x0  }
0xd3: {  	s9 =	rddreg [dreg:$0x3];
	[sflag:s11] =	ssyncadd.s32 $0xFFFFFE00  }
0xd4: {  	[tilespmem:s19], [sflag:$0x4] =	stream.indirect.gather [hbm4b:s3+s12], $0x90, s9, s12, $0xb8;
	[tilespmem:$0x12400] =	vst v63  }
0xd5: {  	_ =	swait.ge [sflag:s20], $0x4800  }
0xd6: {  	[sflag:s20] =	ssyncset.done $0x0  }
0xd7: {  	s30 =	sadd.s32 $0x1200, s0;
	[sflag:s20] =	ssyncadd.s32 $0xFFFFB800  }
0xd8: {  	[hbm4b:s30+s2] =	stream.linear.scatter [tilespmem:s16], [sflag:$0x7], $0x4800, $0x38;
	[tilespmem:$0x12400] =	vst v63  }
0xd9: {  	_ =	swait.ge [sflag:s21], $0x4800  }
0xda: {  	[sflag:s21] =	ssyncset.done $0x0  }
0xdb: {  	[sflag:s21] =	ssyncadd.s32 $0xFFFFB800  }
0xdc: {  	[tilespmem:s15], [sflag:$0x1] =	stream.indirect.gather [hbm4b:s3+s12], $0x90, s18, s12, $0xb8;
	[tilespmem:$0x12400] =	vst v63  }
0xdd: {  	_ =	swait.ge [sflag:s22], $0x4800  }
0xde: {  	[sflag:s22] =	ssyncset.done $0x0  }
0xdf: {  	s31 =	sadd.s32 $0x1B00, s0;
	[sflag:s22] =	ssyncadd.s32 $0xFFFFB800  }
0xe0: {  	[hbm4b:s31+s2] =	stream.linear.scatter [tilespmem:s19], [sflag:$0x8], $0x4800, $0x38;
	[tilespmem:$0x12400] =	vst v63  }
0xe1: {  	_ =	swait.ge [sflag:s23], $0x4800  }
0xe2: {  	[sflag:s23] =	ssyncset.done $0x0  }
0xe3: {  	s5 =	rddreg [dreg:$0x4];
	[sflag:s23] =	ssyncadd.s32 $0xFFFFB800  }
0xe4: {  	[tilespmem:s13], [sflag:$0x2] =	stream.indirect.gather [hbm4b:s3+s12], $0x90, s5, s12, $0xb8;
	[tilespmem:$0x12400] =	vst v63  }
0xe5: {  	_ =	swait.ge [sflag:s14], $0x4800  }
0xe6: {  	[sflag:s14] =	ssyncset.done $0x0  }
0xe7: {  	s6 =	sadd.s32 $0x2400, s0;
	[sflag:s14] =	ssyncadd.s32 $0xFFFFB800  }
0xe8: {  	[hbm4b:s6+s2] =	stream.linear.scatter [tilespmem:s15], [sflag:$0x5], $0x4800, $0x38;
	[tilespmem:$0x12400] =	vst v63  }
0xe9: {  	_ =	swait.ge [sflag:s24], $0x4800  }
0xea: {  	[sflag:s24] =	ssyncset.done $0x0  }
0xeb: {  	s7 =	rddreg [dreg:$0x5];
	[sflag:s24] =	ssyncadd.s32 $0xFFFFB800  }
0xec: {  	[tilespmem:s16], [sflag:$0x3] =	stream.indirect.gather [hbm4b:s3+s12], $0x90, s7, s12, $0xb8;
	[tilespmem:$0x12400] =	vst v63  }
0xed: {  	_ =	swait.ge [sflag:s17], $0x4800  }
0xee: {  	[sflag:s17] =	ssyncset.done $0x0  }
0xef: {  	s9 =	sadd.s32 $0x2D00, s0;
	[sflag:s17] =	ssyncadd.s32 $0xFFFFB800  }
0xf0: {  	[hbm4b:s9+s2] =	stream.linear.scatter [tilespmem:s13], [sflag:$0x6], $0x4800, $0x38;
	[tilespmem:$0x12400] =	vst v63  }
0xf1: {  	p0 =	seq.s32 s28, $0x3F000;
	_ =	swait.ge [sflag:s25], $0x4800  }
0xf2: {  	s1 =	sshrl.u32 @!p0 s29, $0x3;
	[sflag:s25] =	ssyncset.done $0x0  }
0xf3: {  	s1 =	sadd.s32 @!p0 s4, s1;
	s5 =	simm.s32 @!p0 $0x0;
	[sflag:s25] =	ssyncadd.s32 $0xFFFFB800  }
0xf4: {  	[tilespmem:s5], [sflag:$0x9] =	stream.linear.gather @!p0 [hbm4b:s1+s5], $0x200, $0x38;
	[tilespmem:$0x12400] =	vst v63  }
0xf5: {  	s1 =	simm.s32 @!p0 $0x9  }
0xf6: {  	_ =	swait.ge @!p0 [sflag:s1], $0x200  }
0xf7: {  	[sflag:s1] =	ssyncset.done @!p0 $0x0  }
0xf8: {  	s29 =	rddreg [dreg:$0x6];
	[sflag:s1] =	ssyncadd.s32 @!p0 $0xFFFFFE00  }
0xf9: {  	[tilespmem:s19], [sflag:$0x4] =	stream.indirect.gather [hbm4b:s3+s12], $0x90, s29, s12, $0xb8;
	[tilespmem:$0x12400] =	vst v63  }
0xfa: {  	_ =	swait.ge [sflag:s20], $0x4800  }
0xfb: {  	[sflag:s20] =	ssyncset.done $0x0  }
0xfc: {  	s0 =	sadd.s32 $0x3600, s0;
	[sflag:s20] =	ssyncadd.s32 $0xFFFFB800  }
0xfd: {  	[hbm4b:s0+s2] =	stream.linear.scatter [tilespmem:s16], [sflag:$0x7], $0x4800, $0x38;
	[tilespmem:$0x12400] =	vst v63  }
0xfe: {  	_ =	swait.ge [sflag:s22], $0x4800  }
0xff: {  	[sflag:s22] =	ssyncset.done $0x0  }
0x100: {  	s30 =	rddreg [dreg:$0x8];
	[sflag:s22] =	ssyncadd.s32 $0xFFFFB800  }
0x101: {  	[hbm4b:s30+s2] =	stream.linear.scatter [tilespmem:s19], [sflag:$0x8], $0x4800, $0x38;
	[tilespmem:$0x12400] =	vst v63  }
0x102: {  	_ =	swait.ge [sflag:s21], $0x4800  }
0x103: {  	[sflag:s21] =	ssyncset.done $0x0  }
0x104: {  	[sflag:s21] =	ssyncadd.s32 $0xFFFFB800  }
0x105: {  	_ =	swait.ge [sflag:s23], $0x4800  }
0x106: {  	[sflag:s23] =	ssyncset.done $0x0  }
0x107: {  	[sflag:s23] =	ssyncadd.s32 $0xFFFFB800  }
0x108: {  	_ =	swait.ge [sflag:s24], $0x4800  }
0x109: {  	[sflag:s24] =	ssyncset.done $0x0  }
0x10a: {  	[sflag:s24] =	ssyncadd.s32 $0xFFFFB800  }
0x10b: {  	_ =	swait.ge [sflag:s25], $0x4800  }
0x10c: {  	s26 =	sadd.s32 $0x1, s26;
	s31 =	rddreg [dreg:$0x9]  }
0x10d: {  	p0 =	sne.s32 s26, s31  }
.Ltmp1:
0x10e: {  	_ = 	snop;
	(pc) =	sbr.rel @p0 .LBB2_1-.Ltmp1, $3  }
0x10f: {  	_ =	sdelay $0x1  }
0x110: {  	[sflag:s25] =	ssyncset.done $0x0  }
0x111: {  	[sflag:s25] =	ssyncadd.s32 $0xFFFFB800  }
0x112: {  	_ =	sfence.sel $0x180000  }
0x113: {  	[bflag:$0x0] =	sbarrier.arrive $0xFFFF  }
0x114: {  	_ =	strace $0x9000004A  }
0x115: {  	s0 =	stileid.u32;
	[bflag:$0x2] =	sbarrier.arrive $0xFFFF  }
0x116: {  	p0 =	sne.s32 s0, $0x0;
	s0 =	rddreg [dreg:$0x1]  }
0x117: {  	s0 =	sadd.s32 @!p0 $0x100000, s0  }
0x118: {  	[sflag:s0] =	ssyncadd.tile.s32 @!p0 $0x1;
	_ =	shalt  }
.Lfunc_end2:
_tile_overlayer_lowered:
.L_overlay_start_2:
0x119: {  	(tag) =	ssettag $0x2  }
0x11a: {  	s0 =	rddreg [dreg:$0x0];
	s2 =	stileid.u32  }
0x11b: {  	s1 =	rddreg [dreg:$0x1];
	p0 =	sne.s32 s2, $0x0  }
0x11c: {  	s3 =	rddreg [dreg:$0x2];
	[bflag:$0x3] =	sbarrier.arrive $0xFFFF;
	s2 =	simm.s32 @!p0 $0x1C09  }
0x11d: {  	[timem:s3], [sflag:s2] =	dma.local @!p0 [hbm:s0], s1  }
0x11e: {  	s0 =	simm.s32 @!p0 $0x9  }
0x11f: {  	_ =	swait.ge @!p0 [sflag:s0], s1  }
0x120: {  	s1 =	ssub.s32 @!p0 $0x0, s1;
	[sflag:s0] =	ssyncset.done @!p0 $0x0  }
0x121: {  	[sflag:s0] =	ssyncadd.s32 @!p0 s1  }
0x122: {  	[bflag:$0x3] =	sbarrier.arrive $0xFFFF  }
0x123: {  	_ =	shalt  }

// kernel: kernel.15.cloned.1.call-start
scs
__scs_entry_jumppad:
0x0: {  	(pc) =	sbr.rel $0x88, $3  }
0x1: {  	(tag) =	ssettag $0x0;
	lr =	simm.s32 $0x1  }
0x2: {  	[smem:$0x3F8C] =	sst lr;
	_ =	strace $0xD0000000  }
0x3: {  	_ = 	snop  }
0x4: {  	_ = 	snop  }
0x5: {  	_ = 	snop  }
0x6: {  	_ = 	snop  }
0x7: {  	_ = 	snop  }
__scs_overlays_trampoline_lowered:
0x8: {  	[smem:$0x3F9B] =	sst s0  }
0x9: {  	[smem:$0x3F9C] =	sst s1  }
0xa: {  	[smem:$0x3F9D] =	sst s2  }
0xb: {  	[smem:$0x3F9E] =	sst s3  }
0xc: {  	[smem:$0x3F9F] =	sst s4  }
0xd: {  	[smem:$0x3FA0] =	sst s5  }
0xe: {  	[smem:$0x3FA1] =	sst s6  }
0xf: {  	[smem:$0x3FA2] =	sst s7  }
0x10: {  	[smem:$0x3FA3] =	sst s8  }
0x11: {  	[smem:$0x3FA4] =	sst s9;
	s0 =	simm.s32 @!p0 $0x0  }
0x12: {  	s1 =	sld [smem:$0x3F8A];
	s0 =	simm.s32 @p0 $0x1  }
0x13: {  	[smem:$0x3FA5] =	sst s0;
	s0 =	simm.s32 @!p1 $0x0  }
0x14: {  	s2 =	sld [smem:$0x3F89];
	s0 =	simm.s32 @p1 $0x1  }
0x15: {  	[smem:$0x3FA6] =	sst s0;
	s0 =	simm.s32 @!p2 $0x0  }
0x16: {  	s3 =	sld [smem:$0x3FDB];
	s0 =	simm.s32 @p2 $0x1  }
0x17: {  	s4 =	simm.s32 $0x1BF5;
	[smem:$0x3FA8] =	sst s0  }
0x18: {  	s0 =	sld [smem:$0x3F8B];
	_ =	swait.ge [sflag:s4], $0x0  }
0x19: {  	s7 =	sld [smem:$0x3F8C]  }
0x1a: {  	s8 =	sadd.s32 $0xFFFFE003, lr  }
0x1b: {  	s9 =	sadd.s32 $0xFFFFFEF7, lr;
	s5 =	simm.s32 $0xFFFFFFFF;
	p2 =	slt.u32 s8, $0xFFFFF086  }
0x1c: {  	p1 =	slt.u32 s9, $0xF7A;
	s5 =	simm.s32 @!p2 $0x0  }
0x1d: {  	s5 =	simm.s32 @p1 $0x1;
	p0 =	seq.s32 s7, s2  }
0x1e: {  	s7 =	smul.u32 @!p0 $0xF7A, s2;
	p2 =	seq.s32 @!p0 s5, $0x0  }
0x1f: {  	s9 =	smul.u32 $0xF7A, s1;
	s8 =	simm.s32 @!p0 $0x1BF5;
	p2 =	por !p2, p0  }
0x20: {  	[sflag:s8] =	ssyncset.s32 @!p0 $0xFFFFF086;
	s6 =	sadd.s32 @!p0 s3, s7;
	s7 =	simm.s32 @!p0 $0x108  }
0x21: {  	s3 =	sadd.s32 s3, s9;
	s6 =	sadd.s32 @!p0 $0x88, s6;
	s7 =	simm.s32 @p2 $0x1082  }
0x22: {  	[simem:s7], [sflag:s8] =	dma.local @!p0 [hbm:s6], $0xF7A  }
0x23: {  	s9 =	sor.u32 $0xD0000000, s2;
	s6 =	simm.s32 $0x108;
	_ =	swait.ge @!p0 [sflag:s8], $0x0  }
0x24: {  	s3 =	sadd.s32 $0x88, s3;
	s6 =	simm.s32 @!p1 $0x1082;
	[sflag:s4] =	ssyncset.s32 $0xFFFFF086  }
0x25: {  	[simem:s6], [sflag:s4] =	dma.local [hbm:s3], $0xF7A  }
0x26: {  	[smem:$0x3F8C] =	sst s1;
	(tag) =	ssettag s2;
	_ =	strace s9  }
0x27: {  	s1 =	sld [smem:$0x3F9C]  }
0x28: {  	s2 =	sld [smem:$0x3F9D]  }
0x29: {  	s4 =	sld [smem:$0x3F9F]  }
0x2a: {  	p0 =	seq.s32 s5, $0x0;
	s5 =	sld [smem:$0x3FA0]  }
0x2b: {  	s6 =	sld [smem:$0x3FA1]  }
0x2c: {  	s7 =	sld [smem:$0x3FA2]  }
0x2d: {  	s3 =	simm.s32 $0x108;
	s8 =	sld [smem:$0x3FA3]  }
0x2e: {  	s3 =	simm.s32 @!p0 $0x1082;
	s9 =	sld [smem:$0x3FA4]  }
0x2f: {  	lr =	sadd.s32 s0, s3;
	s0 =	sld [smem:$0x3F9B]  }
0x30: {  	s3 =	sld [smem:$0x3F9E]  }
0x31: {  	[smem:$0x3FA7] =	sst s10  }
0x32: {  	s10 =	sld [smem:$0x3FA5];
	_ =	sdelay $0x3  }
0x33: {  	p0 =	seq.s32 s10, $0x1;
	s10 =	sld [smem:$0x3FA7];
	_ =	sdelay $0x3  }
0x34: {  	[smem:$0x3FA7] =	sst s10  }
0x35: {  	s10 =	sld [smem:$0x3FA6];
	_ =	sdelay $0x3  }
0x36: {  	p1 =	seq.s32 s10, $0x1;
	s10 =	sld [smem:$0x3FA7];
	_ =	sdelay $0x3  }
0x37: {  	[smem:$0x3FA7] =	sst s10  }
0x38: {  	s10 =	sld [smem:$0x3FA8]  }
0x39: {  	_ = 	snop;
	(pc) =	sbr.ind lr, $3  }
0x3a: {  	_ = 	snop  }
0x3b: {  	_ = 	snop  }
0x3c: {  	p2 =	seq.s32 s10, $0x1;
	s10 =	sld [smem:$0x3FA7]  }
0x3d: {  	_ =	shalt  }
0x3e: {  	_ =	shalt  }
0x3f: {  	_ =	shalt  }
0x40: {  	_ =	shalt  }
0x41: {  	_ =	shalt  }
0x42: {  	_ =	shalt  }
0x43: {  	_ =	shalt  }
0x44: {  	_ =	shalt  }
0x45: {  	_ =	shalt  }
0x46: {  	_ =	shalt  }
0x47: {  	_ =	shalt  }
0x48: {  	_ =	shalt  }
0x49: {  	_ =	shalt  }
0x4a: {  	_ =	shalt  }
0x4b: {  	_ =	shalt  }
0x4c: {  	_ =	shalt  }
0x4d: {  	_ =	shalt  }
0x4e: {  	_ =	shalt  }
0x4f: {  	_ =	shalt  }
0x50: {  	_ =	shalt  }
0x51: {  	_ =	shalt  }
0x52: {  	_ =	shalt  }
0x53: {  	_ =	shalt  }
0x54: {  	_ =	shalt  }
0x55: {  	_ =	shalt  }
0x56: {  	_ =	shalt  }
0x57: {  	_ =	shalt  }
0x58: {  	_ =	shalt  }
0x59: {  	_ =	shalt  }
0x5a: {  	_ =	shalt  }
0x5b: {  	_ =	shalt  }
0x5c: {  	_ =	shalt  }
0x5d: {  	_ =	shalt  }
0x5e: {  	_ =	shalt  }
0x5f: {  	_ =	shalt  }
0x60: {  	_ =	shalt  }
0x61: {  	_ =	shalt  }
0x62: {  	_ =	shalt  }
0x63: {  	_ =	shalt  }
0x64: {  	_ =	shalt  }
0x65: {  	_ =	shalt  }
0x66: {  	_ =	shalt  }
0x67: {  	_ =	shalt  }
0x68: {  	_ =	shalt  }
0x69: {  	_ =	shalt  }
0x6a: {  	_ =	shalt  }
0x6b: {  	_ =	shalt  }
0x6c: {  	_ =	shalt  }
0x6d: {  	_ =	shalt  }
0x6e: {  	_ =	shalt  }
0x6f: {  	_ =	shalt  }
0x70: {  	_ =	shalt  }
0x71: {  	_ =	shalt  }
0x72: {  	_ =	shalt  }
0x73: {  	_ =	shalt  }
0x74: {  	_ =	shalt  }
0x75: {  	_ =	shalt  }
0x76: {  	_ =	shalt  }
0x77: {  	_ =	shalt  }
0x78: {  	_ =	shalt  }
0x79: {  	_ =	shalt  }
0x7a: {  	_ =	shalt  }
0x7b: {  	_ =	shalt  }
0x7c: {  	_ =	shalt  }
0x7d: {  	_ =	shalt  }
0x7e: {  	_ =	shalt  }
0x7f: {  	_ =	shalt  }
0x80: {  	_ =	shalt  }
0x81: {  	_ =	shalt  }
0x82: {  	_ =	shalt  }
0x83: {  	_ =	shalt  }
0x84: {  	_ =	shalt  }
0x85: {  	_ =	shalt  }
0x86: {  	_ =	shalt  }
0x87: {  	_ =	shalt  }
.Lfunc_end0:
.L_simem_size_0:
called_computation.2_lowered:
.L_overlay_start_0:
0x88: {  	s2 =	sld [smem:$0x3FD9]  }
0x89: {  	s3 =	sld [smem:$0x3FFE];
	_ =	sdelay $0x1  }
0x8a: {  	s1 =	srdreg.scid  }
0x8b: {  	s0 =	sand.u32 $0x1, s1  }
0x8c: {  	s16 =	sshll.u32 s0, $0xA;
	s2 =	sadd.s32 s3, s2  }
0x8d: {  	s2 =	sadd.s32 s2, s16  }
0x8e: {  	[smem:$0x3FB3] =	sst s2  }
0x8f: {  	_ = 	snop  }
0x90: {  	(tm) =	ssettm $0x1  }
0x91: {  	s17 =	sld [smem:$0x3FFB];
	_ =	sdelay $0x3  }
0x92: {  	_ =	strace s17  }
0x93: {  	s2 =	sld [smem:$0x3FFC];
	_ =	sdelay $0x3  }
0x94: {  	_ =	strace s2  }
0x95: {  	s2 =	sld [smem:$0x3FFD];
	_ =	sdelay $0x3  }
0x96: {  	_ =	strace s2  }
0x97: {  	_ =	strace $0x8FFFFFFF  }
0x98: {  	s18 =	sld [smem:$0x3FDB];
	_ =	sdelay $0x1  }
0x99: {  	s19 =	simm.s32 $_scs_section_size  }
0x9a: {  	s4 =	simm.s32 $_size__tile_overlayer_lowered;
	s5 =	simm.s32 $_tile_overlayer_lowered  }
0x9b: {  	s22 =	simm.s32 $0x1BFF;
	s21 =	sshll.u32 s5, $0x1;
	s2 =	sadd.s32 s19, s18  }
0x9c: {  	s6 =	simm.s32 $0x0;
	s20 =	sshll.u32 s4, $0x1;
	s4 =	sadd.s32 s21, s2  }
0x9d: {  	[timem:s6], [sflag:s22] =	dma.local [hbm:s4], s20  }
0x9e: {  	_ =	swait.ge [sflag:s22], s20  }
0x9f: {  	s3 =	ssub.s32 $0x0, s20;
	[sflag:s22] =	ssyncset.done $0x0  }
0xa0: {  	[sflag:s22] =	ssyncadd.s32 s3;
	_ =	sdelay $0x1  }
0xa1: {  	s23 =	simm.s32 $0x1B8B  }
0xa2: {  	_ =	swait.ge [sflag:s23], $0x1  }
0xa3: {  	[sflag:s23] =	ssyncset.done $0x0  }
0xa4: {  	s25 =	simm.s32 $0x1B8E;
	s24 =	sld [smem:$0x3FFE];
	[sflag:s23] =	ssyncadd.s32 $0xFFFFFFFF  }
0xa5: {  	s26 =	simm.s32 $execute0_lowered;
	[smem:$0x3FD2] =	sst s25  }
0xa6: {  	s4 =	sshll.u32 s26, $0x1;
	_ =	strace $0x8000004C;
	[dreg:$0x1] =	wrdreg $0xFFFFFFFF  }
0xa7: {  	s28 =	simm.s32 $_size_execute0_lowered;
	s2 =	sadd.s32 s2, s4;
	[dreg:$0x0] =	wrdreg $0x0  }
0xa8: {  	s4 =	sshll.u32 s28, $0x1;
	[dreg:$0x2] =	wrdreg s2  }
0xa9: {  	[dreg:$0x3] =	wrdreg s4  }
0xaa: {  	[dreg:$0x4] =	wrdreg $0xC0  }
0xab: {  	_ =	task [dreg:s6], $0x5FFFF  }
0xac: {  	[dreg:$0x1] =	wrdreg $0xFFFFFFFF  }
0xad: {  	[dreg:$0x0] =	wrdreg $0x60  }
0xae: {  	[dreg:$0x2] =	wrdreg s24  }
0xaf: {  	[dreg:$0x3] =	wrdreg $0x9  }
0xb0: {  	_ =	task.clear_ibuf [dreg:s6], $0x4FFFF;
	_ =	strace $0x9000004C  }
0xb1: {  	s29 =	simm.s32 $0x9;
	_ =	strace $0x8000004E  }
0xb2: {  	_ =	swait.ge [sflag:s29], $0x1  }
0xb3: {  	[sflag:s29] =	ssyncadd.s32 $0xFFFFFFFF  }
0xb4: {  	_ =	strace $0x9000004E  }
0xb5: {  	_ =	sfence  }
0xb6: {  	s30 =	sld [smem:$0x0];
	_ =	sdelay $0x2  }
0xb7: {  	s31 =	sshll.u32 s1, $0xD;
	s1 =	sshrl.u32 s1, $0x2  }
0xb8: {  	s3 =	sand.u32 $0x4000, s31;
	s1 =	sadd.s32 s1, s30  }
0xb9: {  	s0 =	sor.u32 s3, s0;
	s1 =	sshll.u32 s1, $0x11  }
0xba: {  	s0 =	sor.u32 s1, s0  }
0xbb: {  	s0 =	sadd.s32 $0x8F2B, s0  }
0xbc: {  	[sflag:s0] =	ssyncadd.remote.s32 $0x1  }
0xbd: {  	_ =	sfence.sel $0xFFFF  }
0xbe: {  	[dreg:$0x0] =	wrdreg $0xFFFFFFFF;
	(pc) =	sbr.abs _section_cstart, $3  }
0xbf: {  	[dreg:$0x1] =	wrdreg $0xFFFFFFFF  }
0xc0: {  	_ =	task.clear_ibuf [dreg:s6], $0x2FFFF;
	_ =	strace $0x9FFFFFFF  }
0xc1: {  	(tm) =	ssettm $0x7FFFFFFF  }
tec
execute0_lowered:
.L_overlay_start_1:
0x0: {  	(tag) =	ssettag $0x1  }
0x1: {  	s0 =	rddreg [dreg:$0x0]  }
0x2: {  	s2 =	simm.s32 $0x0;
	s1 =	srdreg.scid;
	s10 =	stileid.u32  }
0x3: {  	s11 =	simm.s32 $0x9;
	s12 =	simm.s32 $0x80;
	s13 =	simm.s32 $0x4C00  }
0x4: {  	s14 =	simm.s32 $0x1;
	s26 =	simm.s32 $0x100;
	s15 =	simm.s32 $0x400  }
0x5: {  	s16 =	simm.s32 $0x9400;
	s17 =	simm.s32 $0x2;
	s18 =	simm.s32 $0x200  }
0x6: {  	s28 =	simm.s32 $0x180;
	s29 =	simm.s32 $0x280;
	s30 =	simm.s32 $0x300  }
0x7: {  	s31 =	simm.s32 $0x380;
	[smem:$0x7FF] =	sst s2;
	s1 =	sand.u32 $0x1, s1  }
0x8: {  	s3 =	sshll.u32 s10, $0x1;
	s4 =	sadd.s32 $0x6200, s0;
	s9 =	smul.u32 $0x7800, s10  }
0x9: {  	s10 =	smul.u32 $0x87000, s10;
	_ =	strace $0x8000004D;
	[dreg:$0x2] =	wrdreg s26  }
0xa: {  	s5 =	sor.u32 s1, s3;
	s3 =	sadd.s32 $0x42200, s0;
	[dreg:$0x3] =	wrdreg s28  }
0xb: {  	s6 =	ssub.s32 $0x2, s1;
	s20 =	smul.u32 $0x3C00, s1;
	[dreg:$0x4] =	wrdreg s29  }
0xc: {  	s0 =	sadd.s32 $0x6F200, s0;
	s1 =	smul.u32 $0x43800, s1;
	[dreg:$0x5] =	wrdreg s30  }
0xd: {  	[dreg:$0x6] =	wrdreg s31;
	s7 =	smul.u32 $0x3C00, s5;
	s8 =	sshrl.u32 s6, $0x1  }
0xe: {  	s26 =	simm.s32 $0x0;
	s5 =	smul.u32 $0x21C000, s5;
	s8 =	ssub.s32 s6, s8  }
0xf: {  	s21 =	sadd.s32 s20, s9;
	s20 =	simm.s32 $0x3;
	s19 =	sshrl.u32 s7, $0x3  }
0x10: {  	s5 =	sshrl.u32 s5, $0x3;
	s22 =	smax.u32 s8, $0x1;
	s23 =	sor.u32 $0x200, s21  }
0x11: {  	s24 =	sadd.s32 $0x400, s21;
	s21 =	simm.s32 $0x5;
	s6 =	sadd.s32 s4, s19  }
0x12: {  	s5 =	sadd.s32 s0, s5;
	[dreg:$0x9] =	wrdreg s22;
	s0 =	sadd.s32 s10, s0  }
0x13: {  	[dreg:$0xa] =	wrdreg s24;
	s25 =	sshrl.u32 s23, $0x3;
	s19 =	simm.s32 $0xDC00  }
0x14: {  	s22 =	simm.s32 $0x4;
	s23 =	simm.s32 $0x6;
	s24 =	simm.s32 $0x7  }
0x15: {  	[dreg:$0x7] =	wrdreg s6;
	s5 =	sadd.s32 $0x42F00, s5;
	s8 =	sadd.s32 s1, s0  }
0x16: {  	s10 =	sadd.s32 s25, s4;
	s25 =	simm.s32 $0x8;
	[dreg:$0x8] =	wrdreg s5  }
.LBB2_1:
0x17: {  	s0 =	rddreg [dreg:$0x7]  }
0x18: {  	[tilespmem:s2], [sflag:$0x9] =	stream.linear.gather [hbm4b:s0+s2], $0x200, $0x38;
	[tilespmem:$0x12400] =	vst v63  }
0x19: {  	p0 =	por $0x1, $0x1;
	_ =	swait.ge [sflag:s11], $0x200  }
0x1a: {  	s0 =	simm.s32 @!p0 $0x5;
	s1 =	simm.s32 @p0 $0x80;
	[sflag:s11] =	ssyncset.done $0x0  }
0x1b: {  	s5 =	simm.s32 @p0 $0x0;
	s28 =	simm.s32 @p0 $0x400;
	[sflag:s11] =	ssyncadd.s32 $0xFFFFFE00  }
0x1c: {  	[tilespmem:s28], [sflag:$0x1] =	stream.indirect.gather @p0 [hbm4b:s3+s1], $0x90, s5, s1, $0xb8;
	[tilespmem:$0x12400] =	vst v63  }
0x1d: {  	_ =	swait.ge @!p0 [sflag:s0], $0x4800  }
0x1e: {  	s1 =	simm.s32 @!p0 $0x400;
	s5 =	simm.s32 @!p0 $0x80;
	[sflag:s0] =	ssyncset.done @!p0 $0x0  }
0x1f: {  	s28 =	simm.s32 @!p0 $0x0;
	[sflag:s0] =	ssyncadd.s32 @!p0 $0xFFFFB800;
	s0 =	simm.s32 @!p0 $0x4  }
0x20: {  	[tilespmem:s1], [sflag:$0x1] =	stream.indirect.gather @!p0 [hbm4b:s3+s5], $0x90, s28, s5, $0xb8;
	[tilespmem:$0x12400] =	vst v63  }
0x21: {  	_ =	swait.ge @!p0 [sflag:s0], $0x4800  }
0x22: {  	s1 =	sadd.s32 @!p0 $0x0, s8;
	s5 =	simm.s32 @!p0 $0xDC00;
	[sflag:s0] =	ssyncset.done @!p0 $0x0  }
0x23: {  	s1 =	sadd.s32 @!p0 $0xFFFFF700, s1;
	[sflag:s0] =	ssyncadd.s32 @!p0 $0xFFFFB800;
	s0 =	simm.s32 @!p0 $0x6  }
0x24: {  	[hbm4b:s1+s28] =	stream.linear.scatter @!p0 [tilespmem:s5], [sflag:$0x8], $0x4800, $0x38;
	[tilespmem:$0x12400] =	vst v63  }
0x25: {  	_ =	swait.ge @!p0 [sflag:s0], $0x4800  }
0x26: {  	[sflag:s0] =	ssyncset.done @!p0 $0x0  }
0x27: {  	[sflag:s0] =	ssyncadd.s32 @!p0 $0xFFFFB800  }
0x28: {  	[tilespmem:s13], [sflag:$0x2] =	stream.indirect.gather [hbm4b:s3+s12], $0x90, s12, s12, $0xb8;
	[tilespmem:$0x12400] =	vst v63  }
0x29: {  	_ =	swait.ge [sflag:s14], $0x4800  }
0x2a: {  	[sflag:s14] =	ssyncset.done $0x0  }
0x2b: {  	s1 =	simm.s32 @!p0 $0x7;
	s0 =	sadd.s32 $0x0, s8;
	[sflag:s14] =	ssyncadd.s32 $0xFFFFB800  }
0x2c: {  	[hbm4b:s0+s2] =	stream.linear.scatter [tilespmem:s15], [sflag:$0x5], $0x4800, $0x38;
	[tilespmem:$0x12400] =	vst v63  }
0x2d: {  	_ =	swait.ge @!p0 [sflag:s1], $0x4800  }
0x2e: {  	[sflag:s1] =	ssyncset.done @!p0 $0x0  }
0x2f: {  	s7 =	rddreg [dreg:$0x2];
	[sflag:s1] =	ssyncadd.s32 @!p0 $0xFFFFB800  }
0x30: {  	[tilespmem:s16], [sflag:$0x3] =	stream.indirect.gather [hbm4b:s3+s12], $0x90, s7, s12, $0xb8;
	[tilespmem:$0x12400] =	vst v63  }
0x31: {  	_ =	swait.ge [sflag:s17], $0x4800  }
0x32: {  	[sflag:s17] =	ssyncset.done $0x0  }
0x33: {  	s5 =	simm.s32 @!p0 $0x8;
	s9 =	sadd.s32 $0x900, s0;
	[sflag:s17] =	ssyncadd.s32 $0xFFFFB800  }
0x34: {  	[hbm4b:s9+s2] =	stream.linear.scatter [tilespmem:s13], [sflag:$0x6], $0x4800, $0x38;
	[tilespmem:$0x12400] =	vst v63  }
0x35: {  	_ =	swait.ge @!p0 [sflag:s5], $0x4800  }
0x36: {  	[sflag:s5] =	ssyncset.done @!p0 $0x0  }
0x37: {  	[sflag:s5] =	ssyncadd.s32 @!p0 $0xFFFFB800  }
0x38: {  	[tilespmem:s18], [sflag:$0x9] =	stream.linear.gather [hbm4b:s10+s2], $0x200, $0x38;
	[tilespmem:$0x12400] =	vst v63  }
0x39: {  	_ =	swait.ge [sflag:s11], $0x200  }
0x3a: {  	[sflag:s11] =	ssyncset.done $0x0  }
0x3b: {  	s5 =	rddreg [dreg:$0x3];
	[sflag:s11] =	ssyncadd.s32 $0xFFFFFE00  }
0x3c: {  	[tilespmem:s19], [sflag:$0x4] =	stream.indirect.gather [hbm4b:s3+s12], $0x90, s5, s12, $0xb8;
	[tilespmem:$0x12400] =	vst v63  }
0x3d: {  	_ =	swait.ge [sflag:s20], $0x4800  }
0x3e: {  	[sflag:s20] =	ssyncset.done $0x0  }
0x3f: {  	s6 =	sadd.s32 $0x1200, s0;
	[sflag:s20] =	ssyncadd.s32 $0xFFFFB800  }
0x40: {  	[hbm4b:s6+s2] =	stream.linear.scatter [tilespmem:s16], [sflag:$0x7], $0x4800, $0x38;
	[tilespmem:$0x12400] =	vst v63  }
0x41: {  	_ =	swait.ge [sflag:s21], $0x4800  }
0x42: {  	[sflag:s21] =	ssyncset.done $0x0  }
0x43: {  	[sflag:s21] =	ssyncadd.s32 $0xFFFFB800  }
0x44: {  	[tilespmem:s15], [sflag:$0x1] =	stream.indirect.gather [hbm4b:s3+s12], $0x90, s18, s12, $0xb8;
	[tilespmem:$0x12400] =	vst v63  }
0x45: {  	_ =	swait.ge [sflag:s22], $0x4800  }
0x46: {  	[sflag:s22] =	ssyncset.done $0x0  }
0x47: {  	s7 =	sadd.s32 $0x1B00, s0;
	[sflag:s22] =	ssyncadd.s32 $0xFFFFB800  }
0x48: {  	[hbm4b:s7+s2] =	stream.linear.scatter [tilespmem:s19], [sflag:$0x8], $0x4800, $0x38;
	[tilespmem:$0x12400] =	vst v63  }
0x49: {  	_ =	swait.ge [sflag:s23], $0x4800  }
0x4a: {  	[sflag:s23] =	ssyncset.done $0x0  }
0x4b: {  	s9 =	rddreg [dreg:$0x4];
	[sflag:s23] =	ssyncadd.s32 $0xFFFFB800  }
0x4c: {  	[tilespmem:s13], [sflag:$0x2] =	stream.indirect.gather [hbm4b:s3+s12], $0x90, s9, s12, $0xb8;
	[tilespmem:$0x12400] =	vst v63  }
0x4d: {  	_ =	swait.ge [sflag:s14], $0x4800  }
0x4e: {  	[sflag:s14] =	ssyncset.done $0x0  }
0x4f: {  	s5 =	sadd.s32 $0x2400, s0;
	[sflag:s14] =	ssyncadd.s32 $0xFFFFB800  }
0x50: {  	[hbm4b:s5+s2] =	stream.linear.scatter [tilespmem:s15], [sflag:$0x5], $0x4800, $0x38;
	[tilespmem:$0x12400] =	vst v63  }
0x51: {  	_ =	swait.ge [sflag:s24], $0x4800  }
0x52: {  	[sflag:s24] =	ssyncset.done $0x0  }
0x53: {  	s6 =	rddreg [dreg:$0x5];
	[sflag:s24] =	ssyncadd.s32 $0xFFFFB800  }
0x54: {  	[tilespmem:s16], [sflag:$0x3] =	stream.indirect.gather [hbm4b:s3+s12], $0x90, s6, s12, $0xb8;
	[tilespmem:$0x12400] =	vst v63  }
0x55: {  	_ =	swait.ge [sflag:s17], $0x4800  }
0x56: {  	[sflag:s17] =	ssyncset.done $0x0  }
0x57: {  	s7 =	sadd.s32 $0x2D00, s0;
	[sflag:s17] =	ssyncadd.s32 $0xFFFFB800  }
0x58: {  	[hbm4b:s7+s2] =	stream.linear.scatter [tilespmem:s13], [sflag:$0x6], $0x4800, $0x38;
	[tilespmem:$0x12400] =	vst v63  }
0x59: {  	_ =	swait.ge [sflag:s25], $0x4800  }
0x5a: {  	p0 =	por $0x0, $0x0;
	s6 =	rddreg [dreg:$0xa]  }
0x5b: {  	s28 =	simm.s32 @!p0 $0x9;
	[sflag:s25] =	ssyncset.done $0x0;
	s1 =	sshrl.u32 @!p0 s6, $0x3  }
0x5c: {  	s5 =	simm.s32 @!p0 $0x0;
	[sflag:s25] =	ssyncadd.s32 $0xFFFFB800;
	s1 =	sadd.s32 @!p0 s4, s1  }
0x5d: {  	[tilespmem:s5], [sflag:$0x9] =	stream.linear.gather @!p0 [hbm4b:s1+s5], $0x200, $0x38;
	[tilespmem:$0x12400] =	vst v63  }
0x5e: {  	_ =	swait.ge @!p0 [sflag:s28], $0x200  }
0x5f: {  	s31 =	simm.s32 $0x9000;
	s30 =	sadd.s32 $0x80, s10;
	[sflag:s28] =	ssyncset.done @!p0 $0x0  }
0x60: {  	s29 =	sadd.s32 $0x400, s6;
	s9 =	rddreg [dreg:$0x6];
	[sflag:s28] =	ssyncadd.s32 @!p0 $0xFFFFFE00  }
0x61: {  	[tilespmem:s19], [sflag:$0x4] =	stream.indirect.gather [hbm4b:s3+s12], $0x90, s9, s12, $0xb8;
	[tilespmem:$0x12400] =	vst v63  }
0x62: {  	s1 =	sadd.s32 $0x3600, s0;
	s28 =	simm.s32 $0x4800;
	_ =	swait.ge [sflag:s20], $0x4800  }
.LBB2_2:
0x63: {  	p1 =	seq.s32 s28, $0x0;
	[sflag:s20] =	ssyncset.done $0x0  }
0x64: {  	s5 =	simm.s32 @!p1 $0x5;
	[sflag:s20] =	ssyncadd.s32 $0xFFFFB800  }
0x65: {  	[hbm4b:s1+s2] =	stream.linear.scatter [tilespmem:s16], [sflag:$0x7], $0x4800, $0x38;
	[tilespmem:$0x12400] =	vst v63  }
0x66: {  	s7 =	simm.s32 @p1 $0x0;
	s9 =	simm.s32 @p1 $0x400;
	s1 =	simm.s32 @p1 $0x80  }
0x67: {  	[tilespmem:s9], [sflag:$0x1] =	stream.indirect.gather @p1 [hbm4b:s3+s1], $0x90, s7, s1, $0xb8;
	[tilespmem:$0x12400] =	vst v63  }
0x68: {  	_ =	swait.ge @!p1 [sflag:s5], $0x4800  }
0x69: {  	s1 =	simm.s32 @!p1 $0x400;
	s7 =	simm.s32 @!p1 $0x80;
	[sflag:s5] =	ssyncset.done @!p1 $0x0  }
0x6a: {  	s9 =	simm.s32 @!p1 $0x0;
	[sflag:s5] =	ssyncadd.s32 @!p1 $0xFFFFB800;
	s5 =	simm.s32 @!p1 $0x4  }
0x6b: {  	[tilespmem:s1], [sflag:$0x1] =	stream.indirect.gather @!p1 [hbm4b:s3+s7], $0x90, s9, s7, $0xb8;
	[tilespmem:$0x12400] =	vst v63  }
0x6c: {  	s6 =	sadd.s32 @!p1 s28, s8;
	_ =	swait.ge @!p1 [sflag:s5], $0x4800  }
0x6d: {  	s6 =	sadd.s32 @!p1 $0xFFFFF700, s6;
	[sflag:s5] =	ssyncset.done @!p1 $0x0  }
0x6e: {  	s1 =	simm.s32 @!p1 $0xDC00;
	[sflag:s5] =	ssyncadd.s32 @!p1 $0xFFFFB800;
	s5 =	simm.s32 @!p1 $0x6  }
0x6f: {  	[hbm4b:s6+s9] =	stream.linear.scatter @!p1 [tilespmem:s1], [sflag:$0x8], $0x4800, $0x38;
	[tilespmem:$0x12400] =	vst v63  }
0x70: {  	_ =	swait.ge @!p1 [sflag:s5], $0x4800  }
0x71: {  	[sflag:s5] =	ssyncset.done @!p1 $0x0  }
0x72: {  	[sflag:s5] =	ssyncadd.s32 @!p1 $0xFFFFB800  }
0x73: {  	[tilespmem:s13], [sflag:$0x2] =	stream.indirect.gather [hbm4b:s3+s12], $0x90, s12, s12, $0xb8;
	[tilespmem:$0x12400] =	vst v63  }
0x74: {  	_ =	swait.ge [sflag:s14], $0x4800  }
0x75: {  	[sflag:s14] =	ssyncset.done $0x0  }
0x76: {  	s6 =	simm.s32 @!p1 $0x7;
	s5 =	sadd.s32 s28, s8;
	[sflag:s14] =	ssyncadd.s32 $0xFFFFB800  }
0x77: {  	[hbm4b:s5+s2] =	stream.linear.scatter [tilespmem:s15], [sflag:$0x5], $0x4800, $0x38;
	[tilespmem:$0x12400] =	vst v63  }
0x78: {  	_ =	swait.ge @!p1 [sflag:s6], $0x4800  }
0x79: {  	[sflag:s6] =	ssyncset.done @!p1 $0x0  }
0x7a: {  	s9 =	rddreg [dreg:$0x2];
	[sflag:s6] =	ssyncadd.s32 @!p1 $0xFFFFB800  }
0x7b: {  	[tilespmem:s16], [sflag:$0x3] =	stream.indirect.gather [hbm4b:s3+s12], $0x90, s9, s12, $0xb8;
	[tilespmem:$0x12400] =	vst v63  }
0x7c: {  	_ =	swait.ge [sflag:s17], $0x4800  }
0x7d: {  	[sflag:s17] =	ssyncset.done $0x0  }
0x7e: {  	s7 =	simm.s32 @!p1 $0x8;
	s9 =	sadd.s32 $0x900, s5;
	[sflag:s17] =	ssyncadd.s32 $0xFFFFB800  }
0x7f: {  	[hbm4b:s9+s2] =	stream.linear.scatter [tilespmem:s13], [sflag:$0x6], $0x4800, $0x38;
	[tilespmem:$0x12400] =	vst v63  }
0x80: {  	_ =	swait.ge @!p1 [sflag:s7], $0x4800  }
0x81: {  	[sflag:s7] =	ssyncset.done @!p1 $0x0  }
0x82: {  	[sflag:s7] =	ssyncadd.s32 @!p1 $0xFFFFB800  }
0x83: {  	[tilespmem:s18], [sflag:$0x9] =	stream.linear.gather [hbm4b:s30+s2], $0x200, $0x38;
	[tilespmem:$0x12400] =	vst v63  }
0x84: {  	_ =	swait.ge [sflag:s11], $0x200  }
0x85: {  	[sflag:s11] =	ssyncset.done $0x0  }
0x86: {  	s9 =	rddreg [dreg:$0x3];
	[sflag:s11] =	ssyncadd.s32 $0xFFFFFE00  }
0x87: {  	[tilespmem:s19], [sflag:$0x4] =	stream.indirect.gather [hbm4b:s3+s12], $0x90, s9, s12, $0xb8;
	[tilespmem:$0x12400] =	vst v63  }
0x88: {  	_ =	swait.ge [sflag:s20], $0x4800  }
0x89: {  	[sflag:s20] =	ssyncset.done $0x0  }
0x8a: {  	s7 =	sadd.s32 $0x1200, s5;
	[sflag:s20] =	ssyncadd.s32 $0xFFFFB800  }
0x8b: {  	[hbm4b:s7+s2] =	stream.linear.scatter [tilespmem:s16], [sflag:$0x7], $0x4800, $0x38;
	[tilespmem:$0x12400] =	vst v63  }
0x8c: {  	_ =	swait.ge [sflag:s21], $0x4800  }
0x8d: {  	[sflag:s21] =	ssyncset.done $0x0  }
0x8e: {  	[sflag:s21] =	ssyncadd.s32 $0xFFFFB800  }
0x8f: {  	[tilespmem:s15], [sflag:$0x1] =	stream.indirect.gather [hbm4b:s3+s12], $0x90, s18, s12, $0xb8;
	[tilespmem:$0x12400] =	vst v63  }
0x90: {  	_ =	swait.ge [sflag:s22], $0x4800  }
0x91: {  	[sflag:s22] =	ssyncset.done $0x0  }
0x92: {  	s9 =	sadd.s32 $0x1B00, s5;
	[sflag:s22] =	ssyncadd.s32 $0xFFFFB800  }
0x93: {  	[hbm4b:s9+s2] =	stream.linear.scatter [tilespmem:s19], [sflag:$0x8], $0x4800, $0x38;
	[tilespmem:$0x12400] =	vst v63  }
0x94: {  	_ =	swait.ge [sflag:s23], $0x4800  }
0x95: {  	[sflag:s23] =	ssyncset.done $0x0  }
0x96: {  	s7 =	rddreg [dreg:$0x4];
	[sflag:s23] =	ssyncadd.s32 $0xFFFFB800  }
0x97: {  	[tilespmem:s13], [sflag:$0x2] =	stream.indirect.gather [hbm4b:s3+s12], $0x90, s7, s12, $0xb8;
	[tilespmem:$0x12400] =	vst v63  }
0x98: {  	_ =	swait.ge [sflag:s14], $0x4800  }
0x99: {  	[sflag:s14] =	ssyncset.done $0x0  }
0x9a: {  	s9 =	sadd.s32 $0x2400, s5;
	[sflag:s14] =	ssyncadd.s32 $0xFFFFB800  }
0x9b: {  	[hbm4b:s9+s2] =	stream.linear.scatter [tilespmem:s15], [sflag:$0x5], $0x4800, $0x38;
	[tilespmem:$0x12400] =	vst v63  }
0x9c: {  	_ =	swait.ge [sflag:s24], $0x4800  }
0x9d: {  	[sflag:s24] =	ssyncset.done $0x0  }
0x9e: {  	s7 =	rddreg [dreg:$0x5];
	[sflag:s24] =	ssyncadd.s32 $0xFFFFB800  }
0x9f: {  	[tilespmem:s16], [sflag:$0x3] =	stream.indirect.gather [hbm4b:s3+s12], $0x90, s7, s12, $0xb8;
	[tilespmem:$0x12400] =	vst v63  }
0xa0: {  	s0 =	smov.u32 s31;
	s31 =	sadd.s32 $0x4800, s31;
	_ =	swait.ge [sflag:s17], $0x4800  }
0xa1: {  	p0 =	sne.s32 s31, $0x43800;
	[sflag:s17] =	ssyncset.done $0x0  }
0xa2: {  	s1 =	sadd.s32 $0x3600, s5;
	s5 =	sadd.s32 $0x2D00, s5;
	[sflag:s17] =	ssyncadd.s32 $0xFFFFB800  }
0xa3: {  	[hbm4b:s5+s2] =	stream.linear.scatter [tilespmem:s13], [sflag:$0x6], $0x4800, $0x38;
	[tilespmem:$0x12400] =	vst v63  }
0xa4: {  	p1 =	seq.s32 s28, $0x3F000;
	s28 =	smov.u32 s0;
	_ =	swait.ge [sflag:s25], $0x4800  }
0xa5: {  	s0 =	sshrl.u32 @!p1 s29, $0x3;
	s6 =	simm.s32 @!p1 $0x9;
	[sflag:s25] =	ssyncset.done $0x0  }
0xa6: {  	s0 =	sadd.s32 @!p1 s4, s0;
	s5 =	simm.s32 @!p1 $0x0;
	[sflag:s25] =	ssyncadd.s32 $0xFFFFB800  }
0xa7: {  	[tilespmem:s5], [sflag:$0x9] =	stream.linear.gather @!p1 [hbm4b:s0+s5], $0x200, $0x38;
	[tilespmem:$0x12400] =	vst v63  }
.Ltmp0:
0xa8: {  	_ =	swait.ge @!p1 [sflag:s6], $0x200;
	(pc) =	sbr.rel @p0 .LBB2_2-.Ltmp0, $4  }
0xa9: {  	[sflag:s6] =	ssyncset.done @!p1 $0x0  }
0xaa: {  	s9 =	rddreg [dreg:$0x6];
	[sflag:s6] =	ssyncadd.s32 @!p1 $0xFFFFFE00  }
0xab: {  	[tilespmem:s19], [sflag:$0x4] =	stream.indirect.gather [hbm4b:s3+s12], $0x90, s9, s12, $0xb8;
	[tilespmem:$0x12400] =	vst v63  }
0xac: {  	s29 =	sadd.s32 $0x400, s29;
	s30 =	sadd.s32 $0x80, s30;
	_ =	swait.ge [sflag:s20], $0x4800  }
0xad: {  	[sflag:s20] =	ssyncset.done $0x0  }
0xae: {  	p0 =	seq.s32 s28, $0x0;
	[sflag:s20] =	ssyncadd.s32 $0xFFFFB800  }
0xaf: {  	[hbm4b:s1+s2] =	stream.linear.scatter [tilespmem:s16], [sflag:$0x7], $0x4800, $0x38;
	[tilespmem:$0x12400] =	vst v63  }
0xb0: {  	s0 =	simm.s32 @p0 $0x80;
	s5 =	simm.s32 @p0 $0x400;
	s1 =	simm.s32 @p0 $0x0  }
0xb1: {  	[tilespmem:s5], [sflag:$0x1] =	stream.indirect.gather @p0 [hbm4b:s3+s0], $0x90, s1, s0, $0xb8;
	[tilespmem:$0x12400] =	vst v63  }
0xb2: {  	s0 =	simm.s32 @!p0 $0x5  }
0xb3: {  	_ =	swait.ge @!p0 [sflag:s0], $0x4800  }
0xb4: {  	s1 =	simm.s32 @!p0 $0x400;
	[sflag:s0] =	ssyncset.done @!p0 $0x0  }
0xb5: {  	s5 =	simm.s32 @!p0 $0x80;
	[sflag:s0] =	ssyncadd.s32 @!p0 $0xFFFFB800;
	s0 =	simm.s32 @!p0 $0x0  }
0xb6: {  	[tilespmem:s1], [sflag:$0x1] =	stream.indirect.gather @!p0 [hbm4b:s3+s5], $0x90, s0, s5, $0xb8;
	[tilespmem:$0x12400] =	vst v63  }
0xb7: {  	s1 =	simm.s32 @!p0 $0x4  }
0xb8: {  	_ =	swait.ge @!p0 [sflag:s1], $0x4800  }
0xb9: {  	s5 =	sadd.s32 @!p0 s28, s8;
	[sflag:s1] =	ssyncset.done @!p0 $0x0  }
0xba: {  	s5 =	sadd.s32 @!p0 $0xFFFFF700, s5;
	[sflag:s1] =	ssyncadd.s32 @!p0 $0xFFFFB800;
	s1 =	simm.s32 @!p0 $0xDC00  }
0xbb: {  	[hbm4b:s5+s0] =	stream.linear.scatter @!p0 [tilespmem:s1], [sflag:$0x8], $0x4800, $0x38;
	[tilespmem:$0x12400] =	vst v63  }
0xbc: {  	s0 =	simm.s32 @!p0 $0x6  }
0xbd: {  	_ =	swait.ge @!p0 [sflag:s0], $0x4800  }
0xbe: {  	[sflag:s0] =	ssyncset.done @!p0 $0x0  }
0xbf: {  	[sflag:s0] =	ssyncadd.s32 @!p0 $0xFFFFB800  }
0xc0: {  	[tilespmem:s13], [sflag:$0x2] =	stream.indirect.gather [hbm4b:s3+s12], $0x90, s12, s12, $0xb8;
	[tilespmem:$0x12400] =	vst v63  }
0xc1: {  	_ =	swait.ge [sflag:s14], $0x4800  }
0xc2: {  	[sflag:s14] =	ssyncset.done $0x0  }
0xc3: {  	s1 =	simm.s32 @!p0 $0x7;
	s0 =	sadd.s32 s28, s8;
	[sflag:s14] =	ssyncadd.s32 $0xFFFFB800  }
0xc4: {  	[hbm4b:s0+s2] =	stream.linear.scatter [tilespmem:s15], [sflag:$0x5], $0x4800, $0x38;
	[tilespmem:$0x12400] =	vst v63  }
0xc5: {  	_ =	swait.ge @!p0 [sflag:s1], $0x4800  }
0xc6: {  	[sflag:s1] =	ssyncset.done @!p0 $0x0  }
0xc7: {  	s6 =	rddreg [dreg:$0x2];
	[sflag:s1] =	ssyncadd.s32 @!p0 $0xFFFFB800  }
0xc8: {  	[tilespmem:s16], [sflag:$0x3] =	stream.indirect.gather [hbm4b:s3+s12], $0x90, s6, s12, $0xb8;
	[tilespmem:$0x12400] =	vst v63  }
0xc9: {  	_ =	swait.ge [sflag:s17], $0x4800  }
0xca: {  	[sflag:s17] =	ssyncset.done $0x0  }
0xcb: {  	s7 =	sadd.s32 $0x900, s0;
	s1 =	simm.s32 @!p0 $0x8;
	[sflag:s17] =	ssyncadd.s32 $0xFFFFB800  }
0xcc: {  	[hbm4b:s7+s2] =	stream.linear.scatter [tilespmem:s13], [sflag:$0x6], $0x4800, $0x38;
	[tilespmem:$0x12400] =	vst v63  }
0xcd: {  	_ =	swait.ge @!p0 [sflag:s1], $0x4800  }
0xce: {  	[sflag:s1] =	ssyncset.done @!p0 $0x0  }
0xcf: {  	[sflag:s1] =	ssyncadd.s32 @!p0 $0xFFFFB800  }
0xd0: {  	[tilespmem:s18], [sflag:$0x9] =	stream.linear.gather [hbm4b:s30+s2], $0x200, $0x38;
	[tilespmem:$0x12400] =	vst v63  }
0xd1: {  	_ =	swait.ge [sflag:s11], $0x200  }
0xd2: {  	[sflag:s11] =	ssyncset.done $0x0  }
0xd3: {  	s9 =	rddreg [dreg:$0x3];
	[sflag:s11] =	ssyncadd.s32 $0xFFFFFE00  }
0xd4: {  	[tilespmem:s19], [sflag:$0x4] =	stream.indirect.gather [hbm4b:s3+s12], $0x90, s9, s12, $0xb8;
	[tilespmem:$0x12400] =	vst v63  }
0xd5: {  	_ =	swait.ge [sflag:s20], $0x4800  }
0xd6: {  	[sflag:s20] =	ssyncset.done $0x0  }
0xd7: {  	s30 =	sadd.s32 $0x1200, s0;
	[sflag:s20] =	ssyncadd.s32 $0xFFFFB800  }
0xd8: {  	[hbm4b:s30+s2] =	stream.linear.scatter [tilespmem:s16], [sflag:$0x7], $0x4800, $0x38;
	[tilespmem:$0x12400] =	vst v63  }
0xd9: {  	_ =	swait.ge [sflag:s21], $0x4800  }
0xda: {  	[sflag:s21] =	ssyncset.done $0x0  }
0xdb: {  	[sflag:s21] =	ssyncadd.s32 $0xFFFFB800  }
0xdc: {  	[tilespmem:s15], [sflag:$0x1] =	stream.indirect.gather [hbm4b:s3+s12], $0x90, s18, s12, $0xb8;
	[tilespmem:$0x12400] =	vst v63  }
0xdd: {  	_ =	swait.ge [sflag:s22], $0x4800  }
0xde: {  	[sflag:s22] =	ssyncset.done $0x0  }
0xdf: {  	s31 =	sadd.s32 $0x1B00, s0;
	[sflag:s22] =	ssyncadd.s32 $0xFFFFB800  }
0xe0: {  	[hbm4b:s31+s2] =	stream.linear.scatter [tilespmem:s19], [sflag:$0x8], $0x4800, $0x38;
	[tilespmem:$0x12400] =	vst v63  }
0xe1: {  	_ =	swait.ge [sflag:s23], $0x4800  }
0xe2: {  	[sflag:s23] =	ssyncset.done $0x0  }
0xe3: {  	s5 =	rddreg [dreg:$0x4];
	[sflag:s23] =	ssyncadd.s32 $0xFFFFB800  }
0xe4: {  	[tilespmem:s13], [sflag:$0x2] =	stream.indirect.gather [hbm4b:s3+s12], $0x90, s5, s12, $0xb8;
	[tilespmem:$0x12400] =	vst v63  }
0xe5: {  	_ =	swait.ge [sflag:s14], $0x4800  }
0xe6: {  	[sflag:s14] =	ssyncset.done $0x0  }
0xe7: {  	s6 =	sadd.s32 $0x2400, s0;
	[sflag:s14] =	ssyncadd.s32 $0xFFFFB800  }
0xe8: {  	[hbm4b:s6+s2] =	stream.linear.scatter [tilespmem:s15], [sflag:$0x5], $0x4800, $0x38;
	[tilespmem:$0x12400] =	vst v63  }
0xe9: {  	_ =	swait.ge [sflag:s24], $0x4800  }
0xea: {  	[sflag:s24] =	ssyncset.done $0x0  }
0xeb: {  	s7 =	rddreg [dreg:$0x5];
	[sflag:s24] =	ssyncadd.s32 $0xFFFFB800  }
0xec: {  	[tilespmem:s16], [sflag:$0x3] =	stream.indirect.gather [hbm4b:s3+s12], $0x90, s7, s12, $0xb8;
	[tilespmem:$0x12400] =	vst v63  }
0xed: {  	_ =	swait.ge [sflag:s17], $0x4800  }
0xee: {  	[sflag:s17] =	ssyncset.done $0x0  }
0xef: {  	s9 =	sadd.s32 $0x2D00, s0;
	[sflag:s17] =	ssyncadd.s32 $0xFFFFB800  }
0xf0: {  	[hbm4b:s9+s2] =	stream.linear.scatter [tilespmem:s13], [sflag:$0x6], $0x4800, $0x38;
	[tilespmem:$0x12400] =	vst v63  }
0xf1: {  	p0 =	seq.s32 s28, $0x3F000;
	_ =	swait.ge [sflag:s25], $0x4800  }
0xf2: {  	s1 =	sshrl.u32 @!p0 s29, $0x3;
	[sflag:s25] =	ssyncset.done $0x0  }
0xf3: {  	s1 =	sadd.s32 @!p0 s4, s1;
	s5 =	simm.s32 @!p0 $0x0;
	[sflag:s25] =	ssyncadd.s32 $0xFFFFB800  }
0xf4: {  	[tilespmem:s5], [sflag:$0x9] =	stream.linear.gather @!p0 [hbm4b:s1+s5], $0x200, $0x38;
	[tilespmem:$0x12400] =	vst v63  }
0xf5: {  	s1 =	simm.s32 @!p0 $0x9  }
0xf6: {  	_ =	swait.ge @!p0 [sflag:s1], $0x200  }
0xf7: {  	[sflag:s1] =	ssyncset.done @!p0 $0x0  }
0xf8: {  	s29 =	rddreg [dreg:$0x6];
	[sflag:s1] =	ssyncadd.s32 @!p0 $0xFFFFFE00  }
0xf9: {  	[tilespmem:s19], [sflag:$0x4] =	stream.indirect.gather [hbm4b:s3+s12], $0x90, s29, s12, $0xb8;
	[tilespmem:$0x12400] =	vst v63  }
0xfa: {  	_ =	swait.ge [sflag:s20], $0x4800  }
0xfb: {  	[sflag:s20] =	ssyncset.done $0x0  }
0xfc: {  	s0 =	sadd.s32 $0x3600, s0;
	[sflag:s20] =	ssyncadd.s32 $0xFFFFB800  }
0xfd: {  	[hbm4b:s0+s2] =	stream.linear.scatter [tilespmem:s16], [sflag:$0x7], $0x4800, $0x38;
	[tilespmem:$0x12400] =	vst v63  }
0xfe: {  	_ =	swait.ge [sflag:s22], $0x4800  }
0xff: {  	[sflag:s22] =	ssyncset.done $0x0  }
0x100: {  	s30 =	rddreg [dreg:$0x8];
	[sflag:s22] =	ssyncadd.s32 $0xFFFFB800  }
0x101: {  	[hbm4b:s30+s2] =	stream.linear.scatter [tilespmem:s19], [sflag:$0x8], $0x4800, $0x38;
	[tilespmem:$0x12400] =	vst v63  }
0x102: {  	_ =	swait.ge [sflag:s21], $0x4800  }
0x103: {  	[sflag:s21] =	ssyncset.done $0x0  }
0x104: {  	[sflag:s21] =	ssyncadd.s32 $0xFFFFB800  }
0x105: {  	_ =	swait.ge [sflag:s23], $0x4800  }
0x106: {  	[sflag:s23] =	ssyncset.done $0x0  }
0x107: {  	[sflag:s23] =	ssyncadd.s32 $0xFFFFB800  }
0x108: {  	_ =	swait.ge [sflag:s24], $0x4800  }
0x109: {  	[sflag:s24] =	ssyncset.done $0x0  }
0x10a: {  	[sflag:s24] =	ssyncadd.s32 $0xFFFFB800  }
0x10b: {  	_ =	swait.ge [sflag:s25], $0x4800  }
0x10c: {  	s26 =	sadd.s32 $0x1, s26;
	s31 =	rddreg [dreg:$0x9]  }
0x10d: {  	p0 =	sne.s32 s26, s31  }
.Ltmp1:
0x10e: {  	_ = 	snop;
	(pc) =	sbr.rel @p0 .LBB2_1-.Ltmp1, $3  }
0x10f: {  	_ =	sdelay $0x1  }
0x110: {  	[sflag:s25] =	ssyncset.done $0x0  }
0x111: {  	[sflag:s25] =	ssyncadd.s32 $0xFFFFB800  }
0x112: {  	_ =	sfence.sel $0x180000  }
0x113: {  	[bflag:$0x0] =	sbarrier.arrive $0xFFFF  }
0x114: {  	_ =	strace $0x9000004D  }
0x115: {  	s0 =	stileid.u32;
	[bflag:$0x2] =	sbarrier.arrive $0xFFFF  }
0x116: {  	p0 =	sne.s32 s0, $0x0;
	s0 =	rddreg [dreg:$0x1]  }
0x117: {  	s0 =	sadd.s32 @!p0 $0x100000, s0  }
0x118: {  	[sflag:s0] =	ssyncadd.tile.s32 @!p0 $0x1;
	_ =	shalt  }
.Lfunc_end2:
_tile_overlayer_lowered:
.L_overlay_start_2:
0x119: {  	(tag) =	ssettag $0x2  }
0x11a: {  	s0 =	rddreg [dreg:$0x0];
	s2 =	stileid.u32  }
0x11b: {  	s1 =	rddreg [dreg:$0x1];
	p0 =	sne.s32 s2, $0x0  }
0x11c: {  	s3 =	rddreg [dreg:$0x2];
	[bflag:$0x3] =	sbarrier.arrive $0xFFFF;
	s2 =	simm.s32 @!p0 $0x1C09  }
0x11d: {  	[timem:s3], [sflag:s2] =	dma.local @!p0 [hbm:s0], s1  }
0x11e: {  	s0 =	simm.s32 @!p0 $0x9  }
0x11f: {  	_ =	swait.ge @!p0 [sflag:s0], s1  }
0x120: {  	s1 =	ssub.s32 @!p0 $0x0, s1;
	[sflag:s0] =	ssyncset.done @!p0 $0x0  }
0x121: {  	[sflag:s0] =	ssyncadd.s32 @!p0 s1  }
0x122: {  	[bflag:$0x3] =	sbarrier.arrive $0xFFFF  }
0x123: {  	_ =	shalt  }

// kernel: kernel.9.cloned.1.call-start
scs
__scs_entry_jumppad:
0x0: {  	(pc) =	sbr.rel $0x88, $3  }
0x1: {  	(tag) =	ssettag $0x0;
	lr =	simm.s32 $0x1  }
0x2: {  	[smem:$0x3F8C] =	sst lr;
	_ =	strace $0xD0000000  }
0x3: {  	_ = 	snop  }
0x4: {  	_ = 	snop  }
0x5: {  	_ = 	snop  }
0x6: {  	_ = 	snop  }
0x7: {  	_ = 	snop  }
__scs_overlays_trampoline_lowered:
0x8: {  	[smem:$0x3F9B] =	sst s0  }
0x9: {  	[smem:$0x3F9C] =	sst s1  }
0xa: {  	[smem:$0x3F9D] =	sst s2  }
0xb: {  	[smem:$0x3F9E] =	sst s3  }
0xc: {  	[smem:$0x3F9F] =	sst s4  }
0xd: {  	[smem:$0x3FA0] =	sst s5  }
0xe: {  	[smem:$0x3FA1] =	sst s6  }
0xf: {  	[smem:$0x3FA2] =	sst s7  }
0x10: {  	[smem:$0x3FA3] =	sst s8  }
0x11: {  	[smem:$0x3FA4] =	sst s9;
	s0 =	simm.s32 @!p0 $0x0  }
0x12: {  	s1 =	sld [smem:$0x3F8A];
	s0 =	simm.s32 @p0 $0x1  }
0x13: {  	[smem:$0x3FA5] =	sst s0;
	s0 =	simm.s32 @!p1 $0x0  }
0x14: {  	s2 =	sld [smem:$0x3F89];
	s0 =	simm.s32 @p1 $0x1  }
0x15: {  	[smem:$0x3FA6] =	sst s0;
	s0 =	simm.s32 @!p2 $0x0  }
0x16: {  	s3 =	sld [smem:$0x3FDB];
	s0 =	simm.s32 @p2 $0x1  }
0x17: {  	s4 =	simm.s32 $0x1BF5;
	[smem:$0x3FA8] =	sst s0  }
0x18: {  	s0 =	sld [smem:$0x3F8B];
	_ =	swait.ge [sflag:s4], $0x0  }
0x19: {  	s7 =	sld [smem:$0x3F8C]  }
0x1a: {  	s8 =	sadd.s32 $0xFFFFE003, lr  }
0x1b: {  	s9 =	sadd.s32 $0xFFFFFEF7, lr;
	s5 =	simm.s32 $0xFFFFFFFF;
	p2 =	slt.u32 s8, $0xFFFFF086  }
0x1c: {  	p1 =	slt.u32 s9, $0xF7A;
	s5 =	simm.s32 @!p2 $0x0  }
0x1d: {  	s5 =	simm.s32 @p1 $0x1;
	p0 =	seq.s32 s7, s2  }
0x1e: {  	s7 =	smul.u32 @!p0 $0xF7A, s2;
	p2 =	seq.s32 @!p0 s5, $0x0  }
0x1f: {  	s9 =	smul.u32 $0xF7A, s1;
	s8 =	simm.s32 @!p0 $0x1BF5;
	p2 =	por !p2, p0  }
0x20: {  	[sflag:s8] =	ssyncset.s32 @!p0 $0xFFFFF086;
	s6 =	sadd.s32 @!p0 s3, s7;
	s7 =	simm.s32 @!p0 $0x108  }
0x21: {  	s3 =	sadd.s32 s3, s9;
	s6 =	sadd.s32 @!p0 $0x88, s6;
	s7 =	simm.s32 @p2 $0x1082  }
0x22: {  	[simem:s7], [sflag:s8] =	dma.local @!p0 [hbm:s6], $0xF7A  }
0x23: {  	s9 =	sor.u32 $0xD0000000, s2;
	s6 =	simm.s32 $0x108;
	_ =	swait.ge @!p0 [sflag:s8], $0x0  }
0x24: {  	s3 =	sadd.s32 $0x88, s3;
	s6 =	simm.s32 @!p1 $0x1082;
	[sflag:s4] =	ssyncset.s32 $0xFFFFF086  }
0x25: {  	[simem:s6], [sflag:s4] =	dma.local [hbm:s3], $0xF7A  }
0x26: {  	[smem:$0x3F8C] =	sst s1;
	(tag) =	ssettag s2;
	_ =	strace s9  }
0x27: {  	s1 =	sld [smem:$0x3F9C]  }
0x28: {  	s2 =	sld [smem:$0x3F9D]  }
0x29: {  	s4 =	sld [smem:$0x3F9F]  }
0x2a: {  	p0 =	seq.s32 s5, $0x0;
	s5 =	sld [smem:$0x3FA0]  }
0x2b: {  	s6 =	sld [smem:$0x3FA1]  }
0x2c: {  	s7 =	sld [smem:$0x3FA2]  }
0x2d: {  	s3 =	simm.s32 $0x108;
	s8 =	sld [smem:$0x3FA3]  }
0x2e: {  	s3 =	simm.s32 @!p0 $0x1082;
	s9 =	sld [smem:$0x3FA4]  }
0x2f: {  	lr =	sadd.s32 s0, s3;
	s0 =	sld [smem:$0x3F9B]  }
0x30: {  	s3 =	sld [smem:$0x3F9E]  }
0x31: {  	[smem:$0x3FA7] =	sst s10  }
0x32: {  	s10 =	sld [smem:$0x3FA5];
	_ =	sdelay $0x3  }
0x33: {  	p0 =	seq.s32 s10, $0x1;
	s10 =	sld [smem:$0x3FA7];
	_ =	sdelay $0x3  }
0x34: {  	[smem:$0x3FA7] =	sst s10  }
0x35: {  	s10 =	sld [smem:$0x3FA6];
	_ =	sdelay $0x3  }
0x36: {  	p1 =	seq.s32 s10, $0x1;
	s10 =	sld [smem:$0x3FA7];
	_ =	sdelay $0x3  }
0x37: {  	[smem:$0x3FA7] =	sst s10  }
0x38: {  	s10 =	sld [smem:$0x3FA8]  }
0x39: {  	_ = 	snop;
	(pc) =	sbr.ind lr, $3  }
0x3a: {  	_ = 	snop  }
0x3b: {  	_ = 	snop  }
0x3c: {  	p2 =	seq.s32 s10, $0x1;
	s10 =	sld [smem:$0x3FA7]  }
0x3d: {  	_ =	shalt  }
0x3e: {  	_ =	shalt  }
0x3f: {  	_ =	shalt  }
0x40: {  	_ =	shalt  }
0x41: {  	_ =	shalt  }
0x42: {  	_ =	shalt  }
0x43: {  	_ =	shalt  }
0x44: {  	_ =	shalt  }
0x45: {  	_ =	shalt  }
0x46: {  	_ =	shalt  }
0x47: {  	_ =	shalt  }
0x48: {  	_ =	shalt  }
0x49: {  	_ =	shalt  }
0x4a: {  	_ =	shalt  }
0x4b: {  	_ =	shalt  }
0x4c: {  	_ =	shalt  }
0x4d: {  	_ =	shalt  }
0x4e: {  	_ =	shalt  }
0x4f: {  	_ =	shalt  }
0x50: {  	_ =	shalt  }
0x51: {  	_ =	shalt  }
0x52: {  	_ =	shalt  }
0x53: {  	_ =	shalt  }
0x54: {  	_ =	shalt  }
0x55: {  	_ =	shalt  }
0x56: {  	_ =	shalt  }
0x57: {  	_ =	shalt  }
0x58: {  	_ =	shalt  }
0x59: {  	_ =	shalt  }
0x5a: {  	_ =	shalt  }
0x5b: {  	_ =	shalt  }
0x5c: {  	_ =	shalt  }
0x5d: {  	_ =	shalt  }
0x5e: {  	_ =	shalt  }
0x5f: {  	_ =	shalt  }
0x60: {  	_ =	shalt  }
0x61: {  	_ =	shalt  }
0x62: {  	_ =	shalt  }
0x63: {  	_ =	shalt  }
0x64: {  	_ =	shalt  }
0x65: {  	_ =	shalt  }
0x66: {  	_ =	shalt  }
0x67: {  	_ =	shalt  }
0x68: {  	_ =	shalt  }
0x69: {  	_ =	shalt  }
0x6a: {  	_ =	shalt  }
0x6b: {  	_ =	shalt  }
0x6c: {  	_ =	shalt  }
0x6d: {  	_ =	shalt  }
0x6e: {  	_ =	shalt  }
0x6f: {  	_ =	shalt  }
0x70: {  	_ =	shalt  }
0x71: {  	_ =	shalt  }
0x72: {  	_ =	shalt  }
0x73: {  	_ =	shalt  }
0x74: {  	_ =	shalt  }
0x75: {  	_ =	shalt  }
0x76: {  	_ =	shalt  }
0x77: {  	_ =	shalt  }
0x78: {  	_ =	shalt  }
0x79: {  	_ =	shalt  }
0x7a: {  	_ =	shalt  }
0x7b: {  	_ =	shalt  }
0x7c: {  	_ =	shalt  }
0x7d: {  	_ =	shalt  }
0x7e: {  	_ =	shalt  }
0x7f: {  	_ =	shalt  }
0x80: {  	_ =	shalt  }
0x81: {  	_ =	shalt  }
0x82: {  	_ =	shalt  }
0x83: {  	_ =	shalt  }
0x84: {  	_ =	shalt  }
0x85: {  	_ =	shalt  }
0x86: {  	_ =	shalt  }
0x87: {  	_ =	shalt  }
.Lfunc_end0:
.L_simem_size_0:
called_computation_lowered:
.L_overlay_start_0:
0x88: {  	s2 =	sld [smem:$0x3FD9]  }
0x89: {  	s3 =	sld [smem:$0x3FFE];
	_ =	sdelay $0x1  }
0x8a: {  	s1 =	srdreg.scid  }
0x8b: {  	s0 =	sand.u32 $0x1, s1  }
0x8c: {  	s16 =	sshll.u32 s0, $0xA;
	s2 =	sadd.s32 s3, s2  }
0x8d: {  	s2 =	sadd.s32 s2, s16  }
0x8e: {  	[smem:$0x3FB3] =	sst s2  }
0x8f: {  	_ = 	snop  }
0x90: {  	(tm) =	ssettm $0x1  }
0x91: {  	s17 =	sld [smem:$0x3FFB];
	_ =	sdelay $0x3  }
0x92: {  	_ =	strace s17  }
0x93: {  	s2 =	sld [smem:$0x3FFC];
	_ =	sdelay $0x3  }
0x94: {  	_ =	strace s2  }
0x95: {  	s2 =	sld [smem:$0x3FFD];
	_ =	sdelay $0x3  }
0x96: {  	_ =	strace s2  }
0x97: {  	_ =	strace $0x8FFFFFFF  }
0x98: {  	s18 =	sld [smem:$0x3FDB];
	_ =	sdelay $0x1  }
0x99: {  	s19 =	simm.s32 $_scs_section_size  }
0x9a: {  	s4 =	simm.s32 $_size__tile_overlayer_lowered;
	s5 =	simm.s32 $_tile_overlayer_lowered  }
0x9b: {  	s22 =	simm.s32 $0x1BFF;
	s21 =	sshll.u32 s5, $0x1;
	s2 =	sadd.s32 s19, s18  }
0x9c: {  	s6 =	simm.s32 $0x0;
	s20 =	sshll.u32 s4, $0x1;
	s4 =	sadd.s32 s21, s2  }
0x9d: {  	[timem:s6], [sflag:s22] =	dma.local [hbm:s4], s20  }
0x9e: {  	_ =	swait.ge [sflag:s22], s20  }
0x9f: {  	s3 =	ssub.s32 $0x0, s20;
	[sflag:s22] =	ssyncset.done $0x0  }
0xa0: {  	[sflag:s22] =	ssyncadd.s32 s3;
	_ =	sdelay $0x1  }
0xa1: {  	s23 =	simm.s32 $0x1B8B  }
0xa2: {  	_ =	swait.ge [sflag:s23], $0x1  }
0xa3: {  	[sflag:s23] =	ssyncset.done $0x0  }
0xa4: {  	s25 =	simm.s32 $0x1B8E;
	s24 =	sld [smem:$0x3FFE];
	[sflag:s23] =	ssyncadd.s32 $0xFFFFFFFF  }
0xa5: {  	s26 =	simm.s32 $execute0_lowered;
	[smem:$0x3FD2] =	sst s25  }
0xa6: {  	s4 =	sshll.u32 s26, $0x1;
	_ =	strace $0x80000046;
	[dreg:$0x1] =	wrdreg $0xFFFFFFFF  }
0xa7: {  	s28 =	simm.s32 $_size_execute0_lowered;
	s2 =	sadd.s32 s2, s4;
	[dreg:$0x0] =	wrdreg $0x0  }
0xa8: {  	s4 =	sshll.u32 s28, $0x1;
	[dreg:$0x2] =	wrdreg s2  }
0xa9: {  	[dreg:$0x3] =	wrdreg s4  }
0xaa: {  	[dreg:$0x4] =	wrdreg $0xC0  }
0xab: {  	_ =	task [dreg:s6], $0x5FFFF  }
0xac: {  	[dreg:$0x1] =	wrdreg $0xFFFFFFFF  }
0xad: {  	[dreg:$0x0] =	wrdreg $0x60  }
0xae: {  	[dreg:$0x2] =	wrdreg s24  }
0xaf: {  	[dreg:$0x3] =	wrdreg $0x9  }
0xb0: {  	_ =	task.clear_ibuf [dreg:s6], $0x4FFFF;
	_ =	strace $0x90000046  }
0xb1: {  	s29 =	simm.s32 $0x9;
	_ =	strace $0x80000048  }
0xb2: {  	_ =	swait.ge [sflag:s29], $0x1  }
0xb3: {  	[sflag:s29] =	ssyncadd.s32 $0xFFFFFFFF  }
0xb4: {  	_ =	strace $0x90000048  }
0xb5: {  	_ =	sfence  }
0xb6: {  	s30 =	sld [smem:$0x0];
	_ =	sdelay $0x2  }
0xb7: {  	s31 =	sshll.u32 s1, $0xD;
	s1 =	sshrl.u32 s1, $0x2  }
0xb8: {  	s3 =	sand.u32 $0x4000, s31;
	s1 =	sadd.s32 s1, s30  }
0xb9: {  	s0 =	sor.u32 s3, s0;
	s1 =	sshll.u32 s1, $0x11  }
0xba: {  	s0 =	sor.u32 s1, s0  }
0xbb: {  	s0 =	sadd.s32 $0x8F2B, s0  }
0xbc: {  	[sflag:s0] =	ssyncadd.remote.s32 $0x1  }
0xbd: {  	_ =	sfence.sel $0xFFFF  }
0xbe: {  	[dreg:$0x0] =	wrdreg $0xFFFFFFFF;
	(pc) =	sbr.abs _section_cstart, $3  }
0xbf: {  	[dreg:$0x1] =	wrdreg $0xFFFFFFFF  }
0xc0: {  	_ =	task.clear_ibuf [dreg:s6], $0x2FFFF;
	_ =	strace $0x9FFFFFFF  }
0xc1: {  	(tm) =	ssettm $0x7FFFFFFF  }
tec
execute0_lowered:
.L_overlay_start_1:
0x0: {  	(tag) =	ssettag $0x1  }
0x1: {  	s6 =	rddreg [dreg:$0x0]  }
0x2: {  	s0 =	rddreg [dreg:$0x1];
	s3 =	srdreg.scid  }
0x3: {  	s1 =	stileid.u32;
	s2 =	simm.s32 $0x0;
	s12 =	simm.s32 $0x1  }
0x4: {  	s13 =	simm.s32 $0x2800;
	s14 =	simm.s32 $0x5000;
	s15 =	simm.s32 $0x7A00  }
0x5: {  	s16 =	simm.s32 $0xB600;
	s5 =	sand.u32 $0x1, s3;
	s30 =	sshll.u32 s1, $0x1  }
0x6: {  	s17 =	simm.s32 $0xF200;
	s18 =	simm.s32 $0x12E00;
	s7 =	sor.u32 s5, s30  }
0x7: {  	s19 =	simm.s32 $0x0;
	[smem:$0x7FF] =	sst s2;
	s8 =	smul.u32 $0x780, s7  }
.Ltmp0:
0x8: {  	s3 =	sadd.s32 $0x5C00, s6;
	s9 =	ssub.s32 $0x2, s5;
	(pc) =	sbr.rel .LBB2_1-.Ltmp0, $4  }
0x9: {  	s4 =	sadd.s32 $0x5600, s6;
	_ =	strace $0x80000047;
	s31 =	sshrl.u32 s9, $0x1  }
0xa: {  	s5 =	sadd.s32 $0x5000, s6;
	s11 =	ssub.s32 s9, s31;
	s10 =	sadd.s32 s8, s6  }
0xb: {  	s6 =	smul.u32 $0x140, s7;
	s11 =	smax.u32 s11, $0x1;
	s7 =	sadd.s32 $0x6200, s10  }
0xc: {  	v0 =	vimm.f32 $0.0e+00;
	v1 =	vlaneseq.u32;
	s8 =	sadd.s32 $0x15200, s10;
	s9 =	sadd.s32 $0x24200, s10;
	s10 =	sadd.s32 $0x33200, s10  }
.LBB2_7:
0xd: {  	[hbm4b:s7+s2] =	stream.linear.scatter [tilespmem:s15], [sflag:$0x1], $0x3C00, $0x38;
	[tilespmem:$0x16A00] =	vst v63  }
0xe: {  	_ =	swait.ge [sflag:s12], $0x3C00  }
0xf: {  	[sflag:s12] =	ssyncset.done $0x0  }
0x10: {  	[sflag:s12] =	ssyncadd.s32 $0xFFFFC400  }
0x11: {  	[hbm4b:s8+s2] =	stream.linear.scatter [tilespmem:s16], [sflag:$0x1], $0x3C00, $0x38;
	[tilespmem:$0x16A00] =	vst v63  }
0x12: {  	_ =	swait.ge [sflag:s12], $0x3C00  }
0x13: {  	[sflag:s12] =	ssyncset.done $0x0  }
0x14: {  	[sflag:s12] =	ssyncadd.s32 $0xFFFFC400  }
0x15: {  	[hbm4b:s9+s2] =	stream.linear.scatter [tilespmem:s17], [sflag:$0x1], $0x3C00, $0x38;
	[tilespmem:$0x16A00] =	vst v63  }
0x16: {  	s19 =	sadd.s32 $0x1, s19;
	_ =	swait.ge [sflag:s12], $0x3C00  }
0x17: {  	p0 =	sne.s32 s19, s11;
	[sflag:s12] =	ssyncset.done $0x0  }
.Ltmp1:
0x18: {  	[sflag:s12] =	ssyncadd.s32 $0xFFFFC400;
	(pc) =	sbr.rel @!p0 .LBB2_8-.Ltmp1, $4  }
0x19: {  	[hbm4b:s10+s2] =	stream.linear.scatter [tilespmem:s18], [sflag:$0x1], $0x3C00, $0x38;
	[tilespmem:$0x16A00] =	vst v63  }
0x1a: {  	_ =	swait.ge [sflag:s12], $0x3C00  }
0x1b: {  	[sflag:s12] =	ssyncset.done $0x0  }
0x1c: {  	[sflag:s12] =	ssyncadd.s32 $0xFFFFC400  }
.LBB2_1:
0x1d: {  	[tilespmem:s2], [sflag:$0x1] =	stream.linear.gather [hbm4b:s3+s2], $0x2800, $0x38;
	[tilespmem:$0x16A00] =	vst v63  }
0x1e: {  	_ =	swait.ge [sflag:s12], $0x2800  }
0x1f: {  	[sflag:s12] =	ssyncset.done $0x0  }
0x20: {  	[sflag:s12] =	ssyncadd.s32 $0xFFFFD800  }
0x21: {  	[tilespmem:s13], [sflag:$0x1] =	stream.linear.gather [hbm4b:s4+s2], $0x2800, $0x38;
	[tilespmem:$0x16A00] =	vst v63  }
0x22: {  	_ =	swait.ge [sflag:s12], $0x2800  }
0x23: {  	[sflag:s12] =	ssyncset.done $0x0  }
.Ltmp2:
0x24: {  	[sflag:s12] =	ssyncadd.s32 $0xFFFFD800;
	(pc) =	sbr.rel .LBB2_2-.Ltmp2, $4  }
0x25: {  	[tilespmem:s14], [sflag:$0x1] =	stream.linear.gather [hbm4b:s5+s2], $0x2800, $0x38;
	[tilespmem:$0x16A00] =	vst v63  }
0x26: {  	_ =	swait.ge [sflag:s12], $0x2800  }
0x27: {  	[sflag:s12] =	ssyncset.done $0x0  }
0x28: {  	s20 =	simm.s32 $0x0;
	[sflag:s12] =	ssyncadd.s32 $0xFFFFD800  }
.LBB2_6:
0x29: {  	v2 =	vld [tilespmem:$0x7800];
	_ =	sdelay $0x2  }
0x2a: {  	s21 =	smul.u32 $0x30, s20;
	_ =	sdelay $0x1  }
0x2b: {  	[tilespmem:s21+$0x7A00] =	vst v2  }
0x2c: {  	v2 =	vld [tilespmem:$0x7880];
	_ =	sdelay $0x4  }
0x2d: {  	[tilespmem:s21+$0xB600] =	vst v2  }
0x2e: {  	v2 =	vld [tilespmem:$0x7900];
	_ =	sdelay $0x4  }
0x2f: {  	[tilespmem:s21+$0xF200] =	vst v2  }
0x30: {  	v2 =	vld [tilespmem:$0x7980];
	_ =	sdelay $0x4  }
0x31: {  	[tilespmem:s21+$0x12E00] =	vst v2  }
0x32: {  	v2 =	vld [tilespmem:$0x7810];
	_ =	sdelay $0x4  }
0x33: {  	[tilespmem:s21+$0x7A10] =	vst v2  }
0x34: {  	v2 =	vld [tilespmem:$0x7890];
	_ =	sdelay $0x4  }
0x35: {  	[tilespmem:s21+$0xB610] =	vst v2  }
0x36: {  	v2 =	vld [tilespmem:$0x7910];
	_ =	sdelay $0x4  }
0x37: {  	[tilespmem:s21+$0xF210] =	vst v2  }
0x38: {  	v2 =	vld [tilespmem:$0x7990];
	_ =	sdelay $0x4  }
0x39: {  	[tilespmem:s21+$0x12E10] =	vst v2  }
0x3a: {  	v2 =	vld [tilespmem:$0x7820];
	_ =	sdelay $0x4  }
0x3b: {  	[tilespmem:s21+$0x7A20] =	vst v2  }
0x3c: {  	v2 =	vld [tilespmem:$0x78A0];
	_ =	sdelay $0x4  }
0x3d: {  	[tilespmem:s21+$0xB620] =	vst v2  }
0x3e: {  	v2 =	vld [tilespmem:$0x7920];
	_ =	sdelay $0x4  }
0x3f: {  	s20 =	sadd.s32 $0x1, s20;
	[tilespmem:s21+$0xF220] =	vst v2  }
0x40: {  	p0 =	sne.s32 s20, $0x140;
	v2 =	vld [tilespmem:$0x79A0]  }
.Ltmp3:
0x41: {  	_ = 	snop;
	(pc) =	sbr.rel @!p0 .LBB2_7-.Ltmp3, $2  }
0x42: {  	_ =	sdelay $0x2  }
0x43: {  	[tilespmem:s21+$0x12E20] =	vst v2  }
.LBB2_2:
0x44: {  	[tilespmem:$0x7880] =	vst v0  }
0x45: {  	[tilespmem:$0x7900] =	vst v0  }
0x46: {  	[tilespmem:$0x7980] =	vst v0  }
0x47: {  	[tilespmem:$0x7890] =	vst v0  }
0x48: {  	[tilespmem:$0x7910] =	vst v0  }
0x49: {  	[tilespmem:$0x7990] =	vst v0  }
0x4a: {  	[tilespmem:$0x78A0] =	vst v0  }
0x4b: {  	[tilespmem:$0x7920] =	vst v0  }
0x4c: {  	[tilespmem:$0x79A0] =	vst v0  }
0x4d: {  	[tilespmem:$0x78B0] =	vst v0  }
0x4e: {  	[tilespmem:$0x7930] =	vst v0  }
0x4f: {  	[tilespmem:$0x79B0] =	vst v0  }
0x50: {  	[tilespmem:$0x78C0] =	vst v0  }
0x51: {  	[tilespmem:$0x7940] =	vst v0  }
0x52: {  	[tilespmem:$0x79C0] =	vst v0  }
0x53: {  	[tilespmem:$0x78D0] =	vst v0  }
0x54: {  	s21 =	sadd.s32 s6, s20;
	s22 =	sand.u32 $0xF, s20;
	[tilespmem:$0x7950] =	vst v0  }
0x55: {  	[tilespmem:$0x79D0] =	vst v0;
	v2 =	vmov s21;
	p0 =	seq.s32 s21, $0x0;
	p1 =	sne.s32 s22, $0x0  }
0x56: {  	[tilespmem:$0x7800] =	vst v2;
	p0 =	por !p0, !p1  }
0x57: {  	s23 =	simm.s32 $0xFFFFFFFF;
	[tilespmem:$0x7810] =	vst v2;
	p0 =	por !p0, !p0  }
0x58: {  	[tilespmem:$0x7820] =	vst v2;
	s23 =	simm.s32 @!p0 $0x0  }
0x59: {  	[tilespmem:$0x7830] =	vst v2;
	s23 =	sshll.u32 s23, $0x4  }
0x5a: {  	[tilespmem:$0x7840] =	vst v2;
	s21 =	sadd.s32 s21, s23  }
0x5b: {  	[tilespmem:$0x7850] =	vst v2;
	s21 =	sand.u32 $0xFFFFFFF0, s21  }
0x5c: {  	v3 =	vld [tilespmem:s21+$0x0]  }
0x5d: {  	v4 =	vld [tilespmem:s21+$0x2800]  }
0x5e: {  	v5 =	vld [tilespmem:s21+$0x5000]  }
0x5f: {  	v6 =	vmov s22  }
0x60: {  	vm0 =	veq.s32 v6, v1  }
0x61: {  	v3 =	vnsel vm0, $0x0, v3  }
0x62: {  	(xrf2) =	vadd.scan.msk.f32 $0xffff, v3;
	v3 =	vnsel vm0, $0x0, v4  }
0x63: {  	(xrf2) =	vadd.scan.msk.f32 $0xffff, v3;
	v3 =	vnsel vm0, $0x0, v5  }
0x64: {  	(xrf2) =	vadd.scan.msk.f32 $0xffff, v3;
	_ =	sdelay $0x6  }
.Ltmp4:
0x65: {  	_ = 	snop;
	(pc) =	sbr.rel .LBB2_3-.Ltmp4, $4  }
0x66: {  	v3, _, _ =	vpop (xrf2)  }
0x67: {  	v4, _, _ =	vpop (xrf2)  }
0x68: {  	s24 =	simm.s32 $0x5040;
	v3 =	vbroadcast v3, $0xF;
	v5, _, _ =	vpop (xrf2)  }
0x69: {  	s22 =	simm.s32 $0x40;
	v6 =	vimm.s32 $0x0;
	s23 =	simm.s32 $0x2840;
	s21 =	simm.s32 $0x70;
	v4 =	vbroadcast v4, $0xF;
	v5 =	vbroadcast v5, $0xF  }
.LBB2_5:
0x6a: {  	v6 =	vadd.s32 v6, v39  }
0x6b: {  	s21 =	sadd.s32 $0x80, s21;
	v6 =	vadd.s32 v41, v6  }
0x6c: {  	p0 =	sne.s32 s21, $0x2870;
	v6 =	vadd.s32 v42, v6  }
.Ltmp5:
0x6d: {  	v6 =	vadd.s32 v44, v6;
	(pc) =	sbr.rel @!p0 .LBB2_6-.Ltmp5, $4  }
0x6e: {  	v6 =	vadd.s32 v45, v6  }
0x6f: {  	v7 =	vmpcnt.ones.xlane vm4;
	v6 =	vadd.s32 v43, v6  }
0x70: {  	v6 =	vadd.s32 v40, v6  }
0x71: {  	s22 =	sadd.s32 $0x80, s22;
	s23 =	sadd.s32 $0x80, s23;
	s24 =	sadd.s32 $0x80, s24;
	v6 =	vadd.s32 v7, v6  }
.LBB2_3:
0x72: {  	v7 =	vld [tilespmem:s22+$0xFFFFFFC0]  }
0x73: {  	v8 =	vld [tilespmem:s23+$0xFFFFFFC0]  }
0x74: {  	v9 =	vld [tilespmem:s24+$0xFFFFFFC0]  }
0x75: {  	v13 =	vld [tilespmem:s23+$0xFFFFFFD0]  }
0x76: {  	v10 =	vld [tilespmem:s22+$0xFFFFFFD0];
	_ =	sdelay $0x1  }
0x77: {  	v14 =	vld [tilespmem:s24+$0xFFFFFFD0];
	v12 =	vsub.f32 v7, v3;
	v11 =	vsub.f32 v8, v4  }
0x78: {  	v8 =	vsub.f32 v9, v5  }
0x79: {  	v7 =	vsub.f32 v13, v4;
	v13 =	vld [tilespmem:s23+$0xFFFFFFE0];
	v15 =	vmul.f32 v12, v12;
	v16 =	vmul.f32 v11, v11  }
0x7a: {  	v17 =	vld [tilespmem:s22+$0xFFFFFFE0];
	v9 =	vsub.f32 v10, v3  }
0x7b: {  	v18 =	vld [tilespmem:s24+$0xFFFFFFE0];
	v15 =	vadd.f32 v16, v15;
	v16 =	vmul.f32 v8, v8  }
0x7c: {  	v20 =	vld [tilespmem:s22+$0xFFFFFFF0];
	v10 =	vsub.f32 v14, v5;
	v14 =	vmul.f32 v9, v9;
	v19 =	vmul.f32 v7, v7  }
0x7d: {  	v15 =	vadd.f32 v16, v15;
	v16 =	vld [tilespmem:s23+$0xFFFFFFF0]  }
0x7e: {  	s25 =	sadd.s32 $0xFFFFFF90, s21;
	s30 =	sadd.s32 $0xFFFFFFA0, s21;
	v21 =	vmul.f32 v10, v10;
	v19 =	vadd.f32 v19, v14;
	v13 =	vsub.f32 v13, v4  }
0x7f: {  	v22 =	vld [tilespmem:s24+$0xFFFFFFF0];
	s31 =	sadd.s32 $0xFFFFFFB0, s21;
	v24 =	vor.u32 s25, v1;
	v25 =	vor.u32 s30, v1;
	v14 =	vsub.f32 v17, v3  }
0x80: {  	v30 =	vor.u32 s31, v1;
	v17 =	vadd.f32 v21, v19;
	v19 =	vmul.f32 v13, v13  }
0x81: {  	v23 =	vld [tilespmem:s23+$0x0];
	vm0 =	vlt.f32 v15, $5.328999830e-03;
	v15 =	vsub.f32 v18, v5;
	v18 =	vmul.f32 v14, v14  }
0x82: {  	v21 =	vld [tilespmem:s22+$0x0];
	vm2 =	vlt.f32 v17, $5.328999830e-03;
	v17 =	vsub.f32 v20, v3;
	v16 =	vsub.f32 v16, v4  }
0x83: {  	v28 =	vld [tilespmem:s22+$0x10];
	vm1 =	vne.s32 v24, v2;
	v19 =	vadd.f32 v19, v18;
	v20 =	vmul.f32 v15, v15  }
0x84: {  	v26 =	vld [tilespmem:s24+$0x0];
	v18 =	vsub.f32 v22, v5;
	v22 =	vmul.f32 v17, v17;
	v27 =	vmul.f32 v16, v16  }
0x85: {  	v31 =	vld [tilespmem:s23+$0x10];
	vm3 =	vne.s32 v25, v2;
	vm1 =	vmand vm1, vm0;
	v19 =	vadd.f32 v20, v19  }
0x86: {  	vm0 =	vmand vm3, vm2;
	v22 =	vadd.f32 v27, v22;
	v27 =	vmul.f32 v18, v18  }
0x87: {  	s26 =	sadd.s32 $0xFFFFFFC0, s21;
	v32 =	vld [tilespmem:s24+$0x10];
	v20 =	vsub.f32 v21, v3;
	vm2 =	vlt.f32 v19, $5.328999830e-03;
	v19 =	vsub.f32 v23, v4  }
0x88: {  	v29 =	vor.u32 s26, v1;
	v23 =	vsub.f32 v28, v3;
	v28 =	vld [tilespmem:s23+$0x20];
	v22 =	vadd.f32 v27, v22  }
0x89: {  	s28 =	sadd.s32 $0xFFFFFFD0, s21;
	v21 =	vsub.f32 v26, v5;
	v26 =	vmul.f32 v20, v20;
	v27 =	vmul.f32 v19, v19  }
0x8a: {  	v35 =	vor.u32 s28, v1;
	vm4 =	vlt.f32 v22, $5.328999830e-03;
	v22 =	vsub.f32 v31, v4  }
0x8b: {  	v33 =	vld [tilespmem:s22+$0x20];
	vm3 =	vne.s32 v30, v2;
	v55 =	vmul.f32 v23, v23;
	v27 =	vadd.f32 v27, v26  }
0x8c: {  	v38 =	vld [tilespmem:s23+$0x30];
	v31 =	vmul.f32 v21, v21;
	v26 =	vsub.f32 v32, v5;
	v36 =	vmul.f32 v22, v22  }
0x8d: {  	v37 =	vld [tilespmem:s22+$0x30];
	vm5 =	vne.s32 v29, v2;
	vm3 =	vmand vm3, vm2;
	v28 =	vsub.f32 v28, v4  }
0x8e: {  	v34 =	vld [tilespmem:s24+$0x20];
	v27 =	vadd.f32 v31, v27;
	v56 =	vmul.f32 v26, v26;
	v31 =	vadd.f32 v36, v55  }
0x8f: {  	v39 =	vld [tilespmem:s24+$0x30];
	vm2 =	vmand vm5, vm4;
	vm5 =	vne.s32 v35, v2;
	v40 =	vmul.f32 v28, v28  }
0x90: {  	s29 =	sadd.s32 $0xFFFFFFE0, s21;
	s30 =	sadd.s32 $0xFFFFFFF0, s21;
	vm4 =	vlt.f32 v27, $5.328999830e-03;
	v27 =	vsub.f32 v33, v3;
	v32 =	vadd.f32 v56, v31  }
0x91: {  	v36 =	vor.u32 s29, v1;
	v33 =	vsub.f32 v38, v4;
	v38 =	vor.u32 s30, v1  }
0x92: {  	vm7 =	vmand vm5, vm4;
	vm6 =	vlt.f32 v32, $5.328999830e-03;
	v32 =	vsub.f32 v37, v3  }
0x93: {  	vm4 =	vmor vm1, vm0;
	v31 =	vsub.f32 v34, v5;
	v57 =	vmul.f32 v27, v27  }
0x94: {  	v34 =	vsub.f32 v39, v5;
	v61 =	vmul.f32 v33, v33;
	v60 =	vmul.f32 v32, v32  }
0x95: {  	vm4 =	vmor vm4, vm3;
	v58 =	vadd.f32 v40, v57;
	v59 =	vmul.f32 v31, v31  }
0x96: {  	vm4 =	vmor vm4, vm2;
	v62 =	vmul.f32 v34, v34;
	v39 =	vadd.f32 v61, v60  }
0x97: {  	vm8 =	vne.s32 v36, v2;
	vm4 =	vmor vm4, vm7;
	v37 =	vadd.f32 v59, v58  }
0x98: {  	vm5 =	vmand vm8, vm6;
	vm8 =	vne.s32 v38, v2;
	v39 =	vadd.f32 v62, v39  }
0x99: {  	vm10 =	vmor vm4, vm5;
	vm6 =	vlt.f32 v37, $5.328999830e-03;
	v37 =	vor.u32 s21, v1  }
0x9a: {  	vm6 =	vmand vm8, vm6;
	vm9 =	vne.s32 v37, v2;
	vm8 =	vlt.f32 v39, $5.328999830e-03  }
0x9b: {  	vm4 =	vmand vm9, vm8;
	vm8 =	vmor vm10, vm6  }
0x9c: {  	vm8 =	vmor vm8, vm4  }
0x9d: {  	v63 =	vsel vm8, $0x3F800000, v0  }
0x9e: {  	(xrf0) =	vmax.scan.msk.f32 $0xffff, v63;
	_ =	sdelay $0x5  }
0x9f: {  	v39, _, _ =	vpop (xrf0)  }
0xa0: {  	(v2sf) =	vpush v39, $0xF;
	_ =	sdelay $0xe  }
0xa1: {  	s31 =	spop (v2sf)  }
0xa2: {  	p0 =	sgt.f32 s31, $0.0e+00  }
.Ltmp6:
0xa3: {  	_ = 	snop;
	(pc) =	sbr.rel @!p0 .LBB2_5-.Ltmp6, $4  }
0xa4: {  	v41 =	vmpcnt.ones.xlane vm0  }
0xa5: {  	v42 =	vmpcnt.ones.xlane vm3;
	v44 =	vmpcnt.ones.xlane vm2  }
0xa6: {  	v45 =	vmpcnt.ones.xlane vm7;
	v39 =	vmpcnt.ones.xlane vm1  }
0xa7: {  	v43 =	vmpcnt.ones.xlane vm5;
	v40 =	vmpcnt.ones.xlane vm6  }
0xa8: {  	(v2sf) =	vpush v6, $0x0;
	_ =	sdelay $0x2  }
0xa9: {  	(v2sf) =	vpush v39, $0x0;
	_ =	sdelay $0x3  }
0xaa: {  	(v2sf) =	vpush v41, $0x0;
	_ =	sdelay $0x3  }
0xab: {  	(v2sf) =	vpush v42, $0x0;
	_ =	sdelay $0x3  }
0xac: {  	s25 =	spop (v2sf);
	(v2sf) =	vpush v44, $0x0  }
0xad: {  	p0 =	slt.s32 s25, $0x30;
	s26 =	smov.u32 s25  }
0xae: {  	s26 =	simm.s32 @!p0 $0x30  }
0xaf: {  	s28 =	spop (v2sf);
	[tilespmem:s26+$0x7800] =	vst.msk vm1, v24  }
0xb0: {  	(v2sf) =	vpush v45, $0x0;
	s25 =	sadd.s32 s25, s28;
	[tilespmem:s26+$0x7880] =	vst.msk vm1, v12  }
0xb1: {  	p0 =	slt.s32 s25, $0x30;
	s28 =	smov.u32 s25;
	[tilespmem:s26+$0x7900] =	vst.msk vm1, v11  }
0xb2: {  	s28 =	simm.s32 @!p0 $0x30;
	[tilespmem:s26+$0x7980] =	vst.msk vm1, v8  }
0xb3: {  	s29 =	spop (v2sf);
	[tilespmem:s28+$0x7800] =	vst.msk vm0, v25  }
0xb4: {  	(v2sf) =	vpush v43, $0x0;
	s25 =	sadd.s32 s25, s29;
	[tilespmem:s28+$0x7880] =	vst.msk vm0, v9  }
0xb5: {  	p0 =	slt.s32 s25, $0x30;
	s26 =	smov.u32 s25;
	[tilespmem:s28+$0x7900] =	vst.msk vm0, v7  }
0xb6: {  	s26 =	simm.s32 @!p0 $0x30;
	[tilespmem:s28+$0x7980] =	vst.msk vm0, v10  }
0xb7: {  	s30 =	spop (v2sf);
	[tilespmem:s26+$0x7800] =	vst.msk vm3, v30  }
0xb8: {  	(v2sf) =	vpush v40, $0x0;
	s25 =	sadd.s32 s25, s30;
	[tilespmem:s26+$0x7880] =	vst.msk vm3, v14  }
0xb9: {  	p0 =	slt.s32 s25, $0x30;
	s28 =	smov.u32 s25;
	[tilespmem:s26+$0x7900] =	vst.msk vm3, v13  }
0xba: {  	s28 =	simm.s32 @!p0 $0x30;
	[tilespmem:s26+$0x7980] =	vst.msk vm3, v15  }
0xbb: {  	s31 =	spop (v2sf);
	[tilespmem:s28+$0x7800] =	vst.msk vm2, v29  }
0xbc: {  	[tilespmem:s28+$0x7880] =	vst.msk vm2, v17;
	s25 =	sadd.s32 s25, s31  }
0xbd: {  	[tilespmem:s28+$0x7900] =	vst.msk vm2, v16;
	p0 =	slt.s32 s25, $0x30;
	s26 =	smov.u32 s25  }
0xbe: {  	[tilespmem:s28+$0x7980] =	vst.msk vm2, v18;
	s26 =	simm.s32 @!p0 $0x30  }
0xbf: {  	s29 =	spop (v2sf);
	[tilespmem:s26+$0x7800] =	vst.msk vm7, v35  }
0xc0: {  	s25 =	sadd.s32 s25, s29;
	[tilespmem:s26+$0x7880] =	vst.msk vm7, v20  }
0xc1: {  	p0 =	slt.s32 s25, $0x30;
	s28 =	smov.u32 s25;
	[tilespmem:s26+$0x7900] =	vst.msk vm7, v19  }
0xc2: {  	s28 =	simm.s32 @!p0 $0x30;
	[tilespmem:s26+$0x7980] =	vst.msk vm7, v21  }
0xc3: {  	s30 =	spop (v2sf);
	[tilespmem:s28+$0x7800] =	vst.msk vm5, v36  }
0xc4: {  	s25 =	sadd.s32 s25, s30;
	[tilespmem:s28+$0x7880] =	vst.msk vm5, v23  }
0xc5: {  	p0 =	slt.s32 s25, $0x30;
	s26 =	smov.u32 s25;
	[tilespmem:s28+$0x7900] =	vst.msk vm5, v22  }
0xc6: {  	s26 =	simm.s32 @!p0 $0x30;
	[tilespmem:s28+$0x7980] =	vst.msk vm5, v26  }
0xc7: {  	s31 =	spop (v2sf);
	[tilespmem:s26+$0x7800] =	vst.msk vm6, v38  }
0xc8: {  	s25 =	sadd.s32 s25, s31;
	[tilespmem:s26+$0x7880] =	vst.msk vm6, v27  }
0xc9: {  	p0 =	slt.s32 s25, $0x30;
	[tilespmem:s26+$0x7900] =	vst.msk vm6, v28  }
.Ltmp7:
0xca: {  	s25 =	simm.s32 @!p0 $0x30;
	[tilespmem:s26+$0x7980] =	vst.msk vm6, v31;
	(pc) =	sbr.rel .LBB2_5-.Ltmp7, $4  }
0xcb: {  	[tilespmem:s25+$0x7800] =	vst.msk vm4, v37  }
0xcc: {  	[tilespmem:s25+$0x7880] =	vst.msk vm4, v32  }
0xcd: {  	[tilespmem:s25+$0x7900] =	vst.msk vm4, v33  }
0xce: {  	[tilespmem:s25+$0x7980] =	vst.msk vm4, v34  }
.LBB2_8:
0xcf: {  	_ =	sfence.sel $0x180000  }
0xd0: {  	[bflag:$0x0] =	sbarrier.arrive $0xFFFF  }
0xd1: {  	p0 =	sne.s32 s1, $0x0;
	_ =	strace $0x90000047  }
0xd2: {  	s0 =	sadd.s32 @!p0 $0x100000, s0;
	[bflag:$0x2] =	sbarrier.arrive $0xFFFF  }
0xd3: {  	[sflag:s0] =	ssyncadd.tile.s32 @!p0 $0x1;
	_ =	shalt  }
.Lfunc_end2:
_tile_overlayer_lowered:
.L_overlay_start_2:
0xd4: {  	(tag) =	ssettag $0x2  }
0xd5: {  	s0 =	rddreg [dreg:$0x0];
	s2 =	stileid.u32  }
0xd6: {  	s1 =	rddreg [dreg:$0x1];
	p0 =	sne.s32 s2, $0x0  }
0xd7: {  	s3 =	rddreg [dreg:$0x2];
	[bflag:$0x3] =	sbarrier.arrive $0xFFFF;
	s2 =	simm.s32 @!p0 $0x1C01  }
0xd8: {  	[timem:s3], [sflag:s2] =	dma.local @!p0 [hbm:s0], s1  }
0xd9: {  	s0 =	simm.s32 @!p0 $0x1  }
0xda: {  	_ =	swait.ge @!p0 [sflag:s0], s1  }
0xdb: {  	s1 =	ssub.s32 @!p0 $0x0, s1;
	[sflag:s0] =	ssyncset.done @!p0 $0x0  }
0xdc: {  	[sflag:s0] =	ssyncadd.s32 @!p0 s1  }
0xdd: {  	[bflag:$0x3] =	sbarrier.arrive $0xFFFF  }
0xde: {  	_ =	shalt  }

</sc_bundles>
